<compile_context>
chip_gen: v7x
topology: tpu7x:2x2x1
jax: 0.10.2.dev20260603
libtpu: 0.0.44.dev20260713+nightly
codegen_flags: <defaults>
</compile_context>

<pallas_src>
import functools

import jax
import jax.numpy as jnp
from jax import lax
from jax.experimental import pallas as pl
from jax.experimental.pallas import tpu as pltpu
from jax.experimental.pallas import tpu_sc as plsc

N_NODES = 10000
N_PAD = 10240
D = 128
TILES = 32
CHUNK = 128
NEG = 0.2



def _prep_body(x_ref, w_ref, as_ref, ad_ref, h0_ref, h1_ref, als_ref, ald_ref):
    h = jnp.dot(x_ref[...], w_ref[...], preferred_element_type=jnp.float32)
    h0_ref[...] = h[:, : D // 2]
    h1_ref[...] = h[:, D // 2:]
    als_ref[...] = jnp.sum(h * as_ref[...], axis=1, keepdims=True)
    ald_ref[...] = jnp.sum(h * ad_ref[...], axis=1, keepdims=True)


def _tc_prep(x, W, att_src, att_dst):
    n = x.shape[0]
    blk = 1000
    grid = n // blk
    return pl.pallas_call(
        _prep_body,
        grid=(grid,),
        in_specs=[
            pl.BlockSpec((blk, D), lambda i: (i, 0)),
            pl.BlockSpec((D, D), lambda i: (0, 0)),
            pl.BlockSpec((1, D), lambda i: (0, 0)),
            pl.BlockSpec((1, D), lambda i: (0, 0)),
        ],
        out_specs=[
            pl.BlockSpec((blk, D // 2), lambda i: (i, 0)),
            pl.BlockSpec((blk, D // 2), lambda i: (i, 0)),
            pl.BlockSpec((blk, 1), lambda i: (i, 0)),
            pl.BlockSpec((blk, 1), lambda i: (i, 0)),
        ],
        out_shape=[
            jax.ShapeDtypeStruct((n, D // 2), jnp.float32),
            jax.ShapeDtypeStruct((n, D // 2), jnp.float32),
            jax.ShapeDtypeStruct((n, 1), jnp.float32),
            jax.ShapeDtypeStruct((n, 1), jnp.float32),
        ],
    )(x, W, att_src.reshape(1, D), att_dst.reshape(1, D))



def _make_sc_edge(n_chunks, e_tot):
    mesh = plsc.VectorSubcoreMesh(core_axis_name="c", subcore_axis_name="s")
    e_per_tile = n_chunks * CHUNK
    stripe = N_PAD // 16
    DH = D // 2

    @functools.partial(
        pl.kernel,
        out_type=[
            jax.ShapeDtypeStruct((N_PAD, D), jnp.float32),
        ],
        mesh=mesh,
        scratch_types=[
            pltpu.VMEM((N_NODES,), jnp.float32),
            pltpu.VMEM((N_NODES,), jnp.float32),
            pltpu.VMEM((N_PAD // 16,), jnp.float32),
            pltpu.VMEM((D,), jnp.float32),
            pltpu.VMEM((n_chunks // 2, CHUNK), jnp.int32),
            pltpu.VMEM((n_chunks // 2, CHUNK), jnp.int32),
            pltpu.VMEM((4 * CHUNK,), jnp.float32),
            pltpu.VMEM((4 * CHUNK, DH), jnp.bfloat16),
            pltpu.VMEM((2 * CHUNK, DH), jnp.float32),
            pltpu.VMEM((16,), jnp.float32),
            pltpu.VMEM_SHARED((N_PAD, DH), jnp.float32),
            pltpu.VMEM_SHARED((N_PAD,), jnp.float32),
            pltpu.SemaphoreType.DMA,
            pltpu.SemaphoreType.DMA,
            pltpu.SemaphoreType.DMA,
        ],
        compiler_params=pltpu.CompilerParams(
            needs_layout_passes=False, use_tc_tiling_on_sc=False),
    )
    def sc_edge(h0_hbm, h1_hbm, as_hbm, ad_hbm, c_hbm, src_hbm, dst_hbm,
                bias_hbm, out_hbm,
                as_v, ad_v, den_v, bias_v, src_v, dst_v, w_v, rows_bf, rows_f,
                c_v, acc_sh, den_sh, gsem, ssem, dsem):
        cid = lax.axis_index("c")
        sid = lax.axis_index("s")
        row0 = sid * stripe
        zero16 = jnp.zeros((16,), jnp.float32)

        def _zr(r, carry):
            for k in range(DH // 16):
                rows_f[r, pl.ds(k * 16, 16)] = zero16
            return carry
        lax.fori_loop(0, CHUNK, _zr, 0)
        for j in range(8):
            w_v[pl.ds(j * 16, 16)] = zero16
        for b in range(stripe // CHUNK):
            pltpu.sync_copy(rows_f.at[pl.ds(0, CHUNK)],
                            acc_sh.at[pl.ds(row0 + b * CHUNK, CHUNK)])
        for b in range(stripe // CHUNK):
            pltpu.sync_copy(w_v.at[pl.ds(0, CHUNK)],
                            den_sh.at[pl.ds(row0 + b * CHUNK, CHUNK)])

        pltpu.sync_copy(as_hbm, as_v)
        pltpu.sync_copy(ad_hbm, ad_v)
        pltpu.sync_copy(c_hbm, c_v)
        plsc.subcore_barrier()

        vc = c_v[...]
        iota16 = lax.iota(jnp.int32, 16)
        base = sid * e_per_tile
        NB = 4

        def rows_buf(b):
            return rows_bf.at[pl.ds(b * CHUNK, CHUNK)]

        def rowsf_buf(b):
            return rows_f.at[pl.ds(b * CHUNK, CHUNK)]

        def w_buf(b):
            return w_v.at[pl.ds(b * CHUNK, CHUNK)]

        def start_gather(ch, b):
            @pl.when(cid == 0)
            def _():
                pltpu.async_copy(h0_hbm.at[src_v.at[ch]], rows_buf(b), gsem)

            @pl.when(cid == 1)
            def _():
                pltpu.async_copy(h1_hbm.at[src_v.at[ch]], rows_buf(b), gsem)

        def wait_gather(b):
            pltpu.make_async_copy(h0_hbm.at[src_v.at[0]], rows_buf(b), gsem).wait()

        def wait_scatter(b):
            pltpu.make_async_copy(rowsf_buf(0), acc_sh.at[dst_v.at[0]], ssem).wait()
            pltpu.make_async_copy(w_buf(b), den_sh.at[dst_v.at[0]], dsem).wait()

        hc = n_chunks // 2

        for p in range(2):
            pltpu.sync_copy(src_hbm.at[sid, pl.ds(p * hc, hc)], src_v)
            pltpu.sync_copy(dst_hbm.at[sid, pl.ds(p * hc, hc)], dst_v)
            base_p = base + p * hc * CHUNK
            start_gather(0, 0)
            start_gather(1, 1)

            def chunk_body(ch, carry, base_p=base_p):
                b = lax.rem(ch, NB)
                pb = lax.rem(ch + 2, NB)
                wb = b * CHUNK

                @pl.when(ch >= 2)
                def _():
                    wait_scatter(pb)

                @pl.when(ch + 2 < hc)
                def _():
                    start_gather(ch + 2, pb)

                for j in range(8):
                    sv = src_v[ch, pl.ds(j * 16, 16)]
                    dv = dst_v[ch, pl.ds(j * 16, 16)]
                    a = plsc.load_gather(as_v, [sv]) + plsc.load_gather(ad_v, [dv])
                    a = jnp.where(a > 0, a, NEG * a)
                    w = jnp.exp(a - vc)
                    eid = base_p + ch * CHUNK + j * 16 + iota16
                    w = jnp.where(eid < e_tot, w, 0.0)
                    w_v[pl.ds(wb + j * 16, 16)] = w

                pltpu.async_copy(w_buf(b), den_sh.at[dst_v.at[ch]], dsem,
                                 add=True)

                wait_gather(b)
                parity = lax.rem(ch, 2)
                fb = parity * CHUNK

                @plsc.parallel_loop(0, CHUNK, unroll=4)
                def _(e):
                    we = plsc.load_gather(w_v, [jnp.broadcast_to(wb + e, (16,))])
                    r = wb + e
                    rf = fb + e
                    for g in range(DH // 32):
                        v32 = rows_bf[r, pl.ds(g * 32, 32)]
                        lo, hi = plsc.unpack(
                            v32, format=plsc.PackFormat.INTERLEAVED,
                            preferred_element_type=jnp.float32)
                        rows_f[rf, pl.ds(g * 32, 16)] = lo * we
                        rows_f[rf, pl.ds(g * 32 + 16, 16)] = hi * we

                pltpu.async_copy(rowsf_buf(parity), acc_sh.at[dst_v.at[ch]],
                                 ssem, add=True)
                return carry

            lax.fori_loop(0, hc, chunk_body, 0)
            wait_scatter((hc - 2) % NB)
            wait_scatter((hc - 1) % NB)
        plsc.subcore_barrier()

        pltpu.sync_copy(den_sh.at[pl.ds(row0, stripe)], den_v)
        pltpu.sync_copy(bias_hbm, bias_v)
        col0 = cid * DH
        for i in range(stripe // 16):
            sl = pl.ds(i * 16, 16)
            den_v[sl] = 1.0 / (den_v[sl] + 1e-16)
        out_row0 = row0
        off = 0
        for sz in (CHUNK, CHUNK, CHUNK, CHUNK, CHUNK):
            pltpu.sync_copy(acc_sh.at[pl.ds(out_row0 + off, sz)],
                            rows_f.at[pl.ds(0, sz)])
            _off = off

            @plsc.parallel_loop(0, sz, unroll=4)
            def _(r):
                d = plsc.load_gather(
                    den_v, [jnp.broadcast_to(_off + r, (16,))])
                for k in range(DH // 16):
                    sl = pl.ds(k * 16, 16)
                    bv = bias_v[pl.ds(col0 + k * 16, 16)]
                    rows_f[r, sl] = jnp.maximum(rows_f[r, sl] * d + bv, 0.0)
            pltpu.sync_copy(rows_f.at[pl.ds(0, sz)],
                            out_hbm.at[pl.ds(out_row0 + off, sz),
                                       pl.ds(col0, DH)])
            off += sz

    return sc_edge


def _interleave_bf16(hh):
    n = hh.shape[0]
    t = hh.reshape(n, 2, 2, 16).transpose(0, 1, 3, 2).reshape(n, 64)
    return t.astype(jnp.bfloat16)



@jax.jit
def kernel(x, edge_index, W, att_src, att_dst, bias):
    n = x.shape[0]
    e = edge_index.shape[1]
    e_tot = e + n

    h0, h1, als, ald = _tc_prep(x, W, att_src, att_dst)
    a_src = als.reshape(n)
    a_dst = ald.reshape(n)

    m = jnp.max(a_src) + jnp.max(a_dst)
    c = jnp.where(m > 0, m, NEG * m)
    c_vec = jnp.full((16,), c, jnp.float32)

    ei = edge_index.astype(jnp.int32)
    loops = jnp.arange(n, dtype=jnp.int32)
    src = jnp.concatenate([ei[0], loops])
    dst = jnp.concatenate([ei[1], loops])
    n_sub = 16
    per_round = n_sub * CHUNK
    n_chunks = (e_tot + per_round - 1) // per_round
    e_pad = n_chunks * per_round
    src = jnp.pad(src, (0, e_pad - e_tot)).reshape(n_sub, n_chunks, CHUNK)
    dst = jnp.pad(dst, (0, e_pad - e_tot)).reshape(n_sub, n_chunks, CHUNK)

    sc_edge = _make_sc_edge(n_chunks, e_tot)
    (out,) = sc_edge(_interleave_bf16(h0), _interleave_bf16(h1),
                     a_src, a_dst, c_vec, src, dst, bias)
    return out[:n]

# --- scband reference (transcript-rebuilt; emitter-appended) ---
"""Pipeline reference for scband-gatlayer-23931557773782 (READ-ONLY COPY).

The authoritative reference and input builder live on the scoring server;
editing this copy changes nothing except your own understanding.
"""

import jax, jax.numpy as jnp
import numpy as np

N_NODES = 10000
N_EDGES = 320000
D_IN = 128
D_OUT = 128
NEG_SLOPE = 0.2


def setup_inputs(seed: int = 0) -> dict:
    key = jax.random.key(seed)
    k_x, k_e, k_w, k_as, k_ad, k_b = jax.random.split(key, 6)
    x = jax.random.normal(k_x, (N_NODES, D_IN), dtype=jnp.float32)
    edge_index = jax.random.randint(k_e, (2, N_EDGES), 0, N_NODES, dtype=jnp.int64)
    # Learned parameters of GATConv (heads=1, concat=True, bias=True)
    W = jax.random.normal(k_w, (D_IN, D_OUT), dtype=jnp.float32) * (1.0 / np.sqrt(D_IN))
    att_src = jax.random.normal(k_as, (D_OUT,), dtype=jnp.float32) * (1.0 / np.sqrt(D_OUT))
    att_dst = jax.random.normal(k_ad, (D_OUT,), dtype=jnp.float32) * (1.0 / np.sqrt(D_OUT))
    bias = jnp.zeros((D_OUT,), dtype=jnp.float32)
    return {"x": x, "edge_index": edge_index, "W": W, "att_src": att_src, "att_dst": att_dst, "bias": bias}


def reference(x, edge_index, W, att_src, att_dst, bias):
    # Faithful GATConv (PyG defaults: heads=1, add_self_loops=True, negative_slope=0.2) + ReLU activation.
    N = x.shape[0]
    h = x @ W  # [N, D_OUT] (heads=1)
    alpha_src_n = jnp.sum(h * att_src, axis=-1)  # [N]
    alpha_dst_n = jnp.sum(h * att_dst, axis=-1)  # [N]
    # add self loops
    loops = jnp.arange(N, dtype=edge_index.dtype)
    src = jnp.concatenate([edge_index[0], loops])
    dst = jnp.concatenate([edge_index[1], loops])
    alpha = alpha_src_n[src] + alpha_dst_n[dst]
    alpha = jnp.where(alpha > 0, alpha, NEG_SLOPE * alpha)  # leaky_relu
    # softmax over incoming edges per destination node
    amax = jax.ops.segment_max(alpha, dst, num_segments=N)
    alpha = jnp.exp(alpha - amax[dst])
    denom = jax.ops.segment_sum(alpha, dst, num_segments=N)
    alpha = alpha / (denom[dst] + 1e-16)
    # weighted message aggregation (scatter-add)
    msgs = h[src] * alpha[:, None]
    out = jax.ops.segment_sum(msgs, dst, num_segments=N)
    out = out + bias
    out = jnp.maximum(out, 0.0)  # relu activation
    return out

if __name__ == "__main__":
    import jax
    _d = setup_inputs()
    print(jax.jit(kernel)(*tuple(_d.values())))

</pallas_src>

<mosaic_0001>
#map = affine_map<(d0, d1) -> (0, 0)>
#map1 = affine_map<(d0, d1) -> (0)>
#map2 = affine_map<(d0, d1) -> (0, 0, 0)>
module attributes {stable_mosaic.version = 14 : i64} {
  func.func @sc_edge(%arg0: i32, %arg1: i32, %arg2: memref<10000x64xbf16, #tpu.memory_space<hbm>>, %arg3: memref<10000x64xbf16, #tpu.memory_space<hbm>>, %arg4: memref<10000xf32, #tpu.memory_space<hbm>>, %arg5: memref<10000xf32, #tpu.memory_space<hbm>>, %arg6: memref<16xf32, #tpu.memory_space<hbm>>, %arg7: memref<16x162x128xi32, #tpu.memory_space<hbm>>, %arg8: memref<16x162x128xi32, #tpu.memory_space<hbm>>, %arg9: memref<128xf32, #tpu.memory_space<hbm>>, %arg10: memref<10240x128xf32, #tpu.memory_space<hbm>>, %arg11: memref<10000xf32, #tpu.memory_space<vmem>>, %arg12: memref<10000xf32, #tpu.memory_space<vmem>>, %arg13: memref<640xf32, #tpu.memory_space<vmem>>, %arg14: memref<128xf32, #tpu.memory_space<vmem>>, %arg15: memref<81x128xi32, #tpu.memory_space<vmem>>, %arg16: memref<81x128xi32, #tpu.memory_space<vmem>>, %arg17: memref<512xf32, #tpu.memory_space<vmem>>, %arg18: memref<512x64xbf16, #tpu.memory_space<vmem>>, %arg19: memref<256x64xf32, #tpu.memory_space<vmem>>, %arg20: memref<16xf32, #tpu.memory_space<vmem>>, %arg21: memref<10240x64xf32, #tpu.memory_space<vmem_shared>>, %arg22: memref<10240xf32, #tpu.memory_space<vmem_shared>>, %arg23: memref<!tpu.dma_semaphore, #tpu.memory_space<semaphore_mem>>, %arg24: memref<!tpu.dma_semaphore, #tpu.memory_space<semaphore_mem>>, %arg25: memref<!tpu.dma_semaphore, #tpu.memory_space<semaphore_mem>>) attributes {dimension_semantics = [#tpu.dimension_semantics<core_parallel>, #tpu.dimension_semantics<subcore_parallel>], iteration_bounds = array<i64: 2, 16>, scalar_prefetch = 0 : i64, scratch_operands = 15 : i64, tpu.core_type = #tpu.core_type<sc_vector_subcore>, window_params = [{transform_indices = #map}, {transform_indices = #map}, {transform_indices = #map1}, {transform_indices = #map1}, {transform_indices = #map1}, {transform_indices = #map2}, {transform_indices = #map2}, {transform_indices = #map1}, {transform_indices = #map}]} {
    %mul3A = arith.constant 640 : i32
    %mul3A_0 = arith.muli %arg1, %mul3A : i32
    %broadcast_in_dim3A = arith.constant 0.000000e+00 : f32
    %broadcast_in_dim3A_1 = vector.broadcast %broadcast_in_dim3A : f32 to vector<16xf32>
    %scan3A = arith.constant 0 : i32
    %scan3A_2 = arith.constant 0 : i32
    %scan3A_3 = arith.constant 128 : i32
    %scan3A_4 = arith.addi %scan3A_2, %scan3A_3 : i32
    %scan3A_5 = arith.constant 1 : i32
    scf.for %scan3A_604 = %scan3A_2 to %scan3A_4 step %scan3A_5  : i32 {
      %swap3A_605 = arith.index_cast %scan3A_604 : i32 to index
      %swap3A_606 = arith.constant 0 : index
      %swap3A_607 = tpu.vector_load %arg19[%swap3A_605, %swap3A_606] {strides = array<i32>} : memref<256x64xf32, #tpu.memory_space<vmem>>, vector<16xf32>,
      tpu.vector_store %arg19[%swap3A_605, %swap3A_606], %broadcast_in_dim3A_1 {strides = array<i32>} : memref<256x64xf32, #tpu.memory_space<vmem>>, vector<16xf32>,
      %swap3A_608 = arith.index_cast %scan3A_604 : i32 to index
      %swap3A_609 = arith.constant 16 : index
      %swap3A_610 = tpu.vector_load %arg19[%swap3A_608, %swap3A_609] {strides = array<i32>} : memref<256x64xf32, #tpu.memory_space<vmem>>, vector<16xf32>,
      tpu.vector_store %arg19[%swap3A_608, %swap3A_609], %broadcast_in_dim3A_1 {strides = array<i32>} : memref<256x64xf32, #tpu.memory_space<vmem>>, vector<16xf32>,
      %swap3A_611 = arith.index_cast %scan3A_604 : i32 to index
      %swap3A_612 = arith.constant 32 : index
      %swap3A_613 = tpu.vector_load %arg19[%swap3A_611, %swap3A_612] {strides = array<i32>} : memref<256x64xf32, #tpu.memory_space<vmem>>, vector<16xf32>,
      tpu.vector_store %arg19[%swap3A_611, %swap3A_612], %broadcast_in_dim3A_1 {strides = array<i32>} : memref<256x64xf32, #tpu.memory_space<vmem>>, vector<16xf32>,
      %swap3A_614 = arith.index_cast %scan3A_604 : i32 to index
      %swap3A_615 = arith.constant 48 : index
      %swap3A_616 = tpu.vector_load %arg19[%swap3A_614, %swap3A_615] {strides = array<i32>} : memref<256x64xf32, #tpu.memory_space<vmem>>, vector<16xf32>,
      tpu.vector_store %arg19[%swap3A_614, %swap3A_615], %broadcast_in_dim3A_1 {strides = array<i32>} : memref<256x64xf32, #tpu.memory_space<vmem>>, vector<16xf32>,
    }
    %scan3A_6 = arith.constant 128 : i32
    %swap3A = arith.constant 0 : index
    %swap3A_7 = tpu.vector_load %arg17[%swap3A] {strides = array<i32>} : memref<512xf32, #tpu.memory_space<vmem>>, vector<16xf32>,
    tpu.vector_store %arg17[%swap3A], %broadcast_in_dim3A_1 {strides = array<i32>} : memref<512xf32, #tpu.memory_space<vmem>>, vector<16xf32>,
    %swap3A_8 = arith.constant 16 : index
    %swap3A_9 = tpu.vector_load %arg17[%swap3A_8] {strides = array<i32>} : memref<512xf32, #tpu.memory_space<vmem>>, vector<16xf32>,
    tpu.vector_store %arg17[%swap3A_8], %broadcast_in_dim3A_1 {strides = array<i32>} : memref<512xf32, #tpu.memory_space<vmem>>, vector<16xf32>,
    %swap3A_10 = arith.constant 32 : index
    %swap3A_11 = tpu.vector_load %arg17[%swap3A_10] {strides = array<i32>} : memref<512xf32, #tpu.memory_space<vmem>>, vector<16xf32>,
    tpu.vector_store %arg17[%swap3A_10], %broadcast_in_dim3A_1 {strides = array<i32>} : memref<512xf32, #tpu.memory_space<vmem>>, vector<16xf32>,
    %swap3A_12 = arith.constant 48 : index
    %swap3A_13 = tpu.vector_load %arg17[%swap3A_12] {strides = array<i32>} : memref<512xf32, #tpu.memory_space<vmem>>, vector<16xf32>,
    tpu.vector_store %arg17[%swap3A_12], %broadcast_in_dim3A_1 {strides = array<i32>} : memref<512xf32, #tpu.memory_space<vmem>>, vector<16xf32>,
    %swap3A_14 = arith.constant 64 : index
    %swap3A_15 = tpu.vector_load %arg17[%swap3A_14] {strides = array<i32>} : memref<512xf32, #tpu.memory_space<vmem>>, vector<16xf32>,
    tpu.vector_store %arg17[%swap3A_14], %broadcast_in_dim3A_1 {strides = array<i32>} : memref<512xf32, #tpu.memory_space<vmem>>, vector<16xf32>,
    %swap3A_16 = arith.constant 80 : index
    %swap3A_17 = tpu.vector_load %arg17[%swap3A_16] {strides = array<i32>} : memref<512xf32, #tpu.memory_space<vmem>>, vector<16xf32>,
    tpu.vector_store %arg17[%swap3A_16], %broadcast_in_dim3A_1 {strides = array<i32>} : memref<512xf32, #tpu.memory_space<vmem>>, vector<16xf32>,
    %swap3A_18 = arith.constant 96 : index
    %swap3A_19 = tpu.vector_load %arg17[%swap3A_18] {strides = array<i32>} : memref<512xf32, #tpu.memory_space<vmem>>, vector<16xf32>,
    tpu.vector_store %arg17[%swap3A_18], %broadcast_in_dim3A_1 {strides = array<i32>} : memref<512xf32, #tpu.memory_space<vmem>>, vector<16xf32>,
    %swap3A_20 = arith.constant 112 : index
    %swap3A_21 = tpu.vector_load %arg17[%swap3A_20] {strides = array<i32>} : memref<512xf32, #tpu.memory_space<vmem>>, vector<16xf32>,
    tpu.vector_store %arg17[%swap3A_20], %broadcast_in_dim3A_1 {strides = array<i32>} : memref<512xf32, #tpu.memory_space<vmem>>, vector<16xf32>,
    %add3A = arith.constant 0 : i32
    %add3A_22 = arith.addi %mul3A_0, %add3A : i32
    "tpu.region"() ({
      %run_scoped3A = tpu.sem_alloc : memref<!tpu.dma_semaphore, #tpu.memory_space<semaphore_mem>>
      %dma_start3A = arith.constant 0 : i32
      %dma_start3A_604 = arith.constant 0 : i32
      %dma_start3A_605 = tpu.memref_slice %arg19[%dma_start3A, %dma_start3A_604] : memref<256x64xf32, #tpu.memory_space<vmem>> -> memref<128x64xf32, #tpu.memory_space<vmem>>
      %dma_start3A_606 = arith.constant 0 : i32
      %dma_start3A_607 = tpu.memref_slice %arg21[%add3A_22, %dma_start3A_606] : memref<10240x64xf32, #tpu.memory_space<vmem_shared>> -> memref<128x64xf32, #tpu.memory_space<vmem_shared>>
      %dma_start3A_608 = arith.constant 0 : i32
      %dma_start3A_609 = tpu.memref_slice %arg21[%add3A_22, %dma_start3A_608] : memref<10240x64xf32, #tpu.memory_space<vmem_shared>> -> memref<128x64xf32, #tpu.memory_space<vmem_shared>>
      %dma_start3A_610 = arith.constant 0 : i32
      %dma_start3A_611 = arith.constant 0 : i32
      %dma_start3A_612 = tpu.memref_slice %arg19[%dma_start3A_610, %dma_start3A_611] : memref<256x64xf32, #tpu.memory_space<vmem>> -> memref<128x64xf32, #tpu.memory_space<vmem>>
      tpu.enqueue_dma source(%dma_start3A_612 : memref<128x64xf32, #tpu.memory_space<vmem>>) target(%dma_start3A_609 : memref<128x64xf32, #tpu.memory_space<vmem_shared>>) target_semaphore(%run_scoped3A : memref<!tpu.dma_semaphore, #tpu.memory_space<semaphore_mem>>)
      %dma_wait3A_613 = arith.constant 0 : i32
      %dma_wait3A_614 = arith.constant 0 : i32
      %dma_wait3A_615 = tpu.memref_slice %arg19[%dma_wait3A_613, %dma_wait3A_614] : memref<256x64xf32, #tpu.memory_space<vmem>> -> memref<128x64xf32, #tpu.memory_space<vmem>>
      %dma_wait3A_616 = arith.constant 0 : i32
      %dma_wait3A_617 = tpu.memref_slice %arg21[%add3A_22, %dma_wait3A_616] : memref<10240x64xf32, #tpu.memory_space<vmem_shared>> -> memref<128x64xf32, #tpu.memory_space<vmem_shared>>
      %dma_wait3A_618 = arith.constant 0 : i32
      %dma_wait3A_619 = tpu.memref_slice %arg21[%add3A_22, %dma_wait3A_618] : memref<10240x64xf32, #tpu.memory_space<vmem_shared>> -> memref<128x64xf32, #tpu.memory_space<vmem_shared>>
      %dma_wait3A_620 = arith.constant 0 : i32
      %dma_wait3A_621 = arith.constant 0 : i32
      %dma_wait3A_622 = tpu.memref_slice %arg19[%dma_wait3A_620, %dma_wait3A_621] : memref<256x64xf32, #tpu.memory_space<vmem>> -> memref<128x64xf32, #tpu.memory_space<vmem>>
      tpu.wait_dma2 semaphore(%run_scoped3A : memref<!tpu.dma_semaphore, #tpu.memory_space<semaphore_mem>>) src(%dma_wait3A_622 : memref<128x64xf32, #tpu.memory_space<vmem>>) dst(%dma_wait3A_619 : memref<128x64xf32, #tpu.memory_space<vmem_shared>>)
      tpu.yield
    }) : () -> ()
    %add3A_23 = arith.constant 128 : i32
    %add3A_24 = arith.addi %mul3A_0, %add3A_23 : i32
    "tpu.region"() ({
      %run_scoped3A = tpu.sem_alloc : memref<!tpu.dma_semaphore, #tpu.memory_space<semaphore_mem>>
      %dma_start3A = arith.constant 0 : i32
      %dma_start3A_604 = arith.constant 0 : i32
      %dma_start3A_605 = tpu.memref_slice %arg19[%dma_start3A, %dma_start3A_604] : memref<256x64xf32, #tpu.memory_space<vmem>> -> memref<128x64xf32, #tpu.memory_space<vmem>>
      %dma_start3A_606 = arith.constant 0 : i32
      %dma_start3A_607 = tpu.memref_slice %arg21[%add3A_24, %dma_start3A_606] : memref<10240x64xf32, #tpu.memory_space<vmem_shared>> -> memref<128x64xf32, #tpu.memory_space<vmem_shared>>
      %dma_start3A_608 = arith.constant 0 : i32
      %dma_start3A_609 = tpu.memref_slice %arg21[%add3A_24, %dma_start3A_608] : memref<10240x64xf32, #tpu.memory_space<vmem_shared>> -> memref<128x64xf32, #tpu.memory_space<vmem_shared>>
      %dma_start3A_610 = arith.constant 0 : i32
      %dma_start3A_611 = arith.constant 0 : i32
      %dma_start3A_612 = tpu.memref_slice %arg19[%dma_start3A_610, %dma_start3A_611] : memref<256x64xf32, #tpu.memory_space<vmem>> -> memref<128x64xf32, #tpu.memory_space<vmem>>
      tpu.enqueue_dma source(%dma_start3A_612 : memref<128x64xf32, #tpu.memory_space<vmem>>) target(%dma_start3A_609 : memref<128x64xf32, #tpu.memory_space<vmem_shared>>) target_semaphore(%run_scoped3A : memref<!tpu.dma_semaphore, #tpu.memory_space<semaphore_mem>>)
      %dma_wait3A_613 = arith.constant 0 : i32
      %dma_wait3A_614 = arith.constant 0 : i32
      %dma_wait3A_615 = tpu.memref_slice %arg19[%dma_wait3A_613, %dma_wait3A_614] : memref<256x64xf32, #tpu.memory_space<vmem>> -> memref<128x64xf32, #tpu.memory_space<vmem>>
      %dma_wait3A_616 = arith.constant 0 : i32
      %dma_wait3A_617 = tpu.memref_slice %arg21[%add3A_24, %dma_wait3A_616] : memref<10240x64xf32, #tpu.memory_space<vmem_shared>> -> memref<128x64xf32, #tpu.memory_space<vmem_shared>>
      %dma_wait3A_618 = arith.constant 0 : i32
      %dma_wait3A_619 = tpu.memref_slice %arg21[%add3A_24, %dma_wait3A_618] : memref<10240x64xf32, #tpu.memory_space<vmem_shared>> -> memref<128x64xf32, #tpu.memory_space<vmem_shared>>
      %dma_wait3A_620 = arith.constant 0 : i32
      %dma_wait3A_621 = arith.constant 0 : i32
      %dma_wait3A_622 = tpu.memref_slice %arg19[%dma_wait3A_620, %dma_wait3A_621] : memref<256x64xf32, #tpu.memory_space<vmem>> -> memref<128x64xf32, #tpu.memory_space<vmem>>
      tpu.wait_dma2 semaphore(%run_scoped3A : memref<!tpu.dma_semaphore, #tpu.memory_space<semaphore_mem>>) src(%dma_wait3A_622 : memref<128x64xf32, #tpu.memory_space<vmem>>) dst(%dma_wait3A_619 : memref<128x64xf32, #tpu.memory_space<vmem_shared>>)
      tpu.yield
    }) : () -> ()
    %add3A_25 = arith.constant 256 : i32
    %add3A_26 = arith.addi %mul3A_0, %add3A_25 : i32
    "tpu.region"() ({
      %run_scoped3A = tpu.sem_alloc : memref<!tpu.dma_semaphore, #tpu.memory_space<semaphore_mem>>
      %dma_start3A = arith.constant 0 : i32
      %dma_start3A_604 = arith.constant 0 : i32
      %dma_start3A_605 = tpu.memref_slice %arg19[%dma_start3A, %dma_start3A_604] : memref<256x64xf32, #tpu.memory_space<vmem>> -> memref<128x64xf32, #tpu.memory_space<vmem>>
      %dma_start3A_606 = arith.constant 0 : i32
      %dma_start3A_607 = tpu.memref_slice %arg21[%add3A_26, %dma_start3A_606] : memref<10240x64xf32, #tpu.memory_space<vmem_shared>> -> memref<128x64xf32, #tpu.memory_space<vmem_shared>>
      %dma_start3A_608 = arith.constant 0 : i32
      %dma_start3A_609 = tpu.memref_slice %arg21[%add3A_26, %dma_start3A_608] : memref<10240x64xf32, #tpu.memory_space<vmem_shared>> -> memref<128x64xf32, #tpu.memory_space<vmem_shared>>
      %dma_start3A_610 = arith.constant 0 : i32
      %dma_start3A_611 = arith.constant 0 : i32
      %dma_start3A_612 = tpu.memref_slice %arg19[%dma_start3A_610, %dma_start3A_611] : memref<256x64xf32, #tpu.memory_space<vmem>> -> memref<128x64xf32, #tpu.memory_space<vmem>>
      tpu.enqueue_dma source(%dma_start3A_612 : memref<128x64xf32, #tpu.memory_space<vmem>>) target(%dma_start3A_609 : memref<128x64xf32, #tpu.memory_space<vmem_shared>>) target_semaphore(%run_scoped3A : memref<!tpu.dma_semaphore, #tpu.memory_space<semaphore_mem>>)
      %dma_wait3A_613 = arith.constant 0 : i32
      %dma_wait3A_614 = arith.constant 0 : i32
      %dma_wait3A_615 = tpu.memref_slice %arg19[%dma_wait3A_613, %dma_wait3A_614] : memref<256x64xf32, #tpu.memory_space<vmem>> -> memref<128x64xf32, #tpu.memory_space<vmem>>
      %dma_wait3A_616 = arith.constant 0 : i32
      %dma_wait3A_617 = tpu.memref_slice %arg21[%add3A_26, %dma_wait3A_616] : memref<10240x64xf32, #tpu.memory_space<vmem_shared>> -> memref<128x64xf32, #tpu.memory_space<vmem_shared>>
      %dma_wait3A_618 = arith.constant 0 : i32
      %dma_wait3A_619 = tpu.memref_slice %arg21[%add3A_26, %dma_wait3A_618] : memref<10240x64xf32, #tpu.memory_space<vmem_shared>> -> memref<128x64xf32, #tpu.memory_space<vmem_shared>>
      %dma_wait3A_620 = arith.constant 0 : i32
      %dma_wait3A_621 = arith.constant 0 : i32
      %dma_wait3A_622 = tpu.memref_slice %arg19[%dma_wait3A_620, %dma_wait3A_621] : memref<256x64xf32, #tpu.memory_space<vmem>> -> memref<128x64xf32, #tpu.memory_space<vmem>>
      tpu.wait_dma2 semaphore(%run_scoped3A : memref<!tpu.dma_semaphore, #tpu.memory_space<semaphore_mem>>) src(%dma_wait3A_622 : memref<128x64xf32, #tpu.memory_space<vmem>>) dst(%dma_wait3A_619 : memref<128x64xf32, #tpu.memory_space<vmem_shared>>)
      tpu.yield
    }) : () -> ()
    %add3A_27 = arith.constant 384 : i32
    %add3A_28 = arith.addi %mul3A_0, %add3A_27 : i32
    "tpu.region"() ({
      %run_scoped3A = tpu.sem_alloc : memref<!tpu.dma_semaphore, #tpu.memory_space<semaphore_mem>>
      %dma_start3A = arith.constant 0 : i32
      %dma_start3A_604 = arith.constant 0 : i32
      %dma_start3A_605 = tpu.memref_slice %arg19[%dma_start3A, %dma_start3A_604] : memref<256x64xf32, #tpu.memory_space<vmem>> -> memref<128x64xf32, #tpu.memory_space<vmem>>
      %dma_start3A_606 = arith.constant 0 : i32
      %dma_start3A_607 = tpu.memref_slice %arg21[%add3A_28, %dma_start3A_606] : memref<10240x64xf32, #tpu.memory_space<vmem_shared>> -> memref<128x64xf32, #tpu.memory_space<vmem_shared>>
      %dma_start3A_608 = arith.constant 0 : i32
      %dma_start3A_609 = tpu.memref_slice %arg21[%add3A_28, %dma_start3A_608] : memref<10240x64xf32, #tpu.memory_space<vmem_shared>> -> memref<128x64xf32, #tpu.memory_space<vmem_shared>>
      %dma_start3A_610 = arith.constant 0 : i32
      %dma_start3A_611 = arith.constant 0 : i32
      %dma_start3A_612 = tpu.memref_slice %arg19[%dma_start3A_610, %dma_start3A_611] : memref<256x64xf32, #tpu.memory_space<vmem>> -> memref<128x64xf32, #tpu.memory_space<vmem>>
      tpu.enqueue_dma source(%dma_start3A_612 : memref<128x64xf32, #tpu.memory_space<vmem>>) target(%dma_start3A_609 : memref<128x64xf32, #tpu.memory_space<vmem_shared>>) target_semaphore(%run_scoped3A : memref<!tpu.dma_semaphore, #tpu.memory_space<semaphore_mem>>)
      %dma_wait3A_613 = arith.constant 0 : i32
      %dma_wait3A_614 = arith.constant 0 : i32
      %dma_wait3A_615 = tpu.memref_slice %arg19[%dma_wait3A_613, %dma_wait3A_614] : memref<256x64xf32, #tpu.memory_space<vmem>> -> memref<128x64xf32, #tpu.memory_space<vmem>>
      %dma_wait3A_616 = arith.constant 0 : i32
      %dma_wait3A_617 = tpu.memref_slice %arg21[%add3A_28, %dma_wait3A_616] : memref<10240x64xf32, #tpu.memory_space<vmem_shared>> -> memref<128x64xf32, #tpu.memory_space<vmem_shared>>
      %dma_wait3A_618 = arith.constant 0 : i32
      %dma_wait3A_619 = tpu.memref_slice %arg21[%add3A_28, %dma_wait3A_618] : memref<10240x64xf32, #tpu.memory_space<vmem_shared>> -> memref<128x64xf32, #tpu.memory_space<vmem_shared>>
      %dma_wait3A_620 = arith.constant 0 : i32
      %dma_wait3A_621 = arith.constant 0 : i32
      %dma_wait3A_622 = tpu.memref_slice %arg19[%dma_wait3A_620, %dma_wait3A_621] : memref<256x64xf32, #tpu.memory_space<vmem>> -> memref<128x64xf32, #tpu.memory_space<vmem>>
      tpu.wait_dma2 semaphore(%run_scoped3A : memref<!tpu.dma_semaphore, #tpu.memory_space<semaphore_mem>>) src(%dma_wait3A_622 : memref<128x64xf32, #tpu.memory_space<vmem>>) dst(%dma_wait3A_619 : memref<128x64xf32, #tpu.memory_space<vmem_shared>>)
      tpu.yield
    }) : () -> ()
    %add3A_29 = arith.constant 512 : i32
    %add3A_30 = arith.addi %mul3A_0, %add3A_29 : i32
    "tpu.region"() ({
      %run_scoped3A = tpu.sem_alloc : memref<!tpu.dma_semaphore, #tpu.memory_space<semaphore_mem>>
      %dma_start3A = arith.constant 0 : i32
      %dma_start3A_604 = arith.constant 0 : i32
      %dma_start3A_605 = tpu.memref_slice %arg19[%dma_start3A, %dma_start3A_604] : memref<256x64xf32, #tpu.memory_space<vmem>> -> memref<128x64xf32, #tpu.memory_space<vmem>>
      %dma_start3A_606 = arith.constant 0 : i32
      %dma_start3A_607 = tpu.memref_slice %arg21[%add3A_30, %dma_start3A_606] : memref<10240x64xf32, #tpu.memory_space<vmem_shared>> -> memref<128x64xf32, #tpu.memory_space<vmem_shared>>
      %dma_start3A_608 = arith.constant 0 : i32
      %dma_start3A_609 = tpu.memref_slice %arg21[%add3A_30, %dma_start3A_608] : memref<10240x64xf32, #tpu.memory_space<vmem_shared>> -> memref<128x64xf32, #tpu.memory_space<vmem_shared>>
      %dma_start3A_610 = arith.constant 0 : i32
      %dma_start3A_611 = arith.constant 0 : i32
      %dma_start3A_612 = tpu.memref_slice %arg19[%dma_start3A_610, %dma_start3A_611] : memref<256x64xf32, #tpu.memory_space<vmem>> -> memref<128x64xf32, #tpu.memory_space<vmem>>
      tpu.enqueue_dma source(%dma_start3A_612 : memref<128x64xf32, #tpu.memory_space<vmem>>) target(%dma_start3A_609 : memref<128x64xf32, #tpu.memory_space<vmem_shared>>) target_semaphore(%run_scoped3A : memref<!tpu.dma_semaphore, #tpu.memory_space<semaphore_mem>>)
      %dma_wait3A_613 = arith.constant 0 : i32
      %dma_wait3A_614 = arith.constant 0 : i32
      %dma_wait3A_615 = tpu.memref_slice %arg19[%dma_wait3A_613, %dma_wait3A_614] : memref<256x64xf32, #tpu.memory_space<vmem>> -> memref<128x64xf32, #tpu.memory_space<vmem>>
      %dma_wait3A_616 = arith.constant 0 : i32
      %dma_wait3A_617 = tpu.memref_slice %arg21[%add3A_30, %dma_wait3A_616] : memref<10240x64xf32, #tpu.memory_space<vmem_shared>> -> memref<128x64xf32, #tpu.memory_space<vmem_shared>>
      %dma_wait3A_618 = arith.constant 0 : i32
      %dma_wait3A_619 = tpu.memref_slice %arg21[%add3A_30, %dma_wait3A_618] : memref<10240x64xf32, #tpu.memory_space<vmem_shared>> -> memref<128x64xf32, #tpu.memory_space<vmem_shared>>
      %dma_wait3A_620 = arith.constant 0 : i32
      %dma_wait3A_621 = arith.constant 0 : i32
      %dma_wait3A_622 = tpu.memref_slice %arg19[%dma_wait3A_620, %dma_wait3A_621] : memref<256x64xf32, #tpu.memory_space<vmem>> -> memref<128x64xf32, #tpu.memory_space<vmem>>
      tpu.wait_dma2 semaphore(%run_scoped3A : memref<!tpu.dma_semaphore, #tpu.memory_space<semaphore_mem>>) src(%dma_wait3A_622 : memref<128x64xf32, #tpu.memory_space<vmem>>) dst(%dma_wait3A_619 : memref<128x64xf32, #tpu.memory_space<vmem_shared>>)
      tpu.yield
    }) : () -> ()
    %add3A_31 = arith.constant 0 : i32
    %add3A_32 = arith.addi %mul3A_0, %add3A_31 : i32
    "tpu.region"() ({
      %run_scoped3A = tpu.sem_alloc : memref<!tpu.dma_semaphore, #tpu.memory_space<semaphore_mem>>
      %dma_start3A = arith.constant 0 : i32
      %dma_start3A_604 = tpu.memref_slice %arg17[%dma_start3A] : memref<512xf32, #tpu.memory_space<vmem>> -> memref<128xf32, #tpu.memory_space<vmem>>
      %dma_start3A_605 = tpu.memref_slice %arg22[%add3A_32] : memref<10240xf32, #tpu.memory_space<vmem_shared>> -> memref<128xf32, #tpu.memory_space<vmem_shared>>
      %dma_start3A_606 = tpu.memref_slice %arg22[%add3A_32] : memref<10240xf32, #tpu.memory_space<vmem_shared>> -> memref<128xf32, #tpu.memory_space<vmem_shared>>
      %dma_start3A_607 = arith.constant 0 : i32
      %dma_start3A_608 = tpu.memref_slice %arg17[%dma_start3A_607] : memref<512xf32, #tpu.memory_space<vmem>> -> memref<128xf32, #tpu.memory_space<vmem>>
      tpu.enqueue_dma source(%dma_start3A_608 : memref<128xf32, #tpu.memory_space<vmem>>) target(%dma_start3A_606 : memref<128xf32, #tpu.memory_space<vmem_shared>>) target_semaphore(%run_scoped3A : memref<!tpu.dma_semaphore, #tpu.memory_space<semaphore_mem>>)
      %dma_wait3A_609 = arith.constant 0 : i32
      %dma_wait3A_610 = tpu.memref_slice %arg17[%dma_wait3A_609] : memref<512xf32, #tpu.memory_space<vmem>> -> memref<128xf32, #tpu.memory_space<vmem>>
      %dma_wait3A_611 = tpu.memref_slice %arg22[%add3A_32] : memref<10240xf32, #tpu.memory_space<vmem_shared>> -> memref<128xf32, #tpu.memory_space<vmem_shared>>
      %dma_wait3A_612 = tpu.memref_slice %arg22[%add3A_32] : memref<10240xf32, #tpu.memory_space<vmem_shared>> -> memref<128xf32, #tpu.memory_space<vmem_shared>>
      %dma_wait3A_613 = arith.constant 0 : i32
      %dma_wait3A_614 = tpu.memref_slice %arg17[%dma_wait3A_613] : memref<512xf32, #tpu.memory_space<vmem>> -> memref<128xf32, #tpu.memory_space<vmem>>
      tpu.wait_dma2 semaphore(%run_scoped3A : memref<!tpu.dma_semaphore, #tpu.memory_space<semaphore_mem>>) src(%dma_wait3A_614 : memref<128xf32, #tpu.memory_space<vmem>>) dst(%dma_wait3A_612 : memref<128xf32, #tpu.memory_space<vmem_shared>>)
      tpu.yield
    }) : () -> ()
    %add3A_33 = arith.constant 128 : i32
    %add3A_34 = arith.addi %mul3A_0, %add3A_33 : i32
    "tpu.region"() ({
      %run_scoped3A = tpu.sem_alloc : memref<!tpu.dma_semaphore, #tpu.memory_space<semaphore_mem>>
      %dma_start3A = arith.constant 0 : i32
      %dma_start3A_604 = tpu.memref_slice %arg17[%dma_start3A] : memref<512xf32, #tpu.memory_space<vmem>> -> memref<128xf32, #tpu.memory_space<vmem>>
      %dma_start3A_605 = tpu.memref_slice %arg22[%add3A_34] : memref<10240xf32, #tpu.memory_space<vmem_shared>> -> memref<128xf32, #tpu.memory_space<vmem_shared>>
      %dma_start3A_606 = tpu.memref_slice %arg22[%add3A_34] : memref<10240xf32, #tpu.memory_space<vmem_shared>> -> memref<128xf32, #tpu.memory_space<vmem_shared>>
      %dma_start3A_607 = arith.constant 0 : i32
      %dma_start3A_608 = tpu.memref_slice %arg17[%dma_start3A_607] : memref<512xf32, #tpu.memory_space<vmem>> -> memref<128xf32, #tpu.memory_space<vmem>>
      tpu.enqueue_dma source(%dma_start3A_608 : memref<128xf32, #tpu.memory_space<vmem>>) target(%dma_start3A_606 : memref<128xf32, #tpu.memory_space<vmem_shared>>) target_semaphore(%run_scoped3A : memref<!tpu.dma_semaphore, #tpu.memory_space<semaphore_mem>>)
      %dma_wait3A_609 = arith.constant 0 : i32
      %dma_wait3A_610 = tpu.memref_slice %arg17[%dma_wait3A_609] : memref<512xf32, #tpu.memory_space<vmem>> -> memref<128xf32, #tpu.memory_space<vmem>>
      %dma_wait3A_611 = tpu.memref_slice %arg22[%add3A_34] : memref<10240xf32, #tpu.memory_space<vmem_shared>> -> memref<128xf32, #tpu.memory_space<vmem_shared>>
      %dma_wait3A_612 = tpu.memref_slice %arg22[%add3A_34] : memref<10240xf32, #tpu.memory_space<vmem_shared>> -> memref<128xf32, #tpu.memory_space<vmem_shared>>
      %dma_wait3A_613 = arith.constant 0 : i32
      %dma_wait3A_614 = tpu.memref_slice %arg17[%dma_wait3A_613] : memref<512xf32, #tpu.memory_space<vmem>> -> memref<128xf32, #tpu.memory_space<vmem>>
      tpu.wait_dma2 semaphore(%run_scoped3A : memref<!tpu.dma_semaphore, #tpu.memory_space<semaphore_mem>>) src(%dma_wait3A_614 : memref<128xf32, #tpu.memory_space<vmem>>) dst(%dma_wait3A_612 : memref<128xf32, #tpu.memory_space<vmem_shared>>)
      tpu.yield
    }) : () -> ()
    %add3A_35 = arith.constant 256 : i32
    %add3A_36 = arith.addi %mul3A_0, %add3A_35 : i32
    "tpu.region"() ({
      %run_scoped3A = tpu.sem_alloc : memref<!tpu.dma_semaphore, #tpu.memory_space<semaphore_mem>>
      %dma_start3A = arith.constant 0 : i32
      %dma_start3A_604 = tpu.memref_slice %arg17[%dma_start3A] : memref<512xf32, #tpu.memory_space<vmem>> -> memref<128xf32, #tpu.memory_space<vmem>>
      %dma_start3A_605 = tpu.memref_slice %arg22[%add3A_36] : memref<10240xf32, #tpu.memory_space<vmem_shared>> -> memref<128xf32, #tpu.memory_space<vmem_shared>>
      %dma_start3A_606 = tpu.memref_slice %arg22[%add3A_36] : memref<10240xf32, #tpu.memory_space<vmem_shared>> -> memref<128xf32, #tpu.memory_space<vmem_shared>>
      %dma_start3A_607 = arith.constant 0 : i32
      %dma_start3A_608 = tpu.memref_slice %arg17[%dma_start3A_607] : memref<512xf32, #tpu.memory_space<vmem>> -> memref<128xf32, #tpu.memory_space<vmem>>
      tpu.enqueue_dma source(%dma_start3A_608 : memref<128xf32, #tpu.memory_space<vmem>>) target(%dma_start3A_606 : memref<128xf32, #tpu.memory_space<vmem_shared>>) target_semaphore(%run_scoped3A : memref<!tpu.dma_semaphore, #tpu.memory_space<semaphore_mem>>)
      %dma_wait3A_609 = arith.constant 0 : i32
      %dma_wait3A_610 = tpu.memref_slice %arg17[%dma_wait3A_609] : memref<512xf32, #tpu.memory_space<vmem>> -> memref<128xf32, #tpu.memory_space<vmem>>
      %dma_wait3A_611 = tpu.memref_slice %arg22[%add3A_36] : memref<10240xf32, #tpu.memory_space<vmem_shared>> -> memref<128xf32, #tpu.memory_space<vmem_shared>>
      %dma_wait3A_612 = tpu.memref_slice %arg22[%add3A_36] : memref<10240xf32, #tpu.memory_space<vmem_shared>> -> memref<128xf32, #tpu.memory_space<vmem_shared>>
      %dma_wait3A_613 = arith.constant 0 : i32
      %dma_wait3A_614 = tpu.memref_slice %arg17[%dma_wait3A_613] : memref<512xf32, #tpu.memory_space<vmem>> -> memref<128xf32, #tpu.memory_space<vmem>>
      tpu.wait_dma2 semaphore(%run_scoped3A : memref<!tpu.dma_semaphore, #tpu.memory_space<semaphore_mem>>) src(%dma_wait3A_614 : memref<128xf32, #tpu.memory_space<vmem>>) dst(%dma_wait3A_612 : memref<128xf32, #tpu.memory_space<vmem_shared>>)
      tpu.yield
    }) : () -> ()
    %add3A_37 = arith.constant 384 : i32
    %add3A_38 = arith.addi %mul3A_0, %add3A_37 : i32
    "tpu.region"() ({
      %run_scoped3A = tpu.sem_alloc : memref<!tpu.dma_semaphore, #tpu.memory_space<semaphore_mem>>
      %dma_start3A = arith.constant 0 : i32
      %dma_start3A_604 = tpu.memref_slice %arg17[%dma_start3A] : memref<512xf32, #tpu.memory_space<vmem>> -> memref<128xf32, #tpu.memory_space<vmem>>
      %dma_start3A_605 = tpu.memref_slice %arg22[%add3A_38] : memref<10240xf32, #tpu.memory_space<vmem_shared>> -> memref<128xf32, #tpu.memory_space<vmem_shared>>
      %dma_start3A_606 = tpu.memref_slice %arg22[%add3A_38] : memref<10240xf32, #tpu.memory_space<vmem_shared>> -> memref<128xf32, #tpu.memory_space<vmem_shared>>
      %dma_start3A_607 = arith.constant 0 : i32
      %dma_start3A_608 = tpu.memref_slice %arg17[%dma_start3A_607] : memref<512xf32, #tpu.memory_space<vmem>> -> memref<128xf32, #tpu.memory_space<vmem>>
      tpu.enqueue_dma source(%dma_start3A_608 : memref<128xf32, #tpu.memory_space<vmem>>) target(%dma_start3A_606 : memref<128xf32, #tpu.memory_space<vmem_shared>>) target_semaphore(%run_scoped3A : memref<!tpu.dma_semaphore, #tpu.memory_space<semaphore_mem>>)
      %dma_wait3A_609 = arith.constant 0 : i32
      %dma_wait3A_610 = tpu.memref_slice %arg17[%dma_wait3A_609] : memref<512xf32, #tpu.memory_space<vmem>> -> memref<128xf32, #tpu.memory_space<vmem>>
      %dma_wait3A_611 = tpu.memref_slice %arg22[%add3A_38] : memref<10240xf32, #tpu.memory_space<vmem_shared>> -> memref<128xf32, #tpu.memory_space<vmem_shared>>
      %dma_wait3A_612 = tpu.memref_slice %arg22[%add3A_38] : memref<10240xf32, #tpu.memory_space<vmem_shared>> -> memref<128xf32, #tpu.memory_space<vmem_shared>>
      %dma_wait3A_613 = arith.constant 0 : i32
      %dma_wait3A_614 = tpu.memref_slice %arg17[%dma_wait3A_613] : memref<512xf32, #tpu.memory_space<vmem>> -> memref<128xf32, #tpu.memory_space<vmem>>
      tpu.wait_dma2 semaphore(%run_scoped3A : memref<!tpu.dma_semaphore, #tpu.memory_space<semaphore_mem>>) src(%dma_wait3A_614 : memref<128xf32, #tpu.memory_space<vmem>>) dst(%dma_wait3A_612 : memref<128xf32, #tpu.memory_space<vmem_shared>>)
      tpu.yield
    }) : () -> ()
    %add3A_39 = arith.constant 512 : i32
    %add3A_40 = arith.addi %mul3A_0, %add3A_39 : i32
    "tpu.region"() ({
      %run_scoped3A = tpu.sem_alloc : memref<!tpu.dma_semaphore, #tpu.memory_space<semaphore_mem>>
      %dma_start3A = arith.constant 0 : i32
      %dma_start3A_604 = tpu.memref_slice %arg17[%dma_start3A] : memref<512xf32, #tpu.memory_space<vmem>> -> memref<128xf32, #tpu.memory_space<vmem>>
      %dma_start3A_605 = tpu.memref_slice %arg22[%add3A_40] : memref<10240xf32, #tpu.memory_space<vmem_shared>> -> memref<128xf32, #tpu.memory_space<vmem_shared>>
      %dma_start3A_606 = tpu.memref_slice %arg22[%add3A_40] : memref<10240xf32, #tpu.memory_space<vmem_shared>> -> memref<128xf32, #tpu.memory_space<vmem_shared>>
      %dma_start3A_607 = arith.constant 0 : i32
      %dma_start3A_608 = tpu.memref_slice %arg17[%dma_start3A_607] : memref<512xf32, #tpu.memory_space<vmem>> -> memref<128xf32, #tpu.memory_space<vmem>>
      tpu.enqueue_dma source(%dma_start3A_608 : memref<128xf32, #tpu.memory_space<vmem>>) target(%dma_start3A_606 : memref<128xf32, #tpu.memory_space<vmem_shared>>) target_semaphore(%run_scoped3A : memref<!tpu.dma_semaphore, #tpu.memory_space<semaphore_mem>>)
      %dma_wait3A_609 = arith.constant 0 : i32
      %dma_wait3A_610 = tpu.memref_slice %arg17[%dma_wait3A_609] : memref<512xf32, #tpu.memory_space<vmem>> -> memref<128xf32, #tpu.memory_space<vmem>>
      %dma_wait3A_611 = tpu.memref_slice %arg22[%add3A_40] : memref<10240xf32, #tpu.memory_space<vmem_shared>> -> memref<128xf32, #tpu.memory_space<vmem_shared>>
      %dma_wait3A_612 = tpu.memref_slice %arg22[%add3A_40] : memref<10240xf32, #tpu.memory_space<vmem_shared>> -> memref<128xf32, #tpu.memory_space<vmem_shared>>
      %dma_wait3A_613 = arith.constant 0 : i32
      %dma_wait3A_614 = tpu.memref_slice %arg17[%dma_wait3A_613] : memref<512xf32, #tpu.memory_space<vmem>> -> memref<128xf32, #tpu.memory_space<vmem>>
      tpu.wait_dma2 semaphore(%run_scoped3A : memref<!tpu.dma_semaphore, #tpu.memory_space<semaphore_mem>>) src(%dma_wait3A_614 : memref<128xf32, #tpu.memory_space<vmem>>) dst(%dma_wait3A_612 : memref<128xf32, #tpu.memory_space<vmem_shared>>)
      tpu.yield
    }) : () -> ()
    "tpu.region"() ({
      %run_scoped3A = tpu.sem_alloc : memref<!tpu.dma_semaphore, #tpu.memory_space<semaphore_mem>>
      tpu.enqueue_dma source(%arg4 : memref<10000xf32, #tpu.memory_space<hbm>>) target(%arg11 : memref<10000xf32, #tpu.memory_space<vmem>>) target_semaphore(%run_scoped3A : memref<!tpu.dma_semaphore, #tpu.memory_space<semaphore_mem>>)
      tpu.wait_dma2 semaphore(%run_scoped3A : memref<!tpu.dma_semaphore, #tpu.memory_space<semaphore_mem>>) src(%arg4 : memref<10000xf32, #tpu.memory_space<hbm>>) dst(%arg11 : memref<10000xf32, #tpu.memory_space<vmem>>)
      tpu.yield
    }) : () -> ()
    "tpu.region"() ({
      %run_scoped3A = tpu.sem_alloc : memref<!tpu.dma_semaphore, #tpu.memory_space<semaphore_mem>>
      tpu.enqueue_dma source(%arg5 : memref<10000xf32, #tpu.memory_space<hbm>>) target(%arg12 : memref<10000xf32, #tpu.memory_space<vmem>>) target_semaphore(%run_scoped3A : memref<!tpu.dma_semaphore, #tpu.memory_space<semaphore_mem>>)
      tpu.wait_dma2 semaphore(%run_scoped3A : memref<!tpu.dma_semaphore, #tpu.memory_space<semaphore_mem>>) src(%arg5 : memref<10000xf32, #tpu.memory_space<hbm>>) dst(%arg12 : memref<10000xf32, #tpu.memory_space<vmem>>)
      tpu.yield
    }) : () -> ()
    "tpu.region"() ({
      %run_scoped3A = tpu.sem_alloc : memref<!tpu.dma_semaphore, #tpu.memory_space<semaphore_mem>>
      tpu.enqueue_dma source(%arg6 : memref<16xf32, #tpu.memory_space<hbm>>) target(%arg20 : memref<16xf32, #tpu.memory_space<vmem>>) target_semaphore(%run_scoped3A : memref<!tpu.dma_semaphore, #tpu.memory_space<semaphore_mem>>)
      tpu.wait_dma2 semaphore(%run_scoped3A : memref<!tpu.dma_semaphore, #tpu.memory_space<semaphore_mem>>) src(%arg6 : memref<16xf32, #tpu.memory_space<hbm>>) dst(%arg20 : memref<16xf32, #tpu.memory_space<vmem>>)
      tpu.yield
    }) : () -> ()
    %barrier3A = arith.constant 0 : index
    tpu.barrier barrier_id(%barrier3A)
    %get3A = arith.constant 0 : index
    %get3A_41 = tpu.vector_load %arg20[%get3A] {strides = array<i32>} : memref<16xf32, #tpu.memory_space<vmem>>, vector<16xf32>,
    %iota3A = tpu.iota {dimensions = array<i32: 0>} : vector<16xi32>
    %mul3A_42 = arith.constant 20736 : i32
    %mul3A_43 = arith.muli %arg1, %mul3A_42 : i32
    "tpu.region"() ({
      %run_scoped3A = tpu.sem_alloc : memref<!tpu.dma_semaphore, #tpu.memory_space<semaphore_mem>>
      %dma_start3A = arith.constant 0 : i32
      %dma_start3A_604 = arith.constant 0 : i32
      %dma_start3A_605 = tpu.memref_slice %arg7[%arg1, %dma_start3A, %dma_start3A_604] : memref<16x162x128xi32, #tpu.memory_space<hbm>> -> memref<1x81x128xi32, #tpu.memory_space<hbm>>
      %dma_start3A_606 = tpu.memref_squeeze %dma_start3A_605 : memref<1x81x128xi32, #tpu.memory_space<hbm>> -> memref<81x128xi32, #tpu.memory_space<hbm>>
      %dma_start3A_607 = arith.constant 0 : i32
      %dma_start3A_608 = arith.constant 0 : i32
      %dma_start3A_609 = tpu.memref_slice %arg7[%arg1, %dma_start3A_607, %dma_start3A_608] : memref<16x162x128xi32, #tpu.memory_space<hbm>> -> memref<1x81x128xi32, #tpu.memory_space<hbm>>
      %dma_start3A_610 = tpu.memref_squeeze %dma_start3A_609 : memref<1x81x128xi32, #tpu.memory_space<hbm>> -> memref<81x128xi32, #tpu.memory_space<hbm>>
      tpu.enqueue_dma source(%dma_start3A_610 : memref<81x128xi32, #tpu.memory_space<hbm>>) target(%arg15 : memref<81x128xi32, #tpu.memory_space<vmem>>) target_semaphore(%run_scoped3A : memref<!tpu.dma_semaphore, #tpu.memory_space<semaphore_mem>>)
      %dma_wait3A_611 = arith.constant 0 : i32
      %dma_wait3A_612 = arith.constant 0 : i32
      %dma_wait3A_613 = tpu.memref_slice %arg7[%arg1, %dma_wait3A_611, %dma_wait3A_612] : memref<16x162x128xi32, #tpu.memory_space<hbm>> -> memref<1x81x128xi32, #tpu.memory_space<hbm>>
      %dma_wait3A_614 = tpu.memref_squeeze %dma_wait3A_613 : memref<1x81x128xi32, #tpu.memory_space<hbm>> -> memref<81x128xi32, #tpu.memory_space<hbm>>
      %dma_wait3A_615 = arith.constant 0 : i32
      %dma_wait3A_616 = arith.constant 0 : i32
      %dma_wait3A_617 = tpu.memref_slice %arg7[%arg1, %dma_wait3A_615, %dma_wait3A_616] : memref<16x162x128xi32, #tpu.memory_space<hbm>> -> memref<1x81x128xi32, #tpu.memory_space<hbm>>
      %dma_wait3A_618 = tpu.memref_squeeze %dma_wait3A_617 : memref<1x81x128xi32, #tpu.memory_space<hbm>> -> memref<81x128xi32, #tpu.memory_space<hbm>>
      tpu.wait_dma2 semaphore(%run_scoped3A : memref<!tpu.dma_semaphore, #tpu.memory_space<semaphore_mem>>) src(%dma_wait3A_618 : memref<81x128xi32, #tpu.memory_space<hbm>>) dst(%arg15 : memref<81x128xi32, #tpu.memory_space<vmem>>)
      tpu.yield
    }) : () -> ()
    "tpu.region"() ({
      %run_scoped3A = tpu.sem_alloc : memref<!tpu.dma_semaphore, #tpu.memory_space<semaphore_mem>>
      %dma_start3A = arith.constant 0 : i32
      %dma_start3A_604 = arith.constant 0 : i32
      %dma_start3A_605 = tpu.memref_slice %arg8[%arg1, %dma_start3A, %dma_start3A_604] : memref<16x162x128xi32, #tpu.memory_space<hbm>> -> memref<1x81x128xi32, #tpu.memory_space<hbm>>
      %dma_start3A_606 = tpu.memref_squeeze %dma_start3A_605 : memref<1x81x128xi32, #tpu.memory_space<hbm>> -> memref<81x128xi32, #tpu.memory_space<hbm>>
      %dma_start3A_607 = arith.constant 0 : i32
      %dma_start3A_608 = arith.constant 0 : i32
      %dma_start3A_609 = tpu.memref_slice %arg8[%arg1, %dma_start3A_607, %dma_start3A_608] : memref<16x162x128xi32, #tpu.memory_space<hbm>> -> memref<1x81x128xi32, #tpu.memory_space<hbm>>
      %dma_start3A_610 = tpu.memref_squeeze %dma_start3A_609 : memref<1x81x128xi32, #tpu.memory_space<hbm>> -> memref<81x128xi32, #tpu.memory_space<hbm>>
      tpu.enqueue_dma source(%dma_start3A_610 : memref<81x128xi32, #tpu.memory_space<hbm>>) target(%arg16 : memref<81x128xi32, #tpu.memory_space<vmem>>) target_semaphore(%run_scoped3A : memref<!tpu.dma_semaphore, #tpu.memory_space<semaphore_mem>>)
      %dma_wait3A_611 = arith.constant 0 : i32
      %dma_wait3A_612 = arith.constant 0 : i32
      %dma_wait3A_613 = tpu.memref_slice %arg8[%arg1, %dma_wait3A_611, %dma_wait3A_612] : memref<16x162x128xi32, #tpu.memory_space<hbm>> -> memref<1x81x128xi32, #tpu.memory_space<hbm>>
      %dma_wait3A_614 = tpu.memref_squeeze %dma_wait3A_613 : memref<1x81x128xi32, #tpu.memory_space<hbm>> -> memref<81x128xi32, #tpu.memory_space<hbm>>
      %dma_wait3A_615 = arith.constant 0 : i32
      %dma_wait3A_616 = arith.constant 0 : i32
      %dma_wait3A_617 = tpu.memref_slice %arg8[%arg1, %dma_wait3A_615, %dma_wait3A_616] : memref<16x162x128xi32, #tpu.memory_space<hbm>> -> memref<1x81x128xi32, #tpu.memory_space<hbm>>
      %dma_wait3A_618 = tpu.memref_squeeze %dma_wait3A_617 : memref<1x81x128xi32, #tpu.memory_space<hbm>> -> memref<81x128xi32, #tpu.memory_space<hbm>>
      tpu.wait_dma2 semaphore(%run_scoped3A : memref<!tpu.dma_semaphore, #tpu.memory_space<semaphore_mem>>) src(%dma_wait3A_618 : memref<81x128xi32, #tpu.memory_space<hbm>>) dst(%arg16 : memref<81x128xi32, #tpu.memory_space<vmem>>)
      tpu.yield
    }) : () -> ()
    %add3A_44 = arith.constant 0 : i32
    %add3A_45 = arith.addi %mul3A_43, %add3A_44 : i32
    %eq3A = arith.constant 0 : i32
    %eq3A_46 = arith.cmpi eq, %arg0, %eq3A : i32
    %convert_element_type3A = arith.extui %eq3A_46 : i1 to i32
    %cond3A = arith.constant 0 : i32
    %cond3A_47 = arith.cmpi ne, %convert_element_type3A, %cond3A : i32
    scf.if %cond3A_47 {
      %dma_start3A = arith.constant 0 : i32
      %dma_start3A_604 = arith.constant 0 : i32
      %dma_start3A_605 = arith.constant 0 : i32
      %dma_start3A_606 = tpu.memref_slice %arg18[%dma_start3A_604, %dma_start3A_605] : memref<512x64xbf16, #tpu.memory_space<vmem>> -> memref<128x64xbf16, #tpu.memory_space<vmem>>
      %dma_start3A_607 = arith.constant 0 : i32
      %dma_start3A_608 = tpu.memref_slice %arg15[%dma_start3A, %dma_start3A_607] : memref<81x128xi32, #tpu.memory_space<vmem>> -> memref<1x128xi32, #tpu.memory_space<vmem>>
      %dma_start3A_609 = tpu.memref_squeeze %dma_start3A_608 : memref<1x128xi32, #tpu.memory_space<vmem>> -> memref<128xi32, #tpu.memory_space<vmem>>
      %dma_start3A_610 = arith.constant 0 : i32
      %dma_start3A_611 = arith.constant 0 : i32
      %dma_start3A_612 = tpu.memref_slice %arg2[%dma_start3A_610, %dma_start3A_611] : memref<10000x64xbf16, #tpu.memory_space<hbm>> -> memref<10000x64xbf16, #tpu.memory_space<hbm>>
      tpu.enqueue_indirect_dma source(%dma_start3A_612 : memref<10000x64xbf16, #tpu.memory_space<hbm>>) target(%dma_start3A_606 : memref<128x64xbf16, #tpu.memory_space<vmem>>) offsets(%dma_start3A_609 : memref<128xi32, #tpu.memory_space<vmem>>) semaphore(%arg23 : memref<!tpu.dma_semaphore, #tpu.memory_space<semaphore_mem>>)
    } else {
    }
    %eq3A_48 = arith.constant 1 : i32
    %eq3A_49 = arith.cmpi eq, %arg0, %eq3A_48 : i32
    %convert_element_type3A_50 = arith.extui %eq3A_49 : i1 to i32
    %cond3A_51 = arith.constant 0 : i32
    %cond3A_52 = arith.cmpi ne, %convert_element_type3A_50, %cond3A_51 : i32
    scf.if %cond3A_52 {
      %dma_start3A = arith.constant 0 : i32
      %dma_start3A_604 = arith.constant 0 : i32
      %dma_start3A_605 = arith.constant 0 : i32
      %dma_start3A_606 = tpu.memref_slice %arg18[%dma_start3A_604, %dma_start3A_605] : memref<512x64xbf16, #tpu.memory_space<vmem>> -> memref<128x64xbf16, #tpu.memory_space<vmem>>
      %dma_start3A_607 = arith.constant 0 : i32
      %dma_start3A_608 = tpu.memref_slice %arg15[%dma_start3A, %dma_start3A_607] : memref<81x128xi32, #tpu.memory_space<vmem>> -> memref<1x128xi32, #tpu.memory_space<vmem>>
      %dma_start3A_609 = tpu.memref_squeeze %dma_start3A_608 : memref<1x128xi32, #tpu.memory_space<vmem>> -> memref<128xi32, #tpu.memory_space<vmem>>
      %dma_start3A_610 = arith.constant 0 : i32
      %dma_start3A_611 = arith.constant 0 : i32
      %dma_start3A_612 = tpu.memref_slice %arg3[%dma_start3A_610, %dma_start3A_611] : memref<10000x64xbf16, #tpu.memory_space<hbm>> -> memref<10000x64xbf16, #tpu.memory_space<hbm>>
      tpu.enqueue_indirect_dma source(%dma_start3A_612 : memref<10000x64xbf16, #tpu.memory_space<hbm>>) target(%dma_start3A_606 : memref<128x64xbf16, #tpu.memory_space<vmem>>) offsets(%dma_start3A_609 : memref<128xi32, #tpu.memory_space<vmem>>) semaphore(%arg23 : memref<!tpu.dma_semaphore, #tpu.memory_space<semaphore_mem>>)
    } else {
    }
    %eq3A_53 = arith.constant 0 : i32
    %eq3A_54 = arith.cmpi eq, %arg0, %eq3A_53 : i32
    %convert_element_type3A_55 = arith.extui %eq3A_54 : i1 to i32
    %cond3A_56 = arith.constant 0 : i32
    %cond3A_57 = arith.cmpi ne, %convert_element_type3A_55, %cond3A_56 : i32
    scf.if %cond3A_57 {
      %dma_start3A = arith.constant 1 : i32
      %dma_start3A_604 = arith.constant 128 : i32
      %dma_start3A_605 = arith.constant 0 : i32
      %dma_start3A_606 = tpu.memref_slice %arg18[%dma_start3A_604, %dma_start3A_605] : memref<512x64xbf16, #tpu.memory_space<vmem>> -> memref<128x64xbf16, #tpu.memory_space<vmem>>
      %dma_start3A_607 = arith.constant 0 : i32
      %dma_start3A_608 = tpu.memref_slice %arg15[%dma_start3A, %dma_start3A_607] : memref<81x128xi32, #tpu.memory_space<vmem>> -> memref<1x128xi32, #tpu.memory_space<vmem>>
      %dma_start3A_609 = tpu.memref_squeeze %dma_start3A_608 : memref<1x128xi32, #tpu.memory_space<vmem>> -> memref<128xi32, #tpu.memory_space<vmem>>
      %dma_start3A_610 = arith.constant 0 : i32
      %dma_start3A_611 = arith.constant 0 : i32
      %dma_start3A_612 = tpu.memref_slice %arg2[%dma_start3A_610, %dma_start3A_611] : memref<10000x64xbf16, #tpu.memory_space<hbm>> -> memref<10000x64xbf16, #tpu.memory_space<hbm>>
      tpu.enqueue_indirect_dma source(%dma_start3A_612 : memref<10000x64xbf16, #tpu.memory_space<hbm>>) target(%dma_start3A_606 : memref<128x64xbf16, #tpu.memory_space<vmem>>) offsets(%dma_start3A_609 : memref<128xi32, #tpu.memory_space<vmem>>) semaphore(%arg23 : memref<!tpu.dma_semaphore, #tpu.memory_space<semaphore_mem>>)
    } else {
    }
    %eq3A_58 = arith.constant 1 : i32
    %eq3A_59 = arith.cmpi eq, %arg0, %eq3A_58 : i32
    %convert_element_type3A_60 = arith.extui %eq3A_59 : i1 to i32
    %cond3A_61 = arith.constant 0 : i32
    %cond3A_62 = arith.cmpi ne, %convert_element_type3A_60, %cond3A_61 : i32
    scf.if %cond3A_62 {
      %dma_start3A = arith.constant 1 : i32
      %dma_start3A_604 = arith.constant 128 : i32
      %dma_start3A_605 = arith.constant 0 : i32
      %dma_start3A_606 = tpu.memref_slice %arg18[%dma_start3A_604, %dma_start3A_605] : memref<512x64xbf16, #tpu.memory_space<vmem>> -> memref<128x64xbf16, #tpu.memory_space<vmem>>
      %dma_start3A_607 = arith.constant 0 : i32
      %dma_start3A_608 = tpu.memref_slice %arg15[%dma_start3A, %dma_start3A_607] : memref<81x128xi32, #tpu.memory_space<vmem>> -> memref<1x128xi32, #tpu.memory_space<vmem>>
      %dma_start3A_609 = tpu.memref_squeeze %dma_start3A_608 : memref<1x128xi32, #tpu.memory_space<vmem>> -> memref<128xi32, #tpu.memory_space<vmem>>
      %dma_start3A_610 = arith.constant 0 : i32
      %dma_start3A_611 = arith.constant 0 : i32
      %dma_start3A_612 = tpu.memref_slice %arg3[%dma_start3A_610, %dma_start3A_611] : memref<10000x64xbf16, #tpu.memory_space<hbm>> -> memref<10000x64xbf16, #tpu.memory_space<hbm>>
      tpu.enqueue_indirect_dma source(%dma_start3A_612 : memref<10000x64xbf16, #tpu.memory_space<hbm>>) target(%dma_start3A_606 : memref<128x64xbf16, #tpu.memory_space<vmem>>) offsets(%dma_start3A_609 : memref<128xi32, #tpu.memory_space<vmem>>) semaphore(%arg23 : memref<!tpu.dma_semaphore, #tpu.memory_space<semaphore_mem>>)
    } else {
    }
    %scan3A_63 = arith.constant 0 : i32
    %scan3A_64 = arith.constant 0 : i32
    %scan3A_65 = arith.constant 81 : i32
    %scan3A_66 = arith.addi %scan3A_64, %scan3A_65 : i32
    %scan3A_67 = arith.constant 1 : i32
    scf.for %scan3A_604 = %scan3A_64 to %scan3A_66 step %scan3A_67  : i32 {
      %rem3A = arith.constant 4 : i32
      %rem3A_605 = arith.remsi %scan3A_604, %rem3A : i32
      %add3A_606 = arith.constant 2 : i32
      %add3A_607 = arith.addi %scan3A_604, %add3A_606 : i32
      %rem3A_608 = arith.constant 4 : i32
      %rem3A_609 = arith.remsi %add3A_607, %rem3A_608 : i32
      %mul3A_610 = arith.constant 128 : i32
      %mul3A_611 = arith.muli %rem3A_605, %mul3A_610 : i32
      %ge3A = arith.constant 2 : i32
      %ge3A_612 = arith.cmpi sge, %scan3A_604, %ge3A : i32
      %convert_element_type3A_613 = arith.extui %ge3A_612 : i1 to i32
      %cond3A_614 = arith.constant 0 : i32
      %cond3A_615 = arith.cmpi ne, %convert_element_type3A_613, %cond3A_614 : i32
      scf.if %cond3A_615 {
        %dma_wait3A_931 = arith.constant 0 : i32
        %dma_wait3A_932 = arith.constant 0 : i32
        %dma_wait3A_933 = arith.constant 0 : i32
        %dma_wait3A_934 = tpu.memref_slice %arg19[%dma_wait3A_932, %dma_wait3A_933] : memref<256x64xf32, #tpu.memory_space<vmem>> -> memref<128x64xf32, #tpu.memory_space<vmem>>
        %dma_wait3A_935 = arith.constant 0 : i32
        %dma_wait3A_936 = tpu.memref_slice %arg16[%dma_wait3A_931, %dma_wait3A_935] : memref<81x128xi32, #tpu.memory_space<vmem>> -> memref<1x128xi32, #tpu.memory_space<vmem>>
        %dma_wait3A_937 = tpu.memref_squeeze %dma_wait3A_936 : memref<1x128xi32, #tpu.memory_space<vmem>> -> memref<128xi32, #tpu.memory_space<vmem>>
        %dma_wait3A_938 = arith.constant 0 : i32
        %dma_wait3A_939 = arith.constant 0 : i32
        %dma_wait3A_940 = tpu.memref_slice %arg21[%dma_wait3A_938, %dma_wait3A_939] : memref<10240x64xf32, #tpu.memory_space<vmem_shared>> -> memref<10240x64xf32, #tpu.memory_space<vmem_shared>>
        tpu.wait_indirect_dma semaphore(%arg24 : memref<!tpu.dma_semaphore, #tpu.memory_space<semaphore_mem>>) src(%dma_wait3A_934 : memref<128x64xf32, #tpu.memory_space<vmem>>) dst(%dma_wait3A_940 : memref<10240x64xf32, #tpu.memory_space<vmem_shared>>)
        %mul3A_941 = arith.constant 128 : i32
        %mul3A_942 = arith.muli %rem3A_609, %mul3A_941 : i32
        %dma_wait3A_943 = arith.constant 0 : i32
        %dma_wait3A_944 = tpu.memref_slice %arg17[%mul3A_942] : memref<512xf32, #tpu.memory_space<vmem>> -> memref<128xf32, #tpu.memory_space<vmem>>
        %dma_wait3A_945 = arith.constant 0 : i32
        %dma_wait3A_946 = tpu.memref_slice %arg16[%dma_wait3A_943, %dma_wait3A_945] : memref<81x128xi32, #tpu.memory_space<vmem>> -> memref<1x128xi32, #tpu.memory_space<vmem>>
        %dma_wait3A_947 = tpu.memref_squeeze %dma_wait3A_946 : memref<1x128xi32, #tpu.memory_space<vmem>> -> memref<128xi32, #tpu.memory_space<vmem>>
        %dma_wait3A_948 = arith.constant 0 : i32
        %dma_wait3A_949 = tpu.memref_slice %arg22[%dma_wait3A_948] : memref<10240xf32, #tpu.memory_space<vmem_shared>> -> memref<10240xf32, #tpu.memory_space<vmem_shared>>
        tpu.wait_indirect_dma semaphore(%arg25 : memref<!tpu.dma_semaphore, #tpu.memory_space<semaphore_mem>>) src(%dma_wait3A_944 : memref<128xf32, #tpu.memory_space<vmem>>) dst(%dma_wait3A_949 : memref<10240xf32, #tpu.memory_space<vmem_shared>>)
      } else {
      }
      %add3A_616 = arith.constant 2 : i32
      %add3A_617 = arith.addi %scan3A_604, %add3A_616 : i32
      %lt3A = arith.constant 81 : i32
      %lt3A_618 = arith.cmpi slt, %add3A_617, %lt3A : i32
      %convert_element_type3A_619 = arith.extui %lt3A_618 : i1 to i32
      %cond3A_620 = arith.constant 0 : i32
      %cond3A_621 = arith.cmpi ne, %convert_element_type3A_619, %cond3A_620 : i32
      scf.if %cond3A_621 {
        %add3A_931 = arith.constant 2 : i32
        %add3A_932 = arith.addi %scan3A_604, %add3A_931 : i32
        %eq3A_933 = arith.constant 0 : i32
        %eq3A_934 = arith.cmpi eq, %arg0, %eq3A_933 : i32
        %convert_element_type3A_935 = arith.extui %eq3A_934 : i1 to i32
        %cond3A_936 = arith.constant 0 : i32
        %cond3A_937 = arith.cmpi ne, %convert_element_type3A_935, %cond3A_936 : i32
        scf.if %cond3A_937 {
          %mul3A_943 = arith.constant 128 : i32
          %mul3A_944 = arith.muli %rem3A_609, %mul3A_943 : i32
          %dma_start3A_945 = arith.constant 0 : i32
          %dma_start3A_946 = tpu.memref_slice %arg18[%mul3A_944, %dma_start3A_945] : memref<512x64xbf16, #tpu.memory_space<vmem>> -> memref<128x64xbf16, #tpu.memory_space<vmem>>
          %dma_start3A_947 = arith.constant 0 : i32
          %dma_start3A_948 = tpu.memref_slice %arg15[%add3A_932, %dma_start3A_947] : memref<81x128xi32, #tpu.memory_space<vmem>> -> memref<1x128xi32, #tpu.memory_space<vmem>>
          %dma_start3A_949 = tpu.memref_squeeze %dma_start3A_948 : memref<1x128xi32, #tpu.memory_space<vmem>> -> memref<128xi32, #tpu.memory_space<vmem>>
          %dma_start3A_950 = arith.constant 0 : i32
          %dma_start3A_951 = arith.constant 0 : i32
          %dma_start3A_952 = tpu.memref_slice %arg2[%dma_start3A_950, %dma_start3A_951] : memref<10000x64xbf16, #tpu.memory_space<hbm>> -> memref<10000x64xbf16, #tpu.memory_space<hbm>>
          tpu.enqueue_indirect_dma source(%dma_start3A_952 : memref<10000x64xbf16, #tpu.memory_space<hbm>>) target(%dma_start3A_946 : memref<128x64xbf16, #tpu.memory_space<vmem>>) offsets(%dma_start3A_949 : memref<128xi32, #tpu.memory_space<vmem>>) semaphore(%arg23 : memref<!tpu.dma_semaphore, #tpu.memory_space<semaphore_mem>>)
        } else {
        }
        %eq3A_938 = arith.constant 1 : i32
        %eq3A_939 = arith.cmpi eq, %arg0, %eq3A_938 : i32
        %convert_element_type3A_940 = arith.extui %eq3A_939 : i1 to i32
        %cond3A_941 = arith.constant 0 : i32
        %cond3A_942 = arith.cmpi ne, %convert_element_type3A_940, %cond3A_941 : i32
        scf.if %cond3A_942 {
          %mul3A_943 = arith.constant 128 : i32
          %mul3A_944 = arith.muli %rem3A_609, %mul3A_943 : i32
          %dma_start3A_945 = arith.constant 0 : i32
          %dma_start3A_946 = tpu.memref_slice %arg18[%mul3A_944, %dma_start3A_945] : memref<512x64xbf16, #tpu.memory_space<vmem>> -> memref<128x64xbf16, #tpu.memory_space<vmem>>
          %dma_start3A_947 = arith.constant 0 : i32
          %dma_start3A_948 = tpu.memref_slice %arg15[%add3A_932, %dma_start3A_947] : memref<81x128xi32, #tpu.memory_space<vmem>> -> memref<1x128xi32, #tpu.memory_space<vmem>>
          %dma_start3A_949 = tpu.memref_squeeze %dma_start3A_948 : memref<1x128xi32, #tpu.memory_space<vmem>> -> memref<128xi32, #tpu.memory_space<vmem>>
          %dma_start3A_950 = arith.constant 0 : i32
          %dma_start3A_951 = arith.constant 0 : i32
          %dma_start3A_952 = tpu.memref_slice %arg3[%dma_start3A_950, %dma_start3A_951] : memref<10000x64xbf16, #tpu.memory_space<hbm>> -> memref<10000x64xbf16, #tpu.memory_space<hbm>>
          tpu.enqueue_indirect_dma source(%dma_start3A_952 : memref<10000x64xbf16, #tpu.memory_space<hbm>>) target(%dma_start3A_946 : memref<128x64xbf16, #tpu.memory_space<vmem>>) offsets(%dma_start3A_949 : memref<128xi32, #tpu.memory_space<vmem>>) semaphore(%arg23 : memref<!tpu.dma_semaphore, #tpu.memory_space<semaphore_mem>>)
        } else {
        }
      } else {
      }
      %get3A_622 = arith.index_cast %scan3A_604 : i32 to index
      %get3A_623 = arith.constant 0 : index
      %get3A_624 = tpu.vector_load %arg15[%get3A_622, %get3A_623] {strides = array<i32>} : memref<81x128xi32, #tpu.memory_space<vmem>>, vector<16xi32>,
      %get3A_625 = arith.index_cast %scan3A_604 : i32 to index
      %get3A_626 = arith.constant 0 : index
      %get3A_627 = tpu.vector_load %arg16[%get3A_625, %get3A_626] {strides = array<i32>} : memref<81x128xi32, #tpu.memory_space<vmem>>, vector<16xi32>,
      %gather3A = tpu.vector_load_idx %arg11[%get3A_624] : memref<10000xf32, #tpu.memory_space<vmem>>[vector<16xi32>], vector<16xf32>,
      %gather3A_628 = tpu.vector_load_idx %arg12[%get3A_627] : memref<10000xf32, #tpu.memory_space<vmem>>[vector<16xi32>], vector<16xf32>,
      %add3A_629 = arith.addf %gather3A, %gather3A_628 : vector<16xf32>
      %gt3A = arith.constant 0.000000e+00 : f32
      %gt3A_630 = vector.broadcast %gt3A : f32 to vector<16xf32>
      %gt3A_631 = arith.cmpf ogt, %add3A_629, %gt3A_630 : vector<16xf32>
      %mul3A_632 = arith.constant 2.000000e-01 : f32
      %mul3A_633 = vector.broadcast %mul3A_632 : f32 to vector<16xf32>
      %mul3A_634 = arith.mulf %mul3A_633, %add3A_629 : vector<16xf32>
      %select_n3A = arith.select %gt3A_631, %add3A_629, %mul3A_634 : vector<16xi1>, vector<16xf32>
      %sub3A = arith.subf %select_n3A, %get3A_41 : vector<16xf32>
      %exp3A = math.exp %sub3A : vector<16xf32>
      %mul3A_635 = arith.constant 128 : i32
      %mul3A_636 = arith.muli %scan3A_604, %mul3A_635 : i32
      %add3A_637 = arith.addi %add3A_45, %mul3A_636 : i32
      %add3A_638 = arith.constant 0 : i32
      %add3A_639 = arith.addi %add3A_637, %add3A_638 : i32
      %add3A_640 = vector.broadcast %add3A_639 : i32 to vector<16xi32>
      %add3A_641 = arith.addi %add3A_640, %iota3A : vector<16xi32>
      %lt3A_642 = arith.constant 330000 : i32
      %lt3A_643 = vector.broadcast %lt3A_642 : i32 to vector<16xi32>
      %lt3A_644 = arith.cmpi slt, %add3A_641, %lt3A_643 : vector<16xi32>
      %jit3A = arith.constant 0.000000e+00 : f32
      %broadcast_in_dim3A_645 = vector.broadcast %jit3A : f32 to vector<16xf32>
      %select_n3A_646 = arith.select %lt3A_644, %exp3A, %broadcast_in_dim3A_645 : vector<16xi1>, vector<16xf32>
      %add3A_647 = arith.constant 0 : i32
      %add3A_648 = arith.addi %mul3A_611, %add3A_647 : i32
      %swap3A_649 = arith.index_cast %add3A_648 : i32 to index
      %swap3A_650 = tpu.vector_load %arg17[%swap3A_649] {strides = array<i32>} : memref<512xf32, #tpu.memory_space<vmem>>, vector<16xf32>,
      tpu.vector_store %arg17[%swap3A_649], %select_n3A_646 {strides = array<i32>} : memref<512xf32, #tpu.memory_space<vmem>>, vector<16xf32>,
      %get3A_651 = arith.index_cast %scan3A_604 : i32 to index
      %get3A_652 = arith.constant 16 : index
      %get3A_653 = tpu.vector_load %arg15[%get3A_651, %get3A_652] {strides = array<i32>} : memref<81x128xi32, #tpu.memory_space<vmem>>, vector<16xi32>,
      %get3A_654 = arith.index_cast %scan3A_604 : i32 to index
      %get3A_655 = arith.constant 16 : index
      %get3A_656 = tpu.vector_load %arg16[%get3A_654, %get3A_655] {strides = array<i32>} : memref<81x128xi32, #tpu.memory_space<vmem>>, vector<16xi32>,
      %gather3A_657 = tpu.vector_load_idx %arg11[%get3A_653] : memref<10000xf32, #tpu.memory_space<vmem>>[vector<16xi32>], vector<16xf32>,
      %gather3A_658 = tpu.vector_load_idx %arg12[%get3A_656] : memref<10000xf32, #tpu.memory_space<vmem>>[vector<16xi32>], vector<16xf32>,
      %add3A_659 = arith.addf %gather3A_657, %gather3A_658 : vector<16xf32>
      %gt3A_660 = arith.constant 0.000000e+00 : f32
      %gt3A_661 = vector.broadcast %gt3A_660 : f32 to vector<16xf32>
      %gt3A_662 = arith.cmpf ogt, %add3A_659, %gt3A_661 : vector<16xf32>
      %mul3A_663 = arith.constant 2.000000e-01 : f32
      %mul3A_664 = vector.broadcast %mul3A_663 : f32 to vector<16xf32>
      %mul3A_665 = arith.mulf %mul3A_664, %add3A_659 : vector<16xf32>
      %select_n3A_666 = arith.select %gt3A_662, %add3A_659, %mul3A_665 : vector<16xi1>, vector<16xf32>
      %sub3A_667 = arith.subf %select_n3A_666, %get3A_41 : vector<16xf32>
      %exp3A_668 = math.exp %sub3A_667 : vector<16xf32>
      %mul3A_669 = arith.constant 128 : i32
      %mul3A_670 = arith.muli %scan3A_604, %mul3A_669 : i32
      %add3A_671 = arith.addi %add3A_45, %mul3A_670 : i32
      %add3A_672 = arith.constant 16 : i32
      %add3A_673 = arith.addi %add3A_671, %add3A_672 : i32
      %add3A_674 = vector.broadcast %add3A_673 : i32 to vector<16xi32>
      %add3A_675 = arith.addi %add3A_674, %iota3A : vector<16xi32>
      %lt3A_676 = arith.constant 330000 : i32
      %lt3A_677 = vector.broadcast %lt3A_676 : i32 to vector<16xi32>
      %lt3A_678 = arith.cmpi slt, %add3A_675, %lt3A_677 : vector<16xi32>
      %jit3A_679 = arith.constant 0.000000e+00 : f32
      %broadcast_in_dim3A_680 = vector.broadcast %jit3A_679 : f32 to vector<16xf32>
      %select_n3A_681 = arith.select %lt3A_678, %exp3A_668, %broadcast_in_dim3A_680 : vector<16xi1>, vector<16xf32>
      %add3A_682 = arith.constant 16 : i32
      %add3A_683 = arith.addi %mul3A_611, %add3A_682 : i32
      %swap3A_684 = arith.index_cast %add3A_683 : i32 to index
      %swap3A_685 = tpu.vector_load %arg17[%swap3A_684] {strides = array<i32>} : memref<512xf32, #tpu.memory_space<vmem>>, vector<16xf32>,
      tpu.vector_store %arg17[%swap3A_684], %select_n3A_681 {strides = array<i32>} : memref<512xf32, #tpu.memory_space<vmem>>, vector<16xf32>,
      %get3A_686 = arith.index_cast %scan3A_604 : i32 to index
      %get3A_687 = arith.constant 32 : index
      %get3A_688 = tpu.vector_load %arg15[%get3A_686, %get3A_687] {strides = array<i32>} : memref<81x128xi32, #tpu.memory_space<vmem>>, vector<16xi32>,
      %get3A_689 = arith.index_cast %scan3A_604 : i32 to index
      %get3A_690 = arith.constant 32 : index
      %get3A_691 = tpu.vector_load %arg16[%get3A_689, %get3A_690] {strides = array<i32>} : memref<81x128xi32, #tpu.memory_space<vmem>>, vector<16xi32>,
      %gather3A_692 = tpu.vector_load_idx %arg11[%get3A_688] : memref<10000xf32, #tpu.memory_space<vmem>>[vector<16xi32>], vector<16xf32>,
      %gather3A_693 = tpu.vector_load_idx %arg12[%get3A_691] : memref<10000xf32, #tpu.memory_space<vmem>>[vector<16xi32>], vector<16xf32>,
      %add3A_694 = arith.addf %gather3A_692, %gather3A_693 : vector<16xf32>
      %gt3A_695 = arith.constant 0.000000e+00 : f32
      %gt3A_696 = vector.broadcast %gt3A_695 : f32 to vector<16xf32>
      %gt3A_697 = arith.cmpf ogt, %add3A_694, %gt3A_696 : vector<16xf32>
      %mul3A_698 = arith.constant 2.000000e-01 : f32
      %mul3A_699 = vector.broadcast %mul3A_698 : f32 to vector<16xf32>
      %mul3A_700 = arith.mulf %mul3A_699, %add3A_694 : vector<16xf32>
      %select_n3A_701 = arith.select %gt3A_697, %add3A_694, %mul3A_700 : vector<16xi1>, vector<16xf32>
      %sub3A_702 = arith.subf %select_n3A_701, %get3A_41 : vector<16xf32>
      %exp3A_703 = math.exp %sub3A_702 : vector<16xf32>
      %mul3A_704 = arith.constant 128 : i32
      %mul3A_705 = arith.muli %scan3A_604, %mul3A_704 : i32
      %add3A_706 = arith.addi %add3A_45, %mul3A_705 : i32
      %add3A_707 = arith.constant 32 : i32
      %add3A_708 = arith.addi %add3A_706, %add3A_707 : i32
      %add3A_709 = vector.broadcast %add3A_708 : i32 to vector<16xi32>
      %add3A_710 = arith.addi %add3A_709, %iota3A : vector<16xi32>
      %lt3A_711 = arith.constant 330000 : i32
      %lt3A_712 = vector.broadcast %lt3A_711 : i32 to vector<16xi32>
      %lt3A_713 = arith.cmpi slt, %add3A_710, %lt3A_712 : vector<16xi32>
      %jit3A_714 = arith.constant 0.000000e+00 : f32
      %broadcast_in_dim3A_715 = vector.broadcast %jit3A_714 : f32 to vector<16xf32>
      %select_n3A_716 = arith.select %lt3A_713, %exp3A_703, %broadcast_in_dim3A_715 : vector<16xi1>, vector<16xf32>
      %add3A_717 = arith.constant 32 : i32
      %add3A_718 = arith.addi %mul3A_611, %add3A_717 : i32
      %swap3A_719 = arith.index_cast %add3A_718 : i32 to index
      %swap3A_720 = tpu.vector_load %arg17[%swap3A_719] {strides = array<i32>} : memref<512xf32, #tpu.memory_space<vmem>>, vector<16xf32>,
      tpu.vector_store %arg17[%swap3A_719], %select_n3A_716 {strides = array<i32>} : memref<512xf32, #tpu.memory_space<vmem>>, vector<16xf32>,
      %get3A_721 = arith.index_cast %scan3A_604 : i32 to index
      %get3A_722 = arith.constant 48 : index
      %get3A_723 = tpu.vector_load %arg15[%get3A_721, %get3A_722] {strides = array<i32>} : memref<81x128xi32, #tpu.memory_space<vmem>>, vector<16xi32>,
      %get3A_724 = arith.index_cast %scan3A_604 : i32 to index
      %get3A_725 = arith.constant 48 : index
      %get3A_726 = tpu.vector_load %arg16[%get3A_724, %get3A_725] {strides = array<i32>} : memref<81x128xi32, #tpu.memory_space<vmem>>, vector<16xi32>,
      %gather3A_727 = tpu.vector_load_idx %arg11[%get3A_723] : memref<10000xf32, #tpu.memory_space<vmem>>[vector<16xi32>], vector<16xf32>,
      %gather3A_728 = tpu.vector_load_idx %arg12[%get3A_726] : memref<10000xf32, #tpu.memory_space<vmem>>[vector<16xi32>], vector<16xf32>,
      %add3A_729 = arith.addf %gather3A_727, %gather3A_728 : vector<16xf32>
      %gt3A_730 = arith.constant 0.000000e+00 : f32
      %gt3A_731 = vector.broadcast %gt3A_730 : f32 to vector<16xf32>
      %gt3A_732 = arith.cmpf ogt, %add3A_729, %gt3A_731 : vector<16xf32>
      %mul3A_733 = arith.constant 2.000000e-01 : f32
      %mul3A_734 = vector.broadcast %mul3A_733 : f32 to vector<16xf32>
      %mul3A_735 = arith.mulf %mul3A_734, %add3A_729 : vector<16xf32>
      %select_n3A_736 = arith.select %gt3A_732, %add3A_729, %mul3A_735 : vector<16xi1>, vector<16xf32>
      %sub3A_737 = arith.subf %select_n3A_736, %get3A_41 : vector<16xf32>
      %exp3A_738 = math.exp %sub3A_737 : vector<16xf32>
      %mul3A_739 = arith.constant 128 : i32
      %mul3A_740 = arith.muli %scan3A_604, %mul3A_739 : i32
      %add3A_741 = arith.addi %add3A_45, %mul3A_740 : i32
      %add3A_742 = arith.constant 48 : i32
      %add3A_743 = arith.addi %add3A_741, %add3A_742 : i32
      %add3A_744 = vector.broadcast %add3A_743 : i32 to vector<16xi32>
      %add3A_745 = arith.addi %add3A_744, %iota3A : vector<16xi32>
      %lt3A_746 = arith.constant 330000 : i32
      %lt3A_747 = vector.broadcast %lt3A_746 : i32 to vector<16xi32>
      %lt3A_748 = arith.cmpi slt, %add3A_745, %lt3A_747 : vector<16xi32>
      %jit3A_749 = arith.constant 0.000000e+00 : f32
      %broadcast_in_dim3A_750 = vector.broadcast %jit3A_749 : f32 to vector<16xf32>
      %select_n3A_751 = arith.select %lt3A_748, %exp3A_738, %broadcast_in_dim3A_750 : vector<16xi1>, vector<16xf32>
      %add3A_752 = arith.constant 48 : i32
      %add3A_753 = arith.addi %mul3A_611, %add3A_752 : i32
      %swap3A_754 = arith.index_cast %add3A_753 : i32 to index
      %swap3A_755 = tpu.vector_load %arg17[%swap3A_754] {strides = array<i32>} : memref<512xf32, #tpu.memory_space<vmem>>, vector<16xf32>,
      tpu.vector_store %arg17[%swap3A_754], %select_n3A_751 {strides = array<i32>} : memref<512xf32, #tpu.memory_space<vmem>>, vector<16xf32>,
      %get3A_756 = arith.index_cast %scan3A_604 : i32 to index
      %get3A_757 = arith.constant 64 : index
      %get3A_758 = tpu.vector_load %arg15[%get3A_756, %get3A_757] {strides = array<i32>} : memref<81x128xi32, #tpu.memory_space<vmem>>, vector<16xi32>,
      %get3A_759 = arith.index_cast %scan3A_604 : i32 to index
      %get3A_760 = arith.constant 64 : index
      %get3A_761 = tpu.vector_load %arg16[%get3A_759, %get3A_760] {strides = array<i32>} : memref<81x128xi32, #tpu.memory_space<vmem>>, vector<16xi32>,
      %gather3A_762 = tpu.vector_load_idx %arg11[%get3A_758] : memref<10000xf32, #tpu.memory_space<vmem>>[vector<16xi32>], vector<16xf32>,
      %gather3A_763 = tpu.vector_load_idx %arg12[%get3A_761] : memref<10000xf32, #tpu.memory_space<vmem>>[vector<16xi32>], vector<16xf32>,
      %add3A_764 = arith.addf %gather3A_762, %gather3A_763 : vector<16xf32>
      %gt3A_765 = arith.constant 0.000000e+00 : f32
      %gt3A_766 = vector.broadcast %gt3A_765 : f32 to vector<16xf32>
      %gt3A_767 = arith.cmpf ogt, %add3A_764, %gt3A_766 : vector<16xf32>
      %mul3A_768 = arith.constant 2.000000e-01 : f32
      %mul3A_769 = vector.broadcast %mul3A_768 : f32 to vector<16xf32>
      %mul3A_770 = arith.mulf %mul3A_769, %add3A_764 : vector<16xf32>
      %select_n3A_771 = arith.select %gt3A_767, %add3A_764, %mul3A_770 : vector<16xi1>, vector<16xf32>
      %sub3A_772 = arith.subf %select_n3A_771, %get3A_41 : vector<16xf32>
      %exp3A_773 = math.exp %sub3A_772 : vector<16xf32>
      %mul3A_774 = arith.constant 128 : i32
      %mul3A_775 = arith.muli %scan3A_604, %mul3A_774 : i32
      %add3A_776 = arith.addi %add3A_45, %mul3A_775 : i32
      %add3A_777 = arith.constant 64 : i32
      %add3A_778 = arith.addi %add3A_776, %add3A_777 : i32
      %add3A_779 = vector.broadcast %add3A_778 : i32 to vector<16xi32>
      %add3A_780 = arith.addi %add3A_779, %iota3A : vector<16xi32>
      %lt3A_781 = arith.constant 330000 : i32
      %lt3A_782 = vector.broadcast %lt3A_781 : i32 to vector<16xi32>
      %lt3A_783 = arith.cmpi slt, %add3A_780, %lt3A_782 : vector<16xi32>
      %jit3A_784 = arith.constant 0.000000e+00 : f32
      %broadcast_in_dim3A_785 = vector.broadcast %jit3A_784 : f32 to vector<16xf32>
      %select_n3A_786 = arith.select %lt3A_783, %exp3A_773, %broadcast_in_dim3A_785 : vector<16xi1>, vector<16xf32>
      %add3A_787 = arith.constant 64 : i32
      %add3A_788 = arith.addi %mul3A_611, %add3A_787 : i32
      %swap3A_789 = arith.index_cast %add3A_788 : i32 to index
      %swap3A_790 = tpu.vector_load %arg17[%swap3A_789] {strides = array<i32>} : memref<512xf32, #tpu.memory_space<vmem>>, vector<16xf32>,
      tpu.vector_store %arg17[%swap3A_789], %select_n3A_786 {strides = array<i32>} : memref<512xf32, #tpu.memory_space<vmem>>, vector<16xf32>,
      %get3A_791 = arith.index_cast %scan3A_604 : i32 to index
      %get3A_792 = arith.constant 80 : index
      %get3A_793 = tpu.vector_load %arg15[%get3A_791, %get3A_792] {strides = array<i32>} : memref<81x128xi32, #tpu.memory_space<vmem>>, vector<16xi32>,
      %get3A_794 = arith.index_cast %scan3A_604 : i32 to index
      %get3A_795 = arith.constant 80 : index
      %get3A_796 = tpu.vector_load %arg16[%get3A_794, %get3A_795] {strides = array<i32>} : memref<81x128xi32, #tpu.memory_space<vmem>>, vector<16xi32>,
      %gather3A_797 = tpu.vector_load_idx %arg11[%get3A_793] : memref<10000xf32, #tpu.memory_space<vmem>>[vector<16xi32>], vector<16xf32>,
      %gather3A_798 = tpu.vector_load_idx %arg12[%get3A_796] : memref<10000xf32, #tpu.memory_space<vmem>>[vector<16xi32>], vector<16xf32>,
      %add3A_799 = arith.addf %gather3A_797, %gather3A_798 : vector<16xf32>
      %gt3A_800 = arith.constant 0.000000e+00 : f32
      %gt3A_801 = vector.broadcast %gt3A_800 : f32 to vector<16xf32>
      %gt3A_802 = arith.cmpf ogt, %add3A_799, %gt3A_801 : vector<16xf32>
      %mul3A_803 = arith.constant 2.000000e-01 : f32
      %mul3A_804 = vector.broadcast %mul3A_803 : f32 to vector<16xf32>
      %mul3A_805 = arith.mulf %mul3A_804, %add3A_799 : vector<16xf32>
      %select_n3A_806 = arith.select %gt3A_802, %add3A_799, %mul3A_805 : vector<16xi1>, vector<16xf32>
      %sub3A_807 = arith.subf %select_n3A_806, %get3A_41 : vector<16xf32>
      %exp3A_808 = math.exp %sub3A_807 : vector<16xf32>
      %mul3A_809 = arith.constant 128 : i32
      %mul3A_810 = arith.muli %scan3A_604, %mul3A_809 : i32
      %add3A_811 = arith.addi %add3A_45, %mul3A_810 : i32
      %add3A_812 = arith.constant 80 : i32
      %add3A_813 = arith.addi %add3A_811, %add3A_812 : i32
      %add3A_814 = vector.broadcast %add3A_813 : i32 to vector<16xi32>
      %add3A_815 = arith.addi %add3A_814, %iota3A : vector<16xi32>
      %lt3A_816 = arith.constant 330000 : i32
      %lt3A_817 = vector.broadcast %lt3A_816 : i32 to vector<16xi32>
      %lt3A_818 = arith.cmpi slt, %add3A_815, %lt3A_817 : vector<16xi32>
      %jit3A_819 = arith.constant 0.000000e+00 : f32
      %broadcast_in_dim3A_820 = vector.broadcast %jit3A_819 : f32 to vector<16xf32>
      %select_n3A_821 = arith.select %lt3A_818, %exp3A_808, %broadcast_in_dim3A_820 : vector<16xi1>, vector<16xf32>
      %add3A_822 = arith.constant 80 : i32
      %add3A_823 = arith.addi %mul3A_611, %add3A_822 : i32
      %swap3A_824 = arith.index_cast %add3A_823 : i32 to index
      %swap3A_825 = tpu.vector_load %arg17[%swap3A_824] {strides = array<i32>} : memref<512xf32, #tpu.memory_space<vmem>>, vector<16xf32>,
      tpu.vector_store %arg17[%swap3A_824], %select_n3A_821 {strides = array<i32>} : memref<512xf32, #tpu.memory_space<vmem>>, vector<16xf32>,
      %get3A_826 = arith.index_cast %scan3A_604 : i32 to index
      %get3A_827 = arith.constant 96 : index
      %get3A_828 = tpu.vector_load %arg15[%get3A_826, %get3A_827] {strides = array<i32>} : memref<81x128xi32, #tpu.memory_space<vmem>>, vector<16xi32>,
      %get3A_829 = arith.index_cast %scan3A_604 : i32 to index
      %get3A_830 = arith.constant 96 : index
      %get3A_831 = tpu.vector_load %arg16[%get3A_829, %get3A_830] {strides = array<i32>} : memref<81x128xi32, #tpu.memory_space<vmem>>, vector<16xi32>,
      %gather3A_832 = tpu.vector_load_idx %arg11[%get3A_828] : memref<10000xf32, #tpu.memory_space<vmem>>[vector<16xi32>], vector<16xf32>,
      %gather3A_833 = tpu.vector_load_idx %arg12[%get3A_831] : memref<10000xf32, #tpu.memory_space<vmem>>[vector<16xi32>], vector<16xf32>,
      %add3A_834 = arith.addf %gather3A_832, %gather3A_833 : vector<16xf32>
      %gt3A_835 = arith.constant 0.000000e+00 : f32
      %gt3A_836 = vector.broadcast %gt3A_835 : f32 to vector<16xf32>
      %gt3A_837 = arith.cmpf ogt, %add3A_834, %gt3A_836 : vector<16xf32>
      %mul3A_838 = arith.constant 2.000000e-01 : f32
      %mul3A_839 = vector.broadcast %mul3A_838 : f32 to vector<16xf32>
      %mul3A_840 = arith.mulf %mul3A_839, %add3A_834 : vector<16xf32>
      %select_n3A_841 = arith.select %gt3A_837, %add3A_834, %mul3A_840 : vector<16xi1>, vector<16xf32>
      %sub3A_842 = arith.subf %select_n3A_841, %get3A_41 : vector<16xf32>
      %exp3A_843 = math.exp %sub3A_842 : vector<16xf32>
      %mul3A_844 = arith.constant 128 : i32
      %mul3A_845 = arith.muli %scan3A_604, %mul3A_844 : i32
      %add3A_846 = arith.addi %add3A_45, %mul3A_845 : i32
      %add3A_847 = arith.constant 96 : i32
      %add3A_848 = arith.addi %add3A_846, %add3A_847 : i32
      %add3A_849 = vector.broadcast %add3A_848 : i32 to vector<16xi32>
      %add3A_850 = arith.addi %add3A_849, %iota3A : vector<16xi32>
      %lt3A_851 = arith.constant 330000 : i32
      %lt3A_852 = vector.broadcast %lt3A_851 : i32 to vector<16xi32>
      %lt3A_853 = arith.cmpi slt, %add3A_850, %lt3A_852 : vector<16xi32>
      %jit3A_854 = arith.constant 0.000000e+00 : f32
      %broadcast_in_dim3A_855 = vector.broadcast %jit3A_854 : f32 to vector<16xf32>
      %select_n3A_856 = arith.select %lt3A_853, %exp3A_843, %broadcast_in_dim3A_855 : vector<16xi1>, vector<16xf32>
      %add3A_857 = arith.constant 96 : i32
      %add3A_858 = arith.addi %mul3A_611, %add3A_857 : i32
      %swap3A_859 = arith.index_cast %add3A_858 : i32 to index
      %swap3A_860 = tpu.vector_load %arg17[%swap3A_859] {strides = array<i32>} : memref<512xf32, #tpu.memory_space<vmem>>, vector<16xf32>,
      tpu.vector_store %arg17[%swap3A_859], %select_n3A_856 {strides = array<i32>} : memref<512xf32, #tpu.memory_space<vmem>>, vector<16xf32>,
      %get3A_861 = arith.index_cast %scan3A_604 : i32 to index
      %get3A_862 = arith.constant 112 : index
      %get3A_863 = tpu.vector_load %arg15[%get3A_861, %get3A_862] {strides = array<i32>} : memref<81x128xi32, #tpu.memory_space<vmem>>, vector<16xi32>,
      %get3A_864 = arith.index_cast %scan3A_604 : i32 to index
      %get3A_865 = arith.constant 112 : index
      %get3A_866 = tpu.vector_load %arg16[%get3A_864, %get3A_865] {strides = array<i32>} : memref<81x128xi32, #tpu.memory_space<vmem>>, vector<16xi32>,
      %gather3A_867 = tpu.vector_load_idx %arg11[%get3A_863] : memref<10000xf32, #tpu.memory_space<vmem>>[vector<16xi32>], vector<16xf32>,
      %gather3A_868 = tpu.vector_load_idx %arg12[%get3A_866] : memref<10000xf32, #tpu.memory_space<vmem>>[vector<16xi32>], vector<16xf32>,
      %add3A_869 = arith.addf %gather3A_867, %gather3A_868 : vector<16xf32>
      %gt3A_870 = arith.constant 0.000000e+00 : f32
      %gt3A_871 = vector.broadcast %gt3A_870 : f32 to vector<16xf32>
      %gt3A_872 = arith.cmpf ogt, %add3A_869, %gt3A_871 : vector<16xf32>
      %mul3A_873 = arith.constant 2.000000e-01 : f32
      %mul3A_874 = vector.broadcast %mul3A_873 : f32 to vector<16xf32>
      %mul3A_875 = arith.mulf %mul3A_874, %add3A_869 : vector<16xf32>
      %select_n3A_876 = arith.select %gt3A_872, %add3A_869, %mul3A_875 : vector<16xi1>, vector<16xf32>
      %sub3A_877 = arith.subf %select_n3A_876, %get3A_41 : vector<16xf32>
      %exp3A_878 = math.exp %sub3A_877 : vector<16xf32>
      %mul3A_879 = arith.constant 128 : i32
      %mul3A_880 = arith.muli %scan3A_604, %mul3A_879 : i32
      %add3A_881 = arith.addi %add3A_45, %mul3A_880 : i32
      %add3A_882 = arith.constant 112 : i32
      %add3A_883 = arith.addi %add3A_881, %add3A_882 : i32
      %add3A_884 = vector.broadcast %add3A_883 : i32 to vector<16xi32>
      %add3A_885 = arith.addi %add3A_884, %iota3A : vector<16xi32>
      %lt3A_886 = arith.constant 330000 : i32
      %lt3A_887 = vector.broadcast %lt3A_886 : i32 to vector<16xi32>
      %lt3A_888 = arith.cmpi slt, %add3A_885, %lt3A_887 : vector<16xi32>
      %jit3A_889 = arith.constant 0.000000e+00 : f32
      %broadcast_in_dim3A_890 = vector.broadcast %jit3A_889 : f32 to vector<16xf32>
      %select_n3A_891 = arith.select %lt3A_888, %exp3A_878, %broadcast_in_dim3A_890 : vector<16xi1>, vector<16xf32>
      %add3A_892 = arith.constant 112 : i32
      %add3A_893 = arith.addi %mul3A_611, %add3A_892 : i32
      %swap3A_894 = arith.index_cast %add3A_893 : i32 to index
      %swap3A_895 = tpu.vector_load %arg17[%swap3A_894] {strides = array<i32>} : memref<512xf32, #tpu.memory_space<vmem>>, vector<16xf32>,
      tpu.vector_store %arg17[%swap3A_894], %select_n3A_891 {strides = array<i32>} : memref<512xf32, #tpu.memory_space<vmem>>, vector<16xf32>,
      %mul3A_896 = arith.constant 128 : i32
      %mul3A_897 = arith.muli %rem3A_605, %mul3A_896 : i32
      %dma_start3A = tpu.memref_slice %arg17[%mul3A_897] : memref<512xf32, #tpu.memory_space<vmem>> -> memref<128xf32, #tpu.memory_space<vmem>>
      %dma_start3A_898 = arith.constant 0 : i32
      %dma_start3A_899 = tpu.memref_slice %arg16[%scan3A_604, %dma_start3A_898] : memref<81x128xi32, #tpu.memory_space<vmem>> -> memref<1x128xi32, #tpu.memory_space<vmem>>
      %dma_start3A_900 = tpu.memref_squeeze %dma_start3A_899 : memref<1x128xi32, #tpu.memory_space<vmem>> -> memref<128xi32, #tpu.memory_space<vmem>>
      %dma_start3A_901 = arith.constant 0 : i32
      %dma_start3A_902 = tpu.memref_slice %arg22[%dma_start3A_901] : memref<10240xf32, #tpu.memory_space<vmem_shared>> -> memref<10240xf32, #tpu.memory_space<vmem_shared>>
      tpu.enqueue_indirect_dma source(%dma_start3A : memref<128xf32, #tpu.memory_space<vmem>>) target(%dma_start3A_902 : memref<10240xf32, #tpu.memory_space<vmem_shared>>) offsets(%dma_start3A_900 : memref<128xi32, #tpu.memory_space<vmem>>) semaphore(%arg25 : memref<!tpu.dma_semaphore, #tpu.memory_space<semaphore_mem>>) {add = true}
      %mul3A_903 = arith.constant 128 : i32
      %mul3A_904 = arith.muli %rem3A_605, %mul3A_903 : i32
      %dma_wait3A_905 = arith.constant 0 : i32
      %dma_wait3A_906 = arith.constant 0 : i32
      %dma_wait3A_907 = tpu.memref_slice %arg18[%mul3A_904, %dma_wait3A_906] : memref<512x64xbf16, #tpu.memory_space<vmem>> -> memref<128x64xbf16, #tpu.memory_space<vmem>>
      %dma_wait3A_908 = arith.constant 0 : i32
      %dma_wait3A_909 = tpu.memref_slice %arg15[%dma_wait3A_905, %dma_wait3A_908] : memref<81x128xi32, #tpu.memory_space<vmem>> -> memref<1x128xi32, #tpu.memory_space<vmem>>
      %dma_wait3A_910 = tpu.memref_squeeze %dma_wait3A_909 : memref<1x128xi32, #tpu.memory_space<vmem>> -> memref<128xi32, #tpu.memory_space<vmem>>
      %dma_wait3A_911 = arith.constant 0 : i32
      %dma_wait3A_912 = arith.constant 0 : i32
      %dma_wait3A_913 = tpu.memref_slice %arg2[%dma_wait3A_911, %dma_wait3A_912] : memref<10000x64xbf16, #tpu.memory_space<hbm>> -> memref<10000x64xbf16, #tpu.memory_space<hbm>>
      tpu.wait_indirect_dma semaphore(%arg23 : memref<!tpu.dma_semaphore, #tpu.memory_space<semaphore_mem>>) src(%dma_wait3A_913 : memref<10000x64xbf16, #tpu.memory_space<hbm>>) dst(%dma_wait3A_907 : memref<128x64xbf16, #tpu.memory_space<vmem>>)
      %rem3A_914 = arith.constant 2 : i32
      %rem3A_915 = arith.remsi %scan3A_604, %rem3A_914 : i32
      %mul3A_916 = arith.constant 128 : i32
      %mul3A_917 = arith.muli %rem3A_915, %mul3A_916 : i32
      %parallel_loop3A_918 = arith.constant 0 : i32
      %parallel_loop3A_919 = arith.constant 128 : i32
      %parallel_loop3A_920 = arith.constant 1 : i32
      scf.for %parallel_loop3A_931 = %parallel_loop3A_918 to %parallel_loop3A_919 step %parallel_loop3A_920  : i32 {
        %parallel_loop3A_932 = arith.addi %mul3A_611, %parallel_loop3A_931 : i32
        %parallel_loop3A_933 = vector.broadcast %parallel_loop3A_932 : i32 to vector<16xi32>
        %parallel_loop3A_934 = tpu.vector_load_idx %arg17[%parallel_loop3A_933] : memref<512xf32, #tpu.memory_space<vmem>>[vector<16xi32>], vector<16xf32>,
        %parallel_loop3A_935 = arith.addi %mul3A_611, %parallel_loop3A_931 : i32
        %parallel_loop3A_936 = arith.addi %mul3A_917, %parallel_loop3A_931 : i32
        %parallel_loop3A_937 = arith.index_cast %parallel_loop3A_935 : i32 to index
        %parallel_loop3A_938 = arith.constant 0 : index
        %parallel_loop3A_939 = tpu.vector_load %arg18[%parallel_loop3A_937, %parallel_loop3A_938] {strides = array<i32>} : memref<512x64xbf16, #tpu.memory_space<vmem>>, vector<32xbf16>,
        %parallel_loop3A_940 = tpu.unpack_subelements %parallel_loop3A_939, 0 {pack_format = #tpu.pack_format<interleaved>} : vector<32xbf16> -> vector<16xf32>
        %parallel_loop3A_941 = tpu.unpack_subelements %parallel_loop3A_939, 1 {pack_format = #tpu.pack_format<interleaved>} : vector<32xbf16> -> vector<16xf32>
        %parallel_loop3A_942 = arith.mulf %parallel_loop3A_940, %parallel_loop3A_934 : vector<16xf32>
        %parallel_loop3A_943 = arith.index_cast %parallel_loop3A_936 : i32 to index
        %parallel_loop3A_944 = arith.constant 0 : index
        %parallel_loop3A_945 = tpu.vector_load %arg19[%parallel_loop3A_943, %parallel_loop3A_944] {strides = array<i32>} : memref<256x64xf32, #tpu.memory_space<vmem>>, vector<16xf32>,
        tpu.vector_store %arg19[%parallel_loop3A_943, %parallel_loop3A_944], %parallel_loop3A_942 {strides = array<i32>} : memref<256x64xf32, #tpu.memory_space<vmem>>, vector<16xf32>,
        %parallel_loop3A_946 = arith.mulf %parallel_loop3A_941, %parallel_loop3A_934 : vector<16xf32>
        %parallel_loop3A_947 = arith.index_cast %parallel_loop3A_936 : i32 to index
        %parallel_loop3A_948 = arith.constant 16 : index
        %parallel_loop3A_949 = tpu.vector_load %arg19[%parallel_loop3A_947, %parallel_loop3A_948] {strides = array<i32>} : memref<256x64xf32, #tpu.memory_space<vmem>>, vector<16xf32>,
        tpu.vector_store %arg19[%parallel_loop3A_947, %parallel_loop3A_948], %parallel_loop3A_946 {strides = array<i32>} : memref<256x64xf32, #tpu.memory_space<vmem>>, vector<16xf32>,
        %parallel_loop3A_950 = arith.index_cast %parallel_loop3A_935 : i32 to index
        %parallel_loop3A_951 = arith.constant 32 : index
        %parallel_loop3A_952 = tpu.vector_load %arg18[%parallel_loop3A_950, %parallel_loop3A_951] {strides = array<i32>} : memref<512x64xbf16, #tpu.memory_space<vmem>>, vector<32xbf16>,
        %parallel_loop3A_953 = tpu.unpack_subelements %parallel_loop3A_952, 0 {pack_format = #tpu.pack_format<interleaved>} : vector<32xbf16> -> vector<16xf32>
        %parallel_loop3A_954 = tpu.unpack_subelements %parallel_loop3A_952, 1 {pack_format = #tpu.pack_format<interleaved>} : vector<32xbf16> -> vector<16xf32>
        %parallel_loop3A_955 = arith.mulf %parallel_loop3A_953, %parallel_loop3A_934 : vector<16xf32>
        %parallel_loop3A_956 = arith.index_cast %parallel_loop3A_936 : i32 to index
        %parallel_loop3A_957 = arith.constant 32 : index
        %parallel_loop3A_958 = tpu.vector_load %arg19[%parallel_loop3A_956, %parallel_loop3A_957] {strides = array<i32>} : memref<256x64xf32, #tpu.memory_space<vmem>>, vector<16xf32>,
        tpu.vector_store %arg19[%parallel_loop3A_956, %parallel_loop3A_957], %parallel_loop3A_955 {strides = array<i32>} : memref<256x64xf32, #tpu.memory_space<vmem>>, vector<16xf32>,
        %parallel_loop3A_959 = arith.mulf %parallel_loop3A_954, %parallel_loop3A_934 : vector<16xf32>
        %parallel_loop3A_960 = arith.index_cast %parallel_loop3A_936 : i32 to index
        %parallel_loop3A_961 = arith.constant 48 : index
        %parallel_loop3A_962 = tpu.vector_load %arg19[%parallel_loop3A_960, %parallel_loop3A_961] {strides = array<i32>} : memref<256x64xf32, #tpu.memory_space<vmem>>, vector<16xf32>,
        tpu.vector_store %arg19[%parallel_loop3A_960, %parallel_loop3A_961], %parallel_loop3A_959 {strides = array<i32>} : memref<256x64xf32, #tpu.memory_space<vmem>>, vector<16xf32>,
      } {sc.loop_unroll_factor = 4 : i64, sc.parallel_access}
      %mul3A_921 = arith.constant 128 : i32
      %mul3A_922 = arith.muli %rem3A_915, %mul3A_921 : i32
      %dma_start3A_923 = arith.constant 0 : i32
      %dma_start3A_924 = tpu.memref_slice %arg19[%mul3A_922, %dma_start3A_923] : memref<256x64xf32, #tpu.memory_space<vmem>> -> memref<128x64xf32, #tpu.memory_space<vmem>>
      %dma_start3A_925 = arith.constant 0 : i32
      %dma_start3A_926 = tpu.memref_slice %arg16[%scan3A_604, %dma_start3A_925] : memref<81x128xi32, #tpu.memory_space<vmem>> -> memref<1x128xi32, #tpu.memory_space<vmem>>
      %dma_start3A_927 = tpu.memref_squeeze %dma_start3A_926 : memref<1x128xi32, #tpu.memory_space<vmem>> -> memref<128xi32, #tpu.memory_space<vmem>>
      %dma_start3A_928 = arith.constant 0 : i32
      %dma_start3A_929 = arith.constant 0 : i32
      %dma_start3A_930 = tpu.memref_slice %arg21[%dma_start3A_928, %dma_start3A_929] : memref<10240x64xf32, #tpu.memory_space<vmem_shared>> -> memref<10240x64xf32, #tpu.memory_space<vmem_shared>>
      tpu.enqueue_indirect_dma source(%dma_start3A_924 : memref<128x64xf32, #tpu.memory_space<vmem>>) target(%dma_start3A_930 : memref<10240x64xf32, #tpu.memory_space<vmem_shared>>) offsets(%dma_start3A_927 : memref<128xi32, #tpu.memory_space<vmem>>) semaphore(%arg24 : memref<!tpu.dma_semaphore, #tpu.memory_space<semaphore_mem>>) {add = true}
    }
    %scan3A_68 = arith.constant 81 : i32
    %dma_wait3A = arith.constant 0 : i32
    %dma_wait3A_69 = arith.constant 0 : i32
    %dma_wait3A_70 = arith.constant 0 : i32
    %dma_wait3A_71 = tpu.memref_slice %arg19[%dma_wait3A_69, %dma_wait3A_70] : memref<256x64xf32, #tpu.memory_space<vmem>> -> memref<128x64xf32, #tpu.memory_space<vmem>>
    %dma_wait3A_72 = arith.constant 0 : i32
    %dma_wait3A_73 = tpu.memref_slice %arg16[%dma_wait3A, %dma_wait3A_72] : memref<81x128xi32, #tpu.memory_space<vmem>> -> memref<1x128xi32, #tpu.memory_space<vmem>>
    %dma_wait3A_74 = tpu.memref_squeeze %dma_wait3A_73 : memref<1x128xi32, #tpu.memory_space<vmem>> -> memref<128xi32, #tpu.memory_space<vmem>>
    %dma_wait3A_75 = arith.constant 0 : i32
    %dma_wait3A_76 = arith.constant 0 : i32
    %dma_wait3A_77 = tpu.memref_slice %arg21[%dma_wait3A_75, %dma_wait3A_76] : memref<10240x64xf32, #tpu.memory_space<vmem_shared>> -> memref<10240x64xf32, #tpu.memory_space<vmem_shared>>
    tpu.wait_indirect_dma semaphore(%arg24 : memref<!tpu.dma_semaphore, #tpu.memory_space<semaphore_mem>>) src(%dma_wait3A_71 : memref<128x64xf32, #tpu.memory_space<vmem>>) dst(%dma_wait3A_77 : memref<10240x64xf32, #tpu.memory_space<vmem_shared>>)
    %dma_wait3A_78 = arith.constant 0 : i32
    %dma_wait3A_79 = arith.constant 384 : i32
    %dma_wait3A_80 = tpu.memref_slice %arg17[%dma_wait3A_79] : memref<512xf32, #tpu.memory_space<vmem>> -> memref<128xf32, #tpu.memory_space<vmem>>
    %dma_wait3A_81 = arith.constant 0 : i32
    %dma_wait3A_82 = tpu.memref_slice %arg16[%dma_wait3A_78, %dma_wait3A_81] : memref<81x128xi32, #tpu.memory_space<vmem>> -> memref<1x128xi32, #tpu.memory_space<vmem>>
    %dma_wait3A_83 = tpu.memref_squeeze %dma_wait3A_82 : memref<1x128xi32, #tpu.memory_space<vmem>> -> memref<128xi32, #tpu.memory_space<vmem>>
    %dma_wait3A_84 = arith.constant 0 : i32
    %dma_wait3A_85 = tpu.memref_slice %arg22[%dma_wait3A_84] : memref<10240xf32, #tpu.memory_space<vmem_shared>> -> memref<10240xf32, #tpu.memory_space<vmem_shared>>
    tpu.wait_indirect_dma semaphore(%arg25 : memref<!tpu.dma_semaphore, #tpu.memory_space<semaphore_mem>>) src(%dma_wait3A_80 : memref<128xf32, #tpu.memory_space<vmem>>) dst(%dma_wait3A_85 : memref<10240xf32, #tpu.memory_space<vmem_shared>>)
    %dma_wait3A_86 = arith.constant 0 : i32
    %dma_wait3A_87 = arith.constant 0 : i32
    %dma_wait3A_88 = arith.constant 0 : i32
    %dma_wait3A_89 = tpu.memref_slice %arg19[%dma_wait3A_87, %dma_wait3A_88] : memref<256x64xf32, #tpu.memory_space<vmem>> -> memref<128x64xf32, #tpu.memory_space<vmem>>
    %dma_wait3A_90 = arith.constant 0 : i32
    %dma_wait3A_91 = tpu.memref_slice %arg16[%dma_wait3A_86, %dma_wait3A_90] : memref<81x128xi32, #tpu.memory_space<vmem>> -> memref<1x128xi32, #tpu.memory_space<vmem>>
    %dma_wait3A_92 = tpu.memref_squeeze %dma_wait3A_91 : memref<1x128xi32, #tpu.memory_space<vmem>> -> memref<128xi32, #tpu.memory_space<vmem>>
    %dma_wait3A_93 = arith.constant 0 : i32
    %dma_wait3A_94 = arith.constant 0 : i32
    %dma_wait3A_95 = tpu.memref_slice %arg21[%dma_wait3A_93, %dma_wait3A_94] : memref<10240x64xf32, #tpu.memory_space<vmem_shared>> -> memref<10240x64xf32, #tpu.memory_space<vmem_shared>>
    tpu.wait_indirect_dma semaphore(%arg24 : memref<!tpu.dma_semaphore, #tpu.memory_space<semaphore_mem>>) src(%dma_wait3A_89 : memref<128x64xf32, #tpu.memory_space<vmem>>) dst(%dma_wait3A_95 : memref<10240x64xf32, #tpu.memory_space<vmem_shared>>)
    %dma_wait3A_96 = arith.constant 0 : i32
    %dma_wait3A_97 = arith.constant 0 : i32
    %dma_wait3A_98 = tpu.memref_slice %arg17[%dma_wait3A_97] : memref<512xf32, #tpu.memory_space<vmem>> -> memref<128xf32, #tpu.memory_space<vmem>>
    %dma_wait3A_99 = arith.constant 0 : i32
    %dma_wait3A_100 = tpu.memref_slice %arg16[%dma_wait3A_96, %dma_wait3A_99] : memref<81x128xi32, #tpu.memory_space<vmem>> -> memref<1x128xi32, #tpu.memory_space<vmem>>
    %dma_wait3A_101 = tpu.memref_squeeze %dma_wait3A_100 : memref<1x128xi32, #tpu.memory_space<vmem>> -> memref<128xi32, #tpu.memory_space<vmem>>
    %dma_wait3A_102 = arith.constant 0 : i32
    %dma_wait3A_103 = tpu.memref_slice %arg22[%dma_wait3A_102] : memref<10240xf32, #tpu.memory_space<vmem_shared>> -> memref<10240xf32, #tpu.memory_space<vmem_shared>>
    tpu.wait_indirect_dma semaphore(%arg25 : memref<!tpu.dma_semaphore, #tpu.memory_space<semaphore_mem>>) src(%dma_wait3A_98 : memref<128xf32, #tpu.memory_space<vmem>>) dst(%dma_wait3A_103 : memref<10240xf32, #tpu.memory_space<vmem_shared>>)
    "tpu.region"() ({
      %run_scoped3A = tpu.sem_alloc : memref<!tpu.dma_semaphore, #tpu.memory_space<semaphore_mem>>
      %dma_start3A = arith.constant 81 : i32
      %dma_start3A_604 = arith.constant 0 : i32
      %dma_start3A_605 = tpu.memref_slice %arg7[%arg1, %dma_start3A, %dma_start3A_604] : memref<16x162x128xi32, #tpu.memory_space<hbm>> -> memref<1x81x128xi32, #tpu.memory_space<hbm>>
      %dma_start3A_606 = tpu.memref_squeeze %dma_start3A_605 : memref<1x81x128xi32, #tpu.memory_space<hbm>> -> memref<81x128xi32, #tpu.memory_space<hbm>>
      %dma_start3A_607 = arith.constant 81 : i32
      %dma_start3A_608 = arith.constant 0 : i32
      %dma_start3A_609 = tpu.memref_slice %arg7[%arg1, %dma_start3A_607, %dma_start3A_608] : memref<16x162x128xi32, #tpu.memory_space<hbm>> -> memref<1x81x128xi32, #tpu.memory_space<hbm>>
      %dma_start3A_610 = tpu.memref_squeeze %dma_start3A_609 : memref<1x81x128xi32, #tpu.memory_space<hbm>> -> memref<81x128xi32, #tpu.memory_space<hbm>>
      tpu.enqueue_dma source(%dma_start3A_610 : memref<81x128xi32, #tpu.memory_space<hbm>>) target(%arg15 : memref<81x128xi32, #tpu.memory_space<vmem>>) target_semaphore(%run_scoped3A : memref<!tpu.dma_semaphore, #tpu.memory_space<semaphore_mem>>)
      %dma_wait3A_611 = arith.constant 81 : i32
      %dma_wait3A_612 = arith.constant 0 : i32
      %dma_wait3A_613 = tpu.memref_slice %arg7[%arg1, %dma_wait3A_611, %dma_wait3A_612] : memref<16x162x128xi32, #tpu.memory_space<hbm>> -> memref<1x81x128xi32, #tpu.memory_space<hbm>>
      %dma_wait3A_614 = tpu.memref_squeeze %dma_wait3A_613 : memref<1x81x128xi32, #tpu.memory_space<hbm>> -> memref<81x128xi32, #tpu.memory_space<hbm>>
      %dma_wait3A_615 = arith.constant 81 : i32
      %dma_wait3A_616 = arith.constant 0 : i32
      %dma_wait3A_617 = tpu.memref_slice %arg7[%arg1, %dma_wait3A_615, %dma_wait3A_616] : memref<16x162x128xi32, #tpu.memory_space<hbm>> -> memref<1x81x128xi32, #tpu.memory_space<hbm>>
      %dma_wait3A_618 = tpu.memref_squeeze %dma_wait3A_617 : memref<1x81x128xi32, #tpu.memory_space<hbm>> -> memref<81x128xi32, #tpu.memory_space<hbm>>
      tpu.wait_dma2 semaphore(%run_scoped3A : memref<!tpu.dma_semaphore, #tpu.memory_space<semaphore_mem>>) src(%dma_wait3A_618 : memref<81x128xi32, #tpu.memory_space<hbm>>) dst(%arg15 : memref<81x128xi32, #tpu.memory_space<vmem>>)
      tpu.yield
    }) : () -> ()
    "tpu.region"() ({
      %run_scoped3A = tpu.sem_alloc : memref<!tpu.dma_semaphore, #tpu.memory_space<semaphore_mem>>
      %dma_start3A = arith.constant 81 : i32
      %dma_start3A_604 = arith.constant 0 : i32
      %dma_start3A_605 = tpu.memref_slice %arg8[%arg1, %dma_start3A, %dma_start3A_604] : memref<16x162x128xi32, #tpu.memory_space<hbm>> -> memref<1x81x128xi32, #tpu.memory_space<hbm>>
      %dma_start3A_606 = tpu.memref_squeeze %dma_start3A_605 : memref<1x81x128xi32, #tpu.memory_space<hbm>> -> memref<81x128xi32, #tpu.memory_space<hbm>>
      %dma_start3A_607 = arith.constant 81 : i32
      %dma_start3A_608 = arith.constant 0 : i32
      %dma_start3A_609 = tpu.memref_slice %arg8[%arg1, %dma_start3A_607, %dma_start3A_608] : memref<16x162x128xi32, #tpu.memory_space<hbm>> -> memref<1x81x128xi32, #tpu.memory_space<hbm>>
      %dma_start3A_610 = tpu.memref_squeeze %dma_start3A_609 : memref<1x81x128xi32, #tpu.memory_space<hbm>> -> memref<81x128xi32, #tpu.memory_space<hbm>>
      tpu.enqueue_dma source(%dma_start3A_610 : memref<81x128xi32, #tpu.memory_space<hbm>>) target(%arg16 : memref<81x128xi32, #tpu.memory_space<vmem>>) target_semaphore(%run_scoped3A : memref<!tpu.dma_semaphore, #tpu.memory_space<semaphore_mem>>)
      %dma_wait3A_611 = arith.constant 81 : i32
      %dma_wait3A_612 = arith.constant 0 : i32
      %dma_wait3A_613 = tpu.memref_slice %arg8[%arg1, %dma_wait3A_611, %dma_wait3A_612] : memref<16x162x128xi32, #tpu.memory_space<hbm>> -> memref<1x81x128xi32, #tpu.memory_space<hbm>>
      %dma_wait3A_614 = tpu.memref_squeeze %dma_wait3A_613 : memref<1x81x128xi32, #tpu.memory_space<hbm>> -> memref<81x128xi32, #tpu.memory_space<hbm>>
      %dma_wait3A_615 = arith.constant 81 : i32
      %dma_wait3A_616 = arith.constant 0 : i32
      %dma_wait3A_617 = tpu.memref_slice %arg8[%arg1, %dma_wait3A_615, %dma_wait3A_616] : memref<16x162x128xi32, #tpu.memory_space<hbm>> -> memref<1x81x128xi32, #tpu.memory_space<hbm>>
      %dma_wait3A_618 = tpu.memref_squeeze %dma_wait3A_617 : memref<1x81x128xi32, #tpu.memory_space<hbm>> -> memref<81x128xi32, #tpu.memory_space<hbm>>
      tpu.wait_dma2 semaphore(%run_scoped3A : memref<!tpu.dma_semaphore, #tpu.memory_space<semaphore_mem>>) src(%dma_wait3A_618 : memref<81x128xi32, #tpu.memory_space<hbm>>) dst(%arg16 : memref<81x128xi32, #tpu.memory_space<vmem>>)
      tpu.yield
    }) : () -> ()
    %add3A_104 = arith.constant 10368 : i32
    %add3A_105 = arith.addi %mul3A_43, %add3A_104 : i32
    %eq3A_106 = arith.constant 0 : i32
    %eq3A_107 = arith.cmpi eq, %arg0, %eq3A_106 : i32
    %convert_element_type3A_108 = arith.extui %eq3A_107 : i1 to i32
    %cond3A_109 = arith.constant 0 : i32
    %cond3A_110 = arith.cmpi ne, %convert_element_type3A_108, %cond3A_109 : i32
    scf.if %cond3A_110 {
      %dma_start3A = arith.constant 0 : i32
      %dma_start3A_604 = arith.constant 0 : i32
      %dma_start3A_605 = arith.constant 0 : i32
      %dma_start3A_606 = tpu.memref_slice %arg18[%dma_start3A_604, %dma_start3A_605] : memref<512x64xbf16, #tpu.memory_space<vmem>> -> memref<128x64xbf16, #tpu.memory_space<vmem>>
      %dma_start3A_607 = arith.constant 0 : i32
      %dma_start3A_608 = tpu.memref_slice %arg15[%dma_start3A, %dma_start3A_607] : memref<81x128xi32, #tpu.memory_space<vmem>> -> memref<1x128xi32, #tpu.memory_space<vmem>>
      %dma_start3A_609 = tpu.memref_squeeze %dma_start3A_608 : memref<1x128xi32, #tpu.memory_space<vmem>> -> memref<128xi32, #tpu.memory_space<vmem>>
      %dma_start3A_610 = arith.constant 0 : i32
      %dma_start3A_611 = arith.constant 0 : i32
      %dma_start3A_612 = tpu.memref_slice %arg2[%dma_start3A_610, %dma_start3A_611] : memref<10000x64xbf16, #tpu.memory_space<hbm>> -> memref<10000x64xbf16, #tpu.memory_space<hbm>>
      tpu.enqueue_indirect_dma source(%dma_start3A_612 : memref<10000x64xbf16, #tpu.memory_space<hbm>>) target(%dma_start3A_606 : memref<128x64xbf16, #tpu.memory_space<vmem>>) offsets(%dma_start3A_609 : memref<128xi32, #tpu.memory_space<vmem>>) semaphore(%arg23 : memref<!tpu.dma_semaphore, #tpu.memory_space<semaphore_mem>>)
    } else {
    }
    %eq3A_111 = arith.constant 1 : i32
    %eq3A_112 = arith.cmpi eq, %arg0, %eq3A_111 : i32
    %convert_element_type3A_113 = arith.extui %eq3A_112 : i1 to i32
    %cond3A_114 = arith.constant 0 : i32
    %cond3A_115 = arith.cmpi ne, %convert_element_type3A_113, %cond3A_114 : i32
    scf.if %cond3A_115 {
      %dma_start3A = arith.constant 0 : i32
      %dma_start3A_604 = arith.constant 0 : i32
      %dma_start3A_605 = arith.constant 0 : i32
      %dma_start3A_606 = tpu.memref_slice %arg18[%dma_start3A_604, %dma_start3A_605] : memref<512x64xbf16, #tpu.memory_space<vmem>> -> memref<128x64xbf16, #tpu.memory_space<vmem>>
      %dma_start3A_607 = arith.constant 0 : i32
      %dma_start3A_608 = tpu.memref_slice %arg15[%dma_start3A, %dma_start3A_607] : memref<81x128xi32, #tpu.memory_space<vmem>> -> memref<1x128xi32, #tpu.memory_space<vmem>>
      %dma_start3A_609 = tpu.memref_squeeze %dma_start3A_608 : memref<1x128xi32, #tpu.memory_space<vmem>> -> memref<128xi32, #tpu.memory_space<vmem>>
      %dma_start3A_610 = arith.constant 0 : i32
      %dma_start3A_611 = arith.constant 0 : i32
      %dma_start3A_612 = tpu.memref_slice %arg3[%dma_start3A_610, %dma_start3A_611] : memref<10000x64xbf16, #tpu.memory_space<hbm>> -> memref<10000x64xbf16, #tpu.memory_space<hbm>>
      tpu.enqueue_indirect_dma source(%dma_start3A_612 : memref<10000x64xbf16, #tpu.memory_space<hbm>>) target(%dma_start3A_606 : memref<128x64xbf16, #tpu.memory_space<vmem>>) offsets(%dma_start3A_609 : memref<128xi32, #tpu.memory_space<vmem>>) semaphore(%arg23 : memref<!tpu.dma_semaphore, #tpu.memory_space<semaphore_mem>>)
    } else {
    }
    %eq3A_116 = arith.constant 0 : i32
    %eq3A_117 = arith.cmpi eq, %arg0, %eq3A_116 : i32
    %convert_element_type3A_118 = arith.extui %eq3A_117 : i1 to i32
    %cond3A_119 = arith.constant 0 : i32
    %cond3A_120 = arith.cmpi ne, %convert_element_type3A_118, %cond3A_119 : i32
    scf.if %cond3A_120 {
      %dma_start3A = arith.constant 1 : i32
      %dma_start3A_604 = arith.constant 128 : i32
      %dma_start3A_605 = arith.constant 0 : i32
      %dma_start3A_606 = tpu.memref_slice %arg18[%dma_start3A_604, %dma_start3A_605] : memref<512x64xbf16, #tpu.memory_space<vmem>> -> memref<128x64xbf16, #tpu.memory_space<vmem>>
      %dma_start3A_607 = arith.constant 0 : i32
      %dma_start3A_608 = tpu.memref_slice %arg15[%dma_start3A, %dma_start3A_607] : memref<81x128xi32, #tpu.memory_space<vmem>> -> memref<1x128xi32, #tpu.memory_space<vmem>>
      %dma_start3A_609 = tpu.memref_squeeze %dma_start3A_608 : memref<1x128xi32, #tpu.memory_space<vmem>> -> memref<128xi32, #tpu.memory_space<vmem>>
      %dma_start3A_610 = arith.constant 0 : i32
      %dma_start3A_611 = arith.constant 0 : i32
      %dma_start3A_612 = tpu.memref_slice %arg2[%dma_start3A_610, %dma_start3A_611] : memref<10000x64xbf16, #tpu.memory_space<hbm>> -> memref<10000x64xbf16, #tpu.memory_space<hbm>>
      tpu.enqueue_indirect_dma source(%dma_start3A_612 : memref<10000x64xbf16, #tpu.memory_space<hbm>>) target(%dma_start3A_606 : memref<128x64xbf16, #tpu.memory_space<vmem>>) offsets(%dma_start3A_609 : memref<128xi32, #tpu.memory_space<vmem>>) semaphore(%arg23 : memref<!tpu.dma_semaphore, #tpu.memory_space<semaphore_mem>>)
    } else {
    }
    %eq3A_121 = arith.constant 1 : i32
    %eq3A_122 = arith.cmpi eq, %arg0, %eq3A_121 : i32
    %convert_element_type3A_123 = arith.extui %eq3A_122 : i1 to i32
    %cond3A_124 = arith.constant 0 : i32
    %cond3A_125 = arith.cmpi ne, %convert_element_type3A_123, %cond3A_124 : i32
    scf.if %cond3A_125 {
      %dma_start3A = arith.constant 1 : i32
      %dma_start3A_604 = arith.constant 128 : i32
      %dma_start3A_605 = arith.constant 0 : i32
      %dma_start3A_606 = tpu.memref_slice %arg18[%dma_start3A_604, %dma_start3A_605] : memref<512x64xbf16, #tpu.memory_space<vmem>> -> memref<128x64xbf16, #tpu.memory_space<vmem>>
      %dma_start3A_607 = arith.constant 0 : i32
      %dma_start3A_608 = tpu.memref_slice %arg15[%dma_start3A, %dma_start3A_607] : memref<81x128xi32, #tpu.memory_space<vmem>> -> memref<1x128xi32, #tpu.memory_space<vmem>>
      %dma_start3A_609 = tpu.memref_squeeze %dma_start3A_608 : memref<1x128xi32, #tpu.memory_space<vmem>> -> memref<128xi32, #tpu.memory_space<vmem>>
      %dma_start3A_610 = arith.constant 0 : i32
      %dma_start3A_611 = arith.constant 0 : i32
      %dma_start3A_612 = tpu.memref_slice %arg3[%dma_start3A_610, %dma_start3A_611] : memref<10000x64xbf16, #tpu.memory_space<hbm>> -> memref<10000x64xbf16, #tpu.memory_space<hbm>>
      tpu.enqueue_indirect_dma source(%dma_start3A_612 : memref<10000x64xbf16, #tpu.memory_space<hbm>>) target(%dma_start3A_606 : memref<128x64xbf16, #tpu.memory_space<vmem>>) offsets(%dma_start3A_609 : memref<128xi32, #tpu.memory_space<vmem>>) semaphore(%arg23 : memref<!tpu.dma_semaphore, #tpu.memory_space<semaphore_mem>>)
    } else {
    }
    %scan3A_126 = arith.constant 0 : i32
    %scan3A_127 = arith.constant 0 : i32
    %scan3A_128 = arith.constant 81 : i32
    %scan3A_129 = arith.addi %scan3A_127, %scan3A_128 : i32
    %scan3A_130 = arith.constant 1 : i32
    scf.for %scan3A_604 = %scan3A_127 to %scan3A_129 step %scan3A_130  : i32 {
      %rem3A = arith.constant 4 : i32
      %rem3A_605 = arith.remsi %scan3A_604, %rem3A : i32
      %add3A_606 = arith.constant 2 : i32
      %add3A_607 = arith.addi %scan3A_604, %add3A_606 : i32
      %rem3A_608 = arith.constant 4 : i32
      %rem3A_609 = arith.remsi %add3A_607, %rem3A_608 : i32
      %mul3A_610 = arith.constant 128 : i32
      %mul3A_611 = arith.muli %rem3A_605, %mul3A_610 : i32
      %ge3A = arith.constant 2 : i32
      %ge3A_612 = arith.cmpi sge, %scan3A_604, %ge3A : i32
      %convert_element_type3A_613 = arith.extui %ge3A_612 : i1 to i32
      %cond3A_614 = arith.constant 0 : i32
      %cond3A_615 = arith.cmpi ne, %convert_element_type3A_613, %cond3A_614 : i32
      scf.if %cond3A_615 {
        %dma_wait3A_931 = arith.constant 0 : i32
        %dma_wait3A_932 = arith.constant 0 : i32
        %dma_wait3A_933 = arith.constant 0 : i32
        %dma_wait3A_934 = tpu.memref_slice %arg19[%dma_wait3A_932, %dma_wait3A_933] : memref<256x64xf32, #tpu.memory_space<vmem>> -> memref<128x64xf32, #tpu.memory_space<vmem>>
        %dma_wait3A_935 = arith.constant 0 : i32
        %dma_wait3A_936 = tpu.memref_slice %arg16[%dma_wait3A_931, %dma_wait3A_935] : memref<81x128xi32, #tpu.memory_space<vmem>> -> memref<1x128xi32, #tpu.memory_space<vmem>>
        %dma_wait3A_937 = tpu.memref_squeeze %dma_wait3A_936 : memref<1x128xi32, #tpu.memory_space<vmem>> -> memref<128xi32, #tpu.memory_space<vmem>>
        %dma_wait3A_938 = arith.constant 0 : i32
        %dma_wait3A_939 = arith.constant 0 : i32
        %dma_wait3A_940 = tpu.memref_slice %arg21[%dma_wait3A_938, %dma_wait3A_939] : memref<10240x64xf32, #tpu.memory_space<vmem_shared>> -> memref<10240x64xf32, #tpu.memory_space<vmem_shared>>
        tpu.wait_indirect_dma semaphore(%arg24 : memref<!tpu.dma_semaphore, #tpu.memory_space<semaphore_mem>>) src(%dma_wait3A_934 : memref<128x64xf32, #tpu.memory_space<vmem>>) dst(%dma_wait3A_940 : memref<10240x64xf32, #tpu.memory_space<vmem_shared>>)
        %mul3A_941 = arith.constant 128 : i32
        %mul3A_942 = arith.muli %rem3A_609, %mul3A_941 : i32
        %dma_wait3A_943 = arith.constant 0 : i32
        %dma_wait3A_944 = tpu.memref_slice %arg17[%mul3A_942] : memref<512xf32, #tpu.memory_space<vmem>> -> memref<128xf32, #tpu.memory_space<vmem>>
        %dma_wait3A_945 = arith.constant 0 : i32
        %dma_wait3A_946 = tpu.memref_slice %arg16[%dma_wait3A_943, %dma_wait3A_945] : memref<81x128xi32, #tpu.memory_space<vmem>> -> memref<1x128xi32, #tpu.memory_space<vmem>>
        %dma_wait3A_947 = tpu.memref_squeeze %dma_wait3A_946 : memref<1x128xi32, #tpu.memory_space<vmem>> -> memref<128xi32, #tpu.memory_space<vmem>>
        %dma_wait3A_948 = arith.constant 0 : i32
        %dma_wait3A_949 = tpu.memref_slice %arg22[%dma_wait3A_948] : memref<10240xf32, #tpu.memory_space<vmem_shared>> -> memref<10240xf32, #tpu.memory_space<vmem_shared>>
        tpu.wait_indirect_dma semaphore(%arg25 : memref<!tpu.dma_semaphore, #tpu.memory_space<semaphore_mem>>) src(%dma_wait3A_944 : memref<128xf32, #tpu.memory_space<vmem>>) dst(%dma_wait3A_949 : memref<10240xf32, #tpu.memory_space<vmem_shared>>)
      } else {
      }
      %add3A_616 = arith.constant 2 : i32
      %add3A_617 = arith.addi %scan3A_604, %add3A_616 : i32
      %lt3A = arith.constant 81 : i32
      %lt3A_618 = arith.cmpi slt, %add3A_617, %lt3A : i32
      %convert_element_type3A_619 = arith.extui %lt3A_618 : i1 to i32
      %cond3A_620 = arith.constant 0 : i32
      %cond3A_621 = arith.cmpi ne, %convert_element_type3A_619, %cond3A_620 : i32
      scf.if %cond3A_621 {
        %add3A_931 = arith.constant 2 : i32
        %add3A_932 = arith.addi %scan3A_604, %add3A_931 : i32
        %eq3A_933 = arith.constant 0 : i32
        %eq3A_934 = arith.cmpi eq, %arg0, %eq3A_933 : i32
        %convert_element_type3A_935 = arith.extui %eq3A_934 : i1 to i32
        %cond3A_936 = arith.constant 0 : i32
        %cond3A_937 = arith.cmpi ne, %convert_element_type3A_935, %cond3A_936 : i32
        scf.if %cond3A_937 {
          %mul3A_943 = arith.constant 128 : i32
          %mul3A_944 = arith.muli %rem3A_609, %mul3A_943 : i32
          %dma_start3A_945 = arith.constant 0 : i32
          %dma_start3A_946 = tpu.memref_slice %arg18[%mul3A_944, %dma_start3A_945] : memref<512x64xbf16, #tpu.memory_space<vmem>> -> memref<128x64xbf16, #tpu.memory_space<vmem>>
          %dma_start3A_947 = arith.constant 0 : i32
          %dma_start3A_948 = tpu.memref_slice %arg15[%add3A_932, %dma_start3A_947] : memref<81x128xi32, #tpu.memory_space<vmem>> -> memref<1x128xi32, #tpu.memory_space<vmem>>
          %dma_start3A_949 = tpu.memref_squeeze %dma_start3A_948 : memref<1x128xi32, #tpu.memory_space<vmem>> -> memref<128xi32, #tpu.memory_space<vmem>>
          %dma_start3A_950 = arith.constant 0 : i32
          %dma_start3A_951 = arith.constant 0 : i32
          %dma_start3A_952 = tpu.memref_slice %arg2[%dma_start3A_950, %dma_start3A_951] : memref<10000x64xbf16, #tpu.memory_space<hbm>> -> memref<10000x64xbf16, #tpu.memory_space<hbm>>
          tpu.enqueue_indirect_dma source(%dma_start3A_952 : memref<10000x64xbf16, #tpu.memory_space<hbm>>) target(%dma_start3A_946 : memref<128x64xbf16, #tpu.memory_space<vmem>>) offsets(%dma_start3A_949 : memref<128xi32, #tpu.memory_space<vmem>>) semaphore(%arg23 : memref<!tpu.dma_semaphore, #tpu.memory_space<semaphore_mem>>)
        } else {
        }
        %eq3A_938 = arith.constant 1 : i32
        %eq3A_939 = arith.cmpi eq, %arg0, %eq3A_938 : i32
        %convert_element_type3A_940 = arith.extui %eq3A_939 : i1 to i32
        %cond3A_941 = arith.constant 0 : i32
        %cond3A_942 = arith.cmpi ne, %convert_element_type3A_940, %cond3A_941 : i32
        scf.if %cond3A_942 {
          %mul3A_943 = arith.constant 128 : i32
          %mul3A_944 = arith.muli %rem3A_609, %mul3A_943 : i32
          %dma_start3A_945 = arith.constant 0 : i32
          %dma_start3A_946 = tpu.memref_slice %arg18[%mul3A_944, %dma_start3A_945] : memref<512x64xbf16, #tpu.memory_space<vmem>> -> memref<128x64xbf16, #tpu.memory_space<vmem>>
          %dma_start3A_947 = arith.constant 0 : i32
          %dma_start3A_948 = tpu.memref_slice %arg15[%add3A_932, %dma_start3A_947] : memref<81x128xi32, #tpu.memory_space<vmem>> -> memref<1x128xi32, #tpu.memory_space<vmem>>
          %dma_start3A_949 = tpu.memref_squeeze %dma_start3A_948 : memref<1x128xi32, #tpu.memory_space<vmem>> -> memref<128xi32, #tpu.memory_space<vmem>>
          %dma_start3A_950 = arith.constant 0 : i32
          %dma_start3A_951 = arith.constant 0 : i32
          %dma_start3A_952 = tpu.memref_slice %arg3[%dma_start3A_950, %dma_start3A_951] : memref<10000x64xbf16, #tpu.memory_space<hbm>> -> memref<10000x64xbf16, #tpu.memory_space<hbm>>
          tpu.enqueue_indirect_dma source(%dma_start3A_952 : memref<10000x64xbf16, #tpu.memory_space<hbm>>) target(%dma_start3A_946 : memref<128x64xbf16, #tpu.memory_space<vmem>>) offsets(%dma_start3A_949 : memref<128xi32, #tpu.memory_space<vmem>>) semaphore(%arg23 : memref<!tpu.dma_semaphore, #tpu.memory_space<semaphore_mem>>)
        } else {
        }
      } else {
      }
      %get3A_622 = arith.index_cast %scan3A_604 : i32 to index
      %get3A_623 = arith.constant 0 : index
      %get3A_624 = tpu.vector_load %arg15[%get3A_622, %get3A_623] {strides = array<i32>} : memref<81x128xi32, #tpu.memory_space<vmem>>, vector<16xi32>,
      %get3A_625 = arith.index_cast %scan3A_604 : i32 to index
      %get3A_626 = arith.constant 0 : index
      %get3A_627 = tpu.vector_load %arg16[%get3A_625, %get3A_626] {strides = array<i32>} : memref<81x128xi32, #tpu.memory_space<vmem>>, vector<16xi32>,
      %gather3A = tpu.vector_load_idx %arg11[%get3A_624] : memref<10000xf32, #tpu.memory_space<vmem>>[vector<16xi32>], vector<16xf32>,
      %gather3A_628 = tpu.vector_load_idx %arg12[%get3A_627] : memref<10000xf32, #tpu.memory_space<vmem>>[vector<16xi32>], vector<16xf32>,
      %add3A_629 = arith.addf %gather3A, %gather3A_628 : vector<16xf32>
      %gt3A = arith.constant 0.000000e+00 : f32
      %gt3A_630 = vector.broadcast %gt3A : f32 to vector<16xf32>
      %gt3A_631 = arith.cmpf ogt, %add3A_629, %gt3A_630 : vector<16xf32>
      %mul3A_632 = arith.constant 2.000000e-01 : f32
      %mul3A_633 = vector.broadcast %mul3A_632 : f32 to vector<16xf32>
      %mul3A_634 = arith.mulf %mul3A_633, %add3A_629 : vector<16xf32>
      %select_n3A = arith.select %gt3A_631, %add3A_629, %mul3A_634 : vector<16xi1>, vector<16xf32>
      %sub3A = arith.subf %select_n3A, %get3A_41 : vector<16xf32>
      %exp3A = math.exp %sub3A : vector<16xf32>
      %mul3A_635 = arith.constant 128 : i32
      %mul3A_636 = arith.muli %scan3A_604, %mul3A_635 : i32
      %add3A_637 = arith.addi %add3A_105, %mul3A_636 : i32
      %add3A_638 = arith.constant 0 : i32
      %add3A_639 = arith.addi %add3A_637, %add3A_638 : i32
      %add3A_640 = vector.broadcast %add3A_639 : i32 to vector<16xi32>
      %add3A_641 = arith.addi %add3A_640, %iota3A : vector<16xi32>
      %lt3A_642 = arith.constant 330000 : i32
      %lt3A_643 = vector.broadcast %lt3A_642 : i32 to vector<16xi32>
      %lt3A_644 = arith.cmpi slt, %add3A_641, %lt3A_643 : vector<16xi32>
      %jit3A = arith.constant 0.000000e+00 : f32
      %broadcast_in_dim3A_645 = vector.broadcast %jit3A : f32 to vector<16xf32>
      %select_n3A_646 = arith.select %lt3A_644, %exp3A, %broadcast_in_dim3A_645 : vector<16xi1>, vector<16xf32>
      %add3A_647 = arith.constant 0 : i32
      %add3A_648 = arith.addi %mul3A_611, %add3A_647 : i32
      %swap3A_649 = arith.index_cast %add3A_648 : i32 to index
      %swap3A_650 = tpu.vector_load %arg17[%swap3A_649] {strides = array<i32>} : memref<512xf32, #tpu.memory_space<vmem>>, vector<16xf32>,
      tpu.vector_store %arg17[%swap3A_649], %select_n3A_646 {strides = array<i32>} : memref<512xf32, #tpu.memory_space<vmem>>, vector<16xf32>,
      %get3A_651 = arith.index_cast %scan3A_604 : i32 to index
      %get3A_652 = arith.constant 16 : index
      %get3A_653 = tpu.vector_load %arg15[%get3A_651, %get3A_652] {strides = array<i32>} : memref<81x128xi32, #tpu.memory_space<vmem>>, vector<16xi32>,
      %get3A_654 = arith.index_cast %scan3A_604 : i32 to index
      %get3A_655 = arith.constant 16 : index
      %get3A_656 = tpu.vector_load %arg16[%get3A_654, %get3A_655] {strides = array<i32>} : memref<81x128xi32, #tpu.memory_space<vmem>>, vector<16xi32>,
      %gather3A_657 = tpu.vector_load_idx %arg11[%get3A_653] : memref<10000xf32, #tpu.memory_space<vmem>>[vector<16xi32>], vector<16xf32>,
      %gather3A_658 = tpu.vector_load_idx %arg12[%get3A_656] : memref<10000xf32, #tpu.memory_space<vmem>>[vector<16xi32>], vector<16xf32>,
      %add3A_659 = arith.addf %gather3A_657, %gather3A_658 : vector<16xf32>
      %gt3A_660 = arith.constant 0.000000e+00 : f32
      %gt3A_661 = vector.broadcast %gt3A_660 : f32 to vector<16xf32>
      %gt3A_662 = arith.cmpf ogt, %add3A_659, %gt3A_661 : vector<16xf32>
      %mul3A_663 = arith.constant 2.000000e-01 : f32
      %mul3A_664 = vector.broadcast %mul3A_663 : f32 to vector<16xf32>
      %mul3A_665 = arith.mulf %mul3A_664, %add3A_659 : vector<16xf32>
      %select_n3A_666 = arith.select %gt3A_662, %add3A_659, %mul3A_665 : vector<16xi1>, vector<16xf32>
      %sub3A_667 = arith.subf %select_n3A_666, %get3A_41 : vector<16xf32>
      %exp3A_668 = math.exp %sub3A_667 : vector<16xf32>
      %mul3A_669 = arith.constant 128 : i32
      %mul3A_670 = arith.muli %scan3A_604, %mul3A_669 : i32
      %add3A_671 = arith.addi %add3A_105, %mul3A_670 : i32
      %add3A_672 = arith.constant 16 : i32
      %add3A_673 = arith.addi %add3A_671, %add3A_672 : i32
      %add3A_674 = vector.broadcast %add3A_673 : i32 to vector<16xi32>
      %add3A_675 = arith.addi %add3A_674, %iota3A : vector<16xi32>
      %lt3A_676 = arith.constant 330000 : i32
      %lt3A_677 = vector.broadcast %lt3A_676 : i32 to vector<16xi32>
      %lt3A_678 = arith.cmpi slt, %add3A_675, %lt3A_677 : vector<16xi32>
      %jit3A_679 = arith.constant 0.000000e+00 : f32
      %broadcast_in_dim3A_680 = vector.broadcast %jit3A_679 : f32 to vector<16xf32>
      %select_n3A_681 = arith.select %lt3A_678, %exp3A_668, %broadcast_in_dim3A_680 : vector<16xi1>, vector<16xf32>
      %add3A_682 = arith.constant 16 : i32
      %add3A_683 = arith.addi %mul3A_611, %add3A_682 : i32
      %swap3A_684 = arith.index_cast %add3A_683 : i32 to index
      %swap3A_685 = tpu.vector_load %arg17[%swap3A_684] {strides = array<i32>} : memref<512xf32, #tpu.memory_space<vmem>>, vector<16xf32>,
      tpu.vector_store %arg17[%swap3A_684], %select_n3A_681 {strides = array<i32>} : memref<512xf32, #tpu.memory_space<vmem>>, vector<16xf32>,
      %get3A_686 = arith.index_cast %scan3A_604 : i32 to index
      %get3A_687 = arith.constant 32 : index
      %get3A_688 = tpu.vector_load %arg15[%get3A_686, %get3A_687] {strides = array<i32>} : memref<81x128xi32, #tpu.memory_space<vmem>>, vector<16xi32>,
      %get3A_689 = arith.index_cast %scan3A_604 : i32 to index
      %get3A_690 = arith.constant 32 : index
      %get3A_691 = tpu.vector_load %arg16[%get3A_689, %get3A_690] {strides = array<i32>} : memref<81x128xi32, #tpu.memory_space<vmem>>, vector<16xi32>,
      %gather3A_692 = tpu.vector_load_idx %arg11[%get3A_688] : memref<10000xf32, #tpu.memory_space<vmem>>[vector<16xi32>], vector<16xf32>,
      %gather3A_693 = tpu.vector_load_idx %arg12[%get3A_691] : memref<10000xf32, #tpu.memory_space<vmem>>[vector<16xi32>], vector<16xf32>,
      %add3A_694 = arith.addf %gather3A_692, %gather3A_693 : vector<16xf32>
      %gt3A_695 = arith.constant 0.000000e+00 : f32
      %gt3A_696 = vector.broadcast %gt3A_695 : f32 to vector<16xf32>
      %gt3A_697 = arith.cmpf ogt, %add3A_694, %gt3A_696 : vector<16xf32>
      %mul3A_698 = arith.constant 2.000000e-01 : f32
      %mul3A_699 = vector.broadcast %mul3A_698 : f32 to vector<16xf32>
      %mul3A_700 = arith.mulf %mul3A_699, %add3A_694 : vector<16xf32>
      %select_n3A_701 = arith.select %gt3A_697, %add3A_694, %mul3A_700 : vector<16xi1>, vector<16xf32>
      %sub3A_702 = arith.subf %select_n3A_701, %get3A_41 : vector<16xf32>
      %exp3A_703 = math.exp %sub3A_702 : vector<16xf32>
      %mul3A_704 = arith.constant 128 : i32
      %mul3A_705 = arith.muli %scan3A_604, %mul3A_704 : i32
      %add3A_706 = arith.addi %add3A_105, %mul3A_705 : i32
      %add3A_707 = arith.constant 32 : i32
      %add3A_708 = arith.addi %add3A_706, %add3A_707 : i32
      %add3A_709 = vector.broadcast %add3A_708 : i32 to vector<16xi32>
      %add3A_710 = arith.addi %add3A_709, %iota3A : vector<16xi32>
      %lt3A_711 = arith.constant 330000 : i32
      %lt3A_712 = vector.broadcast %lt3A_711 : i32 to vector<16xi32>
      %lt3A_713 = arith.cmpi slt, %add3A_710, %lt3A_712 : vector<16xi32>
      %jit3A_714 = arith.constant 0.000000e+00 : f32
      %broadcast_in_dim3A_715 = vector.broadcast %jit3A_714 : f32 to vector<16xf32>
      %select_n3A_716 = arith.select %lt3A_713, %exp3A_703, %broadcast_in_dim3A_715 : vector<16xi1>, vector<16xf32>
      %add3A_717 = arith.constant 32 : i32
      %add3A_718 = arith.addi %mul3A_611, %add3A_717 : i32
      %swap3A_719 = arith.index_cast %add3A_718 : i32 to index
      %swap3A_720 = tpu.vector_load %arg17[%swap3A_719] {strides = array<i32>} : memref<512xf32, #tpu.memory_space<vmem>>, vector<16xf32>,
      tpu.vector_store %arg17[%swap3A_719], %select_n3A_716 {strides = array<i32>} : memref<512xf32, #tpu.memory_space<vmem>>, vector<16xf32>,
      %get3A_721 = arith.index_cast %scan3A_604 : i32 to index
      %get3A_722 = arith.constant 48 : index
      %get3A_723 = tpu.vector_load %arg15[%get3A_721, %get3A_722] {strides = array<i32>} : memref<81x128xi32, #tpu.memory_space<vmem>>, vector<16xi32>,
      %get3A_724 = arith.index_cast %scan3A_604 : i32 to index
      %get3A_725 = arith.constant 48 : index
      %get3A_726 = tpu.vector_load %arg16[%get3A_724, %get3A_725] {strides = array<i32>} : memref<81x128xi32, #tpu.memory_space<vmem>>, vector<16xi32>,
      %gather3A_727 = tpu.vector_load_idx %arg11[%get3A_723] : memref<10000xf32, #tpu.memory_space<vmem>>[vector<16xi32>], vector<16xf32>,
      %gather3A_728 = tpu.vector_load_idx %arg12[%get3A_726] : memref<10000xf32, #tpu.memory_space<vmem>>[vector<16xi32>], vector<16xf32>,
      %add3A_729 = arith.addf %gather3A_727, %gather3A_728 : vector<16xf32>
      %gt3A_730 = arith.constant 0.000000e+00 : f32
      %gt3A_731 = vector.broadcast %gt3A_730 : f32 to vector<16xf32>
      %gt3A_732 = arith.cmpf ogt, %add3A_729, %gt3A_731 : vector<16xf32>
      %mul3A_733 = arith.constant 2.000000e-01 : f32
      %mul3A_734 = vector.broadcast %mul3A_733 : f32 to vector<16xf32>
      %mul3A_735 = arith.mulf %mul3A_734, %add3A_729 : vector<16xf32>
      %select_n3A_736 = arith.select %gt3A_732, %add3A_729, %mul3A_735 : vector<16xi1>, vector<16xf32>
      %sub3A_737 = arith.subf %select_n3A_736, %get3A_41 : vector<16xf32>
      %exp3A_738 = math.exp %sub3A_737 : vector<16xf32>
      %mul3A_739 = arith.constant 128 : i32
      %mul3A_740 = arith.muli %scan3A_604, %mul3A_739 : i32
      %add3A_741 = arith.addi %add3A_105, %mul3A_740 : i32
      %add3A_742 = arith.constant 48 : i32
      %add3A_743 = arith.addi %add3A_741, %add3A_742 : i32
      %add3A_744 = vector.broadcast %add3A_743 : i32 to vector<16xi32>
      %add3A_745 = arith.addi %add3A_744, %iota3A : vector<16xi32>
      %lt3A_746 = arith.constant 330000 : i32
      %lt3A_747 = vector.broadcast %lt3A_746 : i32 to vector<16xi32>
      %lt3A_748 = arith.cmpi slt, %add3A_745, %lt3A_747 : vector<16xi32>
      %jit3A_749 = arith.constant 0.000000e+00 : f32
      %broadcast_in_dim3A_750 = vector.broadcast %jit3A_749 : f32 to vector<16xf32>
      %select_n3A_751 = arith.select %lt3A_748, %exp3A_738, %broadcast_in_dim3A_750 : vector<16xi1>, vector<16xf32>
      %add3A_752 = arith.constant 48 : i32
      %add3A_753 = arith.addi %mul3A_611, %add3A_752 : i32
      %swap3A_754 = arith.index_cast %add3A_753 : i32 to index
      %swap3A_755 = tpu.vector_load %arg17[%swap3A_754] {strides = array<i32>} : memref<512xf32, #tpu.memory_space<vmem>>, vector<16xf32>,
      tpu.vector_store %arg17[%swap3A_754], %select_n3A_751 {strides = array<i32>} : memref<512xf32, #tpu.memory_space<vmem>>, vector<16xf32>,
      %get3A_756 = arith.index_cast %scan3A_604 : i32 to index
      %get3A_757 = arith.constant 64 : index
      %get3A_758 = tpu.vector_load %arg15[%get3A_756, %get3A_757] {strides = array<i32>} : memref<81x128xi32, #tpu.memory_space<vmem>>, vector<16xi32>,
      %get3A_759 = arith.index_cast %scan3A_604 : i32 to index
      %get3A_760 = arith.constant 64 : index
      %get3A_761 = tpu.vector_load %arg16[%get3A_759, %get3A_760] {strides = array<i32>} : memref<81x128xi32, #tpu.memory_space<vmem>>, vector<16xi32>,
      %gather3A_762 = tpu.vector_load_idx %arg11[%get3A_758] : memref<10000xf32, #tpu.memory_space<vmem>>[vector<16xi32>], vector<16xf32>,
      %gather3A_763 = tpu.vector_load_idx %arg12[%get3A_761] : memref<10000xf32, #tpu.memory_space<vmem>>[vector<16xi32>], vector<16xf32>,
      %add3A_764 = arith.addf %gather3A_762, %gather3A_763 : vector<16xf32>
      %gt3A_765 = arith.constant 0.000000e+00 : f32
      %gt3A_766 = vector.broadcast %gt3A_765 : f32 to vector<16xf32>
      %gt3A_767 = arith.cmpf ogt, %add3A_764, %gt3A_766 : vector<16xf32>
      %mul3A_768 = arith.constant 2.000000e-01 : f32
      %mul3A_769 = vector.broadcast %mul3A_768 : f32 to vector<16xf32>
      %mul3A_770 = arith.mulf %mul3A_769, %add3A_764 : vector<16xf32>
      %select_n3A_771 = arith.select %gt3A_767, %add3A_764, %mul3A_770 : vector<16xi1>, vector<16xf32>
      %sub3A_772 = arith.subf %select_n3A_771, %get3A_41 : vector<16xf32>
      %exp3A_773 = math.exp %sub3A_772 : vector<16xf32>
      %mul3A_774 = arith.constant 128 : i32
      %mul3A_775 = arith.muli %scan3A_604, %mul3A_774 : i32
      %add3A_776 = arith.addi %add3A_105, %mul3A_775 : i32
      %add3A_777 = arith.constant 64 : i32
      %add3A_778 = arith.addi %add3A_776, %add3A_777 : i32
      %add3A_779 = vector.broadcast %add3A_778 : i32 to vector<16xi32>
      %add3A_780 = arith.addi %add3A_779, %iota3A : vector<16xi32>
      %lt3A_781 = arith.constant 330000 : i32
      %lt3A_782 = vector.broadcast %lt3A_781 : i32 to vector<16xi32>
      %lt3A_783 = arith.cmpi slt, %add3A_780, %lt3A_782 : vector<16xi32>
      %jit3A_784 = arith.constant 0.000000e+00 : f32
      %broadcast_in_dim3A_785 = vector.broadcast %jit3A_784 : f32 to vector<16xf32>
      %select_n3A_786 = arith.select %lt3A_783, %exp3A_773, %broadcast_in_dim3A_785 : vector<16xi1>, vector<16xf32>
      %add3A_787 = arith.constant 64 : i32
      %add3A_788 = arith.addi %mul3A_611, %add3A_787 : i32
      %swap3A_789 = arith.index_cast %add3A_788 : i32 to index
      %swap3A_790 = tpu.vector_load %arg17[%swap3A_789] {strides = array<i32>} : memref<512xf32, #tpu.memory_space<vmem>>, vector<16xf32>,
      tpu.vector_store %arg17[%swap3A_789], %select_n3A_786 {strides = array<i32>} : memref<512xf32, #tpu.memory_space<vmem>>, vector<16xf32>,
      %get3A_791 = arith.index_cast %scan3A_604 : i32 to index
      %get3A_792 = arith.constant 80 : index
      %get3A_793 = tpu.vector_load %arg15[%get3A_791, %get3A_792] {strides = array<i32>} : memref<81x128xi32, #tpu.memory_space<vmem>>, vector<16xi32>,
      %get3A_794 = arith.index_cast %scan3A_604 : i32 to index
      %get3A_795 = arith.constant 80 : index
      %get3A_796 = tpu.vector_load %arg16[%get3A_794, %get3A_795] {strides = array<i32>} : memref<81x128xi32, #tpu.memory_space<vmem>>, vector<16xi32>,
      %gather3A_797 = tpu.vector_load_idx %arg11[%get3A_793] : memref<10000xf32, #tpu.memory_space<vmem>>[vector<16xi32>], vector<16xf32>,
      %gather3A_798 = tpu.vector_load_idx %arg12[%get3A_796] : memref<10000xf32, #tpu.memory_space<vmem>>[vector<16xi32>], vector<16xf32>,
      %add3A_799 = arith.addf %gather3A_797, %gather3A_798 : vector<16xf32>
      %gt3A_800 = arith.constant 0.000000e+00 : f32
      %gt3A_801 = vector.broadcast %gt3A_800 : f32 to vector<16xf32>
      %gt3A_802 = arith.cmpf ogt, %add3A_799, %gt3A_801 : vector<16xf32>
      %mul3A_803 = arith.constant 2.000000e-01 : f32
      %mul3A_804 = vector.broadcast %mul3A_803 : f32 to vector<16xf32>
      %mul3A_805 = arith.mulf %mul3A_804, %add3A_799 : vector<16xf32>
      %select_n3A_806 = arith.select %gt3A_802, %add3A_799, %mul3A_805 : vector<16xi1>, vector<16xf32>
      %sub3A_807 = arith.subf %select_n3A_806, %get3A_41 : vector<16xf32>
      %exp3A_808 = math.exp %sub3A_807 : vector<16xf32>
      %mul3A_809 = arith.constant 128 : i32
      %mul3A_810 = arith.muli %scan3A_604, %mul3A_809 : i32
      %add3A_811 = arith.addi %add3A_105, %mul3A_810 : i32
      %add3A_812 = arith.constant 80 : i32
      %add3A_813 = arith.addi %add3A_811, %add3A_812 : i32
      %add3A_814 = vector.broadcast %add3A_813 : i32 to vector<16xi32>
      %add3A_815 = arith.addi %add3A_814, %iota3A : vector<16xi32>
      %lt3A_816 = arith.constant 330000 : i32
      %lt3A_817 = vector.broadcast %lt3A_816 : i32 to vector<16xi32>
      %lt3A_818 = arith.cmpi slt, %add3A_815, %lt3A_817 : vector<16xi32>
      %jit3A_819 = arith.constant 0.000000e+00 : f32
      %broadcast_in_dim3A_820 = vector.broadcast %jit3A_819 : f32 to vector<16xf32>
      %select_n3A_821 = arith.select %lt3A_818, %exp3A_808, %broadcast_in_dim3A_820 : vector<16xi1>, vector<16xf32>
      %add3A_822 = arith.constant 80 : i32
      %add3A_823 = arith.addi %mul3A_611, %add3A_822 : i32
      %swap3A_824 = arith.index_cast %add3A_823 : i32 to index
      %swap3A_825 = tpu.vector_load %arg17[%swap3A_824] {strides = array<i32>} : memref<512xf32, #tpu.memory_space<vmem>>, vector<16xf32>,
      tpu.vector_store %arg17[%swap3A_824], %select_n3A_821 {strides = array<i32>} : memref<512xf32, #tpu.memory_space<vmem>>, vector<16xf32>,
      %get3A_826 = arith.index_cast %scan3A_604 : i32 to index
      %get3A_827 = arith.constant 96 : index
      %get3A_828 = tpu.vector_load %arg15[%get3A_826, %get3A_827] {strides = array<i32>} : memref<81x128xi32, #tpu.memory_space<vmem>>, vector<16xi32>,
      %get3A_829 = arith.index_cast %scan3A_604 : i32 to index
      %get3A_830 = arith.constant 96 : index
      %get3A_831 = tpu.vector_load %arg16[%get3A_829, %get3A_830] {strides = array<i32>} : memref<81x128xi32, #tpu.memory_space<vmem>>, vector<16xi32>,
      %gather3A_832 = tpu.vector_load_idx %arg11[%get3A_828] : memref<10000xf32, #tpu.memory_space<vmem>>[vector<16xi32>], vector<16xf32>,
      %gather3A_833 = tpu.vector_load_idx %arg12[%get3A_831] : memref<10000xf32, #tpu.memory_space<vmem>>[vector<16xi32>], vector<16xf32>,
      %add3A_834 = arith.addf %gather3A_832, %gather3A_833 : vector<16xf32>
      %gt3A_835 = arith.constant 0.000000e+00 : f32
      %gt3A_836 = vector.broadcast %gt3A_835 : f32 to vector<16xf32>
      %gt3A_837 = arith.cmpf ogt, %add3A_834, %gt3A_836 : vector<16xf32>
      %mul3A_838 = arith.constant 2.000000e-01 : f32
      %mul3A_839 = vector.broadcast %mul3A_838 : f32 to vector<16xf32>
      %mul3A_840 = arith.mulf %mul3A_839, %add3A_834 : vector<16xf32>
      %select_n3A_841 = arith.select %gt3A_837, %add3A_834, %mul3A_840 : vector<16xi1>, vector<16xf32>
      %sub3A_842 = arith.subf %select_n3A_841, %get3A_41 : vector<16xf32>
      %exp3A_843 = math.exp %sub3A_842 : vector<16xf32>
      %mul3A_844 = arith.constant 128 : i32
      %mul3A_845 = arith.muli %scan3A_604, %mul3A_844 : i32
      %add3A_846 = arith.addi %add3A_105, %mul3A_845 : i32
      %add3A_847 = arith.constant 96 : i32
      %add3A_848 = arith.addi %add3A_846, %add3A_847 : i32
      %add3A_849 = vector.broadcast %add3A_848 : i32 to vector<16xi32>
      %add3A_850 = arith.addi %add3A_849, %iota3A : vector<16xi32>
      %lt3A_851 = arith.constant 330000 : i32
      %lt3A_852 = vector.broadcast %lt3A_851 : i32 to vector<16xi32>
      %lt3A_853 = arith.cmpi slt, %add3A_850, %lt3A_852 : vector<16xi32>
      %jit3A_854 = arith.constant 0.000000e+00 : f32
      %broadcast_in_dim3A_855 = vector.broadcast %jit3A_854 : f32 to vector<16xf32>
      %select_n3A_856 = arith.select %lt3A_853, %exp3A_843, %broadcast_in_dim3A_855 : vector<16xi1>, vector<16xf32>
      %add3A_857 = arith.constant 96 : i32
      %add3A_858 = arith.addi %mul3A_611, %add3A_857 : i32
      %swap3A_859 = arith.index_cast %add3A_858 : i32 to index
      %swap3A_860 = tpu.vector_load %arg17[%swap3A_859] {strides = array<i32>} : memref<512xf32, #tpu.memory_space<vmem>>, vector<16xf32>,
      tpu.vector_store %arg17[%swap3A_859], %select_n3A_856 {strides = array<i32>} : memref<512xf32, #tpu.memory_space<vmem>>, vector<16xf32>,
      %get3A_861 = arith.index_cast %scan3A_604 : i32 to index
      %get3A_862 = arith.constant 112 : index
      %get3A_863 = tpu.vector_load %arg15[%get3A_861, %get3A_862] {strides = array<i32>} : memref<81x128xi32, #tpu.memory_space<vmem>>, vector<16xi32>,
      %get3A_864 = arith.index_cast %scan3A_604 : i32 to index
      %get3A_865 = arith.constant 112 : index
      %get3A_866 = tpu.vector_load %arg16[%get3A_864, %get3A_865] {strides = array<i32>} : memref<81x128xi32, #tpu.memory_space<vmem>>, vector<16xi32>,
      %gather3A_867 = tpu.vector_load_idx %arg11[%get3A_863] : memref<10000xf32, #tpu.memory_space<vmem>>[vector<16xi32>], vector<16xf32>,
      %gather3A_868 = tpu.vector_load_idx %arg12[%get3A_866] : memref<10000xf32, #tpu.memory_space<vmem>>[vector<16xi32>], vector<16xf32>,
      %add3A_869 = arith.addf %gather3A_867, %gather3A_868 : vector<16xf32>
      %gt3A_870 = arith.constant 0.000000e+00 : f32
      %gt3A_871 = vector.broadcast %gt3A_870 : f32 to vector<16xf32>
      %gt3A_872 = arith.cmpf ogt, %add3A_869, %gt3A_871 : vector<16xf32>
      %mul3A_873 = arith.constant 2.000000e-01 : f32
      %mul3A_874 = vector.broadcast %mul3A_873 : f32 to vector<16xf32>
      %mul3A_875 = arith.mulf %mul3A_874, %add3A_869 : vector<16xf32>
      %select_n3A_876 = arith.select %gt3A_872, %add3A_869, %mul3A_875 : vector<16xi1>, vector<16xf32>
      %sub3A_877 = arith.subf %select_n3A_876, %get3A_41 : vector<16xf32>
      %exp3A_878 = math.exp %sub3A_877 : vector<16xf32>
      %mul3A_879 = arith.constant 128 : i32
      %mul3A_880 = arith.muli %scan3A_604, %mul3A_879 : i32
      %add3A_881 = arith.addi %add3A_105, %mul3A_880 : i32
      %add3A_882 = arith.constant 112 : i32
      %add3A_883 = arith.addi %add3A_881, %add3A_882 : i32
      %add3A_884 = vector.broadcast %add3A_883 : i32 to vector<16xi32>
      %add3A_885 = arith.addi %add3A_884, %iota3A : vector<16xi32>
      %lt3A_886 = arith.constant 330000 : i32
      %lt3A_887 = vector.broadcast %lt3A_886 : i32 to vector<16xi32>
      %lt3A_888 = arith.cmpi slt, %add3A_885, %lt3A_887 : vector<16xi32>
      %jit3A_889 = arith.constant 0.000000e+00 : f32
      %broadcast_in_dim3A_890 = vector.broadcast %jit3A_889 : f32 to vector<16xf32>
      %select_n3A_891 = arith.select %lt3A_888, %exp3A_878, %broadcast_in_dim3A_890 : vector<16xi1>, vector<16xf32>
      %add3A_892 = arith.constant 112 : i32
      %add3A_893 = arith.addi %mul3A_611, %add3A_892 : i32
      %swap3A_894 = arith.index_cast %add3A_893 : i32 to index
      %swap3A_895 = tpu.vector_load %arg17[%swap3A_894] {strides = array<i32>} : memref<512xf32, #tpu.memory_space<vmem>>, vector<16xf32>,
      tpu.vector_store %arg17[%swap3A_894], %select_n3A_891 {strides = array<i32>} : memref<512xf32, #tpu.memory_space<vmem>>, vector<16xf32>,
      %mul3A_896 = arith.constant 128 : i32
      %mul3A_897 = arith.muli %rem3A_605, %mul3A_896 : i32
      %dma_start3A = tpu.memref_slice %arg17[%mul3A_897] : memref<512xf32, #tpu.memory_space<vmem>> -> memref<128xf32, #tpu.memory_space<vmem>>
      %dma_start3A_898 = arith.constant 0 : i32
      %dma_start3A_899 = tpu.memref_slice %arg16[%scan3A_604, %dma_start3A_898] : memref<81x128xi32, #tpu.memory_space<vmem>> -> memref<1x128xi32, #tpu.memory_space<vmem>>
      %dma_start3A_900 = tpu.memref_squeeze %dma_start3A_899 : memref<1x128xi32, #tpu.memory_space<vmem>> -> memref<128xi32, #tpu.memory_space<vmem>>
      %dma_start3A_901 = arith.constant 0 : i32
      %dma_start3A_902 = tpu.memref_slice %arg22[%dma_start3A_901] : memref<10240xf32, #tpu.memory_space<vmem_shared>> -> memref<10240xf32, #tpu.memory_space<vmem_shared>>
      tpu.enqueue_indirect_dma source(%dma_start3A : memref<128xf32, #tpu.memory_space<vmem>>) target(%dma_start3A_902 : memref<10240xf32, #tpu.memory_space<vmem_shared>>) offsets(%dma_start3A_900 : memref<128xi32, #tpu.memory_space<vmem>>) semaphore(%arg25 : memref<!tpu.dma_semaphore, #tpu.memory_space<semaphore_mem>>) {add = true}
      %mul3A_903 = arith.constant 128 : i32
      %mul3A_904 = arith.muli %rem3A_605, %mul3A_903 : i32
      %dma_wait3A_905 = arith.constant 0 : i32
      %dma_wait3A_906 = arith.constant 0 : i32
      %dma_wait3A_907 = tpu.memref_slice %arg18[%mul3A_904, %dma_wait3A_906] : memref<512x64xbf16, #tpu.memory_space<vmem>> -> memref<128x64xbf16, #tpu.memory_space<vmem>>
      %dma_wait3A_908 = arith.constant 0 : i32
      %dma_wait3A_909 = tpu.memref_slice %arg15[%dma_wait3A_905, %dma_wait3A_908] : memref<81x128xi32, #tpu.memory_space<vmem>> -> memref<1x128xi32, #tpu.memory_space<vmem>>
      %dma_wait3A_910 = tpu.memref_squeeze %dma_wait3A_909 : memref<1x128xi32, #tpu.memory_space<vmem>> -> memref<128xi32, #tpu.memory_space<vmem>>
      %dma_wait3A_911 = arith.constant 0 : i32
      %dma_wait3A_912 = arith.constant 0 : i32
      %dma_wait3A_913 = tpu.memref_slice %arg2[%dma_wait3A_911, %dma_wait3A_912] : memref<10000x64xbf16, #tpu.memory_space<hbm>> -> memref<10000x64xbf16, #tpu.memory_space<hbm>>
      tpu.wait_indirect_dma semaphore(%arg23 : memref<!tpu.dma_semaphore, #tpu.memory_space<semaphore_mem>>) src(%dma_wait3A_913 : memref<10000x64xbf16, #tpu.memory_space<hbm>>) dst(%dma_wait3A_907 : memref<128x64xbf16, #tpu.memory_space<vmem>>)
      %rem3A_914 = arith.constant 2 : i32
      %rem3A_915 = arith.remsi %scan3A_604, %rem3A_914 : i32
      %mul3A_916 = arith.constant 128 : i32
      %mul3A_917 = arith.muli %rem3A_915, %mul3A_916 : i32
      %parallel_loop3A_918 = arith.constant 0 : i32
      %parallel_loop3A_919 = arith.constant 128 : i32
      %parallel_loop3A_920 = arith.constant 1 : i32
      scf.for %parallel_loop3A_931 = %parallel_loop3A_918 to %parallel_loop3A_919 step %parallel_loop3A_920  : i32 {
        %parallel_loop3A_932 = arith.addi %mul3A_611, %parallel_loop3A_931 : i32
        %parallel_loop3A_933 = vector.broadcast %parallel_loop3A_932 : i32 to vector<16xi32>
        %parallel_loop3A_934 = tpu.vector_load_idx %arg17[%parallel_loop3A_933] : memref<512xf32, #tpu.memory_space<vmem>>[vector<16xi32>], vector<16xf32>,
        %parallel_loop3A_935 = arith.addi %mul3A_611, %parallel_loop3A_931 : i32
        %parallel_loop3A_936 = arith.addi %mul3A_917, %parallel_loop3A_931 : i32
        %parallel_loop3A_937 = arith.index_cast %parallel_loop3A_935 : i32 to index
        %parallel_loop3A_938 = arith.constant 0 : index
        %parallel_loop3A_939 = tpu.vector_load %arg18[%parallel_loop3A_937, %parallel_loop3A_938] {strides = array<i32>} : memref<512x64xbf16, #tpu.memory_space<vmem>>, vector<32xbf16>,
        %parallel_loop3A_940 = tpu.unpack_subelements %parallel_loop3A_939, 0 {pack_format = #tpu.pack_format<interleaved>} : vector<32xbf16> -> vector<16xf32>
        %parallel_loop3A_941 = tpu.unpack_subelements %parallel_loop3A_939, 1 {pack_format = #tpu.pack_format<interleaved>} : vector<32xbf16> -> vector<16xf32>
        %parallel_loop3A_942 = arith.mulf %parallel_loop3A_940, %parallel_loop3A_934 : vector<16xf32>
        %parallel_loop3A_943 = arith.index_cast %parallel_loop3A_936 : i32 to index
        %parallel_loop3A_944 = arith.constant 0 : index
        %parallel_loop3A_945 = tpu.vector_load %arg19[%parallel_loop3A_943, %parallel_loop3A_944] {strides = array<i32>} : memref<256x64xf32, #tpu.memory_space<vmem>>, vector<16xf32>,
        tpu.vector_store %arg19[%parallel_loop3A_943, %parallel_loop3A_944], %parallel_loop3A_942 {strides = array<i32>} : memref<256x64xf32, #tpu.memory_space<vmem>>, vector<16xf32>,
        %parallel_loop3A_946 = arith.mulf %parallel_loop3A_941, %parallel_loop3A_934 : vector<16xf32>
        %parallel_loop3A_947 = arith.index_cast %parallel_loop3A_936 : i32 to index
        %parallel_loop3A_948 = arith.constant 16 : index
        %parallel_loop3A_949 = tpu.vector_load %arg19[%parallel_loop3A_947, %parallel_loop3A_948] {strides = array<i32>} : memref<256x64xf32, #tpu.memory_space<vmem>>, vector<16xf32>,
        tpu.vector_store %arg19[%parallel_loop3A_947, %parallel_loop3A_948], %parallel_loop3A_946 {strides = array<i32>} : memref<256x64xf32, #tpu.memory_space<vmem>>, vector<16xf32>,
        %parallel_loop3A_950 = arith.index_cast %parallel_loop3A_935 : i32 to index
        %parallel_loop3A_951 = arith.constant 32 : index
        %parallel_loop3A_952 = tpu.vector_load %arg18[%parallel_loop3A_950, %parallel_loop3A_951] {strides = array<i32>} : memref<512x64xbf16, #tpu.memory_space<vmem>>, vector<32xbf16>,
        %parallel_loop3A_953 = tpu.unpack_subelements %parallel_loop3A_952, 0 {pack_format = #tpu.pack_format<interleaved>} : vector<32xbf16> -> vector<16xf32>
        %parallel_loop3A_954 = tpu.unpack_subelements %parallel_loop3A_952, 1 {pack_format = #tpu.pack_format<interleaved>} : vector<32xbf16> -> vector<16xf32>
        %parallel_loop3A_955 = arith.mulf %parallel_loop3A_953, %parallel_loop3A_934 : vector<16xf32>
        %parallel_loop3A_956 = arith.index_cast %parallel_loop3A_936 : i32 to index
        %parallel_loop3A_957 = arith.constant 32 : index
        %parallel_loop3A_958 = tpu.vector_load %arg19[%parallel_loop3A_956, %parallel_loop3A_957] {strides = array<i32>} : memref<256x64xf32, #tpu.memory_space<vmem>>, vector<16xf32>,
        tpu.vector_store %arg19[%parallel_loop3A_956, %parallel_loop3A_957], %parallel_loop3A_955 {strides = array<i32>} : memref<256x64xf32, #tpu.memory_space<vmem>>, vector<16xf32>,
        %parallel_loop3A_959 = arith.mulf %parallel_loop3A_954, %parallel_loop3A_934 : vector<16xf32>
        %parallel_loop3A_960 = arith.index_cast %parallel_loop3A_936 : i32 to index
        %parallel_loop3A_961 = arith.constant 48 : index
        %parallel_loop3A_962 = tpu.vector_load %arg19[%parallel_loop3A_960, %parallel_loop3A_961] {strides = array<i32>} : memref<256x64xf32, #tpu.memory_space<vmem>>, vector<16xf32>,
        tpu.vector_store %arg19[%parallel_loop3A_960, %parallel_loop3A_961], %parallel_loop3A_959 {strides = array<i32>} : memref<256x64xf32, #tpu.memory_space<vmem>>, vector<16xf32>,
      } {sc.loop_unroll_factor = 4 : i64, sc.parallel_access}
      %mul3A_921 = arith.constant 128 : i32
      %mul3A_922 = arith.muli %rem3A_915, %mul3A_921 : i32
      %dma_start3A_923 = arith.constant 0 : i32
      %dma_start3A_924 = tpu.memref_slice %arg19[%mul3A_922, %dma_start3A_923] : memref<256x64xf32, #tpu.memory_space<vmem>> -> memref<128x64xf32, #tpu.memory_space<vmem>>
      %dma_start3A_925 = arith.constant 0 : i32
      %dma_start3A_926 = tpu.memref_slice %arg16[%scan3A_604, %dma_start3A_925] : memref<81x128xi32, #tpu.memory_space<vmem>> -> memref<1x128xi32, #tpu.memory_space<vmem>>
      %dma_start3A_927 = tpu.memref_squeeze %dma_start3A_926 : memref<1x128xi32, #tpu.memory_space<vmem>> -> memref<128xi32, #tpu.memory_space<vmem>>
      %dma_start3A_928 = arith.constant 0 : i32
      %dma_start3A_929 = arith.constant 0 : i32
      %dma_start3A_930 = tpu.memref_slice %arg21[%dma_start3A_928, %dma_start3A_929] : memref<10240x64xf32, #tpu.memory_space<vmem_shared>> -> memref<10240x64xf32, #tpu.memory_space<vmem_shared>>
      tpu.enqueue_indirect_dma source(%dma_start3A_924 : memref<128x64xf32, #tpu.memory_space<vmem>>) target(%dma_start3A_930 : memref<10240x64xf32, #tpu.memory_space<vmem_shared>>) offsets(%dma_start3A_927 : memref<128xi32, #tpu.memory_space<vmem>>) semaphore(%arg24 : memref<!tpu.dma_semaphore, #tpu.memory_space<semaphore_mem>>) {add = true}
    }
    %scan3A_131 = arith.constant 81 : i32
    %dma_wait3A_132 = arith.constant 0 : i32
    %dma_wait3A_133 = arith.constant 0 : i32
    %dma_wait3A_134 = arith.constant 0 : i32
    %dma_wait3A_135 = tpu.memref_slice %arg19[%dma_wait3A_133, %dma_wait3A_134] : memref<256x64xf32, #tpu.memory_space<vmem>> -> memref<128x64xf32, #tpu.memory_space<vmem>>
    %dma_wait3A_136 = arith.constant 0 : i32
    %dma_wait3A_137 = tpu.memref_slice %arg16[%dma_wait3A_132, %dma_wait3A_136] : memref<81x128xi32, #tpu.memory_space<vmem>> -> memref<1x128xi32, #tpu.memory_space<vmem>>
    %dma_wait3A_138 = tpu.memref_squeeze %dma_wait3A_137 : memref<1x128xi32, #tpu.memory_space<vmem>> -> memref<128xi32, #tpu.memory_space<vmem>>
    %dma_wait3A_139 = arith.constant 0 : i32
    %dma_wait3A_140 = arith.constant 0 : i32
    %dma_wait3A_141 = tpu.memref_slice %arg21[%dma_wait3A_139, %dma_wait3A_140] : memref<10240x64xf32, #tpu.memory_space<vmem_shared>> -> memref<10240x64xf32, #tpu.memory_space<vmem_shared>>
    tpu.wait_indirect_dma semaphore(%arg24 : memref<!tpu.dma_semaphore, #tpu.memory_space<semaphore_mem>>) src(%dma_wait3A_135 : memref<128x64xf32, #tpu.memory_space<vmem>>) dst(%dma_wait3A_141 : memref<10240x64xf32, #tpu.memory_space<vmem_shared>>)
    %dma_wait3A_142 = arith.constant 0 : i32
    %dma_wait3A_143 = arith.constant 384 : i32
    %dma_wait3A_144 = tpu.memref_slice %arg17[%dma_wait3A_143] : memref<512xf32, #tpu.memory_space<vmem>> -> memref<128xf32, #tpu.memory_space<vmem>>
    %dma_wait3A_145 = arith.constant 0 : i32
    %dma_wait3A_146 = tpu.memref_slice %arg16[%dma_wait3A_142, %dma_wait3A_145] : memref<81x128xi32, #tpu.memory_space<vmem>> -> memref<1x128xi32, #tpu.memory_space<vmem>>
    %dma_wait3A_147 = tpu.memref_squeeze %dma_wait3A_146 : memref<1x128xi32, #tpu.memory_space<vmem>> -> memref<128xi32, #tpu.memory_space<vmem>>
    %dma_wait3A_148 = arith.constant 0 : i32
    %dma_wait3A_149 = tpu.memref_slice %arg22[%dma_wait3A_148] : memref<10240xf32, #tpu.memory_space<vmem_shared>> -> memref<10240xf32, #tpu.memory_space<vmem_shared>>
    tpu.wait_indirect_dma semaphore(%arg25 : memref<!tpu.dma_semaphore, #tpu.memory_space<semaphore_mem>>) src(%dma_wait3A_144 : memref<128xf32, #tpu.memory_space<vmem>>) dst(%dma_wait3A_149 : memref<10240xf32, #tpu.memory_space<vmem_shared>>)
    %dma_wait3A_150 = arith.constant 0 : i32
    %dma_wait3A_151 = arith.constant 0 : i32
    %dma_wait3A_152 = arith.constant 0 : i32
    %dma_wait3A_153 = tpu.memref_slice %arg19[%dma_wait3A_151, %dma_wait3A_152] : memref<256x64xf32, #tpu.memory_space<vmem>> -> memref<128x64xf32, #tpu.memory_space<vmem>>
    %dma_wait3A_154 = arith.constant 0 : i32
    %dma_wait3A_155 = tpu.memref_slice %arg16[%dma_wait3A_150, %dma_wait3A_154] : memref<81x128xi32, #tpu.memory_space<vmem>> -> memref<1x128xi32, #tpu.memory_space<vmem>>
    %dma_wait3A_156 = tpu.memref_squeeze %dma_wait3A_155 : memref<1x128xi32, #tpu.memory_space<vmem>> -> memref<128xi32, #tpu.memory_space<vmem>>
    %dma_wait3A_157 = arith.constant 0 : i32
    %dma_wait3A_158 = arith.constant 0 : i32
    %dma_wait3A_159 = tpu.memref_slice %arg21[%dma_wait3A_157, %dma_wait3A_158] : memref<10240x64xf32, #tpu.memory_space<vmem_shared>> -> memref<10240x64xf32, #tpu.memory_space<vmem_shared>>
    tpu.wait_indirect_dma semaphore(%arg24 : memref<!tpu.dma_semaphore, #tpu.memory_space<semaphore_mem>>) src(%dma_wait3A_153 : memref<128x64xf32, #tpu.memory_space<vmem>>) dst(%dma_wait3A_159 : memref<10240x64xf32, #tpu.memory_space<vmem_shared>>)
    %dma_wait3A_160 = arith.constant 0 : i32
    %dma_wait3A_161 = arith.constant 0 : i32
    %dma_wait3A_162 = tpu.memref_slice %arg17[%dma_wait3A_161] : memref<512xf32, #tpu.memory_space<vmem>> -> memref<128xf32, #tpu.memory_space<vmem>>
    %dma_wait3A_163 = arith.constant 0 : i32
    %dma_wait3A_164 = tpu.memref_slice %arg16[%dma_wait3A_160, %dma_wait3A_163] : memref<81x128xi32, #tpu.memory_space<vmem>> -> memref<1x128xi32, #tpu.memory_space<vmem>>
    %dma_wait3A_165 = tpu.memref_squeeze %dma_wait3A_164 : memref<1x128xi32, #tpu.memory_space<vmem>> -> memref<128xi32, #tpu.memory_space<vmem>>
    %dma_wait3A_166 = arith.constant 0 : i32
    %dma_wait3A_167 = tpu.memref_slice %arg22[%dma_wait3A_166] : memref<10240xf32, #tpu.memory_space<vmem_shared>> -> memref<10240xf32, #tpu.memory_space<vmem_shared>>
    tpu.wait_indirect_dma semaphore(%arg25 : memref<!tpu.dma_semaphore, #tpu.memory_space<semaphore_mem>>) src(%dma_wait3A_162 : memref<128xf32, #tpu.memory_space<vmem>>) dst(%dma_wait3A_167 : memref<10240xf32, #tpu.memory_space<vmem_shared>>)
    %barrier3A_168 = arith.constant 0 : index
    tpu.barrier barrier_id(%barrier3A_168)
    "tpu.region"() ({
      %run_scoped3A = tpu.sem_alloc : memref<!tpu.dma_semaphore, #tpu.memory_space<semaphore_mem>>
      %dma_start3A = tpu.memref_slice %arg22[%mul3A_0] : memref<10240xf32, #tpu.memory_space<vmem_shared>> -> memref<640xf32, #tpu.memory_space<vmem_shared>>
      %dma_start3A_604 = tpu.memref_slice %arg22[%mul3A_0] : memref<10240xf32, #tpu.memory_space<vmem_shared>> -> memref<640xf32, #tpu.memory_space<vmem_shared>>
      tpu.enqueue_dma source(%dma_start3A_604 : memref<640xf32, #tpu.memory_space<vmem_shared>>) target(%arg13 : memref<640xf32, #tpu.memory_space<vmem>>) target_semaphore(%run_scoped3A : memref<!tpu.dma_semaphore, #tpu.memory_space<semaphore_mem>>)
      %dma_wait3A_605 = tpu.memref_slice %arg22[%mul3A_0] : memref<10240xf32, #tpu.memory_space<vmem_shared>> -> memref<640xf32, #tpu.memory_space<vmem_shared>>
      %dma_wait3A_606 = tpu.memref_slice %arg22[%mul3A_0] : memref<10240xf32, #tpu.memory_space<vmem_shared>> -> memref<640xf32, #tpu.memory_space<vmem_shared>>
      tpu.wait_dma2 semaphore(%run_scoped3A : memref<!tpu.dma_semaphore, #tpu.memory_space<semaphore_mem>>) src(%dma_wait3A_606 : memref<640xf32, #tpu.memory_space<vmem_shared>>) dst(%arg13 : memref<640xf32, #tpu.memory_space<vmem>>)
      tpu.yield
    }) : () -> ()
    "tpu.region"() ({
      %run_scoped3A = tpu.sem_alloc : memref<!tpu.dma_semaphore, #tpu.memory_space<semaphore_mem>>
      tpu.enqueue_dma source(%arg9 : memref<128xf32, #tpu.memory_space<hbm>>) target(%arg14 : memref<128xf32, #tpu.memory_space<vmem>>) target_semaphore(%run_scoped3A : memref<!tpu.dma_semaphore, #tpu.memory_space<semaphore_mem>>)
      tpu.wait_dma2 semaphore(%run_scoped3A : memref<!tpu.dma_semaphore, #tpu.memory_space<semaphore_mem>>) src(%arg9 : memref<128xf32, #tpu.memory_space<hbm>>) dst(%arg14 : memref<128xf32, #tpu.memory_space<vmem>>)
      tpu.yield
    }) : () -> ()
    %mul3A_169 = arith.constant 64 : i32
    %mul3A_170 = arith.muli %arg0, %mul3A_169 : i32
    %get3A_171 = arith.constant 0 : index
    %get3A_172 = tpu.vector_load %arg13[%get3A_171] {strides = array<i32>} : memref<640xf32, #tpu.memory_space<vmem>>, vector<16xf32>,
    %add3A_173 = arith.constant 1.000000e-16 : f32
    %add3A_174 = vector.broadcast %add3A_173 : f32 to vector<16xf32>
    %add3A_175 = arith.addf %get3A_172, %add3A_174 : vector<16xf32>
    %div3A = arith.constant 1.000000e+00 : f32
    %div3A_176 = vector.broadcast %div3A : f32 to vector<16xf32>
    %div3A_177 = arith.divf %div3A_176, %add3A_175 : vector<16xf32>
    %swap3A_178 = arith.constant 0 : index
    %swap3A_179 = tpu.vector_load %arg13[%swap3A_178] {strides = array<i32>} : memref<640xf32, #tpu.memory_space<vmem>>, vector<16xf32>,
    tpu.vector_store %arg13[%swap3A_178], %div3A_177 {strides = array<i32>} : memref<640xf32, #tpu.memory_space<vmem>>, vector<16xf32>,
    %get3A_180 = arith.constant 16 : index
    %get3A_181 = tpu.vector_load %arg13[%get3A_180] {strides = array<i32>} : memref<640xf32, #tpu.memory_space<vmem>>, vector<16xf32>,
    %add3A_182 = arith.constant 1.000000e-16 : f32
    %add3A_183 = vector.broadcast %add3A_182 : f32 to vector<16xf32>
    %add3A_184 = arith.addf %get3A_181, %add3A_183 : vector<16xf32>
    %div3A_185 = arith.constant 1.000000e+00 : f32
    %div3A_186 = vector.broadcast %div3A_185 : f32 to vector<16xf32>
    %div3A_187 = arith.divf %div3A_186, %add3A_184 : vector<16xf32>
    %swap3A_188 = arith.constant 16 : index
    %swap3A_189 = tpu.vector_load %arg13[%swap3A_188] {strides = array<i32>} : memref<640xf32, #tpu.memory_space<vmem>>, vector<16xf32>,
    tpu.vector_store %arg13[%swap3A_188], %div3A_187 {strides = array<i32>} : memref<640xf32, #tpu.memory_space<vmem>>, vector<16xf32>,
    %get3A_190 = arith.constant 32 : index
    %get3A_191 = tpu.vector_load %arg13[%get3A_190] {strides = array<i32>} : memref<640xf32, #tpu.memory_space<vmem>>, vector<16xf32>,
    %add3A_192 = arith.constant 1.000000e-16 : f32
    %add3A_193 = vector.broadcast %add3A_192 : f32 to vector<16xf32>
    %add3A_194 = arith.addf %get3A_191, %add3A_193 : vector<16xf32>
    %div3A_195 = arith.constant 1.000000e+00 : f32
    %div3A_196 = vector.broadcast %div3A_195 : f32 to vector<16xf32>
    %div3A_197 = arith.divf %div3A_196, %add3A_194 : vector<16xf32>
    %swap3A_198 = arith.constant 32 : index
    %swap3A_199 = tpu.vector_load %arg13[%swap3A_198] {strides = array<i32>} : memref<640xf32, #tpu.memory_space<vmem>>, vector<16xf32>,
    tpu.vector_store %arg13[%swap3A_198], %div3A_197 {strides = array<i32>} : memref<640xf32, #tpu.memory_space<vmem>>, vector<16xf32>,
    %get3A_200 = arith.constant 48 : index
    %get3A_201 = tpu.vector_load %arg13[%get3A_200] {strides = array<i32>} : memref<640xf32, #tpu.memory_space<vmem>>, vector<16xf32>,
    %add3A_202 = arith.constant 1.000000e-16 : f32
    %add3A_203 = vector.broadcast %add3A_202 : f32 to vector<16xf32>
    %add3A_204 = arith.addf %get3A_201, %add3A_203 : vector<16xf32>
    %div3A_205 = arith.constant 1.000000e+00 : f32
    %div3A_206 = vector.broadcast %div3A_205 : f32 to vector<16xf32>
    %div3A_207 = arith.divf %div3A_206, %add3A_204 : vector<16xf32>
    %swap3A_208 = arith.constant 48 : index
    %swap3A_209 = tpu.vector_load %arg13[%swap3A_208] {strides = array<i32>} : memref<640xf32, #tpu.memory_space<vmem>>, vector<16xf32>,
    tpu.vector_store %arg13[%swap3A_208], %div3A_207 {strides = array<i32>} : memref<640xf32, #tpu.memory_space<vmem>>, vector<16xf32>,
    %get3A_210 = arith.constant 64 : index
    %get3A_211 = tpu.vector_load %arg13[%get3A_210] {strides = array<i32>} : memref<640xf32, #tpu.memory_space<vmem>>, vector<16xf32>,
    %add3A_212 = arith.constant 1.000000e-16 : f32
    %add3A_213 = vector.broadcast %add3A_212 : f32 to vector<16xf32>
    %add3A_214 = arith.addf %get3A_211, %add3A_213 : vector<16xf32>
    %div3A_215 = arith.constant 1.000000e+00 : f32
    %div3A_216 = vector.broadcast %div3A_215 : f32 to vector<16xf32>
    %div3A_217 = arith.divf %div3A_216, %add3A_214 : vector<16xf32>
    %swap3A_218 = arith.constant 64 : index
    %swap3A_219 = tpu.vector_load %arg13[%swap3A_218] {strides = array<i32>} : memref<640xf32, #tpu.memory_space<vmem>>, vector<16xf32>,
    tpu.vector_store %arg13[%swap3A_218], %div3A_217 {strides = array<i32>} : memref<640xf32, #tpu.memory_space<vmem>>, vector<16xf32>,
    %get3A_220 = arith.constant 80 : index
    %get3A_221 = tpu.vector_load %arg13[%get3A_220] {strides = array<i32>} : memref<640xf32, #tpu.memory_space<vmem>>, vector<16xf32>,
    %add3A_222 = arith.constant 1.000000e-16 : f32
    %add3A_223 = vector.broadcast %add3A_222 : f32 to vector<16xf32>
    %add3A_224 = arith.addf %get3A_221, %add3A_223 : vector<16xf32>
    %div3A_225 = arith.constant 1.000000e+00 : f32
    %div3A_226 = vector.broadcast %div3A_225 : f32 to vector<16xf32>
    %div3A_227 = arith.divf %div3A_226, %add3A_224 : vector<16xf32>
    %swap3A_228 = arith.constant 80 : index
    %swap3A_229 = tpu.vector_load %arg13[%swap3A_228] {strides = array<i32>} : memref<640xf32, #tpu.memory_space<vmem>>, vector<16xf32>,
    tpu.vector_store %arg13[%swap3A_228], %div3A_227 {strides = array<i32>} : memref<640xf32, #tpu.memory_space<vmem>>, vector<16xf32>,
    %get3A_230 = arith.constant 96 : index
    %get3A_231 = tpu.vector_load %arg13[%get3A_230] {strides = array<i32>} : memref<640xf32, #tpu.memory_space<vmem>>, vector<16xf32>,
    %add3A_232 = arith.constant 1.000000e-16 : f32
    %add3A_233 = vector.broadcast %add3A_232 : f32 to vector<16xf32>
    %add3A_234 = arith.addf %get3A_231, %add3A_233 : vector<16xf32>
    %div3A_235 = arith.constant 1.000000e+00 : f32
    %div3A_236 = vector.broadcast %div3A_235 : f32 to vector<16xf32>
    %div3A_237 = arith.divf %div3A_236, %add3A_234 : vector<16xf32>
    %swap3A_238 = arith.constant 96 : index
    %swap3A_239 = tpu.vector_load %arg13[%swap3A_238] {strides = array<i32>} : memref<640xf32, #tpu.memory_space<vmem>>, vector<16xf32>,
    tpu.vector_store %arg13[%swap3A_238], %div3A_237 {strides = array<i32>} : memref<640xf32, #tpu.memory_space<vmem>>, vector<16xf32>,
    %get3A_240 = arith.constant 112 : index
    %get3A_241 = tpu.vector_load %arg13[%get3A_240] {strides = array<i32>} : memref<640xf32, #tpu.memory_space<vmem>>, vector<16xf32>,
    %add3A_242 = arith.constant 1.000000e-16 : f32
    %add3A_243 = vector.broadcast %add3A_242 : f32 to vector<16xf32>
    %add3A_244 = arith.addf %get3A_241, %add3A_243 : vector<16xf32>
    %div3A_245 = arith.constant 1.000000e+00 : f32
    %div3A_246 = vector.broadcast %div3A_245 : f32 to vector<16xf32>
    %div3A_247 = arith.divf %div3A_246, %add3A_244 : vector<16xf32>
    %swap3A_248 = arith.constant 112 : index
    %swap3A_249 = tpu.vector_load %arg13[%swap3A_248] {strides = array<i32>} : memref<640xf32, #tpu.memory_space<vmem>>, vector<16xf32>,
    tpu.vector_store %arg13[%swap3A_248], %div3A_247 {strides = array<i32>} : memref<640xf32, #tpu.memory_space<vmem>>, vector<16xf32>,
    %get3A_250 = arith.constant 128 : index
    %get3A_251 = tpu.vector_load %arg13[%get3A_250] {strides = array<i32>} : memref<640xf32, #tpu.memory_space<vmem>>, vector<16xf32>,
    %add3A_252 = arith.constant 1.000000e-16 : f32
    %add3A_253 = vector.broadcast %add3A_252 : f32 to vector<16xf32>
    %add3A_254 = arith.addf %get3A_251, %add3A_253 : vector<16xf32>
    %div3A_255 = arith.constant 1.000000e+00 : f32
    %div3A_256 = vector.broadcast %div3A_255 : f32 to vector<16xf32>
    %div3A_257 = arith.divf %div3A_256, %add3A_254 : vector<16xf32>
    %swap3A_258 = arith.constant 128 : index
    %swap3A_259 = tpu.vector_load %arg13[%swap3A_258] {strides = array<i32>} : memref<640xf32, #tpu.memory_space<vmem>>, vector<16xf32>,
    tpu.vector_store %arg13[%swap3A_258], %div3A_257 {strides = array<i32>} : memref<640xf32, #tpu.memory_space<vmem>>, vector<16xf32>,
    %get3A_260 = arith.constant 144 : index
    %get3A_261 = tpu.vector_load %arg13[%get3A_260] {strides = array<i32>} : memref<640xf32, #tpu.memory_space<vmem>>, vector<16xf32>,
    %add3A_262 = arith.constant 1.000000e-16 : f32
    %add3A_263 = vector.broadcast %add3A_262 : f32 to vector<16xf32>
    %add3A_264 = arith.addf %get3A_261, %add3A_263 : vector<16xf32>
    %div3A_265 = arith.constant 1.000000e+00 : f32
    %div3A_266 = vector.broadcast %div3A_265 : f32 to vector<16xf32>
    %div3A_267 = arith.divf %div3A_266, %add3A_264 : vector<16xf32>
    %swap3A_268 = arith.constant 144 : index
    %swap3A_269 = tpu.vector_load %arg13[%swap3A_268] {strides = array<i32>} : memref<640xf32, #tpu.memory_space<vmem>>, vector<16xf32>,
    tpu.vector_store %arg13[%swap3A_268], %div3A_267 {strides = array<i32>} : memref<640xf32, #tpu.memory_space<vmem>>, vector<16xf32>,
    %get3A_270 = arith.constant 160 : index
    %get3A_271 = tpu.vector_load %arg13[%get3A_270] {strides = array<i32>} : memref<640xf32, #tpu.memory_space<vmem>>, vector<16xf32>,
    %add3A_272 = arith.constant 1.000000e-16 : f32
    %add3A_273 = vector.broadcast %add3A_272 : f32 to vector<16xf32>
    %add3A_274 = arith.addf %get3A_271, %add3A_273 : vector<16xf32>
    %div3A_275 = arith.constant 1.000000e+00 : f32
    %div3A_276 = vector.broadcast %div3A_275 : f32 to vector<16xf32>
    %div3A_277 = arith.divf %div3A_276, %add3A_274 : vector<16xf32>
    %swap3A_278 = arith.constant 160 : index
    %swap3A_279 = tpu.vector_load %arg13[%swap3A_278] {strides = array<i32>} : memref<640xf32, #tpu.memory_space<vmem>>, vector<16xf32>,
    tpu.vector_store %arg13[%swap3A_278], %div3A_277 {strides = array<i32>} : memref<640xf32, #tpu.memory_space<vmem>>, vector<16xf32>,
    %get3A_280 = arith.constant 176 : index
    %get3A_281 = tpu.vector_load %arg13[%get3A_280] {strides = array<i32>} : memref<640xf32, #tpu.memory_space<vmem>>, vector<16xf32>,
    %add3A_282 = arith.constant 1.000000e-16 : f32
    %add3A_283 = vector.broadcast %add3A_282 : f32 to vector<16xf32>
    %add3A_284 = arith.addf %get3A_281, %add3A_283 : vector<16xf32>
    %div3A_285 = arith.constant 1.000000e+00 : f32
    %div3A_286 = vector.broadcast %div3A_285 : f32 to vector<16xf32>
    %div3A_287 = arith.divf %div3A_286, %add3A_284 : vector<16xf32>
    %swap3A_288 = arith.constant 176 : index
    %swap3A_289 = tpu.vector_load %arg13[%swap3A_288] {strides = array<i32>} : memref<640xf32, #tpu.memory_space<vmem>>, vector<16xf32>,
    tpu.vector_store %arg13[%swap3A_288], %div3A_287 {strides = array<i32>} : memref<640xf32, #tpu.memory_space<vmem>>, vector<16xf32>,
    %get3A_290 = arith.constant 192 : index
    %get3A_291 = tpu.vector_load %arg13[%get3A_290] {strides = array<i32>} : memref<640xf32, #tpu.memory_space<vmem>>, vector<16xf32>,
    %add3A_292 = arith.constant 1.000000e-16 : f32
    %add3A_293 = vector.broadcast %add3A_292 : f32 to vector<16xf32>
    %add3A_294 = arith.addf %get3A_291, %add3A_293 : vector<16xf32>
    %div3A_295 = arith.constant 1.000000e+00 : f32
    %div3A_296 = vector.broadcast %div3A_295 : f32 to vector<16xf32>
    %div3A_297 = arith.divf %div3A_296, %add3A_294 : vector<16xf32>
    %swap3A_298 = arith.constant 192 : index
    %swap3A_299 = tpu.vector_load %arg13[%swap3A_298] {strides = array<i32>} : memref<640xf32, #tpu.memory_space<vmem>>, vector<16xf32>,
    tpu.vector_store %arg13[%swap3A_298], %div3A_297 {strides = array<i32>} : memref<640xf32, #tpu.memory_space<vmem>>, vector<16xf32>,
    %get3A_300 = arith.constant 208 : index
    %get3A_301 = tpu.vector_load %arg13[%get3A_300] {strides = array<i32>} : memref<640xf32, #tpu.memory_space<vmem>>, vector<16xf32>,
    %add3A_302 = arith.constant 1.000000e-16 : f32
    %add3A_303 = vector.broadcast %add3A_302 : f32 to vector<16xf32>
    %add3A_304 = arith.addf %get3A_301, %add3A_303 : vector<16xf32>
    %div3A_305 = arith.constant 1.000000e+00 : f32
    %div3A_306 = vector.broadcast %div3A_305 : f32 to vector<16xf32>
    %div3A_307 = arith.divf %div3A_306, %add3A_304 : vector<16xf32>
    %swap3A_308 = arith.constant 208 : index
    %swap3A_309 = tpu.vector_load %arg13[%swap3A_308] {strides = array<i32>} : memref<640xf32, #tpu.memory_space<vmem>>, vector<16xf32>,
    tpu.vector_store %arg13[%swap3A_308], %div3A_307 {strides = array<i32>} : memref<640xf32, #tpu.memory_space<vmem>>, vector<16xf32>,
    %get3A_310 = arith.constant 224 : index
    %get3A_311 = tpu.vector_load %arg13[%get3A_310] {strides = array<i32>} : memref<640xf32, #tpu.memory_space<vmem>>, vector<16xf32>,
    %add3A_312 = arith.constant 1.000000e-16 : f32
    %add3A_313 = vector.broadcast %add3A_312 : f32 to vector<16xf32>
    %add3A_314 = arith.addf %get3A_311, %add3A_313 : vector<16xf32>
    %div3A_315 = arith.constant 1.000000e+00 : f32
    %div3A_316 = vector.broadcast %div3A_315 : f32 to vector<16xf32>
    %div3A_317 = arith.divf %div3A_316, %add3A_314 : vector<16xf32>
    %swap3A_318 = arith.constant 224 : index
    %swap3A_319 = tpu.vector_load %arg13[%swap3A_318] {strides = array<i32>} : memref<640xf32, #tpu.memory_space<vmem>>, vector<16xf32>,
    tpu.vector_store %arg13[%swap3A_318], %div3A_317 {strides = array<i32>} : memref<640xf32, #tpu.memory_space<vmem>>, vector<16xf32>,
    %get3A_320 = arith.constant 240 : index
    %get3A_321 = tpu.vector_load %arg13[%get3A_320] {strides = array<i32>} : memref<640xf32, #tpu.memory_space<vmem>>, vector<16xf32>,
    %add3A_322 = arith.constant 1.000000e-16 : f32
    %add3A_323 = vector.broadcast %add3A_322 : f32 to vector<16xf32>
    %add3A_324 = arith.addf %get3A_321, %add3A_323 : vector<16xf32>
    %div3A_325 = arith.constant 1.000000e+00 : f32
    %div3A_326 = vector.broadcast %div3A_325 : f32 to vector<16xf32>
    %div3A_327 = arith.divf %div3A_326, %add3A_324 : vector<16xf32>
    %swap3A_328 = arith.constant 240 : index
    %swap3A_329 = tpu.vector_load %arg13[%swap3A_328] {strides = array<i32>} : memref<640xf32, #tpu.memory_space<vmem>>, vector<16xf32>,
    tpu.vector_store %arg13[%swap3A_328], %div3A_327 {strides = array<i32>} : memref<640xf32, #tpu.memory_space<vmem>>, vector<16xf32>,
    %get3A_330 = arith.constant 256 : index
    %get3A_331 = tpu.vector_load %arg13[%get3A_330] {strides = array<i32>} : memref<640xf32, #tpu.memory_space<vmem>>, vector<16xf32>,
    %add3A_332 = arith.constant 1.000000e-16 : f32
    %add3A_333 = vector.broadcast %add3A_332 : f32 to vector<16xf32>
    %add3A_334 = arith.addf %get3A_331, %add3A_333 : vector<16xf32>
    %div3A_335 = arith.constant 1.000000e+00 : f32
    %div3A_336 = vector.broadcast %div3A_335 : f32 to vector<16xf32>
    %div3A_337 = arith.divf %div3A_336, %add3A_334 : vector<16xf32>
    %swap3A_338 = arith.constant 256 : index
    %swap3A_339 = tpu.vector_load %arg13[%swap3A_338] {strides = array<i32>} : memref<640xf32, #tpu.memory_space<vmem>>, vector<16xf32>,
    tpu.vector_store %arg13[%swap3A_338], %div3A_337 {strides = array<i32>} : memref<640xf32, #tpu.memory_space<vmem>>, vector<16xf32>,
    %get3A_340 = arith.constant 272 : index
    %get3A_341 = tpu.vector_load %arg13[%get3A_340] {strides = array<i32>} : memref<640xf32, #tpu.memory_space<vmem>>, vector<16xf32>,
    %add3A_342 = arith.constant 1.000000e-16 : f32
    %add3A_343 = vector.broadcast %add3A_342 : f32 to vector<16xf32>
    %add3A_344 = arith.addf %get3A_341, %add3A_343 : vector<16xf32>
    %div3A_345 = arith.constant 1.000000e+00 : f32
    %div3A_346 = vector.broadcast %div3A_345 : f32 to vector<16xf32>
    %div3A_347 = arith.divf %div3A_346, %add3A_344 : vector<16xf32>
    %swap3A_348 = arith.constant 272 : index
    %swap3A_349 = tpu.vector_load %arg13[%swap3A_348] {strides = array<i32>} : memref<640xf32, #tpu.memory_space<vmem>>, vector<16xf32>,
    tpu.vector_store %arg13[%swap3A_348], %div3A_347 {strides = array<i32>} : memref<640xf32, #tpu.memory_space<vmem>>, vector<16xf32>,
    %get3A_350 = arith.constant 288 : index
    %get3A_351 = tpu.vector_load %arg13[%get3A_350] {strides = array<i32>} : memref<640xf32, #tpu.memory_space<vmem>>, vector<16xf32>,
    %add3A_352 = arith.constant 1.000000e-16 : f32
    %add3A_353 = vector.broadcast %add3A_352 : f32 to vector<16xf32>
    %add3A_354 = arith.addf %get3A_351, %add3A_353 : vector<16xf32>
    %div3A_355 = arith.constant 1.000000e+00 : f32
    %div3A_356 = vector.broadcast %div3A_355 : f32 to vector<16xf32>
    %div3A_357 = arith.divf %div3A_356, %add3A_354 : vector<16xf32>
    %swap3A_358 = arith.constant 288 : index
    %swap3A_359 = tpu.vector_load %arg13[%swap3A_358] {strides = array<i32>} : memref<640xf32, #tpu.memory_space<vmem>>, vector<16xf32>,
    tpu.vector_store %arg13[%swap3A_358], %div3A_357 {strides = array<i32>} : memref<640xf32, #tpu.memory_space<vmem>>, vector<16xf32>,
    %get3A_360 = arith.constant 304 : index
    %get3A_361 = tpu.vector_load %arg13[%get3A_360] {strides = array<i32>} : memref<640xf32, #tpu.memory_space<vmem>>, vector<16xf32>,
    %add3A_362 = arith.constant 1.000000e-16 : f32
    %add3A_363 = vector.broadcast %add3A_362 : f32 to vector<16xf32>
    %add3A_364 = arith.addf %get3A_361, %add3A_363 : vector<16xf32>
    %div3A_365 = arith.constant 1.000000e+00 : f32
    %div3A_366 = vector.broadcast %div3A_365 : f32 to vector<16xf32>
    %div3A_367 = arith.divf %div3A_366, %add3A_364 : vector<16xf32>
    %swap3A_368 = arith.constant 304 : index
    %swap3A_369 = tpu.vector_load %arg13[%swap3A_368] {strides = array<i32>} : memref<640xf32, #tpu.memory_space<vmem>>, vector<16xf32>,
    tpu.vector_store %arg13[%swap3A_368], %div3A_367 {strides = array<i32>} : memref<640xf32, #tpu.memory_space<vmem>>, vector<16xf32>,
    %get3A_370 = arith.constant 320 : index
    %get3A_371 = tpu.vector_load %arg13[%get3A_370] {strides = array<i32>} : memref<640xf32, #tpu.memory_space<vmem>>, vector<16xf32>,
    %add3A_372 = arith.constant 1.000000e-16 : f32
    %add3A_373 = vector.broadcast %add3A_372 : f32 to vector<16xf32>
    %add3A_374 = arith.addf %get3A_371, %add3A_373 : vector<16xf32>
    %div3A_375 = arith.constant 1.000000e+00 : f32
    %div3A_376 = vector.broadcast %div3A_375 : f32 to vector<16xf32>
    %div3A_377 = arith.divf %div3A_376, %add3A_374 : vector<16xf32>
    %swap3A_378 = arith.constant 320 : index
    %swap3A_379 = tpu.vector_load %arg13[%swap3A_378] {strides = array<i32>} : memref<640xf32, #tpu.memory_space<vmem>>, vector<16xf32>,
    tpu.vector_store %arg13[%swap3A_378], %div3A_377 {strides = array<i32>} : memref<640xf32, #tpu.memory_space<vmem>>, vector<16xf32>,
    %get3A_380 = arith.constant 336 : index
    %get3A_381 = tpu.vector_load %arg13[%get3A_380] {strides = array<i32>} : memref<640xf32, #tpu.memory_space<vmem>>, vector<16xf32>,
    %add3A_382 = arith.constant 1.000000e-16 : f32
    %add3A_383 = vector.broadcast %add3A_382 : f32 to vector<16xf32>
    %add3A_384 = arith.addf %get3A_381, %add3A_383 : vector<16xf32>
    %div3A_385 = arith.constant 1.000000e+00 : f32
    %div3A_386 = vector.broadcast %div3A_385 : f32 to vector<16xf32>
    %div3A_387 = arith.divf %div3A_386, %add3A_384 : vector<16xf32>
    %swap3A_388 = arith.constant 336 : index
    %swap3A_389 = tpu.vector_load %arg13[%swap3A_388] {strides = array<i32>} : memref<640xf32, #tpu.memory_space<vmem>>, vector<16xf32>,
    tpu.vector_store %arg13[%swap3A_388], %div3A_387 {strides = array<i32>} : memref<640xf32, #tpu.memory_space<vmem>>, vector<16xf32>,
    %get3A_390 = arith.constant 352 : index
    %get3A_391 = tpu.vector_load %arg13[%get3A_390] {strides = array<i32>} : memref<640xf32, #tpu.memory_space<vmem>>, vector<16xf32>,
    %add3A_392 = arith.constant 1.000000e-16 : f32
    %add3A_393 = vector.broadcast %add3A_392 : f32 to vector<16xf32>
    %add3A_394 = arith.addf %get3A_391, %add3A_393 : vector<16xf32>
    %div3A_395 = arith.constant 1.000000e+00 : f32
    %div3A_396 = vector.broadcast %div3A_395 : f32 to vector<16xf32>
    %div3A_397 = arith.divf %div3A_396, %add3A_394 : vector<16xf32>
    %swap3A_398 = arith.constant 352 : index
    %swap3A_399 = tpu.vector_load %arg13[%swap3A_398] {strides = array<i32>} : memref<640xf32, #tpu.memory_space<vmem>>, vector<16xf32>,
    tpu.vector_store %arg13[%swap3A_398], %div3A_397 {strides = array<i32>} : memref<640xf32, #tpu.memory_space<vmem>>, vector<16xf32>,
    %get3A_400 = arith.constant 368 : index
    %get3A_401 = tpu.vector_load %arg13[%get3A_400] {strides = array<i32>} : memref<640xf32, #tpu.memory_space<vmem>>, vector<16xf32>,
    %add3A_402 = arith.constant 1.000000e-16 : f32
    %add3A_403 = vector.broadcast %add3A_402 : f32 to vector<16xf32>
    %add3A_404 = arith.addf %get3A_401, %add3A_403 : vector<16xf32>
    %div3A_405 = arith.constant 1.000000e+00 : f32
    %div3A_406 = vector.broadcast %div3A_405 : f32 to vector<16xf32>
    %div3A_407 = arith.divf %div3A_406, %add3A_404 : vector<16xf32>
    %swap3A_408 = arith.constant 368 : index
    %swap3A_409 = tpu.vector_load %arg13[%swap3A_408] {strides = array<i32>} : memref<640xf32, #tpu.memory_space<vmem>>, vector<16xf32>,
    tpu.vector_store %arg13[%swap3A_408], %div3A_407 {strides = array<i32>} : memref<640xf32, #tpu.memory_space<vmem>>, vector<16xf32>,
    %get3A_410 = arith.constant 384 : index
    %get3A_411 = tpu.vector_load %arg13[%get3A_410] {strides = array<i32>} : memref<640xf32, #tpu.memory_space<vmem>>, vector<16xf32>,
    %add3A_412 = arith.constant 1.000000e-16 : f32
    %add3A_413 = vector.broadcast %add3A_412 : f32 to vector<16xf32>
    %add3A_414 = arith.addf %get3A_411, %add3A_413 : vector<16xf32>
    %div3A_415 = arith.constant 1.000000e+00 : f32
    %div3A_416 = vector.broadcast %div3A_415 : f32 to vector<16xf32>
    %div3A_417 = arith.divf %div3A_416, %add3A_414 : vector<16xf32>
    %swap3A_418 = arith.constant 384 : index
    %swap3A_419 = tpu.vector_load %arg13[%swap3A_418] {strides = array<i32>} : memref<640xf32, #tpu.memory_space<vmem>>, vector<16xf32>,
    tpu.vector_store %arg13[%swap3A_418], %div3A_417 {strides = array<i32>} : memref<640xf32, #tpu.memory_space<vmem>>, vector<16xf32>,
    %get3A_420 = arith.constant 400 : index
    %get3A_421 = tpu.vector_load %arg13[%get3A_420] {strides = array<i32>} : memref<640xf32, #tpu.memory_space<vmem>>, vector<16xf32>,
    %add3A_422 = arith.constant 1.000000e-16 : f32
    %add3A_423 = vector.broadcast %add3A_422 : f32 to vector<16xf32>
    %add3A_424 = arith.addf %get3A_421, %add3A_423 : vector<16xf32>
    %div3A_425 = arith.constant 1.000000e+00 : f32
    %div3A_426 = vector.broadcast %div3A_425 : f32 to vector<16xf32>
    %div3A_427 = arith.divf %div3A_426, %add3A_424 : vector<16xf32>
    %swap3A_428 = arith.constant 400 : index
    %swap3A_429 = tpu.vector_load %arg13[%swap3A_428] {strides = array<i32>} : memref<640xf32, #tpu.memory_space<vmem>>, vector<16xf32>,
    tpu.vector_store %arg13[%swap3A_428], %div3A_427 {strides = array<i32>} : memref<640xf32, #tpu.memory_space<vmem>>, vector<16xf32>,
    %get3A_430 = arith.constant 416 : index
    %get3A_431 = tpu.vector_load %arg13[%get3A_430] {strides = array<i32>} : memref<640xf32, #tpu.memory_space<vmem>>, vector<16xf32>,
    %add3A_432 = arith.constant 1.000000e-16 : f32
    %add3A_433 = vector.broadcast %add3A_432 : f32 to vector<16xf32>
    %add3A_434 = arith.addf %get3A_431, %add3A_433 : vector<16xf32>
    %div3A_435 = arith.constant 1.000000e+00 : f32
    %div3A_436 = vector.broadcast %div3A_435 : f32 to vector<16xf32>
    %div3A_437 = arith.divf %div3A_436, %add3A_434 : vector<16xf32>
    %swap3A_438 = arith.constant 416 : index
    %swap3A_439 = tpu.vector_load %arg13[%swap3A_438] {strides = array<i32>} : memref<640xf32, #tpu.memory_space<vmem>>, vector<16xf32>,
    tpu.vector_store %arg13[%swap3A_438], %div3A_437 {strides = array<i32>} : memref<640xf32, #tpu.memory_space<vmem>>, vector<16xf32>,
    %get3A_440 = arith.constant 432 : index
    %get3A_441 = tpu.vector_load %arg13[%get3A_440] {strides = array<i32>} : memref<640xf32, #tpu.memory_space<vmem>>, vector<16xf32>,
    %add3A_442 = arith.constant 1.000000e-16 : f32
    %add3A_443 = vector.broadcast %add3A_442 : f32 to vector<16xf32>
    %add3A_444 = arith.addf %get3A_441, %add3A_443 : vector<16xf32>
    %div3A_445 = arith.constant 1.000000e+00 : f32
    %div3A_446 = vector.broadcast %div3A_445 : f32 to vector<16xf32>
    %div3A_447 = arith.divf %div3A_446, %add3A_444 : vector<16xf32>
    %swap3A_448 = arith.constant 432 : index
    %swap3A_449 = tpu.vector_load %arg13[%swap3A_448] {strides = array<i32>} : memref<640xf32, #tpu.memory_space<vmem>>, vector<16xf32>,
    tpu.vector_store %arg13[%swap3A_448], %div3A_447 {strides = array<i32>} : memref<640xf32, #tpu.memory_space<vmem>>, vector<16xf32>,
    %get3A_450 = arith.constant 448 : index
    %get3A_451 = tpu.vector_load %arg13[%get3A_450] {strides = array<i32>} : memref<640xf32, #tpu.memory_space<vmem>>, vector<16xf32>,
    %add3A_452 = arith.constant 1.000000e-16 : f32
    %add3A_453 = vector.broadcast %add3A_452 : f32 to vector<16xf32>
    %add3A_454 = arith.addf %get3A_451, %add3A_453 : vector<16xf32>
    %div3A_455 = arith.constant 1.000000e+00 : f32
    %div3A_456 = vector.broadcast %div3A_455 : f32 to vector<16xf32>
    %div3A_457 = arith.divf %div3A_456, %add3A_454 : vector<16xf32>
    %swap3A_458 = arith.constant 448 : index
    %swap3A_459 = tpu.vector_load %arg13[%swap3A_458] {strides = array<i32>} : memref<640xf32, #tpu.memory_space<vmem>>, vector<16xf32>,
    tpu.vector_store %arg13[%swap3A_458], %div3A_457 {strides = array<i32>} : memref<640xf32, #tpu.memory_space<vmem>>, vector<16xf32>,
    %get3A_460 = arith.constant 464 : index
    %get3A_461 = tpu.vector_load %arg13[%get3A_460] {strides = array<i32>} : memref<640xf32, #tpu.memory_space<vmem>>, vector<16xf32>,
    %add3A_462 = arith.constant 1.000000e-16 : f32
    %add3A_463 = vector.broadcast %add3A_462 : f32 to vector<16xf32>
    %add3A_464 = arith.addf %get3A_461, %add3A_463 : vector<16xf32>
    %div3A_465 = arith.constant 1.000000e+00 : f32
    %div3A_466 = vector.broadcast %div3A_465 : f32 to vector<16xf32>
    %div3A_467 = arith.divf %div3A_466, %add3A_464 : vector<16xf32>
    %swap3A_468 = arith.constant 464 : index
    %swap3A_469 = tpu.vector_load %arg13[%swap3A_468] {strides = array<i32>} : memref<640xf32, #tpu.memory_space<vmem>>, vector<16xf32>,
    tpu.vector_store %arg13[%swap3A_468], %div3A_467 {strides = array<i32>} : memref<640xf32, #tpu.memory_space<vmem>>, vector<16xf32>,
    %get3A_470 = arith.constant 480 : index
    %get3A_471 = tpu.vector_load %arg13[%get3A_470] {strides = array<i32>} : memref<640xf32, #tpu.memory_space<vmem>>, vector<16xf32>,
    %add3A_472 = arith.constant 1.000000e-16 : f32
    %add3A_473 = vector.broadcast %add3A_472 : f32 to vector<16xf32>
    %add3A_474 = arith.addf %get3A_471, %add3A_473 : vector<16xf32>
    %div3A_475 = arith.constant 1.000000e+00 : f32
    %div3A_476 = vector.broadcast %div3A_475 : f32 to vector<16xf32>
    %div3A_477 = arith.divf %div3A_476, %add3A_474 : vector<16xf32>
    %swap3A_478 = arith.constant 480 : index
    %swap3A_479 = tpu.vector_load %arg13[%swap3A_478] {strides = array<i32>} : memref<640xf32, #tpu.memory_space<vmem>>, vector<16xf32>,
    tpu.vector_store %arg13[%swap3A_478], %div3A_477 {strides = array<i32>} : memref<640xf32, #tpu.memory_space<vmem>>, vector<16xf32>,
    %get3A_480 = arith.constant 496 : index
    %get3A_481 = tpu.vector_load %arg13[%get3A_480] {strides = array<i32>} : memref<640xf32, #tpu.memory_space<vmem>>, vector<16xf32>,
    %add3A_482 = arith.constant 1.000000e-16 : f32
    %add3A_483 = vector.broadcast %add3A_482 : f32 to vector<16xf32>
    %add3A_484 = arith.addf %get3A_481, %add3A_483 : vector<16xf32>
    %div3A_485 = arith.constant 1.000000e+00 : f32
    %div3A_486 = vector.broadcast %div3A_485 : f32 to vector<16xf32>
    %div3A_487 = arith.divf %div3A_486, %add3A_484 : vector<16xf32>
    %swap3A_488 = arith.constant 496 : index
    %swap3A_489 = tpu.vector_load %arg13[%swap3A_488] {strides = array<i32>} : memref<640xf32, #tpu.memory_space<vmem>>, vector<16xf32>,
    tpu.vector_store %arg13[%swap3A_488], %div3A_487 {strides = array<i32>} : memref<640xf32, #tpu.memory_space<vmem>>, vector<16xf32>,
    %get3A_490 = arith.constant 512 : index
    %get3A_491 = tpu.vector_load %arg13[%get3A_490] {strides = array<i32>} : memref<640xf32, #tpu.memory_space<vmem>>, vector<16xf32>,
    %add3A_492 = arith.constant 1.000000e-16 : f32
    %add3A_493 = vector.broadcast %add3A_492 : f32 to vector<16xf32>
    %add3A_494 = arith.addf %get3A_491, %add3A_493 : vector<16xf32>
    %div3A_495 = arith.constant 1.000000e+00 : f32
    %div3A_496 = vector.broadcast %div3A_495 : f32 to vector<16xf32>
    %div3A_497 = arith.divf %div3A_496, %add3A_494 : vector<16xf32>
    %swap3A_498 = arith.constant 512 : index
    %swap3A_499 = tpu.vector_load %arg13[%swap3A_498] {strides = array<i32>} : memref<640xf32, #tpu.memory_space<vmem>>, vector<16xf32>,
    tpu.vector_store %arg13[%swap3A_498], %div3A_497 {strides = array<i32>} : memref<640xf32, #tpu.memory_space<vmem>>, vector<16xf32>,
    %get3A_500 = arith.constant 528 : index
    %get3A_501 = tpu.vector_load %arg13[%get3A_500] {strides = array<i32>} : memref<640xf32, #tpu.memory_space<vmem>>, vector<16xf32>,
    %add3A_502 = arith.constant 1.000000e-16 : f32
    %add3A_503 = vector.broadcast %add3A_502 : f32 to vector<16xf32>
    %add3A_504 = arith.addf %get3A_501, %add3A_503 : vector<16xf32>
    %div3A_505 = arith.constant 1.000000e+00 : f32
    %div3A_506 = vector.broadcast %div3A_505 : f32 to vector<16xf32>
    %div3A_507 = arith.divf %div3A_506, %add3A_504 : vector<16xf32>
    %swap3A_508 = arith.constant 528 : index
    %swap3A_509 = tpu.vector_load %arg13[%swap3A_508] {strides = array<i32>} : memref<640xf32, #tpu.memory_space<vmem>>, vector<16xf32>,
    tpu.vector_store %arg13[%swap3A_508], %div3A_507 {strides = array<i32>} : memref<640xf32, #tpu.memory_space<vmem>>, vector<16xf32>,
    %get3A_510 = arith.constant 544 : index
    %get3A_511 = tpu.vector_load %arg13[%get3A_510] {strides = array<i32>} : memref<640xf32, #tpu.memory_space<vmem>>, vector<16xf32>,
    %add3A_512 = arith.constant 1.000000e-16 : f32
    %add3A_513 = vector.broadcast %add3A_512 : f32 to vector<16xf32>
    %add3A_514 = arith.addf %get3A_511, %add3A_513 : vector<16xf32>
    %div3A_515 = arith.constant 1.000000e+00 : f32
    %div3A_516 = vector.broadcast %div3A_515 : f32 to vector<16xf32>
    %div3A_517 = arith.divf %div3A_516, %add3A_514 : vector<16xf32>
    %swap3A_518 = arith.constant 544 : index
    %swap3A_519 = tpu.vector_load %arg13[%swap3A_518] {strides = array<i32>} : memref<640xf32, #tpu.memory_space<vmem>>, vector<16xf32>,
    tpu.vector_store %arg13[%swap3A_518], %div3A_517 {strides = array<i32>} : memref<640xf32, #tpu.memory_space<vmem>>, vector<16xf32>,
    %get3A_520 = arith.constant 560 : index
    %get3A_521 = tpu.vector_load %arg13[%get3A_520] {strides = array<i32>} : memref<640xf32, #tpu.memory_space<vmem>>, vector<16xf32>,
    %add3A_522 = arith.constant 1.000000e-16 : f32
    %add3A_523 = vector.broadcast %add3A_522 : f32 to vector<16xf32>
    %add3A_524 = arith.addf %get3A_521, %add3A_523 : vector<16xf32>
    %div3A_525 = arith.constant 1.000000e+00 : f32
    %div3A_526 = vector.broadcast %div3A_525 : f32 to vector<16xf32>
    %div3A_527 = arith.divf %div3A_526, %add3A_524 : vector<16xf32>
    %swap3A_528 = arith.constant 560 : index
    %swap3A_529 = tpu.vector_load %arg13[%swap3A_528] {strides = array<i32>} : memref<640xf32, #tpu.memory_space<vmem>>, vector<16xf32>,
    tpu.vector_store %arg13[%swap3A_528], %div3A_527 {strides = array<i32>} : memref<640xf32, #tpu.memory_space<vmem>>, vector<16xf32>,
    %get3A_530 = arith.constant 576 : index
    %get3A_531 = tpu.vector_load %arg13[%get3A_530] {strides = array<i32>} : memref<640xf32, #tpu.memory_space<vmem>>, vector<16xf32>,
    %add3A_532 = arith.constant 1.000000e-16 : f32
    %add3A_533 = vector.broadcast %add3A_532 : f32 to vector<16xf32>
    %add3A_534 = arith.addf %get3A_531, %add3A_533 : vector<16xf32>
    %div3A_535 = arith.constant 1.000000e+00 : f32
    %div3A_536 = vector.broadcast %div3A_535 : f32 to vector<16xf32>
    %div3A_537 = arith.divf %div3A_536, %add3A_534 : vector<16xf32>
    %swap3A_538 = arith.constant 576 : index
    %swap3A_539 = tpu.vector_load %arg13[%swap3A_538] {strides = array<i32>} : memref<640xf32, #tpu.memory_space<vmem>>, vector<16xf32>,
    tpu.vector_store %arg13[%swap3A_538], %div3A_537 {strides = array<i32>} : memref<640xf32, #tpu.memory_space<vmem>>, vector<16xf32>,
    %get3A_540 = arith.constant 592 : index
    %get3A_541 = tpu.vector_load %arg13[%get3A_540] {strides = array<i32>} : memref<640xf32, #tpu.memory_space<vmem>>, vector<16xf32>,
    %add3A_542 = arith.constant 1.000000e-16 : f32
    %add3A_543 = vector.broadcast %add3A_542 : f32 to vector<16xf32>
    %add3A_544 = arith.addf %get3A_541, %add3A_543 : vector<16xf32>
    %div3A_545 = arith.constant 1.000000e+00 : f32
    %div3A_546 = vector.broadcast %div3A_545 : f32 to vector<16xf32>
    %div3A_547 = arith.divf %div3A_546, %add3A_544 : vector<16xf32>
    %swap3A_548 = arith.constant 592 : index
    %swap3A_549 = tpu.vector_load %arg13[%swap3A_548] {strides = array<i32>} : memref<640xf32, #tpu.memory_space<vmem>>, vector<16xf32>,
    tpu.vector_store %arg13[%swap3A_548], %div3A_547 {strides = array<i32>} : memref<640xf32, #tpu.memory_space<vmem>>, vector<16xf32>,
    %get3A_550 = arith.constant 608 : index
    %get3A_551 = tpu.vector_load %arg13[%get3A_550] {strides = array<i32>} : memref<640xf32, #tpu.memory_space<vmem>>, vector<16xf32>,
    %add3A_552 = arith.constant 1.000000e-16 : f32
    %add3A_553 = vector.broadcast %add3A_552 : f32 to vector<16xf32>
    %add3A_554 = arith.addf %get3A_551, %add3A_553 : vector<16xf32>
    %div3A_555 = arith.constant 1.000000e+00 : f32
    %div3A_556 = vector.broadcast %div3A_555 : f32 to vector<16xf32>
    %div3A_557 = arith.divf %div3A_556, %add3A_554 : vector<16xf32>
    %swap3A_558 = arith.constant 608 : index
    %swap3A_559 = tpu.vector_load %arg13[%swap3A_558] {strides = array<i32>} : memref<640xf32, #tpu.memory_space<vmem>>, vector<16xf32>,
    tpu.vector_store %arg13[%swap3A_558], %div3A_557 {strides = array<i32>} : memref<640xf32, #tpu.memory_space<vmem>>, vector<16xf32>,
    %get3A_560 = arith.constant 624 : index
    %get3A_561 = tpu.vector_load %arg13[%get3A_560] {strides = array<i32>} : memref<640xf32, #tpu.memory_space<vmem>>, vector<16xf32>,
    %add3A_562 = arith.constant 1.000000e-16 : f32
    %add3A_563 = vector.broadcast %add3A_562 : f32 to vector<16xf32>
    %add3A_564 = arith.addf %get3A_561, %add3A_563 : vector<16xf32>
    %div3A_565 = arith.constant 1.000000e+00 : f32
    %div3A_566 = vector.broadcast %div3A_565 : f32 to vector<16xf32>
    %div3A_567 = arith.divf %div3A_566, %add3A_564 : vector<16xf32>
    %swap3A_568 = arith.constant 624 : index
    %swap3A_569 = tpu.vector_load %arg13[%swap3A_568] {strides = array<i32>} : memref<640xf32, #tpu.memory_space<vmem>>, vector<16xf32>,
    tpu.vector_store %arg13[%swap3A_568], %div3A_567 {strides = array<i32>} : memref<640xf32, #tpu.memory_space<vmem>>, vector<16xf32>,
    %add3A_570 = arith.constant 0 : i32
    %add3A_571 = arith.addi %mul3A_0, %add3A_570 : i32
    "tpu.region"() ({
      %run_scoped3A = tpu.sem_alloc : memref<!tpu.dma_semaphore, #tpu.memory_space<semaphore_mem>>
      %dma_start3A = arith.constant 0 : i32
      %dma_start3A_604 = arith.constant 0 : i32
      %dma_start3A_605 = tpu.memref_slice %arg19[%dma_start3A, %dma_start3A_604] : memref<256x64xf32, #tpu.memory_space<vmem>> -> memref<128x64xf32, #tpu.memory_space<vmem>>
      %dma_start3A_606 = arith.constant 0 : i32
      %dma_start3A_607 = tpu.memref_slice %arg21[%add3A_571, %dma_start3A_606] : memref<10240x64xf32, #tpu.memory_space<vmem_shared>> -> memref<128x64xf32, #tpu.memory_space<vmem_shared>>
      %dma_start3A_608 = arith.constant 0 : i32
      %dma_start3A_609 = arith.constant 0 : i32
      %dma_start3A_610 = tpu.memref_slice %arg19[%dma_start3A_608, %dma_start3A_609] : memref<256x64xf32, #tpu.memory_space<vmem>> -> memref<128x64xf32, #tpu.memory_space<vmem>>
      %dma_start3A_611 = arith.constant 0 : i32
      %dma_start3A_612 = tpu.memref_slice %arg21[%add3A_571, %dma_start3A_611] : memref<10240x64xf32, #tpu.memory_space<vmem_shared>> -> memref<128x64xf32, #tpu.memory_space<vmem_shared>>
      tpu.enqueue_dma source(%dma_start3A_612 : memref<128x64xf32, #tpu.memory_space<vmem_shared>>) target(%dma_start3A_610 : memref<128x64xf32, #tpu.memory_space<vmem>>) target_semaphore(%run_scoped3A : memref<!tpu.dma_semaphore, #tpu.memory_space<semaphore_mem>>)
      %dma_wait3A_613 = arith.constant 0 : i32
      %dma_wait3A_614 = arith.constant 0 : i32
      %dma_wait3A_615 = tpu.memref_slice %arg19[%dma_wait3A_613, %dma_wait3A_614] : memref<256x64xf32, #tpu.memory_space<vmem>> -> memref<128x64xf32, #tpu.memory_space<vmem>>
      %dma_wait3A_616 = arith.constant 0 : i32
      %dma_wait3A_617 = tpu.memref_slice %arg21[%add3A_571, %dma_wait3A_616] : memref<10240x64xf32, #tpu.memory_space<vmem_shared>> -> memref<128x64xf32, #tpu.memory_space<vmem_shared>>
      %dma_wait3A_618 = arith.constant 0 : i32
      %dma_wait3A_619 = arith.constant 0 : i32
      %dma_wait3A_620 = tpu.memref_slice %arg19[%dma_wait3A_618, %dma_wait3A_619] : memref<256x64xf32, #tpu.memory_space<vmem>> -> memref<128x64xf32, #tpu.memory_space<vmem>>
      %dma_wait3A_621 = arith.constant 0 : i32
      %dma_wait3A_622 = tpu.memref_slice %arg21[%add3A_571, %dma_wait3A_621] : memref<10240x64xf32, #tpu.memory_space<vmem_shared>> -> memref<128x64xf32, #tpu.memory_space<vmem_shared>>
      tpu.wait_dma2 semaphore(%run_scoped3A : memref<!tpu.dma_semaphore, #tpu.memory_space<semaphore_mem>>) src(%dma_wait3A_622 : memref<128x64xf32, #tpu.memory_space<vmem_shared>>) dst(%dma_wait3A_620 : memref<128x64xf32, #tpu.memory_space<vmem>>)
      tpu.yield
    }) : () -> ()
    %parallel_loop3A = arith.constant 0 : i32
    %parallel_loop3A_572 = arith.constant 128 : i32
    %parallel_loop3A_573 = arith.constant 1 : i32
    scf.for %parallel_loop3A_604 = %parallel_loop3A to %parallel_loop3A_572 step %parallel_loop3A_573  : i32 {
      %parallel_loop3A_605 = arith.constant 0 : i32
      %parallel_loop3A_606 = arith.addi %parallel_loop3A_605, %parallel_loop3A_604 : i32
      %parallel_loop3A_607 = vector.broadcast %parallel_loop3A_606 : i32 to vector<16xi32>
      %parallel_loop3A_608 = tpu.vector_load_idx %arg13[%parallel_loop3A_607] : memref<640xf32, #tpu.memory_space<vmem>>[vector<16xi32>], vector<16xf32>,
      %parallel_loop3A_609 = arith.constant 0 : i32
      %parallel_loop3A_610 = arith.addi %mul3A_170, %parallel_loop3A_609 : i32
      %parallel_loop3A_611 = arith.index_cast %parallel_loop3A_610 : i32 to index
      %parallel_loop3A_612 = tpu.vector_load %arg14[%parallel_loop3A_611] {strides = array<i32>} : memref<128xf32, #tpu.memory_space<vmem>>, vector<16xf32>,
      %parallel_loop3A_613 = arith.index_cast %parallel_loop3A_604 : i32 to index
      %parallel_loop3A_614 = arith.constant 0 : index
      %parallel_loop3A_615 = tpu.vector_load %arg19[%parallel_loop3A_613, %parallel_loop3A_614] {strides = array<i32>} : memref<256x64xf32, #tpu.memory_space<vmem>>, vector<16xf32>,
      %parallel_loop3A_616 = arith.mulf %parallel_loop3A_615, %parallel_loop3A_608 : vector<16xf32>
      %parallel_loop3A_617 = arith.addf %parallel_loop3A_616, %parallel_loop3A_612 : vector<16xf32>
      %parallel_loop3A_618 = arith.constant 0.000000e+00 : f32
      %parallel_loop3A_619 = vector.broadcast %parallel_loop3A_618 : f32 to vector<16xf32>
      %parallel_loop3A_620 = arith.maximumf %parallel_loop3A_617, %parallel_loop3A_619 : vector<16xf32>
      %parallel_loop3A_621 = arith.index_cast %parallel_loop3A_604 : i32 to index
      %parallel_loop3A_622 = arith.constant 0 : index
      %parallel_loop3A_623 = tpu.vector_load %arg19[%parallel_loop3A_621, %parallel_loop3A_622] {strides = array<i32>} : memref<256x64xf32, #tpu.memory_space<vmem>>, vector<16xf32>,
      tpu.vector_store %arg19[%parallel_loop3A_621, %parallel_loop3A_622], %parallel_loop3A_620 {strides = array<i32>} : memref<256x64xf32, #tpu.memory_space<vmem>>, vector<16xf32>,
      %parallel_loop3A_624 = arith.constant 16 : i32
      %parallel_loop3A_625 = arith.addi %mul3A_170, %parallel_loop3A_624 : i32
      %parallel_loop3A_626 = arith.index_cast %parallel_loop3A_625 : i32 to index
      %parallel_loop3A_627 = tpu.vector_load %arg14[%parallel_loop3A_626] {strides = array<i32>} : memref<128xf32, #tpu.memory_space<vmem>>, vector<16xf32>,
      %parallel_loop3A_628 = arith.index_cast %parallel_loop3A_604 : i32 to index
      %parallel_loop3A_629 = arith.constant 16 : index
      %parallel_loop3A_630 = tpu.vector_load %arg19[%parallel_loop3A_628, %parallel_loop3A_629] {strides = array<i32>} : memref<256x64xf32, #tpu.memory_space<vmem>>, vector<16xf32>,
      %parallel_loop3A_631 = arith.mulf %parallel_loop3A_630, %parallel_loop3A_608 : vector<16xf32>
      %parallel_loop3A_632 = arith.addf %parallel_loop3A_631, %parallel_loop3A_627 : vector<16xf32>
      %parallel_loop3A_633 = arith.constant 0.000000e+00 : f32
      %parallel_loop3A_634 = vector.broadcast %parallel_loop3A_633 : f32 to vector<16xf32>
      %parallel_loop3A_635 = arith.maximumf %parallel_loop3A_632, %parallel_loop3A_634 : vector<16xf32>
      %parallel_loop3A_636 = arith.index_cast %parallel_loop3A_604 : i32 to index
      %parallel_loop3A_637 = arith.constant 16 : index
      %parallel_loop3A_638 = tpu.vector_load %arg19[%parallel_loop3A_636, %parallel_loop3A_637] {strides = array<i32>} : memref<256x64xf32, #tpu.memory_space<vmem>>, vector<16xf32>,
      tpu.vector_store %arg19[%parallel_loop3A_636, %parallel_loop3A_637], %parallel_loop3A_635 {strides = array<i32>} : memref<256x64xf32, #tpu.memory_space<vmem>>, vector<16xf32>,
      %parallel_loop3A_639 = arith.constant 32 : i32
      %parallel_loop3A_640 = arith.addi %mul3A_170, %parallel_loop3A_639 : i32
      %parallel_loop3A_641 = arith.index_cast %parallel_loop3A_640 : i32 to index
      %parallel_loop3A_642 = tpu.vector_load %arg14[%parallel_loop3A_641] {strides = array<i32>} : memref<128xf32, #tpu.memory_space<vmem>>, vector<16xf32>,
      %parallel_loop3A_643 = arith.index_cast %parallel_loop3A_604 : i32 to index
      %parallel_loop3A_644 = arith.constant 32 : index
      %parallel_loop3A_645 = tpu.vector_load %arg19[%parallel_loop3A_643, %parallel_loop3A_644] {strides = array<i32>} : memref<256x64xf32, #tpu.memory_space<vmem>>, vector<16xf32>,
      %parallel_loop3A_646 = arith.mulf %parallel_loop3A_645, %parallel_loop3A_608 : vector<16xf32>
      %parallel_loop3A_647 = arith.addf %parallel_loop3A_646, %parallel_loop3A_642 : vector<16xf32>
      %parallel_loop3A_648 = arith.constant 0.000000e+00 : f32
      %parallel_loop3A_649 = vector.broadcast %parallel_loop3A_648 : f32 to vector<16xf32>
      %parallel_loop3A_650 = arith.maximumf %parallel_loop3A_647, %parallel_loop3A_649 : vector<16xf32>
      %parallel_loop3A_651 = arith.index_cast %parallel_loop3A_604 : i32 to index
      %parallel_loop3A_652 = arith.constant 32 : index
      %parallel_loop3A_653 = tpu.vector_load %arg19[%parallel_loop3A_651, %parallel_loop3A_652] {strides = array<i32>} : memref<256x64xf32, #tpu.memory_space<vmem>>, vector<16xf32>,
      tpu.vector_store %arg19[%parallel_loop3A_651, %parallel_loop3A_652], %parallel_loop3A_650 {strides = array<i32>} : memref<256x64xf32, #tpu.memory_space<vmem>>, vector<16xf32>,
      %parallel_loop3A_654 = arith.constant 48 : i32
      %parallel_loop3A_655 = arith.addi %mul3A_170, %parallel_loop3A_654 : i32
      %parallel_loop3A_656 = arith.index_cast %parallel_loop3A_655 : i32 to index
      %parallel_loop3A_657 = tpu.vector_load %arg14[%parallel_loop3A_656] {strides = array<i32>} : memref<128xf32, #tpu.memory_space<vmem>>, vector<16xf32>,
      %parallel_loop3A_658 = arith.index_cast %parallel_loop3A_604 : i32 to index
      %parallel_loop3A_659 = arith.constant 48 : index
      %parallel_loop3A_660 = tpu.vector_load %arg19[%parallel_loop3A_658, %parallel_loop3A_659] {strides = array<i32>} : memref<256x64xf32, #tpu.memory_space<vmem>>, vector<16xf32>,
      %parallel_loop3A_661 = arith.mulf %parallel_loop3A_660, %parallel_loop3A_608 : vector<16xf32>
      %parallel_loop3A_662 = arith.addf %parallel_loop3A_661, %parallel_loop3A_657 : vector<16xf32>
      %parallel_loop3A_663 = arith.constant 0.000000e+00 : f32
      %parallel_loop3A_664 = vector.broadcast %parallel_loop3A_663 : f32 to vector<16xf32>
      %parallel_loop3A_665 = arith.maximumf %parallel_loop3A_662, %parallel_loop3A_664 : vector<16xf32>
      %parallel_loop3A_666 = arith.index_cast %parallel_loop3A_604 : i32 to index
      %parallel_loop3A_667 = arith.constant 48 : index
      %parallel_loop3A_668 = tpu.vector_load %arg19[%parallel_loop3A_666, %parallel_loop3A_667] {strides = array<i32>} : memref<256x64xf32, #tpu.memory_space<vmem>>, vector<16xf32>,
      tpu.vector_store %arg19[%parallel_loop3A_666, %parallel_loop3A_667], %parallel_loop3A_665 {strides = array<i32>} : memref<256x64xf32, #tpu.memory_space<vmem>>, vector<16xf32>,
    } {sc.loop_unroll_factor = 4 : i64, sc.parallel_access}
    %add3A_574 = arith.constant 0 : i32
    %add3A_575 = arith.addi %mul3A_0, %add3A_574 : i32
    "tpu.region"() ({
      %run_scoped3A = tpu.sem_alloc : memref<!tpu.dma_semaphore, #tpu.memory_space<semaphore_mem>>
      %dma_start3A = arith.constant 0 : i32
      %dma_start3A_604 = arith.constant 0 : i32
      %dma_start3A_605 = tpu.memref_slice %arg19[%dma_start3A, %dma_start3A_604] : memref<256x64xf32, #tpu.memory_space<vmem>> -> memref<128x64xf32, #tpu.memory_space<vmem>>
      %dma_start3A_606 = tpu.memref_slice %arg10[%add3A_575, %mul3A_170] : memref<10240x128xf32, #tpu.memory_space<hbm>> -> memref<128x64xf32, #tpu.memory_space<hbm>>
      %dma_start3A_607 = tpu.memref_slice %arg10[%add3A_575, %mul3A_170] : memref<10240x128xf32, #tpu.memory_space<hbm>> -> memref<128x64xf32, #tpu.memory_space<hbm>>
      %dma_start3A_608 = arith.constant 0 : i32
      %dma_start3A_609 = arith.constant 0 : i32
      %dma_start3A_610 = tpu.memref_slice %arg19[%dma_start3A_608, %dma_start3A_609] : memref<256x64xf32, #tpu.memory_space<vmem>> -> memref<128x64xf32, #tpu.memory_space<vmem>>
      tpu.enqueue_dma source(%dma_start3A_610 : memref<128x64xf32, #tpu.memory_space<vmem>>) target(%dma_start3A_607 : memref<128x64xf32, #tpu.memory_space<hbm>>) target_semaphore(%run_scoped3A : memref<!tpu.dma_semaphore, #tpu.memory_space<semaphore_mem>>)
      %dma_wait3A_611 = arith.constant 0 : i32
      %dma_wait3A_612 = arith.constant 0 : i32
      %dma_wait3A_613 = tpu.memref_slice %arg19[%dma_wait3A_611, %dma_wait3A_612] : memref<256x64xf32, #tpu.memory_space<vmem>> -> memref<128x64xf32, #tpu.memory_space<vmem>>
      %dma_wait3A_614 = tpu.memref_slice %arg10[%add3A_575, %mul3A_170] : memref<10240x128xf32, #tpu.memory_space<hbm>> -> memref<128x64xf32, #tpu.memory_space<hbm>>
      %dma_wait3A_615 = tpu.memref_slice %arg10[%add3A_575, %mul3A_170] : memref<10240x128xf32, #tpu.memory_space<hbm>> -> memref<128x64xf32, #tpu.memory_space<hbm>>
      %dma_wait3A_616 = arith.constant 0 : i32
      %dma_wait3A_617 = arith.constant 0 : i32
      %dma_wait3A_618 = tpu.memref_slice %arg19[%dma_wait3A_616, %dma_wait3A_617] : memref<256x64xf32, #tpu.memory_space<vmem>> -> memref<128x64xf32, #tpu.memory_space<vmem>>
      tpu.wait_dma2 semaphore(%run_scoped3A : memref<!tpu.dma_semaphore, #tpu.memory_space<semaphore_mem>>) src(%dma_wait3A_618 : memref<128x64xf32, #tpu.memory_space<vmem>>) dst(%dma_wait3A_615 : memref<128x64xf32, #tpu.memory_space<hbm>>)
      tpu.yield
    }) : () -> ()
    %add3A_576 = arith.constant 128 : i32
    %add3A_577 = arith.addi %mul3A_0, %add3A_576 : i32
    "tpu.region"() ({
      %run_scoped3A = tpu.sem_alloc : memref<!tpu.dma_semaphore, #tpu.memory_space<semaphore_mem>>
      %dma_start3A = arith.constant 0 : i32
      %dma_start3A_604 = arith.constant 0 : i32
      %dma_start3A_605 = tpu.memref_slice %arg19[%dma_start3A, %dma_start3A_604] : memref<256x64xf32, #tpu.memory_space<vmem>> -> memref<128x64xf32, #tpu.memory_space<vmem>>
      %dma_start3A_606 = arith.constant 0 : i32
      %dma_start3A_607 = tpu.memref_slice %arg21[%add3A_577, %dma_start3A_606] : memref<10240x64xf32, #tpu.memory_space<vmem_shared>> -> memref<128x64xf32, #tpu.memory_space<vmem_shared>>
      %dma_start3A_608 = arith.constant 0 : i32
      %dma_start3A_609 = arith.constant 0 : i32
      %dma_start3A_610 = tpu.memref_slice %arg19[%dma_start3A_608, %dma_start3A_609] : memref<256x64xf32, #tpu.memory_space<vmem>> -> memref<128x64xf32, #tpu.memory_space<vmem>>
      %dma_start3A_611 = arith.constant 0 : i32
      %dma_start3A_612 = tpu.memref_slice %arg21[%add3A_577, %dma_start3A_611] : memref<10240x64xf32, #tpu.memory_space<vmem_shared>> -> memref<128x64xf32, #tpu.memory_space<vmem_shared>>
      tpu.enqueue_dma source(%dma_start3A_612 : memref<128x64xf32, #tpu.memory_space<vmem_shared>>) target(%dma_start3A_610 : memref<128x64xf32, #tpu.memory_space<vmem>>) target_semaphore(%run_scoped3A : memref<!tpu.dma_semaphore, #tpu.memory_space<semaphore_mem>>)
      %dma_wait3A_613 = arith.constant 0 : i32
      %dma_wait3A_614 = arith.constant 0 : i32
      %dma_wait3A_615 = tpu.memref_slice %arg19[%dma_wait3A_613, %dma_wait3A_614] : memref<256x64xf32, #tpu.memory_space<vmem>> -> memref<128x64xf32, #tpu.memory_space<vmem>>
      %dma_wait3A_616 = arith.constant 0 : i32
      %dma_wait3A_617 = tpu.memref_slice %arg21[%add3A_577, %dma_wait3A_616] : memref<10240x64xf32, #tpu.memory_space<vmem_shared>> -> memref<128x64xf32, #tpu.memory_space<vmem_shared>>
      %dma_wait3A_618 = arith.constant 0 : i32
      %dma_wait3A_619 = arith.constant 0 : i32
      %dma_wait3A_620 = tpu.memref_slice %arg19[%dma_wait3A_618, %dma_wait3A_619] : memref<256x64xf32, #tpu.memory_space<vmem>> -> memref<128x64xf32, #tpu.memory_space<vmem>>
      %dma_wait3A_621 = arith.constant 0 : i32
      %dma_wait3A_622 = tpu.memref_slice %arg21[%add3A_577, %dma_wait3A_621] : memref<10240x64xf32, #tpu.memory_space<vmem_shared>> -> memref<128x64xf32, #tpu.memory_space<vmem_shared>>
      tpu.wait_dma2 semaphore(%run_scoped3A : memref<!tpu.dma_semaphore, #tpu.memory_space<semaphore_mem>>) src(%dma_wait3A_622 : memref<128x64xf32, #tpu.memory_space<vmem_shared>>) dst(%dma_wait3A_620 : memref<128x64xf32, #tpu.memory_space<vmem>>)
      tpu.yield
    }) : () -> ()
    %parallel_loop3A_578 = arith.constant 0 : i32
    %parallel_loop3A_579 = arith.constant 128 : i32
    %parallel_loop3A_580 = arith.constant 1 : i32
    scf.for %parallel_loop3A_604 = %parallel_loop3A_578 to %parallel_loop3A_579 step %parallel_loop3A_580  : i32 {
      %parallel_loop3A_605 = arith.constant 128 : i32
      %parallel_loop3A_606 = arith.addi %parallel_loop3A_605, %parallel_loop3A_604 : i32
      %parallel_loop3A_607 = vector.broadcast %parallel_loop3A_606 : i32 to vector<16xi32>
      %parallel_loop3A_608 = tpu.vector_load_idx %arg13[%parallel_loop3A_607] : memref<640xf32, #tpu.memory_space<vmem>>[vector<16xi32>], vector<16xf32>,
      %parallel_loop3A_609 = arith.constant 0 : i32
      %parallel_loop3A_610 = arith.addi %mul3A_170, %parallel_loop3A_609 : i32
      %parallel_loop3A_611 = arith.index_cast %parallel_loop3A_610 : i32 to index
      %parallel_loop3A_612 = tpu.vector_load %arg14[%parallel_loop3A_611] {strides = array<i32>} : memref<128xf32, #tpu.memory_space<vmem>>, vector<16xf32>,
      %parallel_loop3A_613 = arith.index_cast %parallel_loop3A_604 : i32 to index
      %parallel_loop3A_614 = arith.constant 0 : index
      %parallel_loop3A_615 = tpu.vector_load %arg19[%parallel_loop3A_613, %parallel_loop3A_614] {strides = array<i32>} : memref<256x64xf32, #tpu.memory_space<vmem>>, vector<16xf32>,
      %parallel_loop3A_616 = arith.mulf %parallel_loop3A_615, %parallel_loop3A_608 : vector<16xf32>
      %parallel_loop3A_617 = arith.addf %parallel_loop3A_616, %parallel_loop3A_612 : vector<16xf32>
      %parallel_loop3A_618 = arith.constant 0.000000e+00 : f32
      %parallel_loop3A_619 = vector.broadcast %parallel_loop3A_618 : f32 to vector<16xf32>
      %parallel_loop3A_620 = arith.maximumf %parallel_loop3A_617, %parallel_loop3A_619 : vector<16xf32>
      %parallel_loop3A_621 = arith.index_cast %parallel_loop3A_604 : i32 to index
      %parallel_loop3A_622 = arith.constant 0 : index
      %parallel_loop3A_623 = tpu.vector_load %arg19[%parallel_loop3A_621, %parallel_loop3A_622] {strides = array<i32>} : memref<256x64xf32, #tpu.memory_space<vmem>>, vector<16xf32>,
      tpu.vector_store %arg19[%parallel_loop3A_621, %parallel_loop3A_622], %parallel_loop3A_620 {strides = array<i32>} : memref<256x64xf32, #tpu.memory_space<vmem>>, vector<16xf32>,
      %parallel_loop3A_624 = arith.constant 16 : i32
      %parallel_loop3A_625 = arith.addi %mul3A_170, %parallel_loop3A_624 : i32
      %parallel_loop3A_626 = arith.index_cast %parallel_loop3A_625 : i32 to index
      %parallel_loop3A_627 = tpu.vector_load %arg14[%parallel_loop3A_626] {strides = array<i32>} : memref<128xf32, #tpu.memory_space<vmem>>, vector<16xf32>,
      %parallel_loop3A_628 = arith.index_cast %parallel_loop3A_604 : i32 to index
      %parallel_loop3A_629 = arith.constant 16 : index
      %parallel_loop3A_630 = tpu.vector_load %arg19[%parallel_loop3A_628, %parallel_loop3A_629] {strides = array<i32>} : memref<256x64xf32, #tpu.memory_space<vmem>>, vector<16xf32>,
      %parallel_loop3A_631 = arith.mulf %parallel_loop3A_630, %parallel_loop3A_608 : vector<16xf32>
      %parallel_loop3A_632 = arith.addf %parallel_loop3A_631, %parallel_loop3A_627 : vector<16xf32>
      %parallel_loop3A_633 = arith.constant 0.000000e+00 : f32
      %parallel_loop3A_634 = vector.broadcast %parallel_loop3A_633 : f32 to vector<16xf32>
      %parallel_loop3A_635 = arith.maximumf %parallel_loop3A_632, %parallel_loop3A_634 : vector<16xf32>
      %parallel_loop3A_636 = arith.index_cast %parallel_loop3A_604 : i32 to index
      %parallel_loop3A_637 = arith.constant 16 : index
      %parallel_loop3A_638 = tpu.vector_load %arg19[%parallel_loop3A_636, %parallel_loop3A_637] {strides = array<i32>} : memref<256x64xf32, #tpu.memory_space<vmem>>, vector<16xf32>,
      tpu.vector_store %arg19[%parallel_loop3A_636, %parallel_loop3A_637], %parallel_loop3A_635 {strides = array<i32>} : memref<256x64xf32, #tpu.memory_space<vmem>>, vector<16xf32>,
      %parallel_loop3A_639 = arith.constant 32 : i32
      %parallel_loop3A_640 = arith.addi %mul3A_170, %parallel_loop3A_639 : i32
      %parallel_loop3A_641 = arith.index_cast %parallel_loop3A_640 : i32 to index
      %parallel_loop3A_642 = tpu.vector_load %arg14[%parallel_loop3A_641] {strides = array<i32>} : memref<128xf32, #tpu.memory_space<vmem>>, vector<16xf32>,
      %parallel_loop3A_643 = arith.index_cast %parallel_loop3A_604 : i32 to index
      %parallel_loop3A_644 = arith.constant 32 : index
      %parallel_loop3A_645 = tpu.vector_load %arg19[%parallel_loop3A_643, %parallel_loop3A_644] {strides = array<i32>} : memref<256x64xf32, #tpu.memory_space<vmem>>, vector<16xf32>,
      %parallel_loop3A_646 = arith.mulf %parallel_loop3A_645, %parallel_loop3A_608 : vector<16xf32>
      %parallel_loop3A_647 = arith.addf %parallel_loop3A_646, %parallel_loop3A_642 : vector<16xf32>
      %parallel_loop3A_648 = arith.constant 0.000000e+00 : f32
      %parallel_loop3A_649 = vector.broadcast %parallel_loop3A_648 : f32 to vector<16xf32>
      %parallel_loop3A_650 = arith.maximumf %parallel_loop3A_647, %parallel_loop3A_649 : vector<16xf32>
      %parallel_loop3A_651 = arith.index_cast %parallel_loop3A_604 : i32 to index
      %parallel_loop3A_652 = arith.constant 32 : index
      %parallel_loop3A_653 = tpu.vector_load %arg19[%parallel_loop3A_651, %parallel_loop3A_652] {strides = array<i32>} : memref<256x64xf32, #tpu.memory_space<vmem>>, vector<16xf32>,
      tpu.vector_store %arg19[%parallel_loop3A_651, %parallel_loop3A_652], %parallel_loop3A_650 {strides = array<i32>} : memref<256x64xf32, #tpu.memory_space<vmem>>, vector<16xf32>,
      %parallel_loop3A_654 = arith.constant 48 : i32
      %parallel_loop3A_655 = arith.addi %mul3A_170, %parallel_loop3A_654 : i32
      %parallel_loop3A_656 = arith.index_cast %parallel_loop3A_655 : i32 to index
      %parallel_loop3A_657 = tpu.vector_load %arg14[%parallel_loop3A_656] {strides = array<i32>} : memref<128xf32, #tpu.memory_space<vmem>>, vector<16xf32>,
      %parallel_loop3A_658 = arith.index_cast %parallel_loop3A_604 : i32 to index
      %parallel_loop3A_659 = arith.constant 48 : index
      %parallel_loop3A_660 = tpu.vector_load %arg19[%parallel_loop3A_658, %parallel_loop3A_659] {strides = array<i32>} : memref<256x64xf32, #tpu.memory_space<vmem>>, vector<16xf32>,
      %parallel_loop3A_661 = arith.mulf %parallel_loop3A_660, %parallel_loop3A_608 : vector<16xf32>
      %parallel_loop3A_662 = arith.addf %parallel_loop3A_661, %parallel_loop3A_657 : vector<16xf32>
      %parallel_loop3A_663 = arith.constant 0.000000e+00 : f32
      %parallel_loop3A_664 = vector.broadcast %parallel_loop3A_663 : f32 to vector<16xf32>
      %parallel_loop3A_665 = arith.maximumf %parallel_loop3A_662, %parallel_loop3A_664 : vector<16xf32>
      %parallel_loop3A_666 = arith.index_cast %parallel_loop3A_604 : i32 to index
      %parallel_loop3A_667 = arith.constant 48 : index
      %parallel_loop3A_668 = tpu.vector_load %arg19[%parallel_loop3A_666, %parallel_loop3A_667] {strides = array<i32>} : memref<256x64xf32, #tpu.memory_space<vmem>>, vector<16xf32>,
      tpu.vector_store %arg19[%parallel_loop3A_666, %parallel_loop3A_667], %parallel_loop3A_665 {strides = array<i32>} : memref<256x64xf32, #tpu.memory_space<vmem>>, vector<16xf32>,
    } {sc.loop_unroll_factor = 4 : i64, sc.parallel_access}
    %add3A_581 = arith.constant 128 : i32
    %add3A_582 = arith.addi %mul3A_0, %add3A_581 : i32
    "tpu.region"() ({
      %run_scoped3A = tpu.sem_alloc : memref<!tpu.dma_semaphore, #tpu.memory_space<semaphore_mem>>
      %dma_start3A = arith.constant 0 : i32
      %dma_start3A_604 = arith.constant 0 : i32
      %dma_start3A_605 = tpu.memref_slice %arg19[%dma_start3A, %dma_start3A_604] : memref<256x64xf32, #tpu.memory_space<vmem>> -> memref<128x64xf32, #tpu.memory_space<vmem>>
      %dma_start3A_606 = tpu.memref_slice %arg10[%add3A_582, %mul3A_170] : memref<10240x128xf32, #tpu.memory_space<hbm>> -> memref<128x64xf32, #tpu.memory_space<hbm>>
      %dma_start3A_607 = tpu.memref_slice %arg10[%add3A_582, %mul3A_170] : memref<10240x128xf32, #tpu.memory_space<hbm>> -> memref<128x64xf32, #tpu.memory_space<hbm>>
      %dma_start3A_608 = arith.constant 0 : i32
      %dma_start3A_609 = arith.constant 0 : i32
      %dma_start3A_610 = tpu.memref_slice %arg19[%dma_start3A_608, %dma_start3A_609] : memref<256x64xf32, #tpu.memory_space<vmem>> -> memref<128x64xf32, #tpu.memory_space<vmem>>
      tpu.enqueue_dma source(%dma_start3A_610 : memref<128x64xf32, #tpu.memory_space<vmem>>) target(%dma_start3A_607 : memref<128x64xf32, #tpu.memory_space<hbm>>) target_semaphore(%run_scoped3A : memref<!tpu.dma_semaphore, #tpu.memory_space<semaphore_mem>>)
      %dma_wait3A_611 = arith.constant 0 : i32
      %dma_wait3A_612 = arith.constant 0 : i32
      %dma_wait3A_613 = tpu.memref_slice %arg19[%dma_wait3A_611, %dma_wait3A_612] : memref<256x64xf32, #tpu.memory_space<vmem>> -> memref<128x64xf32, #tpu.memory_space<vmem>>
      %dma_wait3A_614 = tpu.memref_slice %arg10[%add3A_582, %mul3A_170] : memref<10240x128xf32, #tpu.memory_space<hbm>> -> memref<128x64xf32, #tpu.memory_space<hbm>>
      %dma_wait3A_615 = tpu.memref_slice %arg10[%add3A_582, %mul3A_170] : memref<10240x128xf32, #tpu.memory_space<hbm>> -> memref<128x64xf32, #tpu.memory_space<hbm>>
      %dma_wait3A_616 = arith.constant 0 : i32
      %dma_wait3A_617 = arith.constant 0 : i32
      %dma_wait3A_618 = tpu.memref_slice %arg19[%dma_wait3A_616, %dma_wait3A_617] : memref<256x64xf32, #tpu.memory_space<vmem>> -> memref<128x64xf32, #tpu.memory_space<vmem>>
      tpu.wait_dma2 semaphore(%run_scoped3A : memref<!tpu.dma_semaphore, #tpu.memory_space<semaphore_mem>>) src(%dma_wait3A_618 : memref<128x64xf32, #tpu.memory_space<vmem>>) dst(%dma_wait3A_615 : memref<128x64xf32, #tpu.memory_space<hbm>>)
      tpu.yield
    }) : () -> ()
    %add3A_583 = arith.constant 256 : i32
    %add3A_584 = arith.addi %mul3A_0, %add3A_583 : i32
    "tpu.region"() ({
      %run_scoped3A = tpu.sem_alloc : memref<!tpu.dma_semaphore, #tpu.memory_space<semaphore_mem>>
      %dma_start3A = arith.constant 0 : i32
      %dma_start3A_604 = arith.constant 0 : i32
      %dma_start3A_605 = tpu.memref_slice %arg19[%dma_start3A, %dma_start3A_604] : memref<256x64xf32, #tpu.memory_space<vmem>> -> memref<128x64xf32, #tpu.memory_space<vmem>>
      %dma_start3A_606 = arith.constant 0 : i32
      %dma_start3A_607 = tpu.memref_slice %arg21[%add3A_584, %dma_start3A_606] : memref<10240x64xf32, #tpu.memory_space<vmem_shared>> -> memref<128x64xf32, #tpu.memory_space<vmem_shared>>
      %dma_start3A_608 = arith.constant 0 : i32
      %dma_start3A_609 = arith.constant 0 : i32
      %dma_start3A_610 = tpu.memref_slice %arg19[%dma_start3A_608, %dma_start3A_609] : memref<256x64xf32, #tpu.memory_space<vmem>> -> memref<128x64xf32, #tpu.memory_space<vmem>>
      %dma_start3A_611 = arith.constant 0 : i32
      %dma_start3A_612 = tpu.memref_slice %arg21[%add3A_584, %dma_start3A_611] : memref<10240x64xf32, #tpu.memory_space<vmem_shared>> -> memref<128x64xf32, #tpu.memory_space<vmem_shared>>
      tpu.enqueue_dma source(%dma_start3A_612 : memref<128x64xf32, #tpu.memory_space<vmem_shared>>) target(%dma_start3A_610 : memref<128x64xf32, #tpu.memory_space<vmem>>) target_semaphore(%run_scoped3A : memref<!tpu.dma_semaphore, #tpu.memory_space<semaphore_mem>>)
      %dma_wait3A_613 = arith.constant 0 : i32
      %dma_wait3A_614 = arith.constant 0 : i32
      %dma_wait3A_615 = tpu.memref_slice %arg19[%dma_wait3A_613, %dma_wait3A_614] : memref<256x64xf32, #tpu.memory_space<vmem>> -> memref<128x64xf32, #tpu.memory_space<vmem>>
      %dma_wait3A_616 = arith.constant 0 : i32
      %dma_wait3A_617 = tpu.memref_slice %arg21[%add3A_584, %dma_wait3A_616] : memref<10240x64xf32, #tpu.memory_space<vmem_shared>> -> memref<128x64xf32, #tpu.memory_space<vmem_shared>>
      %dma_wait3A_618 = arith.constant 0 : i32
      %dma_wait3A_619 = arith.constant 0 : i32
      %dma_wait3A_620 = tpu.memref_slice %arg19[%dma_wait3A_618, %dma_wait3A_619] : memref<256x64xf32, #tpu.memory_space<vmem>> -> memref<128x64xf32, #tpu.memory_space<vmem>>
      %dma_wait3A_621 = arith.constant 0 : i32
      %dma_wait3A_622 = tpu.memref_slice %arg21[%add3A_584, %dma_wait3A_621] : memref<10240x64xf32, #tpu.memory_space<vmem_shared>> -> memref<128x64xf32, #tpu.memory_space<vmem_shared>>
      tpu.wait_dma2 semaphore(%run_scoped3A : memref<!tpu.dma_semaphore, #tpu.memory_space<semaphore_mem>>) src(%dma_wait3A_622 : memref<128x64xf32, #tpu.memory_space<vmem_shared>>) dst(%dma_wait3A_620 : memref<128x64xf32, #tpu.memory_space<vmem>>)
      tpu.yield
    }) : () -> ()
    %parallel_loop3A_585 = arith.constant 0 : i32
    %parallel_loop3A_586 = arith.constant 128 : i32
    %parallel_loop3A_587 = arith.constant 1 : i32
    scf.for %parallel_loop3A_604 = %parallel_loop3A_585 to %parallel_loop3A_586 step %parallel_loop3A_587  : i32 {
      %parallel_loop3A_605 = arith.constant 256 : i32
      %parallel_loop3A_606 = arith.addi %parallel_loop3A_605, %parallel_loop3A_604 : i32
      %parallel_loop3A_607 = vector.broadcast %parallel_loop3A_606 : i32 to vector<16xi32>
      %parallel_loop3A_608 = tpu.vector_load_idx %arg13[%parallel_loop3A_607] : memref<640xf32, #tpu.memory_space<vmem>>[vector<16xi32>], vector<16xf32>,
      %parallel_loop3A_609 = arith.constant 0 : i32
      %parallel_loop3A_610 = arith.addi %mul3A_170, %parallel_loop3A_609 : i32
      %parallel_loop3A_611 = arith.index_cast %parallel_loop3A_610 : i32 to index
      %parallel_loop3A_612 = tpu.vector_load %arg14[%parallel_loop3A_611] {strides = array<i32>} : memref<128xf32, #tpu.memory_space<vmem>>, vector<16xf32>,
      %parallel_loop3A_613 = arith.index_cast %parallel_loop3A_604 : i32 to index
      %parallel_loop3A_614 = arith.constant 0 : index
      %parallel_loop3A_615 = tpu.vector_load %arg19[%parallel_loop3A_613, %parallel_loop3A_614] {strides = array<i32>} : memref<256x64xf32, #tpu.memory_space<vmem>>, vector<16xf32>,
      %parallel_loop3A_616 = arith.mulf %parallel_loop3A_615, %parallel_loop3A_608 : vector<16xf32>
      %parallel_loop3A_617 = arith.addf %parallel_loop3A_616, %parallel_loop3A_612 : vector<16xf32>
      %parallel_loop3A_618 = arith.constant 0.000000e+00 : f32
      %parallel_loop3A_619 = vector.broadcast %parallel_loop3A_618 : f32 to vector<16xf32>
      %parallel_loop3A_620 = arith.maximumf %parallel_loop3A_617, %parallel_loop3A_619 : vector<16xf32>
      %parallel_loop3A_621 = arith.index_cast %parallel_loop3A_604 : i32 to index
      %parallel_loop3A_622 = arith.constant 0 : index
      %parallel_loop3A_623 = tpu.vector_load %arg19[%parallel_loop3A_621, %parallel_loop3A_622] {strides = array<i32>} : memref<256x64xf32, #tpu.memory_space<vmem>>, vector<16xf32>,
      tpu.vector_store %arg19[%parallel_loop3A_621, %parallel_loop3A_622], %parallel_loop3A_620 {strides = array<i32>} : memref<256x64xf32, #tpu.memory_space<vmem>>, vector<16xf32>,
      %parallel_loop3A_624 = arith.constant 16 : i32
      %parallel_loop3A_625 = arith.addi %mul3A_170, %parallel_loop3A_624 : i32
      %parallel_loop3A_626 = arith.index_cast %parallel_loop3A_625 : i32 to index
      %parallel_loop3A_627 = tpu.vector_load %arg14[%parallel_loop3A_626] {strides = array<i32>} : memref<128xf32, #tpu.memory_space<vmem>>, vector<16xf32>,
      %parallel_loop3A_628 = arith.index_cast %parallel_loop3A_604 : i32 to index
      %parallel_loop3A_629 = arith.constant 16 : index
      %parallel_loop3A_630 = tpu.vector_load %arg19[%parallel_loop3A_628, %parallel_loop3A_629] {strides = array<i32>} : memref<256x64xf32, #tpu.memory_space<vmem>>, vector<16xf32>,
      %parallel_loop3A_631 = arith.mulf %parallel_loop3A_630, %parallel_loop3A_608 : vector<16xf32>
      %parallel_loop3A_632 = arith.addf %parallel_loop3A_631, %parallel_loop3A_627 : vector<16xf32>
      %parallel_loop3A_633 = arith.constant 0.000000e+00 : f32
      %parallel_loop3A_634 = vector.broadcast %parallel_loop3A_633 : f32 to vector<16xf32>
      %parallel_loop3A_635 = arith.maximumf %parallel_loop3A_632, %parallel_loop3A_634 : vector<16xf32>
      %parallel_loop3A_636 = arith.index_cast %parallel_loop3A_604 : i32 to index
      %parallel_loop3A_637 = arith.constant 16 : index
      %parallel_loop3A_638 = tpu.vector_load %arg19[%parallel_loop3A_636, %parallel_loop3A_637] {strides = array<i32>} : memref<256x64xf32, #tpu.memory_space<vmem>>, vector<16xf32>,
      tpu.vector_store %arg19[%parallel_loop3A_636, %parallel_loop3A_637], %parallel_loop3A_635 {strides = array<i32>} : memref<256x64xf32, #tpu.memory_space<vmem>>, vector<16xf32>,
      %parallel_loop3A_639 = arith.constant 32 : i32
      %parallel_loop3A_640 = arith.addi %mul3A_170, %parallel_loop3A_639 : i32
      %parallel_loop3A_641 = arith.index_cast %parallel_loop3A_640 : i32 to index
      %parallel_loop3A_642 = tpu.vector_load %arg14[%parallel_loop3A_641] {strides = array<i32>} : memref<128xf32, #tpu.memory_space<vmem>>, vector<16xf32>,
      %parallel_loop3A_643 = arith.index_cast %parallel_loop3A_604 : i32 to index
      %parallel_loop3A_644 = arith.constant 32 : index
      %parallel_loop3A_645 = tpu.vector_load %arg19[%parallel_loop3A_643, %parallel_loop3A_644] {strides = array<i32>} : memref<256x64xf32, #tpu.memory_space<vmem>>, vector<16xf32>,
      %parallel_loop3A_646 = arith.mulf %parallel_loop3A_645, %parallel_loop3A_608 : vector<16xf32>
      %parallel_loop3A_647 = arith.addf %parallel_loop3A_646, %parallel_loop3A_642 : vector<16xf32>
      %parallel_loop3A_648 = arith.constant 0.000000e+00 : f32
      %parallel_loop3A_649 = vector.broadcast %parallel_loop3A_648 : f32 to vector<16xf32>
      %parallel_loop3A_650 = arith.maximumf %parallel_loop3A_647, %parallel_loop3A_649 : vector<16xf32>
      %parallel_loop3A_651 = arith.index_cast %parallel_loop3A_604 : i32 to index
      %parallel_loop3A_652 = arith.constant 32 : index
      %parallel_loop3A_653 = tpu.vector_load %arg19[%parallel_loop3A_651, %parallel_loop3A_652] {strides = array<i32>} : memref<256x64xf32, #tpu.memory_space<vmem>>, vector<16xf32>,
      tpu.vector_store %arg19[%parallel_loop3A_651, %parallel_loop3A_652], %parallel_loop3A_650 {strides = array<i32>} : memref<256x64xf32, #tpu.memory_space<vmem>>, vector<16xf32>,
      %parallel_loop3A_654 = arith.constant 48 : i32
      %parallel_loop3A_655 = arith.addi %mul3A_170, %parallel_loop3A_654 : i32
      %parallel_loop3A_656 = arith.index_cast %parallel_loop3A_655 : i32 to index
      %parallel_loop3A_657 = tpu.vector_load %arg14[%parallel_loop3A_656] {strides = array<i32>} : memref<128xf32, #tpu.memory_space<vmem>>, vector<16xf32>,
      %parallel_loop3A_658 = arith.index_cast %parallel_loop3A_604 : i32 to index
      %parallel_loop3A_659 = arith.constant 48 : index
      %parallel_loop3A_660 = tpu.vector_load %arg19[%parallel_loop3A_658, %parallel_loop3A_659] {strides = array<i32>} : memref<256x64xf32, #tpu.memory_space<vmem>>, vector<16xf32>,
      %parallel_loop3A_661 = arith.mulf %parallel_loop3A_660, %parallel_loop3A_608 : vector<16xf32>
      %parallel_loop3A_662 = arith.addf %parallel_loop3A_661, %parallel_loop3A_657 : vector<16xf32>
      %parallel_loop3A_663 = arith.constant 0.000000e+00 : f32
      %parallel_loop3A_664 = vector.broadcast %parallel_loop3A_663 : f32 to vector<16xf32>
      %parallel_loop3A_665 = arith.maximumf %parallel_loop3A_662, %parallel_loop3A_664 : vector<16xf32>
      %parallel_loop3A_666 = arith.index_cast %parallel_loop3A_604 : i32 to index
      %parallel_loop3A_667 = arith.constant 48 : index
      %parallel_loop3A_668 = tpu.vector_load %arg19[%parallel_loop3A_666, %parallel_loop3A_667] {strides = array<i32>} : memref<256x64xf32, #tpu.memory_space<vmem>>, vector<16xf32>,
      tpu.vector_store %arg19[%parallel_loop3A_666, %parallel_loop3A_667], %parallel_loop3A_665 {strides = array<i32>} : memref<256x64xf32, #tpu.memory_space<vmem>>, vector<16xf32>,
    } {sc.loop_unroll_factor = 4 : i64, sc.parallel_access}
    %add3A_588 = arith.constant 256 : i32
    %add3A_589 = arith.addi %mul3A_0, %add3A_588 : i32
    "tpu.region"() ({
      %run_scoped3A = tpu.sem_alloc : memref<!tpu.dma_semaphore, #tpu.memory_space<semaphore_mem>>
      %dma_start3A = arith.constant 0 : i32
      %dma_start3A_604 = arith.constant 0 : i32
      %dma_start3A_605 = tpu.memref_slice %arg19[%dma_start3A, %dma_start3A_604] : memref<256x64xf32, #tpu.memory_space<vmem>> -> memref<128x64xf32, #tpu.memory_space<vmem>>
      %dma_start3A_606 = tpu.memref_slice %arg10[%add3A_589, %mul3A_170] : memref<10240x128xf32, #tpu.memory_space<hbm>> -> memref<128x64xf32, #tpu.memory_space<hbm>>
      %dma_start3A_607 = tpu.memref_slice %arg10[%add3A_589, %mul3A_170] : memref<10240x128xf32, #tpu.memory_space<hbm>> -> memref<128x64xf32, #tpu.memory_space<hbm>>
      %dma_start3A_608 = arith.constant 0 : i32
      %dma_start3A_609 = arith.constant 0 : i32
      %dma_start3A_610 = tpu.memref_slice %arg19[%dma_start3A_608, %dma_start3A_609] : memref<256x64xf32, #tpu.memory_space<vmem>> -> memref<128x64xf32, #tpu.memory_space<vmem>>
      tpu.enqueue_dma source(%dma_start3A_610 : memref<128x64xf32, #tpu.memory_space<vmem>>) target(%dma_start3A_607 : memref<128x64xf32, #tpu.memory_space<hbm>>) target_semaphore(%run_scoped3A : memref<!tpu.dma_semaphore, #tpu.memory_space<semaphore_mem>>)
      %dma_wait3A_611 = arith.constant 0 : i32
      %dma_wait3A_612 = arith.constant 0 : i32
      %dma_wait3A_613 = tpu.memref_slice %arg19[%dma_wait3A_611, %dma_wait3A_612] : memref<256x64xf32, #tpu.memory_space<vmem>> -> memref<128x64xf32, #tpu.memory_space<vmem>>
      %dma_wait3A_614 = tpu.memref_slice %arg10[%add3A_589, %mul3A_170] : memref<10240x128xf32, #tpu.memory_space<hbm>> -> memref<128x64xf32, #tpu.memory_space<hbm>>
      %dma_wait3A_615 = tpu.memref_slice %arg10[%add3A_589, %mul3A_170] : memref<10240x128xf32, #tpu.memory_space<hbm>> -> memref<128x64xf32, #tpu.memory_space<hbm>>
      %dma_wait3A_616 = arith.constant 0 : i32
      %dma_wait3A_617 = arith.constant 0 : i32
      %dma_wait3A_618 = tpu.memref_slice %arg19[%dma_wait3A_616, %dma_wait3A_617] : memref<256x64xf32, #tpu.memory_space<vmem>> -> memref<128x64xf32, #tpu.memory_space<vmem>>
      tpu.wait_dma2 semaphore(%run_scoped3A : memref<!tpu.dma_semaphore, #tpu.memory_space<semaphore_mem>>) src(%dma_wait3A_618 : memref<128x64xf32, #tpu.memory_space<vmem>>) dst(%dma_wait3A_615 : memref<128x64xf32, #tpu.memory_space<hbm>>)
      tpu.yield
    }) : () -> ()
    %add3A_590 = arith.constant 384 : i32
    %add3A_591 = arith.addi %mul3A_0, %add3A_590 : i32
    "tpu.region"() ({
      %run_scoped3A = tpu.sem_alloc : memref<!tpu.dma_semaphore, #tpu.memory_space<semaphore_mem>>
      %dma_start3A = arith.constant 0 : i32
      %dma_start3A_604 = arith.constant 0 : i32
      %dma_start3A_605 = tpu.memref_slice %arg19[%dma_start3A, %dma_start3A_604] : memref<256x64xf32, #tpu.memory_space<vmem>> -> memref<128x64xf32, #tpu.memory_space<vmem>>
      %dma_start3A_606 = arith.constant 0 : i32
      %dma_start3A_607 = tpu.memref_slice %arg21[%add3A_591, %dma_start3A_606] : memref<10240x64xf32, #tpu.memory_space<vmem_shared>> -> memref<128x64xf32, #tpu.memory_space<vmem_shared>>
      %dma_start3A_608 = arith.constant 0 : i32
      %dma_start3A_609 = arith.constant 0 : i32
      %dma_start3A_610 = tpu.memref_slice %arg19[%dma_start3A_608, %dma_start3A_609] : memref<256x64xf32, #tpu.memory_space<vmem>> -> memref<128x64xf32, #tpu.memory_space<vmem>>
      %dma_start3A_611 = arith.constant 0 : i32
      %dma_start3A_612 = tpu.memref_slice %arg21[%add3A_591, %dma_start3A_611] : memref<10240x64xf32, #tpu.memory_space<vmem_shared>> -> memref<128x64xf32, #tpu.memory_space<vmem_shared>>
      tpu.enqueue_dma source(%dma_start3A_612 : memref<128x64xf32, #tpu.memory_space<vmem_shared>>) target(%dma_start3A_610 : memref<128x64xf32, #tpu.memory_space<vmem>>) target_semaphore(%run_scoped3A : memref<!tpu.dma_semaphore, #tpu.memory_space<semaphore_mem>>)
      %dma_wait3A_613 = arith.constant 0 : i32
      %dma_wait3A_614 = arith.constant 0 : i32
      %dma_wait3A_615 = tpu.memref_slice %arg19[%dma_wait3A_613, %dma_wait3A_614] : memref<256x64xf32, #tpu.memory_space<vmem>> -> memref<128x64xf32, #tpu.memory_space<vmem>>
      %dma_wait3A_616 = arith.constant 0 : i32
      %dma_wait3A_617 = tpu.memref_slice %arg21[%add3A_591, %dma_wait3A_616] : memref<10240x64xf32, #tpu.memory_space<vmem_shared>> -> memref<128x64xf32, #tpu.memory_space<vmem_shared>>
      %dma_wait3A_618 = arith.constant 0 : i32
      %dma_wait3A_619 = arith.constant 0 : i32
      %dma_wait3A_620 = tpu.memref_slice %arg19[%dma_wait3A_618, %dma_wait3A_619] : memref<256x64xf32, #tpu.memory_space<vmem>> -> memref<128x64xf32, #tpu.memory_space<vmem>>
      %dma_wait3A_621 = arith.constant 0 : i32
      %dma_wait3A_622 = tpu.memref_slice %arg21[%add3A_591, %dma_wait3A_621] : memref<10240x64xf32, #tpu.memory_space<vmem_shared>> -> memref<128x64xf32, #tpu.memory_space<vmem_shared>>
      tpu.wait_dma2 semaphore(%run_scoped3A : memref<!tpu.dma_semaphore, #tpu.memory_space<semaphore_mem>>) src(%dma_wait3A_622 : memref<128x64xf32, #tpu.memory_space<vmem_shared>>) dst(%dma_wait3A_620 : memref<128x64xf32, #tpu.memory_space<vmem>>)
      tpu.yield
    }) : () -> ()
    %parallel_loop3A_592 = arith.constant 0 : i32
    %parallel_loop3A_593 = arith.constant 128 : i32
    %parallel_loop3A_594 = arith.constant 1 : i32
    scf.for %parallel_loop3A_604 = %parallel_loop3A_592 to %parallel_loop3A_593 step %parallel_loop3A_594  : i32 {
      %parallel_loop3A_605 = arith.constant 384 : i32
      %parallel_loop3A_606 = arith.addi %parallel_loop3A_605, %parallel_loop3A_604 : i32
      %parallel_loop3A_607 = vector.broadcast %parallel_loop3A_606 : i32 to vector<16xi32>
      %parallel_loop3A_608 = tpu.vector_load_idx %arg13[%parallel_loop3A_607] : memref<640xf32, #tpu.memory_space<vmem>>[vector<16xi32>], vector<16xf32>,
      %parallel_loop3A_609 = arith.constant 0 : i32
      %parallel_loop3A_610 = arith.addi %mul3A_170, %parallel_loop3A_609 : i32
      %parallel_loop3A_611 = arith.index_cast %parallel_loop3A_610 : i32 to index
      %parallel_loop3A_612 = tpu.vector_load %arg14[%parallel_loop3A_611] {strides = array<i32>} : memref<128xf32, #tpu.memory_space<vmem>>, vector<16xf32>,
      %parallel_loop3A_613 = arith.index_cast %parallel_loop3A_604 : i32 to index
      %parallel_loop3A_614 = arith.constant 0 : index
      %parallel_loop3A_615 = tpu.vector_load %arg19[%parallel_loop3A_613, %parallel_loop3A_614] {strides = array<i32>} : memref<256x64xf32, #tpu.memory_space<vmem>>, vector<16xf32>,
      %parallel_loop3A_616 = arith.mulf %parallel_loop3A_615, %parallel_loop3A_608 : vector<16xf32>
      %parallel_loop3A_617 = arith.addf %parallel_loop3A_616, %parallel_loop3A_612 : vector<16xf32>
      %parallel_loop3A_618 = arith.constant 0.000000e+00 : f32
      %parallel_loop3A_619 = vector.broadcast %parallel_loop3A_618 : f32 to vector<16xf32>
      %parallel_loop3A_620 = arith.maximumf %parallel_loop3A_617, %parallel_loop3A_619 : vector<16xf32>
      %parallel_loop3A_621 = arith.index_cast %parallel_loop3A_604 : i32 to index
      %parallel_loop3A_622 = arith.constant 0 : index
      %parallel_loop3A_623 = tpu.vector_load %arg19[%parallel_loop3A_621, %parallel_loop3A_622] {strides = array<i32>} : memref<256x64xf32, #tpu.memory_space<vmem>>, vector<16xf32>,
      tpu.vector_store %arg19[%parallel_loop3A_621, %parallel_loop3A_622], %parallel_loop3A_620 {strides = array<i32>} : memref<256x64xf32, #tpu.memory_space<vmem>>, vector<16xf32>,
      %parallel_loop3A_624 = arith.constant 16 : i32
      %parallel_loop3A_625 = arith.addi %mul3A_170, %parallel_loop3A_624 : i32
      %parallel_loop3A_626 = arith.index_cast %parallel_loop3A_625 : i32 to index
      %parallel_loop3A_627 = tpu.vector_load %arg14[%parallel_loop3A_626] {strides = array<i32>} : memref<128xf32, #tpu.memory_space<vmem>>, vector<16xf32>,
      %parallel_loop3A_628 = arith.index_cast %parallel_loop3A_604 : i32 to index
      %parallel_loop3A_629 = arith.constant 16 : index
      %parallel_loop3A_630 = tpu.vector_load %arg19[%parallel_loop3A_628, %parallel_loop3A_629] {strides = array<i32>} : memref<256x64xf32, #tpu.memory_space<vmem>>, vector<16xf32>,
      %parallel_loop3A_631 = arith.mulf %parallel_loop3A_630, %parallel_loop3A_608 : vector<16xf32>
      %parallel_loop3A_632 = arith.addf %parallel_loop3A_631, %parallel_loop3A_627 : vector<16xf32>
      %parallel_loop3A_633 = arith.constant 0.000000e+00 : f32
      %parallel_loop3A_634 = vector.broadcast %parallel_loop3A_633 : f32 to vector<16xf32>
      %parallel_loop3A_635 = arith.maximumf %parallel_loop3A_632, %parallel_loop3A_634 : vector<16xf32>
      %parallel_loop3A_636 = arith.index_cast %parallel_loop3A_604 : i32 to index
      %parallel_loop3A_637 = arith.constant 16 : index
      %parallel_loop3A_638 = tpu.vector_load %arg19[%parallel_loop3A_636, %parallel_loop3A_637] {strides = array<i32>} : memref<256x64xf32, #tpu.memory_space<vmem>>, vector<16xf32>,
      tpu.vector_store %arg19[%parallel_loop3A_636, %parallel_loop3A_637], %parallel_loop3A_635 {strides = array<i32>} : memref<256x64xf32, #tpu.memory_space<vmem>>, vector<16xf32>,
      %parallel_loop3A_639 = arith.constant 32 : i32
      %parallel_loop3A_640 = arith.addi %mul3A_170, %parallel_loop3A_639 : i32
      %parallel_loop3A_641 = arith.index_cast %parallel_loop3A_640 : i32 to index
      %parallel_loop3A_642 = tpu.vector_load %arg14[%parallel_loop3A_641] {strides = array<i32>} : memref<128xf32, #tpu.memory_space<vmem>>, vector<16xf32>,
      %parallel_loop3A_643 = arith.index_cast %parallel_loop3A_604 : i32 to index
      %parallel_loop3A_644 = arith.constant 32 : index
      %parallel_loop3A_645 = tpu.vector_load %arg19[%parallel_loop3A_643, %parallel_loop3A_644] {strides = array<i32>} : memref<256x64xf32, #tpu.memory_space<vmem>>, vector<16xf32>,
      %parallel_loop3A_646 = arith.mulf %parallel_loop3A_645, %parallel_loop3A_608 : vector<16xf32>
      %parallel_loop3A_647 = arith.addf %parallel_loop3A_646, %parallel_loop3A_642 : vector<16xf32>
      %parallel_loop3A_648 = arith.constant 0.000000e+00 : f32
      %parallel_loop3A_649 = vector.broadcast %parallel_loop3A_648 : f32 to vector<16xf32>
      %parallel_loop3A_650 = arith.maximumf %parallel_loop3A_647, %parallel_loop3A_649 : vector<16xf32>
      %parallel_loop3A_651 = arith.index_cast %parallel_loop3A_604 : i32 to index
      %parallel_loop3A_652 = arith.constant 32 : index
      %parallel_loop3A_653 = tpu.vector_load %arg19[%parallel_loop3A_651, %parallel_loop3A_652] {strides = array<i32>} : memref<256x64xf32, #tpu.memory_space<vmem>>, vector<16xf32>,
      tpu.vector_store %arg19[%parallel_loop3A_651, %parallel_loop3A_652], %parallel_loop3A_650 {strides = array<i32>} : memref<256x64xf32, #tpu.memory_space<vmem>>, vector<16xf32>,
      %parallel_loop3A_654 = arith.constant 48 : i32
      %parallel_loop3A_655 = arith.addi %mul3A_170, %parallel_loop3A_654 : i32
      %parallel_loop3A_656 = arith.index_cast %parallel_loop3A_655 : i32 to index
      %parallel_loop3A_657 = tpu.vector_load %arg14[%parallel_loop3A_656] {strides = array<i32>} : memref<128xf32, #tpu.memory_space<vmem>>, vector<16xf32>,
      %parallel_loop3A_658 = arith.index_cast %parallel_loop3A_604 : i32 to index
      %parallel_loop3A_659 = arith.constant 48 : index
      %parallel_loop3A_660 = tpu.vector_load %arg19[%parallel_loop3A_658, %parallel_loop3A_659] {strides = array<i32>} : memref<256x64xf32, #tpu.memory_space<vmem>>, vector<16xf32>,
      %parallel_loop3A_661 = arith.mulf %parallel_loop3A_660, %parallel_loop3A_608 : vector<16xf32>
      %parallel_loop3A_662 = arith.addf %parallel_loop3A_661, %parallel_loop3A_657 : vector<16xf32>
      %parallel_loop3A_663 = arith.constant 0.000000e+00 : f32
      %parallel_loop3A_664 = vector.broadcast %parallel_loop3A_663 : f32 to vector<16xf32>
      %parallel_loop3A_665 = arith.maximumf %parallel_loop3A_662, %parallel_loop3A_664 : vector<16xf32>
      %parallel_loop3A_666 = arith.index_cast %parallel_loop3A_604 : i32 to index
      %parallel_loop3A_667 = arith.constant 48 : index
      %parallel_loop3A_668 = tpu.vector_load %arg19[%parallel_loop3A_666, %parallel_loop3A_667] {strides = array<i32>} : memref<256x64xf32, #tpu.memory_space<vmem>>, vector<16xf32>,
      tpu.vector_store %arg19[%parallel_loop3A_666, %parallel_loop3A_667], %parallel_loop3A_665 {strides = array<i32>} : memref<256x64xf32, #tpu.memory_space<vmem>>, vector<16xf32>,
    } {sc.loop_unroll_factor = 4 : i64, sc.parallel_access}
    %add3A_595 = arith.constant 384 : i32
    %add3A_596 = arith.addi %mul3A_0, %add3A_595 : i32
    "tpu.region"() ({
      %run_scoped3A = tpu.sem_alloc : memref<!tpu.dma_semaphore, #tpu.memory_space<semaphore_mem>>
      %dma_start3A = arith.constant 0 : i32
      %dma_start3A_604 = arith.constant 0 : i32
      %dma_start3A_605 = tpu.memref_slice %arg19[%dma_start3A, %dma_start3A_604] : memref<256x64xf32, #tpu.memory_space<vmem>> -> memref<128x64xf32, #tpu.memory_space<vmem>>
      %dma_start3A_606 = tpu.memref_slice %arg10[%add3A_596, %mul3A_170] : memref<10240x128xf32, #tpu.memory_space<hbm>> -> memref<128x64xf32, #tpu.memory_space<hbm>>
      %dma_start3A_607 = tpu.memref_slice %arg10[%add3A_596, %mul3A_170] : memref<10240x128xf32, #tpu.memory_space<hbm>> -> memref<128x64xf32, #tpu.memory_space<hbm>>
      %dma_start3A_608 = arith.constant 0 : i32
      %dma_start3A_609 = arith.constant 0 : i32
      %dma_start3A_610 = tpu.memref_slice %arg19[%dma_start3A_608, %dma_start3A_609] : memref<256x64xf32, #tpu.memory_space<vmem>> -> memref<128x64xf32, #tpu.memory_space<vmem>>
      tpu.enqueue_dma source(%dma_start3A_610 : memref<128x64xf32, #tpu.memory_space<vmem>>) target(%dma_start3A_607 : memref<128x64xf32, #tpu.memory_space<hbm>>) target_semaphore(%run_scoped3A : memref<!tpu.dma_semaphore, #tpu.memory_space<semaphore_mem>>)
      %dma_wait3A_611 = arith.constant 0 : i32
      %dma_wait3A_612 = arith.constant 0 : i32
      %dma_wait3A_613 = tpu.memref_slice %arg19[%dma_wait3A_611, %dma_wait3A_612] : memref<256x64xf32, #tpu.memory_space<vmem>> -> memref<128x64xf32, #tpu.memory_space<vmem>>
      %dma_wait3A_614 = tpu.memref_slice %arg10[%add3A_596, %mul3A_170] : memref<10240x128xf32, #tpu.memory_space<hbm>> -> memref<128x64xf32, #tpu.memory_space<hbm>>
      %dma_wait3A_615 = tpu.memref_slice %arg10[%add3A_596, %mul3A_170] : memref<10240x128xf32, #tpu.memory_space<hbm>> -> memref<128x64xf32, #tpu.memory_space<hbm>>
      %dma_wait3A_616 = arith.constant 0 : i32
      %dma_wait3A_617 = arith.constant 0 : i32
      %dma_wait3A_618 = tpu.memref_slice %arg19[%dma_wait3A_616, %dma_wait3A_617] : memref<256x64xf32, #tpu.memory_space<vmem>> -> memref<128x64xf32, #tpu.memory_space<vmem>>
      tpu.wait_dma2 semaphore(%run_scoped3A : memref<!tpu.dma_semaphore, #tpu.memory_space<semaphore_mem>>) src(%dma_wait3A_618 : memref<128x64xf32, #tpu.memory_space<vmem>>) dst(%dma_wait3A_615 : memref<128x64xf32, #tpu.memory_space<hbm>>)
      tpu.yield
    }) : () -> ()
    %add3A_597 = arith.constant 512 : i32
    %add3A_598 = arith.addi %mul3A_0, %add3A_597 : i32
    "tpu.region"() ({
      %run_scoped3A = tpu.sem_alloc : memref<!tpu.dma_semaphore, #tpu.memory_space<semaphore_mem>>
      %dma_start3A = arith.constant 0 : i32
      %dma_start3A_604 = arith.constant 0 : i32
      %dma_start3A_605 = tpu.memref_slice %arg19[%dma_start3A, %dma_start3A_604] : memref<256x64xf32, #tpu.memory_space<vmem>> -> memref<128x64xf32, #tpu.memory_space<vmem>>
      %dma_start3A_606 = arith.constant 0 : i32
      %dma_start3A_607 = tpu.memref_slice %arg21[%add3A_598, %dma_start3A_606] : memref<10240x64xf32, #tpu.memory_space<vmem_shared>> -> memref<128x64xf32, #tpu.memory_space<vmem_shared>>
      %dma_start3A_608 = arith.constant 0 : i32
      %dma_start3A_609 = arith.constant 0 : i32
      %dma_start3A_610 = tpu.memref_slice %arg19[%dma_start3A_608, %dma_start3A_609] : memref<256x64xf32, #tpu.memory_space<vmem>> -> memref<128x64xf32, #tpu.memory_space<vmem>>
      %dma_start3A_611 = arith.constant 0 : i32
      %dma_start3A_612 = tpu.memref_slice %arg21[%add3A_598, %dma_start3A_611] : memref<10240x64xf32, #tpu.memory_space<vmem_shared>> -> memref<128x64xf32, #tpu.memory_space<vmem_shared>>
      tpu.enqueue_dma source(%dma_start3A_612 : memref<128x64xf32, #tpu.memory_space<vmem_shared>>) target(%dma_start3A_610 : memref<128x64xf32, #tpu.memory_space<vmem>>) target_semaphore(%run_scoped3A : memref<!tpu.dma_semaphore, #tpu.memory_space<semaphore_mem>>)
      %dma_wait3A_613 = arith.constant 0 : i32
      %dma_wait3A_614 = arith.constant 0 : i32
      %dma_wait3A_615 = tpu.memref_slice %arg19[%dma_wait3A_613, %dma_wait3A_614] : memref<256x64xf32, #tpu.memory_space<vmem>> -> memref<128x64xf32, #tpu.memory_space<vmem>>
      %dma_wait3A_616 = arith.constant 0 : i32
      %dma_wait3A_617 = tpu.memref_slice %arg21[%add3A_598, %dma_wait3A_616] : memref<10240x64xf32, #tpu.memory_space<vmem_shared>> -> memref<128x64xf32, #tpu.memory_space<vmem_shared>>
      %dma_wait3A_618 = arith.constant 0 : i32
      %dma_wait3A_619 = arith.constant 0 : i32
      %dma_wait3A_620 = tpu.memref_slice %arg19[%dma_wait3A_618, %dma_wait3A_619] : memref<256x64xf32, #tpu.memory_space<vmem>> -> memref<128x64xf32, #tpu.memory_space<vmem>>
      %dma_wait3A_621 = arith.constant 0 : i32
      %dma_wait3A_622 = tpu.memref_slice %arg21[%add3A_598, %dma_wait3A_621] : memref<10240x64xf32, #tpu.memory_space<vmem_shared>> -> memref<128x64xf32, #tpu.memory_space<vmem_shared>>
      tpu.wait_dma2 semaphore(%run_scoped3A : memref<!tpu.dma_semaphore, #tpu.memory_space<semaphore_mem>>) src(%dma_wait3A_622 : memref<128x64xf32, #tpu.memory_space<vmem_shared>>) dst(%dma_wait3A_620 : memref<128x64xf32, #tpu.memory_space<vmem>>)
      tpu.yield
    }) : () -> ()
    %parallel_loop3A_599 = arith.constant 0 : i32
    %parallel_loop3A_600 = arith.constant 128 : i32
    %parallel_loop3A_601 = arith.constant 1 : i32
    scf.for %parallel_loop3A_604 = %parallel_loop3A_599 to %parallel_loop3A_600 step %parallel_loop3A_601  : i32 {
      %parallel_loop3A_605 = arith.constant 512 : i32
      %parallel_loop3A_606 = arith.addi %parallel_loop3A_605, %parallel_loop3A_604 : i32
      %parallel_loop3A_607 = vector.broadcast %parallel_loop3A_606 : i32 to vector<16xi32>
      %parallel_loop3A_608 = tpu.vector_load_idx %arg13[%parallel_loop3A_607] : memref<640xf32, #tpu.memory_space<vmem>>[vector<16xi32>], vector<16xf32>,
      %parallel_loop3A_609 = arith.constant 0 : i32
      %parallel_loop3A_610 = arith.addi %mul3A_170, %parallel_loop3A_609 : i32
      %parallel_loop3A_611 = arith.index_cast %parallel_loop3A_610 : i32 to index
      %parallel_loop3A_612 = tpu.vector_load %arg14[%parallel_loop3A_611] {strides = array<i32>} : memref<128xf32, #tpu.memory_space<vmem>>, vector<16xf32>,
      %parallel_loop3A_613 = arith.index_cast %parallel_loop3A_604 : i32 to index
      %parallel_loop3A_614 = arith.constant 0 : index
      %parallel_loop3A_615 = tpu.vector_load %arg19[%parallel_loop3A_613, %parallel_loop3A_614] {strides = array<i32>} : memref<256x64xf32, #tpu.memory_space<vmem>>, vector<16xf32>,
      %parallel_loop3A_616 = arith.mulf %parallel_loop3A_615, %parallel_loop3A_608 : vector<16xf32>
      %parallel_loop3A_617 = arith.addf %parallel_loop3A_616, %parallel_loop3A_612 : vector<16xf32>
      %parallel_loop3A_618 = arith.constant 0.000000e+00 : f32
      %parallel_loop3A_619 = vector.broadcast %parallel_loop3A_618 : f32 to vector<16xf32>
      %parallel_loop3A_620 = arith.maximumf %parallel_loop3A_617, %parallel_loop3A_619 : vector<16xf32>
      %parallel_loop3A_621 = arith.index_cast %parallel_loop3A_604 : i32 to index
      %parallel_loop3A_622 = arith.constant 0 : index
      %parallel_loop3A_623 = tpu.vector_load %arg19[%parallel_loop3A_621, %parallel_loop3A_622] {strides = array<i32>} : memref<256x64xf32, #tpu.memory_space<vmem>>, vector<16xf32>,
      tpu.vector_store %arg19[%parallel_loop3A_621, %parallel_loop3A_622], %parallel_loop3A_620 {strides = array<i32>} : memref<256x64xf32, #tpu.memory_space<vmem>>, vector<16xf32>,
      %parallel_loop3A_624 = arith.constant 16 : i32
      %parallel_loop3A_625 = arith.addi %mul3A_170, %parallel_loop3A_624 : i32
      %parallel_loop3A_626 = arith.index_cast %parallel_loop3A_625 : i32 to index
      %parallel_loop3A_627 = tpu.vector_load %arg14[%parallel_loop3A_626] {strides = array<i32>} : memref<128xf32, #tpu.memory_space<vmem>>, vector<16xf32>,
      %parallel_loop3A_628 = arith.index_cast %parallel_loop3A_604 : i32 to index
      %parallel_loop3A_629 = arith.constant 16 : index
      %parallel_loop3A_630 = tpu.vector_load %arg19[%parallel_loop3A_628, %parallel_loop3A_629] {strides = array<i32>} : memref<256x64xf32, #tpu.memory_space<vmem>>, vector<16xf32>,
      %parallel_loop3A_631 = arith.mulf %parallel_loop3A_630, %parallel_loop3A_608 : vector<16xf32>
      %parallel_loop3A_632 = arith.addf %parallel_loop3A_631, %parallel_loop3A_627 : vector<16xf32>
      %parallel_loop3A_633 = arith.constant 0.000000e+00 : f32
      %parallel_loop3A_634 = vector.broadcast %parallel_loop3A_633 : f32 to vector<16xf32>
      %parallel_loop3A_635 = arith.maximumf %parallel_loop3A_632, %parallel_loop3A_634 : vector<16xf32>
      %parallel_loop3A_636 = arith.index_cast %parallel_loop3A_604 : i32 to index
      %parallel_loop3A_637 = arith.constant 16 : index
      %parallel_loop3A_638 = tpu.vector_load %arg19[%parallel_loop3A_636, %parallel_loop3A_637] {strides = array<i32>} : memref<256x64xf32, #tpu.memory_space<vmem>>, vector<16xf32>,
      tpu.vector_store %arg19[%parallel_loop3A_636, %parallel_loop3A_637], %parallel_loop3A_635 {strides = array<i32>} : memref<256x64xf32, #tpu.memory_space<vmem>>, vector<16xf32>,
      %parallel_loop3A_639 = arith.constant 32 : i32
      %parallel_loop3A_640 = arith.addi %mul3A_170, %parallel_loop3A_639 : i32
      %parallel_loop3A_641 = arith.index_cast %parallel_loop3A_640 : i32 to index
      %parallel_loop3A_642 = tpu.vector_load %arg14[%parallel_loop3A_641] {strides = array<i32>} : memref<128xf32, #tpu.memory_space<vmem>>, vector<16xf32>,
      %parallel_loop3A_643 = arith.index_cast %parallel_loop3A_604 : i32 to index
      %parallel_loop3A_644 = arith.constant 32 : index
      %parallel_loop3A_645 = tpu.vector_load %arg19[%parallel_loop3A_643, %parallel_loop3A_644] {strides = array<i32>} : memref<256x64xf32, #tpu.memory_space<vmem>>, vector<16xf32>,
      %parallel_loop3A_646 = arith.mulf %parallel_loop3A_645, %parallel_loop3A_608 : vector<16xf32>
      %parallel_loop3A_647 = arith.addf %parallel_loop3A_646, %parallel_loop3A_642 : vector<16xf32>
      %parallel_loop3A_648 = arith.constant 0.000000e+00 : f32
      %parallel_loop3A_649 = vector.broadcast %parallel_loop3A_648 : f32 to vector<16xf32>
      %parallel_loop3A_650 = arith.maximumf %parallel_loop3A_647, %parallel_loop3A_649 : vector<16xf32>
      %parallel_loop3A_651 = arith.index_cast %parallel_loop3A_604 : i32 to index
      %parallel_loop3A_652 = arith.constant 32 : index
      %parallel_loop3A_653 = tpu.vector_load %arg19[%parallel_loop3A_651, %parallel_loop3A_652] {strides = array<i32>} : memref<256x64xf32, #tpu.memory_space<vmem>>, vector<16xf32>,
      tpu.vector_store %arg19[%parallel_loop3A_651, %parallel_loop3A_652], %parallel_loop3A_650 {strides = array<i32>} : memref<256x64xf32, #tpu.memory_space<vmem>>, vector<16xf32>,
      %parallel_loop3A_654 = arith.constant 48 : i32
      %parallel_loop3A_655 = arith.addi %mul3A_170, %parallel_loop3A_654 : i32
      %parallel_loop3A_656 = arith.index_cast %parallel_loop3A_655 : i32 to index
      %parallel_loop3A_657 = tpu.vector_load %arg14[%parallel_loop3A_656] {strides = array<i32>} : memref<128xf32, #tpu.memory_space<vmem>>, vector<16xf32>,
      %parallel_loop3A_658 = arith.index_cast %parallel_loop3A_604 : i32 to index
      %parallel_loop3A_659 = arith.constant 48 : index
      %parallel_loop3A_660 = tpu.vector_load %arg19[%parallel_loop3A_658, %parallel_loop3A_659] {strides = array<i32>} : memref<256x64xf32, #tpu.memory_space<vmem>>, vector<16xf32>,
      %parallel_loop3A_661 = arith.mulf %parallel_loop3A_660, %parallel_loop3A_608 : vector<16xf32>
      %parallel_loop3A_662 = arith.addf %parallel_loop3A_661, %parallel_loop3A_657 : vector<16xf32>
      %parallel_loop3A_663 = arith.constant 0.000000e+00 : f32
      %parallel_loop3A_664 = vector.broadcast %parallel_loop3A_663 : f32 to vector<16xf32>
      %parallel_loop3A_665 = arith.maximumf %parallel_loop3A_662, %parallel_loop3A_664 : vector<16xf32>
      %parallel_loop3A_666 = arith.index_cast %parallel_loop3A_604 : i32 to index
      %parallel_loop3A_667 = arith.constant 48 : index
      %parallel_loop3A_668 = tpu.vector_load %arg19[%parallel_loop3A_666, %parallel_loop3A_667] {strides = array<i32>} : memref<256x64xf32, #tpu.memory_space<vmem>>, vector<16xf32>,
      tpu.vector_store %arg19[%parallel_loop3A_666, %parallel_loop3A_667], %parallel_loop3A_665 {strides = array<i32>} : memref<256x64xf32, #tpu.memory_space<vmem>>, vector<16xf32>,
    } {sc.loop_unroll_factor = 4 : i64, sc.parallel_access}
    %add3A_602 = arith.constant 512 : i32
    %add3A_603 = arith.addi %mul3A_0, %add3A_602 : i32
    "tpu.region"() ({
      %run_scoped3A = tpu.sem_alloc : memref<!tpu.dma_semaphore, #tpu.memory_space<semaphore_mem>>
      %dma_start3A = arith.constant 0 : i32
      %dma_start3A_604 = arith.constant 0 : i32
      %dma_start3A_605 = tpu.memref_slice %arg19[%dma_start3A, %dma_start3A_604] : memref<256x64xf32, #tpu.memory_space<vmem>> -> memref<128x64xf32, #tpu.memory_space<vmem>>
      %dma_start3A_606 = tpu.memref_slice %arg10[%add3A_603, %mul3A_170] : memref<10240x128xf32, #tpu.memory_space<hbm>> -> memref<128x64xf32, #tpu.memory_space<hbm>>
      %dma_start3A_607 = tpu.memref_slice %arg10[%add3A_603, %mul3A_170] : memref<10240x128xf32, #tpu.memory_space<hbm>> -> memref<128x64xf32, #tpu.memory_space<hbm>>
      %dma_start3A_608 = arith.constant 0 : i32
      %dma_start3A_609 = arith.constant 0 : i32
      %dma_start3A_610 = tpu.memref_slice %arg19[%dma_start3A_608, %dma_start3A_609] : memref<256x64xf32, #tpu.memory_space<vmem>> -> memref<128x64xf32, #tpu.memory_space<vmem>>
      tpu.enqueue_dma source(%dma_start3A_610 : memref<128x64xf32, #tpu.memory_space<vmem>>) target(%dma_start3A_607 : memref<128x64xf32, #tpu.memory_space<hbm>>) target_semaphore(%run_scoped3A : memref<!tpu.dma_semaphore, #tpu.memory_space<semaphore_mem>>)
      %dma_wait3A_611 = arith.constant 0 : i32
      %dma_wait3A_612 = arith.constant 0 : i32
      %dma_wait3A_613 = tpu.memref_slice %arg19[%dma_wait3A_611, %dma_wait3A_612] : memref<256x64xf32, #tpu.memory_space<vmem>> -> memref<128x64xf32, #tpu.memory_space<vmem>>
      %dma_wait3A_614 = tpu.memref_slice %arg10[%add3A_603, %mul3A_170] : memref<10240x128xf32, #tpu.memory_space<hbm>> -> memref<128x64xf32, #tpu.memory_space<hbm>>
      %dma_wait3A_615 = tpu.memref_slice %arg10[%add3A_603, %mul3A_170] : memref<10240x128xf32, #tpu.memory_space<hbm>> -> memref<128x64xf32, #tpu.memory_space<hbm>>
      %dma_wait3A_616 = arith.constant 0 : i32
      %dma_wait3A_617 = arith.constant 0 : i32
      %dma_wait3A_618 = tpu.memref_slice %arg19[%dma_wait3A_616, %dma_wait3A_617] : memref<256x64xf32, #tpu.memory_space<vmem>> -> memref<128x64xf32, #tpu.memory_space<vmem>>
      tpu.wait_dma2 semaphore(%run_scoped3A : memref<!tpu.dma_semaphore, #tpu.memory_space<semaphore_mem>>) src(%dma_wait3A_618 : memref<128x64xf32, #tpu.memory_space<vmem>>) dst(%dma_wait3A_615 : memref<128x64xf32, #tpu.memory_space<hbm>>)
      tpu.yield
    }) : () -> ()
    return
  }
}

module attributes {stable_mosaic.version = 14 : i64} {
  func.func @_prep_body(%arg0: i32, %arg1: memref<1000x128xf32, #tpu.memory_space<vmem>>, %arg2: memref<128x128xf32, #tpu.memory_space<vmem>>, %arg3: memref<1x128xf32, #tpu.memory_space<vmem>>, %arg4: memref<1x128xf32, #tpu.memory_space<vmem>>, %arg5: memref<1000x64xf32, #tpu.memory_space<vmem>>, %arg6: memref<1000x64xf32, #tpu.memory_space<vmem>>, %arg7: memref<1000x1xf32, #tpu.memory_space<vmem>>, %arg8: memref<1000x1xf32, #tpu.memory_space<vmem>>) attributes {dimension_semantics = [#tpu.dimension_semantics<arbitrary>], iteration_bounds = array<i64: 10>, scalar_prefetch = 0 : i64, scratch_operands = 0 : i64, tpu.core_type = #tpu.core_type<tc>, window_params = [{transform_indices = @transform_0, window_bounds = array<i64: 1000, 128>}, {pipeline_mode = #tpu.pipeline_mode<synchronous>, transform_indices = @transform_1, window_bounds = array<i64: 128, 128>}, {pipeline_mode = #tpu.pipeline_mode<synchronous>, transform_indices = @transform_2, window_bounds = array<i64: 1, 128>}, {pipeline_mode = #tpu.pipeline_mode<synchronous>, transform_indices = @transform_3, window_bounds = array<i64: 1, 128>}, {transform_indices = @transform_4, window_bounds = array<i64: 1000, 64>}, {transform_indices = @transform_5, window_bounds = array<i64: 1000, 64>}, {transform_indices = @transform_6, window_bounds = array<i64: 1000, 1>}, {transform_indices = @transform_7, window_bounds = array<i64: 1000, 1>}]} {
    %get3A = arith.constant 0 : index
    %get3A_0 = arith.constant 0 : index
    %get3A_1 = vector.load %arg1[%get3A, %get3A_0] : memref<1000x128xf32, #tpu.memory_space<vmem>>, vector<1000x128xf32>
    %get3A_2 = arith.constant 0 : index
    %get3A_3 = arith.constant 0 : index
    %get3A_4 = vector.load %arg2[%get3A_2, %get3A_3] : memref<128x128xf32, #tpu.memory_space<vmem>>, vector<128x128xf32>
    %dot_general3A = arith.constant dense<0.000000e+00> : vector<1000x128xf32>
    %dot_general3A_5 = tpu.matmul %get3A_1, %get3A_4, %dot_general3A {dimension_numbers = #tpu.dot_dimension_numbers<[1], [0], [0], [1], [0, 0, 1, 1], [], []>, transpose_lhs_hint = false} : vector<1000x128xf32>, vector<128x128xf32>, vector<1000x128xf32> -> vector<1000x128xf32>
    %slice3A = vector.extract_strided_slice %dot_general3A_5 {offsets = [0, 0], sizes = [1000, 64], strides = [1, 1]} : vector<1000x128xf32> to vector<1000x64xf32>
    %swap3A = arith.constant 0 : index
    %swap3A_6 = arith.constant 0 : index
    %swap3A_7 = vector.load %arg5[%swap3A, %swap3A_6] : memref<1000x64xf32, #tpu.memory_space<vmem>>, vector<1000x64xf32>
    tpu.vector_store %arg5[%swap3A, %swap3A_6], %slice3A {strides = array<i32>} : memref<1000x64xf32, #tpu.memory_space<vmem>>, vector<1000x64xf32>,
    %slice3A_8 = vector.extract_strided_slice %dot_general3A_5 {offsets = [0, 64], sizes = [1000, 64], strides = [1, 1]} : vector<1000x128xf32> to vector<1000x64xf32>
    %swap3A_9 = arith.constant 0 : index
    %swap3A_10 = arith.constant 0 : index
    %swap3A_11 = vector.load %arg6[%swap3A_9, %swap3A_10] : memref<1000x64xf32, #tpu.memory_space<vmem>>, vector<1000x64xf32>
    tpu.vector_store %arg6[%swap3A_9, %swap3A_10], %slice3A_8 {strides = array<i32>} : memref<1000x64xf32, #tpu.memory_space<vmem>>, vector<1000x64xf32>,
    %get3A_12 = arith.constant 0 : index
    %get3A_13 = arith.constant 0 : index
    %get3A_14 = vector.load %arg3[%get3A_12, %get3A_13] : memref<1x128xf32, #tpu.memory_space<vmem>>, vector<1x128xf32>
    %mul3A = vector.broadcast %get3A_14 : vector<1x128xf32> to vector<1000x128xf32>
    %mul3A_15 = arith.mulf %dot_general3A_5, %mul3A : vector<1000x128xf32>
    %reduce_sum3A = arith.constant dense<0.000000e+00> : vector<1000xf32>
    %reduce_sum3A_16 = vector.multi_reduction <add>, %mul3A_15, %reduce_sum3A [1] : vector<1000x128xf32> to vector<1000xf32>
    %broadcast_in_dim3A = vector.shape_cast %reduce_sum3A_16 : vector<1000xf32> to vector<1000x1xf32>
    %swap3A_17 = arith.constant 0 : index
    %swap3A_18 = arith.constant 0 : index
    %swap3A_19 = vector.load %arg7[%swap3A_17, %swap3A_18] : memref<1000x1xf32, #tpu.memory_space<vmem>>, vector<1000x1xf32>
    tpu.vector_store %arg7[%swap3A_17, %swap3A_18], %broadcast_in_dim3A {strides = array<i32>} : memref<1000x1xf32, #tpu.memory_space<vmem>>, vector<1000x1xf32>,
    %get3A_20 = arith.constant 0 : index
    %get3A_21 = arith.constant 0 : index
    %get3A_22 = vector.load %arg4[%get3A_20, %get3A_21] : memref<1x128xf32, #tpu.memory_space<vmem>>, vector<1x128xf32>
    %mul3A_23 = vector.broadcast %get3A_22 : vector<1x128xf32> to vector<1000x128xf32>
    %mul3A_24 = arith.mulf %dot_general3A_5, %mul3A_23 : vector<1000x128xf32>
    %reduce_sum3A_25 = arith.constant dense<0.000000e+00> : vector<1000xf32>
    %reduce_sum3A_26 = vector.multi_reduction <add>, %mul3A_24, %reduce_sum3A_25 [1] : vector<1000x128xf32> to vector<1000xf32>
    %broadcast_in_dim3A_27 = vector.shape_cast %reduce_sum3A_26 : vector<1000xf32> to vector<1000x1xf32>
    %swap3A_28 = arith.constant 0 : index
    %swap3A_29 = arith.constant 0 : index
    %swap3A_30 = vector.load %arg8[%swap3A_28, %swap3A_29] : memref<1000x1xf32, #tpu.memory_space<vmem>>, vector<1000x1xf32>
    tpu.vector_store %arg8[%swap3A_28, %swap3A_29], %broadcast_in_dim3A_27 {strides = array<i32>} : memref<1000x1xf32, #tpu.memory_space<vmem>>, vector<1000x1xf32>,
    return
  }
  func.func @transform_0(%arg0: i32) -> (i32, i32) {
    %c0_i32 = arith.constant 0 : i32
    %c0_i32_0 = arith.constant 0 : i32
    return %arg0, %c0_i32 : i32, i32
  }
  func.func @transform_1(%arg0: i32) -> (i32, i32) {
    %c0_i32 = arith.constant 0 : i32
    %c0_i32_0 = arith.constant 0 : i32
    %c0_i32_1 = arith.constant 0 : i32
    return %c0_i32, %c0_i32_0 : i32, i32
  }
  func.func @transform_2(%arg0: i32) -> (i32, i32) {
    %c0_i32 = arith.constant 0 : i32
    %c0_i32_0 = arith.constant 0 : i32
    %c0_i32_1 = arith.constant 0 : i32
    return %c0_i32, %c0_i32_0 : i32, i32
  }
  func.func @transform_3(%arg0: i32) -> (i32, i32) {
    %c0_i32 = arith.constant 0 : i32
    %c0_i32_0 = arith.constant 0 : i32
    %c0_i32_1 = arith.constant 0 : i32
    return %c0_i32, %c0_i32_0 : i32, i32
  }
  func.func @transform_4(%arg0: i32) -> (i32, i32) {
    %c0_i32 = arith.constant 0 : i32
    %c0_i32_0 = arith.constant 0 : i32
    return %arg0, %c0_i32 : i32, i32
  }
  func.func @transform_5(%arg0: i32) -> (i32, i32) {
    %c0_i32 = arith.constant 0 : i32
    %c0_i32_0 = arith.constant 0 : i32
    return %arg0, %c0_i32 : i32, i32
  }
  func.func @transform_6(%arg0: i32) -> (i32, i32) {
    %c0_i32 = arith.constant 0 : i32
    %c0_i32_0 = arith.constant 0 : i32
    return %arg0, %c0_i32 : i32, i32
  }
  func.func @transform_7(%arg0: i32) -> (i32, i32) {
    %c0_i32 = arith.constant 0 : i32
    %c0_i32_0 = arith.constant 0 : i32
    return %arg0, %c0_i32 : i32, i32
  }
}

</mosaic_0001>

<sc_bundles>
// kernel: kernel.4.cloned.1.call-start
scs
__scs_entry_jumppad:
0x0: {  	(pc) =	sbr.rel $0x88, $3  }
0x1: {  	(tag) =	ssettag $0x0;
	lr =	simm.s32 $0x1  }
0x2: {  	[smem:$0x3F9B] =	sst lr;
	_ =	strace $0xD0000000  }
0x3: {  	_ = 	snop  }
0x4: {  	_ = 	snop  }
0x5: {  	_ = 	snop  }
0x6: {  	_ = 	snop  }
0x7: {  	_ = 	snop  }
__scs_overlays_trampoline_lowered:
0x8: {  	[smem:$0x3FAA] =	sst s0  }
0x9: {  	[smem:$0x3FAB] =	sst s1  }
0xa: {  	[smem:$0x3FAC] =	sst s2  }
0xb: {  	[smem:$0x3FAD] =	sst s3  }
0xc: {  	[smem:$0x3FAE] =	sst s4  }
0xd: {  	[smem:$0x3FAF] =	sst s5  }
0xe: {  	[smem:$0x3FB0] =	sst s6  }
0xf: {  	[smem:$0x3FB1] =	sst s7  }
0x10: {  	[smem:$0x3FB2] =	sst s8  }
0x11: {  	[smem:$0x3FB3] =	sst s9;
	s0 =	simm.s32 @!p0 $0x0  }
0x12: {  	s1 =	sld [smem:$0x3F99];
	s0 =	simm.s32 @p0 $0x1  }
0x13: {  	[smem:$0x3FB4] =	sst s0;
	s0 =	simm.s32 @!p1 $0x0  }
0x14: {  	s2 =	sld [smem:$0x3F98];
	s0 =	simm.s32 @p1 $0x1  }
0x15: {  	[smem:$0x3FB5] =	sst s0;
	s0 =	simm.s32 @!p2 $0x0  }
0x16: {  	s3 =	sld [smem:$0x3FDB];
	s0 =	simm.s32 @p2 $0x1  }
0x17: {  	s4 =	simm.s32 $0x1BF5;
	[smem:$0x3FB7] =	sst s0  }
0x18: {  	s0 =	sld [smem:$0x3F9A];
	_ =	swait.ge [sflag:s4], $0x0  }
0x19: {  	s7 =	sld [smem:$0x3F9B]  }
0x1a: {  	s8 =	sadd.s32 $0xFFFFE003, lr  }
0x1b: {  	s9 =	sadd.s32 $0xFFFFFEF7, lr;
	s5 =	simm.s32 $0xFFFFFFFF;
	p2 =	slt.u32 s8, $0xFFFFF086  }
0x1c: {  	p1 =	slt.u32 s9, $0xF7A;
	s5 =	simm.s32 @!p2 $0x0  }
0x1d: {  	s5 =	simm.s32 @p1 $0x1;
	p0 =	seq.s32 s7, s2  }
0x1e: {  	s7 =	smul.u32 @!p0 $0xF7A, s2;
	p2 =	seq.s32 @!p0 s5, $0x0  }
0x1f: {  	s9 =	smul.u32 $0xF7A, s1;
	s8 =	simm.s32 @!p0 $0x1BF5;
	p2 =	por !p2, p0  }
0x20: {  	[sflag:s8] =	ssyncset.s32 @!p0 $0xFFFFF086;
	s6 =	sadd.s32 @!p0 s3, s7;
	s7 =	simm.s32 @!p0 $0x108  }
0x21: {  	s3 =	sadd.s32 s3, s9;
	s6 =	sadd.s32 @!p0 $0x88, s6;
	s7 =	simm.s32 @p2 $0x1082  }
0x22: {  	[simem:s7], [sflag:s8] =	dma.local @!p0 [hbm:s6], $0xF7A  }
0x23: {  	s9 =	sor.u32 $0xD0000000, s2;
	s6 =	simm.s32 $0x108;
	_ =	swait.ge @!p0 [sflag:s8], $0x0  }
0x24: {  	s3 =	sadd.s32 $0x88, s3;
	s6 =	simm.s32 @!p1 $0x1082;
	[sflag:s4] =	ssyncset.s32 $0xFFFFF086  }
0x25: {  	[simem:s6], [sflag:s4] =	dma.local [hbm:s3], $0xF7A  }
0x26: {  	[smem:$0x3F9B] =	sst s1;
	(tag) =	ssettag s2;
	_ =	strace s9  }
0x27: {  	s1 =	sld [smem:$0x3FAB]  }
0x28: {  	s2 =	sld [smem:$0x3FAC]  }
0x29: {  	s4 =	sld [smem:$0x3FAE]  }
0x2a: {  	p0 =	seq.s32 s5, $0x0;
	s5 =	sld [smem:$0x3FAF]  }
0x2b: {  	s6 =	sld [smem:$0x3FB0]  }
0x2c: {  	s7 =	sld [smem:$0x3FB1]  }
0x2d: {  	s3 =	simm.s32 $0x108;
	s8 =	sld [smem:$0x3FB2]  }
0x2e: {  	s3 =	simm.s32 @!p0 $0x1082;
	s9 =	sld [smem:$0x3FB3]  }
0x2f: {  	lr =	sadd.s32 s0, s3;
	s0 =	sld [smem:$0x3FAA]  }
0x30: {  	s3 =	sld [smem:$0x3FAD]  }
0x31: {  	[smem:$0x3FB6] =	sst s10  }
0x32: {  	s10 =	sld [smem:$0x3FB4];
	_ =	sdelay $0x3  }
0x33: {  	p0 =	seq.s32 s10, $0x1;
	s10 =	sld [smem:$0x3FB6];
	_ =	sdelay $0x3  }
0x34: {  	[smem:$0x3FB6] =	sst s10  }
0x35: {  	s10 =	sld [smem:$0x3FB5];
	_ =	sdelay $0x3  }
0x36: {  	p1 =	seq.s32 s10, $0x1;
	s10 =	sld [smem:$0x3FB6];
	_ =	sdelay $0x3  }
0x37: {  	[smem:$0x3FB6] =	sst s10  }
0x38: {  	s10 =	sld [smem:$0x3FB7]  }
0x39: {  	_ = 	snop;
	(pc) =	sbr.ind lr, $3  }
0x3a: {  	_ = 	snop  }
0x3b: {  	_ = 	snop  }
0x3c: {  	p2 =	seq.s32 s10, $0x1;
	s10 =	sld [smem:$0x3FB6]  }
0x3d: {  	_ =	shalt  }
0x3e: {  	_ =	shalt  }
0x3f: {  	_ =	shalt  }
0x40: {  	_ =	shalt  }
0x41: {  	_ =	shalt  }
0x42: {  	_ =	shalt  }
0x43: {  	_ =	shalt  }
0x44: {  	_ =	shalt  }
0x45: {  	_ =	shalt  }
0x46: {  	_ =	shalt  }
0x47: {  	_ =	shalt  }
0x48: {  	_ =	shalt  }
0x49: {  	_ =	shalt  }
0x4a: {  	_ =	shalt  }
0x4b: {  	_ =	shalt  }
0x4c: {  	_ =	shalt  }
0x4d: {  	_ =	shalt  }
0x4e: {  	_ =	shalt  }
0x4f: {  	_ =	shalt  }
0x50: {  	_ =	shalt  }
0x51: {  	_ =	shalt  }
0x52: {  	_ =	shalt  }
0x53: {  	_ =	shalt  }
0x54: {  	_ =	shalt  }
0x55: {  	_ =	shalt  }
0x56: {  	_ =	shalt  }
0x57: {  	_ =	shalt  }
0x58: {  	_ =	shalt  }
0x59: {  	_ =	shalt  }
0x5a: {  	_ =	shalt  }
0x5b: {  	_ =	shalt  }
0x5c: {  	_ =	shalt  }
0x5d: {  	_ =	shalt  }
0x5e: {  	_ =	shalt  }
0x5f: {  	_ =	shalt  }
0x60: {  	_ =	shalt  }
0x61: {  	_ =	shalt  }
0x62: {  	_ =	shalt  }
0x63: {  	_ =	shalt  }
0x64: {  	_ =	shalt  }
0x65: {  	_ =	shalt  }
0x66: {  	_ =	shalt  }
0x67: {  	_ =	shalt  }
0x68: {  	_ =	shalt  }
0x69: {  	_ =	shalt  }
0x6a: {  	_ =	shalt  }
0x6b: {  	_ =	shalt  }
0x6c: {  	_ =	shalt  }
0x6d: {  	_ =	shalt  }
0x6e: {  	_ =	shalt  }
0x6f: {  	_ =	shalt  }
0x70: {  	_ =	shalt  }
0x71: {  	_ =	shalt  }
0x72: {  	_ =	shalt  }
0x73: {  	_ =	shalt  }
0x74: {  	_ =	shalt  }
0x75: {  	_ =	shalt  }
0x76: {  	_ =	shalt  }
0x77: {  	_ =	shalt  }
0x78: {  	_ =	shalt  }
0x79: {  	_ =	shalt  }
0x7a: {  	_ =	shalt  }
0x7b: {  	_ =	shalt  }
0x7c: {  	_ =	shalt  }
0x7d: {  	_ =	shalt  }
0x7e: {  	_ =	shalt  }
0x7f: {  	_ =	shalt  }
0x80: {  	_ =	shalt  }
0x81: {  	_ =	shalt  }
0x82: {  	_ =	shalt  }
0x83: {  	_ =	shalt  }
0x84: {  	_ =	shalt  }
0x85: {  	_ =	shalt  }
0x86: {  	_ =	shalt  }
0x87: {  	_ =	shalt  }
.Lfunc_end0:
.L_simem_size_0:
called_computation_lowered:
.L_overlay_start_0:
0x88: {  	s2 =	sld [smem:$0x3FD9]  }
0x89: {  	s3 =	sld [smem:$0x3FFE];
	_ =	sdelay $0x1  }
0x8a: {  	s1 =	srdreg.scid  }
0x8b: {  	s0 =	sand.u32 $0x1, s1  }
0x8c: {  	s17 =	sshll.u32 s0, $0xA;
	s2 =	sadd.s32 s3, s2  }
0x8d: {  	s2 =	sadd.s32 s2, s17  }
0x8e: {  	[smem:$0x3FC2] =	sst s2  }
0x8f: {  	_ = 	snop  }
0x90: {  	s2 =	sld [smem:$0x3FC4]  }
0x91: {  	s18 =	sld [smem:$0x3FD0];
	(tm) =	ssettm $0x1  }
0x92: {  	s4 =	sld [smem:$0x3FFB];
	_ =	sdelay $0x3  }
0x93: {  	_ =	strace s4  }
0x94: {  	s4 =	sld [smem:$0x3FFC];
	_ =	sdelay $0x3  }
0x95: {  	_ =	strace s4  }
0x96: {  	s4 =	sld [smem:$0x3FFD];
	_ =	sdelay $0x3  }
0x97: {  	_ =	strace s4  }
0x98: {  	_ =	strace $0x8FFFFFFF  }
0x99: {  	s19 =	sld [smem:$0x3FDB];
	_ =	sdelay $0x1  }
0x9a: {  	s5 =	simm.s32 $_scs_section_size  }
0x9b: {  	s6 =	simm.s32 $_size__tile_overlayer_lowered;
	s7 =	simm.s32 $_tile_overlayer_lowered  }
0x9c: {  	s22 =	simm.s32 $0x1BFF;
	s21 =	sshll.u32 s7, $0x1;
	s4 =	sadd.s32 s5, s19  }
0x9d: {  	s8 =	simm.s32 $0x0;
	s20 =	sshll.u32 s6, $0x1;
	s6 =	sadd.s32 s21, s4  }
0x9e: {  	[timem:s8], [sflag:s22] =	dma.local [hbm:s6], s20  }
0x9f: {  	_ =	swait.ge [sflag:s22], s20  }
0xa0: {  	s5 =	ssub.s32 $0x0, s20;
	[sflag:s22] =	ssyncset.done $0x0  }
0xa1: {  	[sflag:s22] =	ssyncadd.s32 s5;
	_ =	sdelay $0x1  }
0xa2: {  	s23 =	simm.s32 $0x1B8B  }
0xa3: {  	_ =	swait.ge [sflag:s23], $0x1  }
0xa4: {  	[sflag:s23] =	ssyncset.done $0x0  }
0xa5: {  	s25 =	simm.s32 $0x1B8E;
	s24 =	sld [smem:$0x3FFE];
	[sflag:s23] =	ssyncadd.s32 $0xFFFFFFFF  }
0xa6: {  	s26 =	simm.s32 $execute0_lowered;
	[smem:$0x3FD2] =	sst s25  }
0xa7: {  	s6 =	sshll.u32 s26, $0x1;
	_ =	strace $0x80000046;
	[dreg:$0x1] =	wrdreg $0xFFFFFFFF  }
0xa8: {  	s28 =	simm.s32 $_size_execute0_lowered;
	s4 =	sadd.s32 s4, s6;
	[dreg:$0x0] =	wrdreg $0x0  }
0xa9: {  	s6 =	sshll.u32 s28, $0x1;
	[dreg:$0x2] =	wrdreg s4  }
0xaa: {  	[dreg:$0x3] =	wrdreg s6  }
0xab: {  	[dreg:$0x4] =	wrdreg $0xC0  }
0xac: {  	_ =	task [dreg:s8], $0x5FFFF  }
0xad: {  	[dreg:$0x1] =	wrdreg $0xFFFFFFFF  }
0xae: {  	[dreg:$0x0] =	wrdreg $0x60  }
0xaf: {  	[dreg:$0x2] =	wrdreg s24  }
0xb0: {  	[dreg:$0x3] =	wrdreg s18  }
0xb1: {  	[dreg:$0x4] =	wrdreg s2  }
0xb2: {  	[dreg:$0x5] =	wrdreg $0x124300  }
0xb3: {  	[dreg:$0x6] =	wrdreg $0x1C4300  }
0xb4: {  	[dreg:$0x7] =	wrdreg $0x9  }
0xb5: {  	_ =	task.clear_ibuf [dreg:s8], $0x8FFFF;
	_ =	strace $0x90000046  }
0xb6: {  	s29 =	simm.s32 $0x9;
	_ =	strace $0x80000048  }
0xb7: {  	_ =	swait.ge [sflag:s29], $0x1  }
0xb8: {  	[sflag:s29] =	ssyncadd.s32 $0xFFFFFFFF  }
0xb9: {  	_ =	strace $0x90000048  }
0xba: {  	_ =	sfence  }
0xbb: {  	s30 =	sld [smem:$0x0];
	_ =	sdelay $0x2  }
0xbc: {  	s31 =	sshll.u32 s1, $0xD;
	s1 =	sshrl.u32 s1, $0x2  }
0xbd: {  	s3 =	sand.u32 $0x4000, s31;
	s1 =	sadd.s32 s1, s30  }
0xbe: {  	s0 =	sor.u32 s3, s0;
	s1 =	sshll.u32 s1, $0x11  }
0xbf: {  	s0 =	sor.u32 s1, s0  }
0xc0: {  	s0 =	sadd.s32 $0x8F2B, s0  }
0xc1: {  	[sflag:s0] =	ssyncadd.remote.s32 $0x1  }
0xc2: {  	_ =	sfence.sel $0xFFFF  }
0xc3: {  	[dreg:$0x0] =	wrdreg $0xFFFFFFFF;
	(pc) =	sbr.abs _section_cstart, $3  }
0xc4: {  	[dreg:$0x1] =	wrdreg $0xFFFFFFFF  }
0xc5: {  	_ =	task.clear_ibuf [dreg:s8], $0x2FFFF;
	_ =	strace $0x9FFFFFFF  }
0xc6: {  	(tm) =	ssettm $0x7FFFFFFF  }
0xc7: {  	_ =	shalt  }
tec
execute0_lowered:
.L_overlay_start_1:
0x0: {  	(tag) =	ssettag $0x1  }
0x1: {  	s18 =	rddreg [dreg:$0x0]  }
0x2: {  	s0 =	rddreg [dreg:$0x1]  }
0x3: {  	s4 =	rddreg [dreg:$0x3]  }
0x4: {  	s1 =	srdreg.scid;
	s10 =	stileid.u32  }
0x5: {  	s5 =	rddreg [dreg:$0x4];
	s1 =	sand.u32 $0x1, s1;
	s3 =	smul.u32 $0x280, s10  }
0x6: {  	s7 =	sadd.s32 $0x14A00, s18;
	s6 =	smul.u32 $0x5100, s10;
	s11 =	sadd.s32 $0x1EC00, s18  }
0x7: {  	s30 =	smul.u32 $0x14000, s10;
	s2 =	ssub.s32 $0x2, s1;
	p0 =	seq.s32 s1, $0x0  }
0x8: {  	s8 =	sshrl.u32 s2, $0x1;
	s12 =	sadd.s32 $0x80, s3;
	s13 =	sadd.s32 $0x100, s3  }
0x9: {  	s9 =	sshrl.u32 s6, $0x3;
	s14 =	sadd.s32 $0x180, s3;
	s15 =	sadd.s32 $0x200, s3  }
0xa: {  	s2 =	ssub.s32 s2, s8;
	s8 =	smul.u32 $0x28000, s10;
	s16 =	sadd.s32 s0, s9  }
0xb: {  	s9 =	sadd.s32 s7, s9;
	s10 =	sshll.u32 s1, $0x6;
	s20 =	sshll.u32 s12, $0x7  }
0xc: {  	s22 =	sshll.u32 s13, $0x7;
	s24 =	sshll.u32 s14, $0x7;
	[dreg:$0x6] =	wrdreg s16  }
0xd: {  	s25 =	sshll.u32 s15, $0x7;
	[dreg:$0x7] =	wrdreg s9;
	s9 =	sadd.s32 $0x2880, s6  }
0xe: {  	s19 =	sor.u32 s10, s30;
	s1 =	sor.u32 s10, s20;
	s23 =	sor.u32 s10, s22  }
0xf: {  	s28 =	sor.u32 s10, s25;
	s16 =	sadd.s32 s13, s5;
	s17 =	sshrl.u32 s9, $0x3  }
0x10: {  	s25 =	sadd.s32 s14, s5;
	s21 =	sshrl.u32 s1, $0x3;
	s0 =	sadd.s32 s0, s17  }
0x11: {  	s7 =	sadd.s32 s7, s17;
	[dreg:$0x8] =	wrdreg s0;
	s0 =	sshrl.u32 s19, $0x3  }
0x12: {  	s1 =	sor.u32 s10, s24;
	[dreg:$0x9] =	wrdreg s7;
	s0 =	sadd.s32 s11, s0  }
0x13: {  	s29 =	sshrl.u32 s28, $0x3;
	[dreg:$0xa] =	wrdreg s0;
	s0 =	sadd.s32 s11, s21  }
0x14: {  	s17 =	simm.s32 $0x0;
	[dreg:$0xb] =	wrdreg s0;
	s0 =	sshrl.u32 s23, $0x3  }
0x15: {  	s26 =	sshrl.u32 s1, $0x3;
	[smem:$0x7FF] =	sst s17;
	s0 =	sadd.s32 s11, s0  }
0x16: {  	s30 =	sshrl.u32 s8, $0x2;
	[dreg:$0xc] =	wrdreg s0;
	s0 =	sadd.s32 s11, s26  }
0x17: {  	s8 =	sshll.u32 s14, $0x6;
	[dreg:$0xd] =	wrdreg s0;
	s0 =	sadd.s32 s11, s29  }
0x18: {  	s1 =	sshll.u32 s12, $0x6;
	s12 =	sadd.s32 s12, s5;
	[dreg:$0xe] =	wrdreg s0  }
0x19: {  	s24 =	sadd.s32 s3, s5;
	_ =	strace $0x80000047;
	[dreg:$0x14] =	wrdreg s12  }
0x1a: {  	s28 =	smax.u32 s2, $0x1;
	s3 =	simm.s32 $0xE420;
	[dreg:$0x15] =	wrdreg s16  }
0x1b: {  	s22 =	sadd.s32 s8, s4;
	s26 =	sadd.s32 s15, s5;
	[dreg:$0x16] =	wrdreg s25  }
0x1c: {  	s8 =	simm.s32 $0x2710;
	s19 =	sadd.s32 s30, s4;
	[dreg:$0x17] =	wrdreg s26  }
0x1d: {  	s20 =	sadd.s32 s1, s4;
	s29 =	sadd.s32 $0x800, s18;
	[dreg:$0x18] =	wrdreg s28  }
0x1e: {  	s7 =	sshll.u32 s13, $0x6;
	s30 =	sadd.s32 $0x200, s18;
	[dreg:$0x19] =	wrdreg s29  }
0x1f: {  	s13 =	simm.s32 $0x1;
	s21 =	sadd.s32 s7, s4;
	[dreg:$0x1a] =	wrdreg s30  }
0x20: {  	s7 =	simm.s32 $0xA220;
	s11 =	sshll.u32 s15, $0x6;
	[dreg:$0xf] =	wrdreg s19  }
0x21: {  	s23 =	sadd.s32 s11, s4;
	s0 =	simm.s32 $0xE00;
	[dreg:$0x10] =	wrdreg s20  }
0x22: {  	s0 =	simm.s32 @!p0 $0xAC00;
	s12 =	simm.s32 $0x80;
	[dreg:$0x11] =	wrdreg s21  }
0x23: {  	s16 =	simm.s32 $0x4E20;
	s25 =	simm.s32 $0x0;
	[dreg:$0x12] =	wrdreg s22  }
0x24: {  	v0 =	vimm.f32 $0.0e+00;
	[dreg:$0x13] =	wrdreg s23;
	s31 =	sadd.s32 s0, s18;
	s0 =	simm.s32 $0x4  }
.LBB2_1:
0x25: {  	s2 =	simm.s32 $0x100;
	s1 =	simm.s32 $0x0  }
.LBB2_2:
0x26: {  	p0 =	sne.s32 s2, $0x7F00;
	[tilespmem:s1+$0xE450] =	vst v0;
	s11 =	smov.u32 s2;
	s2 =	sadd.s32 $0x100, s2  }
.Ltmp0:
0x27: {  	[tilespmem:s1+$0xE440] =	vst v0;
	(pc) =	sbr.rel @p0 .LBB2_2-.Ltmp0, $3  }
0x28: {  	[tilespmem:s1+$0xE420] =	vst v0  }
0x29: {  	[tilespmem:s1+$0xE430] =	vst v0;
	_ =	sdelay $0x1  }
0x2a: {  	s1 =	sshra.s32 s11, $0x2  }
0x2b: {  	[tilespmem:s1+$0xE450] =	vst v0  }
0x2c: {  	[tilespmem:s1+$0xE440] =	vst v0  }
0x2d: {  	[tilespmem:s1+$0xE420] =	vst v0  }
0x2e: {  	[tilespmem:s1+$0xE430] =	vst v0  }
0x2f: {  	[tilespmem:$0xA220] =	vst v0  }
0x30: {  	[tilespmem:$0xA230] =	vst v0  }
0x31: {  	[tilespmem:$0xA240] =	vst v0  }
0x32: {  	[tilespmem:$0xA250] =	vst v0  }
0x33: {  	[tilespmem:$0xA260] =	vst v0  }
0x34: {  	[tilespmem:$0xA270] =	vst v0  }
0x35: {  	[tilespmem:$0xA280] =	vst v0  }
0x36: {  	[tilespmem:$0xA290] =	vst v0  }
0x37: {  	[spmem:s19] =	stream.linear.scatter [tilespmem:s3], [sflag:$0x4], $0x2000, $0x38;
	[tilespmem:$0x1C6B0] =	vst v63  }
0x38: {  	_ =	swait.ge [sflag:s0], $0x2000  }
0x39: {  	[sflag:s0] =	ssyncset.done $0x0  }
0x3a: {  	[sflag:s0] =	ssyncadd.s32 $0xFFFFE000  }
0x3b: {  	[spmem:s20] =	stream.linear.scatter [tilespmem:s3], [sflag:$0x4], $0x2000, $0x38;
	[tilespmem:$0x1C6B0] =	vst v63  }
0x3c: {  	_ =	swait.ge [sflag:s0], $0x2000  }
0x3d: {  	[sflag:s0] =	ssyncset.done $0x0  }
0x3e: {  	[sflag:s0] =	ssyncadd.s32 $0xFFFFE000  }
0x3f: {  	[spmem:s21] =	stream.linear.scatter [tilespmem:s3], [sflag:$0x4], $0x2000, $0x38;
	[tilespmem:$0x1C6B0] =	vst v63  }
0x40: {  	_ =	swait.ge [sflag:s0], $0x2000  }
0x41: {  	[sflag:s0] =	ssyncset.done $0x0  }
0x42: {  	[sflag:s0] =	ssyncadd.s32 $0xFFFFE000  }
0x43: {  	[spmem:s22] =	stream.linear.scatter [tilespmem:s3], [sflag:$0x4], $0x2000, $0x38;
	[tilespmem:$0x1C6B0] =	vst v63  }
0x44: {  	_ =	swait.ge [sflag:s0], $0x2000  }
0x45: {  	[sflag:s0] =	ssyncset.done $0x0  }
0x46: {  	[sflag:s0] =	ssyncadd.s32 $0xFFFFE000  }
0x47: {  	[spmem:s23] =	stream.linear.scatter [tilespmem:s3], [sflag:$0x4], $0x2000, $0x38;
	[tilespmem:$0x1C6B0] =	vst v63  }
0x48: {  	_ =	swait.ge [sflag:s0], $0x2000  }
0x49: {  	[sflag:s0] =	ssyncset.done $0x0  }
0x4a: {  	[sflag:s0] =	ssyncadd.s32 $0xFFFFE000  }
0x4b: {  	[spmem:s24] =	stream.linear.scatter [tilespmem:s7], [sflag:$0x4], $0x80, $0x38;
	[tilespmem:$0x1C6B0] =	vst v63  }
0x4c: {  	_ =	swait.ge [sflag:s0], $0x80  }
0x4d: {  	[sflag:s0] =	ssyncset.done $0x0  }
0x4e: {  	s30 =	rddreg [dreg:$0x14];
	[sflag:s0] =	ssyncadd.s32 $0xFFFFFF80  }
0x4f: {  	[spmem:s30] =	stream.linear.scatter [tilespmem:s7], [sflag:$0x4], $0x80, $0x38;
	[tilespmem:$0x1C6B0] =	vst v63  }
0x50: {  	_ =	swait.ge [sflag:s0], $0x80  }
0x51: {  	[sflag:s0] =	ssyncset.done $0x0  }
0x52: {  	s2 =	rddreg [dreg:$0x15];
	[sflag:s0] =	ssyncadd.s32 $0xFFFFFF80  }
0x53: {  	[spmem:s2] =	stream.linear.scatter [tilespmem:s7], [sflag:$0x4], $0x80, $0x38;
	[tilespmem:$0x1C6B0] =	vst v63  }
0x54: {  	_ =	swait.ge [sflag:s0], $0x80  }
0x55: {  	[sflag:s0] =	ssyncset.done $0x0  }
0x56: {  	s11 =	rddreg [dreg:$0x16];
	[sflag:s0] =	ssyncadd.s32 $0xFFFFFF80  }
0x57: {  	[spmem:s11] =	stream.linear.scatter [tilespmem:s7], [sflag:$0x4], $0x80, $0x38;
	[tilespmem:$0x1C6B0] =	vst v63  }
0x58: {  	_ =	swait.ge [sflag:s0], $0x80  }
0x59: {  	[sflag:s0] =	ssyncset.done $0x0  }
0x5a: {  	s14 =	rddreg [dreg:$0x17];
	[sflag:s0] =	ssyncadd.s32 $0xFFFFFF80  }
0x5b: {  	[spmem:s14] =	stream.linear.scatter [tilespmem:s7], [sflag:$0x4], $0x80, $0x38;
	[tilespmem:$0x1C6B0] =	vst v63  }
0x5c: {  	_ =	swait.ge [sflag:s0], $0x80  }
0x5d: {  	[sflag:s0] =	ssyncset.done $0x0  }
0x5e: {  	s26 =	simm.s32 $0x0;
	s18 =	rddreg [dreg:$0x19];
	[sflag:s0] =	ssyncadd.s32 $0xFFFFFF80  }
0x5f: {  	[tilespmem:s26], [sflag:$0x4] =	stream.linear.gather [hbm4b:s18+s26], $0x2710, $0x38;
	[tilespmem:$0x1C6B0] =	vst v63  }
0x60: {  	_ =	swait.ge [sflag:s0], $0x2710  }
0x61: {  	[sflag:s0] =	ssyncset.done $0x0  }
0x62: {  	s19 =	rddreg [dreg:$0x1a];
	[sflag:s0] =	ssyncadd.s32 $0xFFFFD8F0  }
0x63: {  	[tilespmem:s8], [sflag:$0x4] =	stream.linear.gather [hbm4b:s19+s26], $0x2710, $0x38;
	[tilespmem:$0x1C6B0] =	vst v63  }
0x64: {  	_ =	swait.ge [sflag:s0], $0x2710  }
0x65: {  	[sflag:s0] =	ssyncset.done $0x0  }
0x66: {  	[sflag:s0] =	ssyncadd.s32 $0xFFFFD8F0  }
0x67: {  	s2 =	simm.s32 $0x12420;
	s20 =	rddreg [dreg:$0x0]  }
0x68: {  	[tilespmem:s2], [sflag:$0x4] =	stream.linear.gather [hbm4b:s20+s26], $0x10, $0x38;
	[tilespmem:$0x1C6B0] =	vst v63  }
0x69: {  	_ =	swait.ge [sflag:s0], $0x10  }
0x6a: {  	[sflag:s0] =	ssyncset.done $0x0  }
0x6b: {  	[sflag:s0] =	ssyncadd.s32 $0xFFFFFFF0  }
0x6c: {  	[bflag:$0x0] =	sbarrier.arrive $0xFFFF  }
0x6d: {  	s22 =	simm.s32 $0x5120;
	s21 =	rddreg [dreg:$0x6]  }
0x6e: {  	v1 =	vld [tilespmem:$0x12420];
	[tilespmem:s22], [sflag:$0x4] =	stream.linear.gather [hbm4b:s21+s26], $0x2880, $0x38  }
0x6f: {  	_ =	swait.ge [sflag:s0], $0x2880  }
0x70: {  	[sflag:s0] =	ssyncset.done $0x0  }
0x71: {  	s11 =	simm.s32 $0x79A0;
	s23 =	rddreg [dreg:$0x7];
	[sflag:s0] =	ssyncadd.s32 $0xFFFFD780  }
0x72: {  	[tilespmem:s11], [sflag:$0x4] =	stream.linear.gather [hbm4b:s23+s26], $0x2880, $0x38;
	[tilespmem:$0x1C6B0] =	vst v63  }
0x73: {  	_ =	swait.ge [sflag:s0], $0x2880  }
0x74: {  	s15 =	smov.u32 s24;
	[sflag:s0] =	ssyncset.done $0x0  }
0x75: {  	s29 =	simm.s32 $0x51A0;
	s24 =	simm.s32 $0xA420;
	[sflag:s0] =	ssyncadd.s32 $0xFFFFD780  }
0x76: {  	[tilespmem:s24], [sflag:$0x1] =	stream.indirect.gather [hbm4b:s31+s12], $0x20, s22, s12, $0xb8;
	[tilespmem:$0x1C6B0] =	vst v63  }
0x77: {  	p0 =	por $0x0, $0x0;
	s28 =	simm.s32 $0x0;
	s30 =	simm.s32 $0xB420  }
0x78: {  	[tilespmem:s30], [sflag:$0x1] =	stream.indirect.gather [hbm4b:s31+s12], $0x20, s29, s12, $0xb8;
	[tilespmem:$0x1C6B0] =	vst v63  }
.LBB2_4:
0x79: {  	p1 =	slt.u32 s28, $0x2  }
0x7a: {  	s1 =	simm.s32 @!p1 $0x2  }
0x7b: {  	_ =	swait.ge @!p1 [sflag:s1], $0x2000  }
0x7c: {  	[sflag:s1] =	ssyncset.done @!p1 $0x0  }
0x7d: {  	[sflag:s1] =	ssyncadd.s32 @!p1 $0xFFFFE000;
	s1 =	simm.s32 @!p1 $0x3  }
0x7e: {  	p2 =	sgt.u32 @!p1 s28, $0x4E;
	_ =	swait.ge @!p1 [sflag:s1], $0x80  }
0x7f: {  	p2 =	por p1, !p2;
	[sflag:s1] =	ssyncset.done @!p1 $0x0  }
0x80: {  	[sflag:s1] =	ssyncadd.s32 @!p1 $0xFFFFFF80;
	s1 =	sadd.s32 @p2 $0x2, s28  }
0x81: {  	s2 =	sshll.u32 @p2 s1, $0xC;
	s1 =	sshll.u32 @p2 s1, $0x7  }
0x82: {  	s2 =	sand.u32 @p2 $0x3000, s2;
	s1 =	sand.u32 @p2 $0x3FFFFF80, s1  }
0x83: {  	s2 =	sadd.s32 @p2 $0xA420, s2;
	s1 =	sadd.s32 @p2 $0x5120, s1  }
0x84: {  	[tilespmem:s2], [sflag:$0x1] =	stream.indirect.gather @p2 [hbm4b:s31+s12], $0x20, s1, s12, $0xb8;
	[tilespmem:$0x1C6B0] =	vst v63  }
0x85: {  	s1 =	sshll.u32 s28, $0x7  }
0x86: {  	v2 =	vld [tilespmem:s1+$0x5120]  }
0x87: {  	v3 =	vld [tilespmem:s1+$0x79A0];
	_ =	sdelay $0x6  }
0x88: {  	v2 =	vld.idx.msk [tilespmem:v2+s17+$0x0], $0xffff  }
0x89: {  	v3 =	vld.idx.msk [tilespmem:v3+s8+$0x0], $0xffff;
	_ =	sdelay $0x4  }
0x8a: {  	v2 =	vadd.f32 v3, v2;
	_ =	sdelay $0x1  }
0x8b: {  	v3 =	vmul.f32 $2.000000030e-01, v2  }
0x8c: {  	vm0 =	vgt.f32 v2, $0.0e+00  }
0x8d: {  	v2 =	vsel vm0, v2, v3  }
0x8e: {  	v2 =	vsub.f32 v2, v1;
	_ =	sdelay $0x1  }
0x8f: {  	v2 =	vmul.f32 $1.442695020e+00, v2;
	_ =	sdelay $0x1  }
0x90: {  	(erf) = vpow2.f32 v2;
	_ =	sdelay $0x7  }
0x91: {  	s11 =	sadd.s32 s6, s1  }
0x92: {  	p4 =	slt.u32 s11, $0x50910;
	v2 =	vpop (erf)  }
0x93: {  	s2 =	sand.u32 $0x180, s1;
	v2 =	vpsel !p4, $0x0, v2  }
0x94: {  	[tilespmem:s2+$0xA220] =	vst v2  }
0x95: {  	v2 =	vld [tilespmem:s1+$0x5130]  }
0x96: {  	v3 =	vld [tilespmem:s1+$0x79B0];
	_ =	sdelay $0x6  }
0x97: {  	v2 =	vld.idx.msk [tilespmem:v2+s17+$0x0], $0xffff  }
0x98: {  	v3 =	vld.idx.msk [tilespmem:v3+s8+$0x0], $0xffff;
	_ =	sdelay $0x4  }
0x99: {  	v2 =	vadd.f32 v3, v2;
	_ =	sdelay $0x1  }
0x9a: {  	v3 =	vmul.f32 $2.000000030e-01, v2  }
0x9b: {  	vm9 =	vgt.f32 v2, $0.0e+00  }
0x9c: {  	v2 =	vsel vm9, v2, v3  }
0x9d: {  	v2 =	vsub.f32 v2, v1;
	_ =	sdelay $0x1  }
0x9e: {  	v2 =	vmul.f32 $1.442695020e+00, v2;
	_ =	sdelay $0x1  }
0x9f: {  	(erf) = vpow2.f32 v2;
	_ =	sdelay $0x7  }
0xa0: {  	s19 =	sor.u32 $0x10, s11  }
0xa1: {  	p5 =	slt.u32 s19, $0x50910;
	v2 =	vpop (erf)  }
0xa2: {  	v2 =	vpsel !p5, $0x0, v2  }
0xa3: {  	[tilespmem:s2+$0xA230] =	vst v2  }
0xa4: {  	v2 =	vld [tilespmem:s1+$0x5140]  }
0xa5: {  	v3 =	vld [tilespmem:s1+$0x79C0];
	_ =	sdelay $0x6  }
0xa6: {  	v2 =	vld.idx.msk [tilespmem:v2+s17+$0x0], $0xffff  }
0xa7: {  	v3 =	vld.idx.msk [tilespmem:v3+s8+$0x0], $0xffff;
	_ =	sdelay $0x4  }
0xa8: {  	v2 =	vadd.f32 v3, v2;
	_ =	sdelay $0x1  }
0xa9: {  	v3 =	vmul.f32 $2.000000030e-01, v2  }
0xaa: {  	vm10 =	vgt.f32 v2, $0.0e+00  }
0xab: {  	v2 =	vsel vm10, v2, v3  }
0xac: {  	v2 =	vsub.f32 v2, v1;
	_ =	sdelay $0x1  }
0xad: {  	v2 =	vmul.f32 $1.442695020e+00, v2;
	_ =	sdelay $0x1  }
0xae: {  	(erf) = vpow2.f32 v2;
	_ =	sdelay $0x7  }
0xaf: {  	s14 =	sor.u32 $0x20, s11  }
0xb0: {  	p6 =	slt.u32 s14, $0x50910;
	v2 =	vpop (erf)  }
0xb1: {  	v2 =	vpsel !p6, $0x0, v2  }
0xb2: {  	[tilespmem:s2+$0xA240] =	vst v2  }
0xb3: {  	v2 =	vld [tilespmem:s1+$0x5150]  }
0xb4: {  	v3 =	vld [tilespmem:s1+$0x79D0];
	_ =	sdelay $0x6  }
0xb5: {  	v2 =	vld.idx.msk [tilespmem:v2+s17+$0x0], $0xffff  }
0xb6: {  	v3 =	vld.idx.msk [tilespmem:v3+s8+$0x0], $0xffff;
	_ =	sdelay $0x4  }
0xb7: {  	v2 =	vadd.f32 v3, v2;
	_ =	sdelay $0x1  }
0xb8: {  	v3 =	vmul.f32 $2.000000030e-01, v2  }
0xb9: {  	vm11 =	vgt.f32 v2, $0.0e+00  }
0xba: {  	v2 =	vsel vm11, v2, v3  }
0xbb: {  	v2 =	vsub.f32 v2, v1;
	_ =	sdelay $0x1  }
0xbc: {  	v2 =	vmul.f32 $1.442695020e+00, v2;
	_ =	sdelay $0x1  }
0xbd: {  	(erf) = vpow2.f32 v2;
	_ =	sdelay $0x7  }
0xbe: {  	s18 =	sor.u32 $0x30, s11  }
0xbf: {  	p2 =	slt.u32 s18, $0x50910;
	v2 =	vpop (erf)  }
0xc0: {  	v2 =	vpsel !p2, $0x0, v2  }
0xc1: {  	[tilespmem:s2+$0xA250] =	vst v2  }
0xc2: {  	v2 =	vld [tilespmem:s1+$0x5160]  }
0xc3: {  	v3 =	vld [tilespmem:s1+$0x79E0];
	_ =	sdelay $0x6  }
0xc4: {  	v2 =	vld.idx.msk [tilespmem:v2+s17+$0x0], $0xffff  }
0xc5: {  	v3 =	vld.idx.msk [tilespmem:v3+s8+$0x0], $0xffff;
	_ =	sdelay $0x4  }
0xc6: {  	v2 =	vadd.f32 v3, v2;
	_ =	sdelay $0x1  }
0xc7: {  	v3 =	vmul.f32 $2.000000030e-01, v2  }
0xc8: {  	vm12 =	vgt.f32 v2, $0.0e+00  }
0xc9: {  	v2 =	vsel vm12, v2, v3  }
0xca: {  	v2 =	vsub.f32 v2, v1;
	_ =	sdelay $0x1  }
0xcb: {  	v2 =	vmul.f32 $1.442695020e+00, v2;
	_ =	sdelay $0x1  }
0xcc: {  	(erf) = vpow2.f32 v2;
	_ =	sdelay $0x7  }
0xcd: {  	s20 =	sor.u32 $0x40, s11  }
0xce: {  	p3 =	slt.u32 s20, $0x50910;
	v2 =	vpop (erf)  }
0xcf: {  	v2 =	vpsel !p3, $0x0, v2  }
0xd0: {  	[tilespmem:s2+$0xA260] =	vst v2  }
0xd1: {  	v2 =	vld [tilespmem:s1+$0x5170]  }
0xd2: {  	v3 =	vld [tilespmem:s1+$0x79F0];
	_ =	sdelay $0x6  }
0xd3: {  	v2 =	vld.idx.msk [tilespmem:v2+s17+$0x0], $0xffff  }
0xd4: {  	v3 =	vld.idx.msk [tilespmem:v3+s8+$0x0], $0xffff;
	_ =	sdelay $0x4  }
0xd5: {  	v2 =	vadd.f32 v3, v2;
	_ =	sdelay $0x1  }
0xd6: {  	v3 =	vmul.f32 $2.000000030e-01, v2  }
0xd7: {  	vm13 =	vgt.f32 v2, $0.0e+00  }
0xd8: {  	v2 =	vsel vm13, v2, v3  }
0xd9: {  	v2 =	vsub.f32 v2, v1;
	_ =	sdelay $0x1  }
0xda: {  	v2 =	vmul.f32 $1.442695020e+00, v2;
	_ =	sdelay $0x1  }
0xdb: {  	(erf) = vpow2.f32 v2;
	_ =	sdelay $0x7  }
0xdc: {  	s21 =	sor.u32 $0x50, s11  }
0xdd: {  	p4 =	slt.u32 s21, $0x50910;
	v2 =	vpop (erf)  }
0xde: {  	v2 =	vpsel !p4, $0x0, v2  }
0xdf: {  	[tilespmem:s2+$0xA270] =	vst v2  }
0xe0: {  	v2 =	vld [tilespmem:s1+$0x5180]  }
0xe1: {  	v3 =	vld [tilespmem:s1+$0x7A00];
	_ =	sdelay $0x6  }
0xe2: {  	v2 =	vld.idx.msk [tilespmem:v2+s17+$0x0], $0xffff  }
0xe3: {  	v3 =	vld.idx.msk [tilespmem:v3+s8+$0x0], $0xffff;
	_ =	sdelay $0x4  }
0xe4: {  	v2 =	vadd.f32 v3, v2;
	_ =	sdelay $0x1  }
0xe5: {  	v3 =	vmul.f32 $2.000000030e-01, v2  }
0xe6: {  	vm14 =	vgt.f32 v2, $0.0e+00  }
0xe7: {  	v2 =	vsel vm14, v2, v3  }
0xe8: {  	v2 =	vsub.f32 v2, v1;
	_ =	sdelay $0x1  }
0xe9: {  	v2 =	vmul.f32 $1.442695020e+00, v2;
	_ =	sdelay $0x1  }
0xea: {  	(erf) = vpow2.f32 v2;
	_ =	sdelay $0x7  }
0xeb: {  	s22 =	sor.u32 $0x60, s11  }
0xec: {  	p5 =	slt.u32 s22, $0x50910;
	v2 =	vpop (erf)  }
0xed: {  	v2 =	vpsel !p5, $0x0, v2  }
0xee: {  	[tilespmem:s2+$0xA280] =	vst v2  }
0xef: {  	v2 =	vld [tilespmem:s1+$0x5190]  }
0xf0: {  	v3 =	vld [tilespmem:s1+$0x7A10];
	_ =	sdelay $0x6  }
0xf1: {  	v2 =	vld.idx.msk [tilespmem:v2+s17+$0x0], $0xffff  }
0xf2: {  	v3 =	vld.idx.msk [tilespmem:v3+s8+$0x0], $0xffff;
	_ =	sdelay $0x4  }
0xf3: {  	v2 =	vadd.f32 v3, v2;
	_ =	sdelay $0x1  }
0xf4: {  	v3 =	vmul.f32 $2.000000030e-01, v2  }
0xf5: {  	vm15 =	vgt.f32 v2, $0.0e+00  }
0xf6: {  	v2 =	vsel vm15, v2, v3  }
0xf7: {  	v2 =	vsub.f32 v2, v1;
	_ =	sdelay $0x1  }
0xf8: {  	v2 =	vmul.f32 $1.442695020e+00, v2;
	_ =	sdelay $0x1  }
0xf9: {  	(erf) = vpow2.f32 v2;
	_ =	sdelay $0x5  }
0xfa: {  	s23 =	sand.u32 $0x3, s26  }
0xfb: {  	s30 =	sshll.u32 s23, $0x7  }
0xfc: {  	s11 =	sor.u32 $0x70, s11;
	s20 =	sadd.s32 $0xFFFFFFFC, s30  }
0xfd: {  	s24 =	sadd.s32 $0x6, s20;
	p6 =	slt.u32 s11, $0x50910;
	v2 =	vpop (erf)  }
0xfe: {  	v3 =	vmov s24;
	v2 =	vpsel !p6, $0x0, v2  }
0xff: {  	s29 =	sadd.s32 $0x79A0, s1;
	s18 =	sadd.s32 $0x5, s20;
	s11 =	sadd.s32 $0xA220, s2;
	[tilespmem:s2+$0xA290] =	vst v2;
	v2 =	vand.u32 $0xFFFFFFFE, v3  }
0x100: {  	[spmem:s5] =	stream.indirect.scatter.add.f32 [tilespmem:s11], [sflag:$0x3], $0x1, s29, s12, $0xb8;
	v2 =	vbroadcast v2, $0x0;
	[tilespmem:$0x1C6B0] =	vst v63  }
0x101: {  	s14 =	sadd.s32 $0x4, s20;
	v4 =	vmov s18;
	_ =	swait.ge [sflag:s13], $0x1000  }
0x102: {  	v4 =	vand.u32 $0xFFFFFFFD, v4;
	s21 =	sshll.u32 s23, $0xC;
	v3 =	vmov s14;
	[sflag:s13] =	ssyncset.done $0x0  }
0x103: {  	v4 =	vbroadcast v4, $0x0;
	v3 =	vand.u32 $0xFFFFFFFC, v3;
	s11 =	sadd.s32 $0xA460, s21;
	[sflag:s13] =	ssyncadd.s32 $0xFFFFF000  }
0x104: {  	s22 =	sadd.s32 $0x0, s30;
	v3 =	vbroadcast v3, $0x0;
	v5 =	vld [tilespmem:s11+$0x0]  }
0x105: {  	s23 =	sadd.s32 $0x6, s22;
	s24 =	sadd.s32 $0x7, s20;
	v8 =	vld [tilespmem:s11+$0xFFFFFFC0]  }
0x106: {  	v6 =	vmov s23;
	v7 =	vmov s24;
	v2 =	vld.idx.msk [tilespmem:v2+s7+$0x0], $0xffff  }
0x107: {  	v6 =	vand.u32 $0xFFFFFFFE, v6;
	v9 =	vld [tilespmem:s11+$0xFFFFFFE0]  }
0x108: {  	v6 =	vbroadcast v6, $0x0;
	v10 =	vld [tilespmem:s11+$0x20]  }
0x109: {  	s1 =	simm.s32 $0x1;
	v13 =	vld.idx.msk [tilespmem:v4+s7+$0x0], $0xffff  }
0x10a: {  	s1 =	simm.s32 @!p0 $0x0;
	v12 =	vld.idx.msk [tilespmem:v3+s7+$0x0], $0xffff;
	v3 =	vunpack.i.l.bf16.f32 v5  }
0x10b: {  	s1 =	sshll.u32 s1, $0xD;
	s14 =	sadd.s32 $0x4, s22;
	v19 =	vld.idx.msk [tilespmem:v7+s7+$0x0], $0xffff;
	v4 =	vunpack.i.u.bf16.f32 v5;
	v3 =	vmul.f32 v3, v2  }
0x10c: {  	s2 =	sadd.s32 $0xE4A0, s1;
	s1 =	sadd.s32 $0x80, s11;
	v5 =	vmov s14;
	v11 =	vunpack.i.l.bf16.f32 v8;
	v4 =	vmul.f32 v4, v2  }
0x10d: {  	v7 =	vld [tilespmem:s1+$0x0];
	v14 =	vunpack.i.u.bf16.f32 v9;
	v9 =	vunpack.i.l.bf16.f32 v9;
	v5 =	vand.u32 $0xFFFFFFFC, v5;
	[tilespmem:s2+$0x0] =	vst v3  }
0x10e: {  	s21 =	sadd.s32 $0x5, s22;
	v15 =	vunpack.i.u.bf16.f32 v10;
	v9 =	vmul.f32 v9, v13;
	[tilespmem:s2+$0x10] =	vst v4;
	v4 =	vbroadcast v5, $0x0;
	v5 =	vld.idx.msk [tilespmem:v6+s7+$0x0], $0xffff  }
0x10f: {  	s18 =	sadd.s32 $0x4, s30;
	s19 =	sadd.s32 $0x7, s22;
	v14 =	vmul.f32 v14, v13;
	v3 =	vmov s21;
	v6 =	vunpack.i.u.bf16.f32 v8;
	v8 =	vld [tilespmem:s11+$0x10]  }
0x110: {  	v16 =	vmov s19;
	s22 =	sadd.s32 $0x5, s18;
	v15 =	vmul.f32 v15, v19;
	[tilespmem:s2+$0xFFFFFFC0] =	vst v9;
	v3 =	vand.u32 $0xFFFFFFFD, v3  }
0x111: {  	v21 =	vmov s22;
	v11 =	vmul.f32 v11, v12;
	v9 =	vld [tilespmem:s1+$0x20];
	[tilespmem:s2+$0xFFFFFFD0] =	vst v14;
	v3 =	vbroadcast v3, $0x0  }
0x112: {  	v21 =	vand.u32 $0xFFFFFFFD, v21;
	v10 =	vunpack.i.l.bf16.f32 v10;
	[tilespmem:s2+$0x50] =	vst v15;
	v15 =	vld [tilespmem:s11+$0xFFFFFFF0]  }
0x113: {  	v17 =	vunpack.i.l.bf16.f32 v7;
	v7 =	vunpack.i.u.bf16.f32 v7;
	v6 =	vmul.f32 v6, v12;
	[tilespmem:s2+$0xFFFFFF80] =	vst v11;
	v11 =	vld [tilespmem:s1+$0xFFFFFFC0]  }
0x114: {  	s23 =	sadd.s32 $0x6, s18;
	v17 =	vmul.f32 v17, v5;
	v7 =	vmul.f32 v7, v5;
	v18 =	vunpack.i.u.bf16.f32 v8;
	v4 =	vld.idx.msk [tilespmem:v4+s7+$0x0], $0xffff  }
0x115: {  	s20 =	sadd.s32 $0x100, s2;
	[tilespmem:s2+$0xFFFFFF90] =	vst v6;
	v6 =	vld [tilespmem:s1+$0xFFFFFFE0];
	v8 =	vunpack.i.l.bf16.f32 v8;
	v14 =	vmul.f32 v18, v2;
	v18 =	vmov s23  }
0x116: {  	v10 =	vmul.f32 v10, v19;
	[tilespmem:s20+$0x0] =	vst v17;
	v8 =	vmul.f32 v8, v2;
	v2 =	vld.idx.msk [tilespmem:v16+s7+$0x0], $0xffff;
	v16 =	vand.u32 $0xFFFFFFFE, v18  }
0x117: {  	v21 =	vbroadcast v21, $0x0;
	[tilespmem:s20+$0x10] =	vst v7;
	v3 =	vld.idx.msk [tilespmem:v3+s7+$0x0], $0xffff;
	v16 =	vbroadcast v16, $0x0  }
0x118: {  	s24 =	sadd.s32 $0x4, s18;
	[tilespmem:s2+$0x40] =	vst v10;
	v20 =	vunpack.i.u.bf16.f32 v9;
	v25 =	vunpack.i.u.bf16.f32 v15;
	v7 =	vunpack.i.l.bf16.f32 v11;
	v18 =	vld [tilespmem:s1+$0x10]  }
0x119: {  	v10 =	vld [tilespmem:s11+$0xFFFFFFD0];
	v17 =	vunpack.i.u.bf16.f32 v11;
	[tilespmem:s2+$0x30] =	vst v14;
	v14 =	vmov s24;
	v7 =	vmul.f32 v7, v4  }
0x11a: {  	v11 =	vunpack.i.u.bf16.f32 v6;
	[tilespmem:s2+$0x20] =	vst v8;
	v14 =	vand.u32 $0xFFFFFFFC, v14;
	v17 =	vmul.f32 v17, v4  }
0x11b: {  	s19 =	sadd.s32 $0x7, s18;
	v23 =	vld [tilespmem:s11+$0x30];
	s11 =	sadd.s32 $0x80, s1;
	v6 =	vunpack.i.l.bf16.f32 v6;
	v22 =	vbroadcast v14, $0x0;
	v20 =	vmul.f32 v20, v2;
	[tilespmem:s20+$0xFFFFFF80] =	vst v7  }
0x11c: {  	v8 =	vmov s19;
	v14 =	vld [tilespmem:s11+$0x0];
	v6 =	vmul.f32 v6, v3;
	v7 =	vunpack.i.l.bf16.f32 v9;
	[tilespmem:s20+$0xFFFFFF90] =	vst v17  }
0x11d: {  	v9 =	vmul.f32 v11, v3;
	v11 =	vunpack.i.u.bf16.f32 v18;
	v24 =	vmul.f32 v7, v2;
	[tilespmem:s20+$0x50] =	vst v20;
	v7 =	vld.idx.msk [tilespmem:v16+s7+$0x0], $0xffff  }
0x11e: {  	v17 =	vunpack.i.u.bf16.f32 v10;
	v10 =	vunpack.i.l.bf16.f32 v10;
	v26 =	vunpack.i.l.bf16.f32 v18;
	[tilespmem:s20+$0xFFFFFFC0] =	vst v6;
	v16 =	vld [tilespmem:s11+$0xFFFFFFC0]  }
0x11f: {  	v27 =	vmul.f32 v10, v12;
	v6 =	vmul.f32 v11, v5;
	[tilespmem:s20+$0xFFFFFFD0] =	vst v9;
	v9 =	vunpack.i.l.bf16.f32 v15;
	v11 =	vld [tilespmem:s11+$0xFFFFFFE0]  }
0x120: {  	v18 =	vmul.f32 v17, v12;
	v10 =	vunpack.i.l.bf16.f32 v23;
	v17 =	vmul.f32 v9, v13;
	v9 =	vld [tilespmem:s11+$0x20];
	[tilespmem:s20+$0x40] =	vst v24  }
0x121: {  	v15 =	vmul.f32 v25, v13;
	v13 =	vmul.f32 v26, v5;
	[tilespmem:s20+$0x30] =	vst v6;
	v6 =	vunpack.i.u.bf16.f32 v23;
	v5 =	vld.idx.msk [tilespmem:v22+s7+$0x0], $0xffff  }
0x122: {  	s22 =	simm.s32 $0x8;
	s21 =	smov.u32 s20;
	s19 =	sand.u32 $0x1, s28;
	v12 =	vmul.f32 v10, v19;
	[tilespmem:s2+$0xFFFFFFA0] =	vst v27;
	v10 =	vmul.f32 v6, v19;
	v6 =	vld.idx.msk [tilespmem:v21+s7+$0x0], $0xffff;
	v19 =	vunpack.i.l.bf16.f32 v14  }
.LBB2_5:
0x123: {  	s23 =	sadd.s32 s22, s30;
	v20 =	vunpack.i.u.bf16.f32 v16;
	v14 =	vunpack.i.u.bf16.f32 v14;
	v19 =	vmul.f32 v19, v7;
	v21 =	vld.idx.msk [tilespmem:v8+s7+$0x0], $0xffff;
	[tilespmem:s2+$0xFFFFFFB0] =	vst v18;
	v22 =	vmovc v7  }
0x124: {  	s22 =	sadd.s32 $0x4, s22;
	v7 =	vunpack.i.l.bf16.f32 v16;
	s20 =	sadd.s32 $0x100, s20;
	s24 =	sadd.s32 $0x6, s23;
	v16 =	vunpack.i.u.bf16.f32 v11;
	v8 =	vmul.f32 v14, v22;
	v14 =	vld [tilespmem:s1+$0xFFFFFFD0];
	[tilespmem:s2+$0xFFFFFFE0] =	vst v17  }
0x125: {  	s18 =	sadd.s32 $0x4, s23;
	s14 =	sadd.s32 $0x5, s23;
	p1 =	slt.u32 s22, $0x7C;
	v11 =	vunpack.i.l.bf16.f32 v11;
	v17 =	vmov s24;
	[tilespmem:s20+$0x0] =	vst v19;
	v18 =	vunpack.i.u.bf16.f32 v9;
	v19 =	vld [tilespmem:s1+$0xFFFFFFF0]  }
0x126: {  	v23 =	vmov s18;
	v24 =	vmov s14;
	s14 =	sadd.s32 $0x7, s23;
	v17 =	vand.u32 $0xFFFFFFFE, v17;
	[tilespmem:s20+$0x10] =	vst v8;
	v25 =	vld [tilespmem:s1+$0x30];
	s1 =	smov.u32 s11  }
0x127: {  	v8 =	vand.u32 $0xFFFFFFFC, v23;
	v23 =	vand.u32 $0xFFFFFFFD, v24;
	v17 =	vbroadcast v17, $0x0;
	v24 =	vld [tilespmem:s11+$0x10];
	[tilespmem:s2+$0xFFFFFFF0] =	vst v15  }
0x128: {  	v26 =	vbroadcast v8, $0x0;
	v23 =	vbroadcast v23, $0x0;
	v8 =	vmov s14;
	[tilespmem:s21+$0x20] =	vst v13  }
0x129: {  	v9 =	vunpack.i.l.bf16.f32 v9;
	v7 =	vmul.f32 v7, v5;
	v13 =	vmul.f32 v20, v5;
	[tilespmem:s2+$0x60] =	vst v12  }
0x12a: {  	v11 =	vmul.f32 v11, v6;
	v12 =	vmul.f32 v16, v6;
	v15 =	vunpack.i.u.bf16.f32 v14;
	[tilespmem:s2+$0x70] =	vst v10;
	s2 =	smov.u32 s21;
	s21 =	smov.u32 s20  }
0x12b: {  	s11 =	sadd.s32 $0x80, s11;
	v20 =	vmul.f32 v18, v21;
	v10 =	vmul.f32 v9, v21;
	v9 =	vunpack.i.l.bf16.f32 v14;
	[tilespmem:s20+$0xFFFFFF80] =	vst v7  }
0x12c: {  	v27 =	vunpack.i.u.bf16.f32 v19;
	v19 =	vunpack.i.l.bf16.f32 v19;
	v14 =	vld [tilespmem:s11+$0x0];
	[tilespmem:s20+$0xFFFFFF90] =	vst v13;
	v13 =	vunpack.i.u.bf16.f32 v24  }
0x12d: {  	v28 =	vunpack.i.u.bf16.f32 v25;
	v24 =	vunpack.i.l.bf16.f32 v24;
	v7 =	vld.idx.msk [tilespmem:v17+s7+$0x0], $0xffff;
	[tilespmem:s20+$0xFFFFFFC0] =	vst v11;
	v13 =	vmul.f32 v13, v22  }
.Ltmp1:
0x12e: {  	v18 =	vmul.f32 v15, v4;
	v29 =	vmul.f32 v9, v4;
	v4 =	vmovc v5;
	v16 =	vld [tilespmem:s11+$0xFFFFFFC0];
	[tilespmem:s20+$0xFFFFFFD0] =	vst v12;
	v12 =	vunpack.i.l.bf16.f32 v25;
	(pc) =	sbr.rel @p1 .LBB2_5-.Ltmp1, $4  }
0x12f: {  	v15 =	vmul.f32 v27, v3;
	v17 =	vmul.f32 v19, v3;
	v3 =	vmov v6;
	v11 =	vld [tilespmem:s11+$0xFFFFFFE0];
	[tilespmem:s20+$0x30] =	vst v13  }
0x130: {  	v13 =	vmul.f32 v24, v22;
	v12 =	vmul.f32 v12, v2;
	v9 =	vld [tilespmem:s11+$0x20];
	[tilespmem:s20+$0x40] =	vst v10  }
0x131: {  	v10 =	vmul.f32 v28, v2;
	v2 =	vmov v21;
	v5 =	vld.idx.msk [tilespmem:v26+s7+$0x0], $0xffff;
	[tilespmem:s20+$0x50] =	vst v20  }
0x132: {  	v19 =	vunpack.i.l.bf16.f32 v14;
	v6 =	vld.idx.msk [tilespmem:v23+s7+$0x0], $0xffff;
	[tilespmem:s2+$0xFFFFFFA0] =	vst v29  }
0x133: {  	[tilespmem:s2+$0xFFFFFFB0] =	vst v18  }
0x134: {  	[tilespmem:s2+$0xFFFFFFE0] =	vst v17  }
0x135: {  	[tilespmem:s2+$0xFFFFFFF0] =	vst v15  }
0x136: {  	[tilespmem:s21+$0x20] =	vst v13  }
0x137: {  	v14 =	vunpack.i.u.bf16.f32 v14;
	v19 =	vmul.f32 v19, v7;
	[tilespmem:s2+$0x60] =	vst v12  }
0x138: {  	s20 =	sadd.s32 $0x100, s20;
	v36 =	vunpack.i.l.bf16.f32 v16;
	v8 =	vld.idx.msk [tilespmem:v8+s7+$0x0], $0xffff;
	[tilespmem:s2+$0x70] =	vst v10;
	v14 =	vmul.f32 v14, v7  }
0x139: {  	v37 =	vunpack.i.u.bf16.f32 v16;
	v38 =	vld [tilespmem:s1+$0xFFFFFFD0];
	[tilespmem:s20+$0x0] =	vst v19;
	v15 =	vmul.f32 v36, v5  }
0x13a: {  	v39 =	vunpack.i.l.bf16.f32 v11;
	[tilespmem:s20+$0x10] =	vst v14;
	v13 =	vmul.f32 v37, v5  }
0x13b: {  	v42 =	vld [tilespmem:s1+$0xFFFFFFF0];
	v40 =	vunpack.i.u.bf16.f32 v11;
	v41 =	vmul.f32 v39, v6;
	[tilespmem:s20+$0xFFFFFF80] =	vst v15  }
0x13c: {  	v44 =	vunpack.i.l.bf16.f32 v9;
	v10 =	vmul.f32 v40, v6;
	[tilespmem:s20+$0xFFFFFF90] =	vst v13  }
0x13d: {  	v48 =	vld [tilespmem:s1+$0x30];
	v46 =	vunpack.i.u.bf16.f32 v9;
	v47 =	vmul.f32 v44, v8;
	[tilespmem:s20+$0xFFFFFFC0] =	vst v41  }
0x13e: {  	v9 =	vmul.f32 v46, v8;
	v49 =	vunpack.i.l.bf16.f32 v38;
	[tilespmem:s20+$0xFFFFFFD0] =	vst v10  }
0x13f: {  	v14 =	vld [tilespmem:s11+$0x10];
	v50 =	vunpack.i.u.bf16.f32 v38;
	v51 =	vmul.f32 v49, v4;
	[tilespmem:s20+$0x40] =	vst v47  }
0x140: {  	v52 =	vunpack.i.l.bf16.f32 v42;
	v53 =	vmul.f32 v50, v4;
	[tilespmem:s20+$0x50] =	vst v9  }
0x141: {  	v55 =	vunpack.i.u.bf16.f32 v42;
	v54 =	vld [tilespmem:s11+$0xFFFFFFD0];
	v13 =	vmul.f32 v52, v3;
	[tilespmem:s21+$0xFFFFFFA0] =	vst v51  }
0x142: {  	v58 =	vunpack.i.l.bf16.f32 v48;
	v3 =	vmul.f32 v55, v3;
	[tilespmem:s21+$0xFFFFFFB0] =	vst v53  }
0x143: {  	v10 =	vunpack.i.u.bf16.f32 v48;
	v11 =	vmul.f32 v58, v2;
	v57 =	vld [tilespmem:s11+$0xFFFFFFF0];
	[tilespmem:s21+$0xFFFFFFE0] =	vst v13  }
0x144: {  	v2 =	vmul.f32 v10, v2;
	[tilespmem:s21+$0xFFFFFFF0] =	vst v3;
	v43 =	vunpack.i.u.bf16.f32 v14  }
0x145: {  	v60 =	vld [tilespmem:s11+$0x30];
	[tilespmem:s21+$0x60] =	vst v11;
	v56 =	vunpack.i.l.bf16.f32 v14;
	v45 =	vmul.f32 v43, v7  }
0x146: {  	[tilespmem:s21+$0x70] =	vst v2;
	v59 =	vmul.f32 v56, v7;
	v3 =	vunpack.i.l.bf16.f32 v54  }
0x147: {  	v61 =	vunpack.i.u.bf16.f32 v54;
	[tilespmem:s20+$0x30] =	vst v45;
	v3 =	vmul.f32 v3, v5  }
0x148: {  	[tilespmem:s20+$0x20] =	vst v59;
	v2 =	vunpack.i.l.bf16.f32 v57;
	v62 =	vmul.f32 v61, v5  }
0x149: {  	s28 =	sadd.s32 $0x1, s28;
	v4 =	vunpack.i.u.bf16.f32 v57;
	v2 =	vmul.f32 v2, v6;
	[tilespmem:s20+$0xFFFFFFA0] =	vst v3  }
0x14a: {  	p1 =	sne.s32 s28, $0x51;
	v4 =	vmul.f32 v4, v6;
	v3 =	vunpack.i.l.bf16.f32 v60;
	[tilespmem:s20+$0xFFFFFFB0] =	vst v62  }
.Ltmp2:
0x14b: {  	v63 =	vunpack.i.u.bf16.f32 v60;
	v3 =	vmul.f32 v3, v8;
	[tilespmem:s20+$0xFFFFFFE0] =	vst v2;
	(pc) =	sbr.rel @p1 .LBB2_4-.Ltmp2, $4  }
0x14c: {  	v2 =	vmul.f32 v63, v8;
	[tilespmem:s20+$0xFFFFFFF0] =	vst v4  }
0x14d: {  	s30 =	sshll.u32 s19, $0xD;
	[tilespmem:s20+$0x60] =	vst v3  }
0x14e: {  	s26 =	sadd.s32 $0x1, s26;
	p0 =	por !p0, !p0;
	s1 =	sadd.s32 $0xE420, s30;
	[tilespmem:s20+$0x70] =	vst v2  }
0x14f: {  	[spmem:s4] =	stream.indirect.scatter.add.f32 [tilespmem:s1], [sflag:$0x2], $0x40, s29, s12, $0xb8;
	[tilespmem:$0x1C6B0] =	vst v63  }
0x150: {  	s1 =	simm.s32 $0x2  }
0x151: {  	_ =	swait.ge [sflag:s1], $0x2000  }
0x152: {  	[sflag:s1] =	ssyncset.done $0x0  }
0x153: {  	s2 =	simm.s32 $0x3;
	[sflag:s1] =	ssyncadd.s32 $0xFFFFE000  }
0x154: {  	_ =	swait.ge [sflag:s2], $0x80  }
0x155: {  	[sflag:s2] =	ssyncset.done $0x0  }
0x156: {  	[sflag:s2] =	ssyncadd.s32 $0xFFFFFF80  }
0x157: {  	_ =	swait.ge [sflag:s1], $0x2000  }
0x158: {  	[sflag:s1] =	ssyncset.done $0x0  }
0x159: {  	[sflag:s1] =	ssyncadd.s32 $0xFFFFE000  }
0x15a: {  	_ =	swait.ge [sflag:s2], $0x80  }
0x15b: {  	s26 =	simm.s32 $0x0;
	[sflag:s2] =	ssyncset.done $0x0  }
0x15c: {  	s22 =	simm.s32 $0x5120;
	s21 =	rddreg [dreg:$0x8];
	[sflag:s2] =	ssyncadd.s32 $0xFFFFFF80  }
0x15d: {  	[tilespmem:s22], [sflag:$0x4] =	stream.linear.gather [hbm4b:s21+s26], $0x2880, $0x38;
	[tilespmem:$0x1C6B0] =	vst v63  }
0x15e: {  	_ =	swait.ge [sflag:s0], $0x2880  }
0x15f: {  	[sflag:s0] =	ssyncset.done $0x0  }
0x160: {  	s11 =	simm.s32 $0x79A0;
	s23 =	rddreg [dreg:$0x9];
	[sflag:s0] =	ssyncadd.s32 $0xFFFFD780  }
0x161: {  	[tilespmem:s11], [sflag:$0x4] =	stream.linear.gather [hbm4b:s23+s26], $0x2880, $0x38;
	[tilespmem:$0x1C6B0] =	vst v63  }
0x162: {  	_ =	swait.ge [sflag:s0], $0x2880  }
0x163: {  	[sflag:s0] =	ssyncset.done $0x0  }
0x164: {  	s24 =	simm.s32 $0xA420;
	s29 =	simm.s32 $0x51A0;
	[sflag:s0] =	ssyncadd.s32 $0xFFFFD780  }
0x165: {  	[tilespmem:s24], [sflag:$0x1] =	stream.indirect.gather [hbm4b:s31+s12], $0x20, s22, s12, $0xb8;
	[tilespmem:$0x1C6B0] =	vst v63  }
0x166: {  	s30 =	simm.s32 $0xB420;
	p0 =	por $0x0, $0x0;
	s28 =	simm.s32 $0x0  }
0x167: {  	[tilespmem:s30], [sflag:$0x1] =	stream.indirect.gather [hbm4b:s31+s12], $0x20, s29, s12, $0xb8;
	[tilespmem:$0x1C6B0] =	vst v63  }
.LBB2_8:
0x168: {  	p1 =	slt.u32 s28, $0x2  }
0x169: {  	s1 =	simm.s32 @!p1 $0x2  }
0x16a: {  	_ =	swait.ge @!p1 [sflag:s1], $0x2000  }
0x16b: {  	[sflag:s1] =	ssyncset.done @!p1 $0x0  }
0x16c: {  	[sflag:s1] =	ssyncadd.s32 @!p1 $0xFFFFE000;
	s1 =	simm.s32 @!p1 $0x3  }
0x16d: {  	p2 =	sgt.u32 @!p1 s28, $0x4E;
	_ =	swait.ge @!p1 [sflag:s1], $0x80  }
0x16e: {  	p2 =	por p1, !p2;
	[sflag:s1] =	ssyncset.done @!p1 $0x0  }
0x16f: {  	[sflag:s1] =	ssyncadd.s32 @!p1 $0xFFFFFF80;
	s1 =	sadd.s32 @p2 $0x2, s28  }
0x170: {  	s2 =	sshll.u32 @p2 s1, $0xC;
	s1 =	sshll.u32 @p2 s1, $0x7  }
0x171: {  	s2 =	sand.u32 @p2 $0x3000, s2;
	s1 =	sand.u32 @p2 $0x3FFFFF80, s1  }
0x172: {  	s2 =	sadd.s32 @p2 $0xA420, s2;
	s1 =	sadd.s32 @p2 $0x5120, s1  }
0x173: {  	[tilespmem:s2], [sflag:$0x1] =	stream.indirect.gather @p2 [hbm4b:s31+s12], $0x20, s1, s12, $0xb8;
	[tilespmem:$0x1C6B0] =	vst v63  }
0x174: {  	s1 =	sshll.u32 s28, $0x7  }
0x175: {  	v2 =	vld [tilespmem:s1+$0x5120]  }
0x176: {  	v3 =	vld [tilespmem:s1+$0x79A0];
	_ =	sdelay $0x6  }
0x177: {  	v2 =	vld.idx.msk [tilespmem:v2+s17+$0x0], $0xffff  }
0x178: {  	v3 =	vld.idx.msk [tilespmem:v3+s8+$0x0], $0xffff;
	_ =	sdelay $0x4  }
0x179: {  	v2 =	vadd.f32 v3, v2;
	_ =	sdelay $0x1  }
0x17a: {  	v3 =	vmul.f32 $2.000000030e-01, v2  }
0x17b: {  	vm0 =	vgt.f32 v2, $0.0e+00  }
0x17c: {  	v2 =	vsel vm0, v2, v3  }
0x17d: {  	v2 =	vsub.f32 v2, v1;
	_ =	sdelay $0x1  }
0x17e: {  	v2 =	vmul.f32 $1.442695020e+00, v2;
	_ =	sdelay $0x1  }
0x17f: {  	(erf) = vpow2.f32 v2;
	_ =	sdelay $0x7  }
0x180: {  	s11 =	sadd.s32 s9, s1  }
0x181: {  	p4 =	slt.u32 s11, $0x50910;
	v2 =	vpop (erf)  }
0x182: {  	s2 =	sand.u32 $0x180, s1;
	v2 =	vpsel !p4, $0x0, v2  }
0x183: {  	[tilespmem:s2+$0xA220] =	vst v2  }
0x184: {  	v2 =	vld [tilespmem:s1+$0x5130]  }
0x185: {  	v3 =	vld [tilespmem:s1+$0x79B0];
	_ =	sdelay $0x6  }
0x186: {  	v2 =	vld.idx.msk [tilespmem:v2+s17+$0x0], $0xffff  }
0x187: {  	v3 =	vld.idx.msk [tilespmem:v3+s8+$0x0], $0xffff;
	_ =	sdelay $0x4  }
0x188: {  	v2 =	vadd.f32 v3, v2;
	_ =	sdelay $0x1  }
0x189: {  	v3 =	vmul.f32 $2.000000030e-01, v2  }
0x18a: {  	vm9 =	vgt.f32 v2, $0.0e+00  }
0x18b: {  	v2 =	vsel vm9, v2, v3  }
0x18c: {  	v2 =	vsub.f32 v2, v1;
	_ =	sdelay $0x1  }
0x18d: {  	v2 =	vmul.f32 $1.442695020e+00, v2;
	_ =	sdelay $0x1  }
0x18e: {  	(erf) = vpow2.f32 v2;
	_ =	sdelay $0x7  }
0x18f: {  	s14 =	sor.u32 $0x10, s11  }
0x190: {  	p5 =	slt.u32 s14, $0x50910;
	v2 =	vpop (erf)  }
0x191: {  	v2 =	vpsel !p5, $0x0, v2  }
0x192: {  	[tilespmem:s2+$0xA230] =	vst v2  }
0x193: {  	v2 =	vld [tilespmem:s1+$0x5140]  }
0x194: {  	v3 =	vld [tilespmem:s1+$0x79C0];
	_ =	sdelay $0x6  }
0x195: {  	v2 =	vld.idx.msk [tilespmem:v2+s17+$0x0], $0xffff  }
0x196: {  	v3 =	vld.idx.msk [tilespmem:v3+s8+$0x0], $0xffff;
	_ =	sdelay $0x4  }
0x197: {  	v2 =	vadd.f32 v3, v2;
	_ =	sdelay $0x1  }
0x198: {  	v3 =	vmul.f32 $2.000000030e-01, v2  }
0x199: {  	vm10 =	vgt.f32 v2, $0.0e+00  }
0x19a: {  	v2 =	vsel vm10, v2, v3  }
0x19b: {  	v2 =	vsub.f32 v2, v1;
	_ =	sdelay $0x1  }
0x19c: {  	v2 =	vmul.f32 $1.442695020e+00, v2;
	_ =	sdelay $0x1  }
0x19d: {  	(erf) = vpow2.f32 v2;
	_ =	sdelay $0x7  }
0x19e: {  	s19 =	sor.u32 $0x20, s11  }
0x19f: {  	p6 =	slt.u32 s19, $0x50910;
	v2 =	vpop (erf)  }
0x1a0: {  	v2 =	vpsel !p6, $0x0, v2  }
0x1a1: {  	[tilespmem:s2+$0xA240] =	vst v2  }
0x1a2: {  	v2 =	vld [tilespmem:s1+$0x5150]  }
0x1a3: {  	v3 =	vld [tilespmem:s1+$0x79D0];
	_ =	sdelay $0x6  }
0x1a4: {  	v2 =	vld.idx.msk [tilespmem:v2+s17+$0x0], $0xffff  }
0x1a5: {  	v3 =	vld.idx.msk [tilespmem:v3+s8+$0x0], $0xffff;
	_ =	sdelay $0x4  }
0x1a6: {  	v2 =	vadd.f32 v3, v2;
	_ =	sdelay $0x1  }
0x1a7: {  	v3 =	vmul.f32 $2.000000030e-01, v2  }
0x1a8: {  	vm11 =	vgt.f32 v2, $0.0e+00  }
0x1a9: {  	v2 =	vsel vm11, v2, v3  }
0x1aa: {  	v2 =	vsub.f32 v2, v1;
	_ =	sdelay $0x1  }
0x1ab: {  	v2 =	vmul.f32 $1.442695020e+00, v2;
	_ =	sdelay $0x1  }
0x1ac: {  	(erf) = vpow2.f32 v2;
	_ =	sdelay $0x7  }
0x1ad: {  	s20 =	sor.u32 $0x30, s11  }
0x1ae: {  	p2 =	slt.u32 s20, $0x50910;
	v2 =	vpop (erf)  }
0x1af: {  	v2 =	vpsel !p2, $0x0, v2  }
0x1b0: {  	[tilespmem:s2+$0xA250] =	vst v2  }
0x1b1: {  	v2 =	vld [tilespmem:s1+$0x5160]  }
0x1b2: {  	v3 =	vld [tilespmem:s1+$0x79E0];
	_ =	sdelay $0x6  }
0x1b3: {  	v2 =	vld.idx.msk [tilespmem:v2+s17+$0x0], $0xffff  }
0x1b4: {  	v3 =	vld.idx.msk [tilespmem:v3+s8+$0x0], $0xffff;
	_ =	sdelay $0x4  }
0x1b5: {  	v2 =	vadd.f32 v3, v2;
	_ =	sdelay $0x1  }
0x1b6: {  	v3 =	vmul.f32 $2.000000030e-01, v2  }
0x1b7: {  	vm12 =	vgt.f32 v2, $0.0e+00  }
0x1b8: {  	v2 =	vsel vm12, v2, v3  }
0x1b9: {  	v2 =	vsub.f32 v2, v1;
	_ =	sdelay $0x1  }
0x1ba: {  	v2 =	vmul.f32 $1.442695020e+00, v2;
	_ =	sdelay $0x1  }
0x1bb: {  	(erf) = vpow2.f32 v2;
	_ =	sdelay $0x7  }
0x1bc: {  	s21 =	sor.u32 $0x40, s11  }
0x1bd: {  	p3 =	slt.u32 s21, $0x50910;
	v2 =	vpop (erf)  }
0x1be: {  	v2 =	vpsel !p3, $0x0, v2  }
0x1bf: {  	[tilespmem:s2+$0xA260] =	vst v2  }
0x1c0: {  	v2 =	vld [tilespmem:s1+$0x5170]  }
0x1c1: {  	v3 =	vld [tilespmem:s1+$0x79F0];
	_ =	sdelay $0x6  }
0x1c2: {  	v2 =	vld.idx.msk [tilespmem:v2+s17+$0x0], $0xffff  }
0x1c3: {  	v3 =	vld.idx.msk [tilespmem:v3+s8+$0x0], $0xffff;
	_ =	sdelay $0x4  }
0x1c4: {  	v2 =	vadd.f32 v3, v2;
	_ =	sdelay $0x1  }
0x1c5: {  	v3 =	vmul.f32 $2.000000030e-01, v2  }
0x1c6: {  	vm13 =	vgt.f32 v2, $0.0e+00  }
0x1c7: {  	v2 =	vsel vm13, v2, v3  }
0x1c8: {  	v2 =	vsub.f32 v2, v1;
	_ =	sdelay $0x1  }
0x1c9: {  	v2 =	vmul.f32 $1.442695020e+00, v2;
	_ =	sdelay $0x1  }
0x1ca: {  	(erf) = vpow2.f32 v2;
	_ =	sdelay $0x7  }
0x1cb: {  	s22 =	sor.u32 $0x50, s11  }
0x1cc: {  	p4 =	slt.u32 s22, $0x50910;
	v2 =	vpop (erf)  }
0x1cd: {  	v2 =	vpsel !p4, $0x0, v2  }
0x1ce: {  	[tilespmem:s2+$0xA270] =	vst v2  }
0x1cf: {  	v2 =	vld [tilespmem:s1+$0x5180]  }
0x1d0: {  	v3 =	vld [tilespmem:s1+$0x7A00];
	_ =	sdelay $0x6  }
0x1d1: {  	v2 =	vld.idx.msk [tilespmem:v2+s17+$0x0], $0xffff  }
0x1d2: {  	v3 =	vld.idx.msk [tilespmem:v3+s8+$0x0], $0xffff;
	_ =	sdelay $0x4  }
0x1d3: {  	v2 =	vadd.f32 v3, v2;
	_ =	sdelay $0x1  }
0x1d4: {  	v3 =	vmul.f32 $2.000000030e-01, v2  }
0x1d5: {  	vm14 =	vgt.f32 v2, $0.0e+00  }
0x1d6: {  	v2 =	vsel vm14, v2, v3  }
0x1d7: {  	v2 =	vsub.f32 v2, v1;
	_ =	sdelay $0x1  }
0x1d8: {  	v2 =	vmul.f32 $1.442695020e+00, v2;
	_ =	sdelay $0x1  }
0x1d9: {  	(erf) = vpow2.f32 v2;
	_ =	sdelay $0x7  }
0x1da: {  	s23 =	sor.u32 $0x60, s11  }
0x1db: {  	p5 =	slt.u32 s23, $0x50910;
	v2 =	vpop (erf)  }
0x1dc: {  	v2 =	vpsel !p5, $0x0, v2  }
0x1dd: {  	[tilespmem:s2+$0xA280] =	vst v2  }
0x1de: {  	v2 =	vld [tilespmem:s1+$0x5190]  }
0x1df: {  	v3 =	vld [tilespmem:s1+$0x7A10];
	_ =	sdelay $0x6  }
0x1e0: {  	v2 =	vld.idx.msk [tilespmem:v2+s17+$0x0], $0xffff  }
0x1e1: {  	v3 =	vld.idx.msk [tilespmem:v3+s8+$0x0], $0xffff;
	_ =	sdelay $0x4  }
0x1e2: {  	v2 =	vadd.f32 v3, v2;
	_ =	sdelay $0x1  }
0x1e3: {  	v3 =	vmul.f32 $2.000000030e-01, v2  }
0x1e4: {  	vm15 =	vgt.f32 v2, $0.0e+00  }
0x1e5: {  	v2 =	vsel vm15, v2, v3  }
0x1e6: {  	v2 =	vsub.f32 v2, v1;
	_ =	sdelay $0x1  }
0x1e7: {  	v2 =	vmul.f32 $1.442695020e+00, v2;
	_ =	sdelay $0x1  }
0x1e8: {  	(erf) = vpow2.f32 v2;
	_ =	sdelay $0x5  }
0x1e9: {  	s24 =	sand.u32 $0x3, s26  }
0x1ea: {  	s30 =	sshll.u32 s24, $0x7  }
0x1eb: {  	s18 =	sadd.s32 $0xFFFFFFFC, s30;
	s11 =	sor.u32 $0x70, s11  }
0x1ec: {  	s19 =	sadd.s32 $0x6, s18;
	p6 =	slt.u32 s11, $0x50910;
	v2 =	vpop (erf)  }
0x1ed: {  	v3 =	vmov s19;
	v2 =	vpsel !p6, $0x0, v2  }
0x1ee: {  	s29 =	sadd.s32 $0x79A0, s1;
	s20 =	sadd.s32 $0xA220, s2;
	s22 =	sadd.s32 $0x5, s18;
	[tilespmem:s2+$0xA290] =	vst v2;
	v2 =	vand.u32 $0xFFFFFFFE, v3  }
0x1ef: {  	[spmem:s5] =	stream.indirect.scatter.add.f32 [tilespmem:s20], [sflag:$0x3], $0x1, s29, s12, $0xb8;
	v2 =	vbroadcast v2, $0x0;
	[tilespmem:$0x1C6B0] =	vst v63  }
0x1f0: {  	s21 =	sadd.s32 $0x4, s18;
	v4 =	vmov s22;
	_ =	swait.ge [sflag:s13], $0x1000  }
0x1f1: {  	v4 =	vand.u32 $0xFFFFFFFD, v4;
	s23 =	sshll.u32 s24, $0xC;
	v3 =	vmov s21;
	[sflag:s13] =	ssyncset.done $0x0  }
0x1f2: {  	v4 =	vbroadcast v4, $0x0;
	s11 =	sadd.s32 $0xA460, s23;
	v3 =	vand.u32 $0xFFFFFFFC, v3;
	[sflag:s13] =	ssyncadd.s32 $0xFFFFF000  }
0x1f3: {  	s24 =	sadd.s32 $0x0, s30;
	v3 =	vbroadcast v3, $0x0;
	v5 =	vld [tilespmem:s11+$0x0]  }
0x1f4: {  	s19 =	sadd.s32 $0x7, s18;
	s2 =	sadd.s32 $0x6, s24;
	v8 =	vld [tilespmem:s11+$0xFFFFFFC0]  }
0x1f5: {  	v7 =	vmov s19;
	v6 =	vmov s2;
	v2 =	vld.idx.msk [tilespmem:v2+s7+$0x0], $0xffff  }
0x1f6: {  	v6 =	vand.u32 $0xFFFFFFFE, v6;
	v9 =	vld [tilespmem:s11+$0xFFFFFFE0]  }
0x1f7: {  	v6 =	vbroadcast v6, $0x0;
	v10 =	vld [tilespmem:s11+$0x20]  }
0x1f8: {  	s1 =	simm.s32 $0x1;
	v13 =	vld.idx.msk [tilespmem:v4+s7+$0x0], $0xffff  }
0x1f9: {  	s1 =	simm.s32 @!p0 $0x0;
	v12 =	vld.idx.msk [tilespmem:v3+s7+$0x0], $0xffff;
	v3 =	vunpack.i.l.bf16.f32 v5  }
0x1fa: {  	s1 =	sshll.u32 s1, $0xD;
	s20 =	sadd.s32 $0x4, s24;
	v19 =	vld.idx.msk [tilespmem:v7+s7+$0x0], $0xffff;
	v4 =	vunpack.i.u.bf16.f32 v5;
	v3 =	vmul.f32 v3, v2  }
0x1fb: {  	s2 =	sadd.s32 $0xE4A0, s1;
	s1 =	sadd.s32 $0x80, s11;
	v5 =	vmov s20;
	v11 =	vunpack.i.l.bf16.f32 v8;
	v4 =	vmul.f32 v4, v2  }
0x1fc: {  	v7 =	vld [tilespmem:s1+$0x0];
	v14 =	vunpack.i.u.bf16.f32 v9;
	v9 =	vunpack.i.l.bf16.f32 v9;
	v5 =	vand.u32 $0xFFFFFFFC, v5;
	[tilespmem:s2+$0x0] =	vst v3  }
0x1fd: {  	s19 =	sadd.s32 $0x5, s24;
	v15 =	vunpack.i.u.bf16.f32 v10;
	v9 =	vmul.f32 v9, v13;
	[tilespmem:s2+$0x10] =	vst v4;
	v4 =	vbroadcast v5, $0x0;
	v5 =	vld.idx.msk [tilespmem:v6+s7+$0x0], $0xffff  }
0x1fe: {  	s14 =	sadd.s32 $0x7, s24;
	s21 =	sadd.s32 $0x4, s30;
	v14 =	vmul.f32 v14, v13;
	v3 =	vmov s19;
	v6 =	vunpack.i.u.bf16.f32 v8;
	v8 =	vld [tilespmem:s11+$0x10]  }
0x1ff: {  	v16 =	vmov s14;
	s24 =	sadd.s32 $0x5, s21;
	v15 =	vmul.f32 v15, v19;
	[tilespmem:s2+$0xFFFFFFC0] =	vst v9;
	v3 =	vand.u32 $0xFFFFFFFD, v3  }
0x200: {  	v21 =	vmov s24;
	v11 =	vmul.f32 v11, v12;
	v9 =	vld [tilespmem:s1+$0x20];
	[tilespmem:s2+$0xFFFFFFD0] =	vst v14;
	v3 =	vbroadcast v3, $0x0  }
0x201: {  	v21 =	vand.u32 $0xFFFFFFFD, v21;
	v10 =	vunpack.i.l.bf16.f32 v10;
	[tilespmem:s2+$0x50] =	vst v15;
	v15 =	vld [tilespmem:s11+$0xFFFFFFF0]  }
0x202: {  	v17 =	vunpack.i.l.bf16.f32 v7;
	v7 =	vunpack.i.u.bf16.f32 v7;
	v6 =	vmul.f32 v6, v12;
	[tilespmem:s2+$0xFFFFFF80] =	vst v11;
	v11 =	vld [tilespmem:s1+$0xFFFFFFC0]  }
0x203: {  	s22 =	sadd.s32 $0x6, s21;
	v17 =	vmul.f32 v17, v5;
	v7 =	vmul.f32 v7, v5;
	v18 =	vunpack.i.u.bf16.f32 v8;
	v4 =	vld.idx.msk [tilespmem:v4+s7+$0x0], $0xffff  }
0x204: {  	s20 =	sadd.s32 $0x100, s2;
	[tilespmem:s2+$0xFFFFFF90] =	vst v6;
	v6 =	vld [tilespmem:s1+$0xFFFFFFE0];
	v8 =	vunpack.i.l.bf16.f32 v8;
	v14 =	vmul.f32 v18, v2;
	v18 =	vmov s22  }
0x205: {  	v10 =	vmul.f32 v10, v19;
	[tilespmem:s20+$0x0] =	vst v17;
	v8 =	vmul.f32 v8, v2;
	v2 =	vld.idx.msk [tilespmem:v16+s7+$0x0], $0xffff;
	v16 =	vand.u32 $0xFFFFFFFE, v18  }
0x206: {  	v21 =	vbroadcast v21, $0x0;
	[tilespmem:s20+$0x10] =	vst v7;
	v3 =	vld.idx.msk [tilespmem:v3+s7+$0x0], $0xffff;
	v16 =	vbroadcast v16, $0x0  }
0x207: {  	s23 =	sadd.s32 $0x4, s21;
	[tilespmem:s2+$0x40] =	vst v10;
	v20 =	vunpack.i.u.bf16.f32 v9;
	v25 =	vunpack.i.u.bf16.f32 v15;
	v7 =	vunpack.i.l.bf16.f32 v11;
	v18 =	vld [tilespmem:s1+$0x10]  }
0x208: {  	v10 =	vld [tilespmem:s11+$0xFFFFFFD0];
	v17 =	vunpack.i.u.bf16.f32 v11;
	[tilespmem:s2+$0x30] =	vst v14;
	v14 =	vmov s23;
	v7 =	vmul.f32 v7, v4  }
0x209: {  	v11 =	vunpack.i.u.bf16.f32 v6;
	[tilespmem:s2+$0x20] =	vst v8;
	v14 =	vand.u32 $0xFFFFFFFC, v14;
	v17 =	vmul.f32 v17, v4  }
0x20a: {  	s14 =	sadd.s32 $0x7, s21;
	v23 =	vld [tilespmem:s11+$0x30];
	s11 =	sadd.s32 $0x80, s1;
	v6 =	vunpack.i.l.bf16.f32 v6;
	v22 =	vbroadcast v14, $0x0;
	v20 =	vmul.f32 v20, v2;
	[tilespmem:s20+$0xFFFFFF80] =	vst v7  }
0x20b: {  	v8 =	vmov s14;
	v14 =	vld [tilespmem:s11+$0x0];
	v6 =	vmul.f32 v6, v3;
	v7 =	vunpack.i.l.bf16.f32 v9;
	[tilespmem:s20+$0xFFFFFF90] =	vst v17  }
0x20c: {  	v9 =	vmul.f32 v11, v3;
	v11 =	vunpack.i.u.bf16.f32 v18;
	v24 =	vmul.f32 v7, v2;
	[tilespmem:s20+$0x50] =	vst v20;
	v7 =	vld.idx.msk [tilespmem:v16+s7+$0x0], $0xffff  }
0x20d: {  	v17 =	vunpack.i.u.bf16.f32 v10;
	v10 =	vunpack.i.l.bf16.f32 v10;
	v26 =	vunpack.i.l.bf16.f32 v18;
	[tilespmem:s20+$0xFFFFFFC0] =	vst v6;
	v16 =	vld [tilespmem:s11+$0xFFFFFFC0]  }
0x20e: {  	v27 =	vmul.f32 v10, v12;
	v6 =	vmul.f32 v11, v5;
	[tilespmem:s20+$0xFFFFFFD0] =	vst v9;
	v9 =	vunpack.i.l.bf16.f32 v15;
	v11 =	vld [tilespmem:s11+$0xFFFFFFE0]  }
0x20f: {  	v18 =	vmul.f32 v17, v12;
	v10 =	vunpack.i.l.bf16.f32 v23;
	v17 =	vmul.f32 v9, v13;
	v9 =	vld [tilespmem:s11+$0x20];
	[tilespmem:s20+$0x40] =	vst v24  }
0x210: {  	v15 =	vmul.f32 v25, v13;
	v13 =	vmul.f32 v26, v5;
	[tilespmem:s20+$0x30] =	vst v6;
	v6 =	vunpack.i.u.bf16.f32 v23;
	v5 =	vld.idx.msk [tilespmem:v22+s7+$0x0], $0xffff  }
0x211: {  	s21 =	smov.u32 s20;
	s19 =	sand.u32 $0x1, s28;
	s22 =	simm.s32 $0x8;
	v12 =	vmul.f32 v10, v19;
	[tilespmem:s2+$0xFFFFFFA0] =	vst v27;
	v10 =	vmul.f32 v6, v19;
	v6 =	vld.idx.msk [tilespmem:v21+s7+$0x0], $0xffff;
	v19 =	vunpack.i.l.bf16.f32 v14  }
.LBB2_9:
0x212: {  	s14 =	sadd.s32 s22, s30;
	v20 =	vunpack.i.u.bf16.f32 v16;
	v14 =	vunpack.i.u.bf16.f32 v14;
	v19 =	vmul.f32 v19, v7;
	v21 =	vld.idx.msk [tilespmem:v8+s7+$0x0], $0xffff;
	[tilespmem:s2+$0xFFFFFFB0] =	vst v18;
	v22 =	vmovc v7  }
0x213: {  	s22 =	sadd.s32 $0x4, s22;
	v7 =	vunpack.i.l.bf16.f32 v16;
	s20 =	sadd.s32 $0x100, s20;
	s18 =	sadd.s32 $0x6, s14;
	v16 =	vunpack.i.u.bf16.f32 v11;
	v8 =	vmul.f32 v14, v22;
	v14 =	vld [tilespmem:s1+$0xFFFFFFD0];
	[tilespmem:s2+$0xFFFFFFE0] =	vst v17  }
0x214: {  	s23 =	sadd.s32 $0x4, s14;
	s24 =	sadd.s32 $0x5, s14;
	p1 =	slt.u32 s22, $0x7C;
	v11 =	vunpack.i.l.bf16.f32 v11;
	v17 =	vmov s18;
	[tilespmem:s20+$0x0] =	vst v19;
	v18 =	vunpack.i.u.bf16.f32 v9;
	v19 =	vld [tilespmem:s1+$0xFFFFFFF0]  }
0x215: {  	s14 =	sadd.s32 $0x7, s14;
	v23 =	vmov s23;
	v24 =	vmov s24;
	v17 =	vand.u32 $0xFFFFFFFE, v17;
	[tilespmem:s20+$0x10] =	vst v8;
	v25 =	vld [tilespmem:s1+$0x30];
	s1 =	smov.u32 s11  }
0x216: {  	v8 =	vand.u32 $0xFFFFFFFC, v23;
	v23 =	vand.u32 $0xFFFFFFFD, v24;
	v17 =	vbroadcast v17, $0x0;
	v24 =	vld [tilespmem:s11+$0x10];
	[tilespmem:s2+$0xFFFFFFF0] =	vst v15  }
0x217: {  	v26 =	vbroadcast v8, $0x0;
	v23 =	vbroadcast v23, $0x0;
	v8 =	vmov s14;
	[tilespmem:s21+$0x20] =	vst v13  }
0x218: {  	v9 =	vunpack.i.l.bf16.f32 v9;
	v7 =	vmul.f32 v7, v5;
	v13 =	vmul.f32 v20, v5;
	[tilespmem:s2+$0x60] =	vst v12  }
0x219: {  	v11 =	vmul.f32 v11, v6;
	v12 =	vmul.f32 v16, v6;
	v15 =	vunpack.i.u.bf16.f32 v14;
	[tilespmem:s2+$0x70] =	vst v10;
	s2 =	smov.u32 s21;
	s21 =	smov.u32 s20  }
0x21a: {  	s11 =	sadd.s32 $0x80, s11;
	v20 =	vmul.f32 v18, v21;
	v10 =	vmul.f32 v9, v21;
	v9 =	vunpack.i.l.bf16.f32 v14;
	[tilespmem:s20+$0xFFFFFF80] =	vst v7  }
0x21b: {  	v27 =	vunpack.i.u.bf16.f32 v19;
	v19 =	vunpack.i.l.bf16.f32 v19;
	v14 =	vld [tilespmem:s11+$0x0];
	[tilespmem:s20+$0xFFFFFF90] =	vst v13;
	v13 =	vunpack.i.u.bf16.f32 v24  }
0x21c: {  	v28 =	vunpack.i.u.bf16.f32 v25;
	v24 =	vunpack.i.l.bf16.f32 v24;
	v7 =	vld.idx.msk [tilespmem:v17+s7+$0x0], $0xffff;
	[tilespmem:s20+$0xFFFFFFC0] =	vst v11;
	v13 =	vmul.f32 v13, v22  }
.Ltmp3:
0x21d: {  	v18 =	vmul.f32 v15, v4;
	v29 =	vmul.f32 v9, v4;
	v4 =	vmovc v5;
	v16 =	vld [tilespmem:s11+$0xFFFFFFC0];
	[tilespmem:s20+$0xFFFFFFD0] =	vst v12;
	v12 =	vunpack.i.l.bf16.f32 v25;
	(pc) =	sbr.rel @p1 .LBB2_9-.Ltmp3, $4  }
0x21e: {  	v15 =	vmul.f32 v27, v3;
	v17 =	vmul.f32 v19, v3;
	v3 =	vmov v6;
	v11 =	vld [tilespmem:s11+$0xFFFFFFE0];
	[tilespmem:s20+$0x30] =	vst v13  }
0x21f: {  	v13 =	vmul.f32 v24, v22;
	v12 =	vmul.f32 v12, v2;
	v9 =	vld [tilespmem:s11+$0x20];
	[tilespmem:s20+$0x40] =	vst v10  }
0x220: {  	v10 =	vmul.f32 v28, v2;
	v2 =	vmov v21;
	v5 =	vld.idx.msk [tilespmem:v26+s7+$0x0], $0xffff;
	[tilespmem:s20+$0x50] =	vst v20  }
0x221: {  	v19 =	vunpack.i.l.bf16.f32 v14;
	v6 =	vld.idx.msk [tilespmem:v23+s7+$0x0], $0xffff;
	[tilespmem:s2+$0xFFFFFFA0] =	vst v29  }
0x222: {  	[tilespmem:s2+$0xFFFFFFB0] =	vst v18  }
0x223: {  	[tilespmem:s2+$0xFFFFFFE0] =	vst v17  }
0x224: {  	[tilespmem:s2+$0xFFFFFFF0] =	vst v15  }
0x225: {  	[tilespmem:s21+$0x20] =	vst v13  }
0x226: {  	v14 =	vunpack.i.u.bf16.f32 v14;
	v19 =	vmul.f32 v19, v7;
	[tilespmem:s2+$0x60] =	vst v12  }
0x227: {  	s20 =	sadd.s32 $0x100, s20;
	v36 =	vunpack.i.l.bf16.f32 v16;
	v8 =	vld.idx.msk [tilespmem:v8+s7+$0x0], $0xffff;
	[tilespmem:s2+$0x70] =	vst v10;
	v14 =	vmul.f32 v14, v7  }
0x228: {  	v37 =	vunpack.i.u.bf16.f32 v16;
	v38 =	vld [tilespmem:s1+$0xFFFFFFD0];
	[tilespmem:s20+$0x0] =	vst v19;
	v15 =	vmul.f32 v36, v5  }
0x229: {  	v39 =	vunpack.i.l.bf16.f32 v11;
	[tilespmem:s20+$0x10] =	vst v14;
	v13 =	vmul.f32 v37, v5  }
0x22a: {  	v42 =	vld [tilespmem:s1+$0xFFFFFFF0];
	v40 =	vunpack.i.u.bf16.f32 v11;
	v41 =	vmul.f32 v39, v6;
	[tilespmem:s20+$0xFFFFFF80] =	vst v15  }
0x22b: {  	v44 =	vunpack.i.l.bf16.f32 v9;
	v10 =	vmul.f32 v40, v6;
	[tilespmem:s20+$0xFFFFFF90] =	vst v13  }
0x22c: {  	v48 =	vld [tilespmem:s1+$0x30];
	v46 =	vunpack.i.u.bf16.f32 v9;
	v47 =	vmul.f32 v44, v8;
	[tilespmem:s20+$0xFFFFFFC0] =	vst v41  }
0x22d: {  	v9 =	vmul.f32 v46, v8;
	v49 =	vunpack.i.l.bf16.f32 v38;
	[tilespmem:s20+$0xFFFFFFD0] =	vst v10  }
0x22e: {  	v14 =	vld [tilespmem:s11+$0x10];
	v50 =	vunpack.i.u.bf16.f32 v38;
	v51 =	vmul.f32 v49, v4;
	[tilespmem:s20+$0x40] =	vst v47  }
0x22f: {  	v52 =	vunpack.i.l.bf16.f32 v42;
	v53 =	vmul.f32 v50, v4;
	[tilespmem:s20+$0x50] =	vst v9  }
0x230: {  	v55 =	vunpack.i.u.bf16.f32 v42;
	v54 =	vld [tilespmem:s11+$0xFFFFFFD0];
	v13 =	vmul.f32 v52, v3;
	[tilespmem:s21+$0xFFFFFFA0] =	vst v51  }
0x231: {  	v58 =	vunpack.i.l.bf16.f32 v48;
	v3 =	vmul.f32 v55, v3;
	[tilespmem:s21+$0xFFFFFFB0] =	vst v53  }
0x232: {  	v10 =	vunpack.i.u.bf16.f32 v48;
	v11 =	vmul.f32 v58, v2;
	v57 =	vld [tilespmem:s11+$0xFFFFFFF0];
	[tilespmem:s21+$0xFFFFFFE0] =	vst v13  }
0x233: {  	v2 =	vmul.f32 v10, v2;
	[tilespmem:s21+$0xFFFFFFF0] =	vst v3;
	v43 =	vunpack.i.u.bf16.f32 v14  }
0x234: {  	v60 =	vld [tilespmem:s11+$0x30];
	[tilespmem:s21+$0x60] =	vst v11;
	v56 =	vunpack.i.l.bf16.f32 v14;
	v45 =	vmul.f32 v43, v7  }
0x235: {  	[tilespmem:s21+$0x70] =	vst v2;
	v59 =	vmul.f32 v56, v7;
	v3 =	vunpack.i.l.bf16.f32 v54  }
0x236: {  	v61 =	vunpack.i.u.bf16.f32 v54;
	[tilespmem:s20+$0x30] =	vst v45;
	v3 =	vmul.f32 v3, v5  }
0x237: {  	[tilespmem:s20+$0x20] =	vst v59;
	v2 =	vunpack.i.l.bf16.f32 v57;
	v62 =	vmul.f32 v61, v5  }
0x238: {  	s28 =	sadd.s32 $0x1, s28;
	v4 =	vunpack.i.u.bf16.f32 v57;
	v2 =	vmul.f32 v2, v6;
	[tilespmem:s20+$0xFFFFFFA0] =	vst v3  }
0x239: {  	p1 =	sne.s32 s28, $0x51;
	v4 =	vmul.f32 v4, v6;
	v3 =	vunpack.i.l.bf16.f32 v60;
	[tilespmem:s20+$0xFFFFFFB0] =	vst v62  }
.Ltmp4:
0x23a: {  	v63 =	vunpack.i.u.bf16.f32 v60;
	v3 =	vmul.f32 v3, v8;
	[tilespmem:s20+$0xFFFFFFE0] =	vst v2;
	(pc) =	sbr.rel @p1 .LBB2_8-.Ltmp4, $4  }
0x23b: {  	v2 =	vmul.f32 v63, v8;
	[tilespmem:s20+$0xFFFFFFF0] =	vst v4  }
0x23c: {  	s30 =	sshll.u32 s19, $0xD;
	[tilespmem:s20+$0x60] =	vst v3  }
0x23d: {  	s26 =	sadd.s32 $0x1, s26;
	p0 =	por !p0, !p0;
	s1 =	sadd.s32 $0xE420, s30;
	[tilespmem:s20+$0x70] =	vst v2  }
0x23e: {  	[spmem:s4] =	stream.indirect.scatter.add.f32 [tilespmem:s1], [sflag:$0x2], $0x40, s29, s12, $0xb8;
	[tilespmem:$0x1C6B0] =	vst v63  }
0x23f: {  	s1 =	simm.s32 $0x2  }
0x240: {  	_ =	swait.ge [sflag:s1], $0x2000  }
0x241: {  	[sflag:s1] =	ssyncset.done $0x0  }
0x242: {  	s2 =	simm.s32 $0x3;
	[sflag:s1] =	ssyncadd.s32 $0xFFFFE000  }
0x243: {  	_ =	swait.ge [sflag:s2], $0x80  }
0x244: {  	[sflag:s2] =	ssyncset.done $0x0  }
0x245: {  	[sflag:s2] =	ssyncadd.s32 $0xFFFFFF80  }
0x246: {  	_ =	swait.ge [sflag:s1], $0x2000  }
0x247: {  	[sflag:s1] =	ssyncset.done $0x0  }
0x248: {  	[sflag:s1] =	ssyncadd.s32 $0xFFFFE000  }
0x249: {  	_ =	swait.ge [sflag:s2], $0x80  }
0x24a: {  	[sflag:s2] =	ssyncset.done $0x0  }
0x24b: {  	[sflag:s2] =	ssyncadd.s32 $0xFFFFFF80  }
0x24c: {  	[bflag:$0x0] =	sbarrier.arrive $0xFFFF  }
0x24d: {  	[tilespmem:s16], [sflag:$0x4] =	stream.linear.gather [spmem:s15], $0x280, $0x38;
	[tilespmem:$0x1C6B0] =	vst v63  }
0x24e: {  	_ =	swait.ge [sflag:s0], $0x280  }
0x24f: {  	[sflag:s0] =	ssyncset.done $0x0  }
0x250: {  	[sflag:s0] =	ssyncadd.s32 $0xFFFFFD80  }
0x251: {  	s26 =	simm.s32 $0x0;
	s11 =	simm.s32 $0x50A0;
	s30 =	rddreg [dreg:$0x2]  }
0x252: {  	[tilespmem:s11], [sflag:$0x4] =	stream.linear.gather [hbm4b:s30+s26], $0x80, $0x38;
	[tilespmem:$0x1C6B0] =	vst v63  }
0x253: {  	_ =	swait.ge [sflag:s0], $0x80  }
0x254: {  	[sflag:s0] =	ssyncset.done $0x0  }
0x255: {  	[sflag:s0] =	ssyncadd.s32 $0xFFFFFF80  }
0x256: {  	v1 =	vld [tilespmem:$0x4E20]  }
0x257: {  	v2 =	vld [tilespmem:$0x4E30]  }
0x258: {  	v3 =	vld [tilespmem:$0x4E40]  }
0x259: {  	v4 =	vld [tilespmem:$0x4E50]  }
0x25a: {  	v5 =	vld [tilespmem:$0x4E60]  }
0x25b: {  	v6 =	vld [tilespmem:$0x4E70];
	v1 =	vadd.f32 $1.000000020e-16, v1  }
0x25c: {  	v7 =	vld [tilespmem:$0x4E80];
	v2 =	vadd.f32 $1.000000020e-16, v2  }
0x25d: {  	(erf) = vrcp.f32 v1;
	v1 =	vadd.f32 $1.000000020e-16, v3;
	v3 =	vld [tilespmem:$0x4E90]  }
0x25e: {  	(erf) = vrcp.f32 v2;
	v2 =	vadd.f32 $1.000000020e-16, v4;
	v4 =	vld [tilespmem:$0x4EA0]  }
0x25f: {  	(erf) = vrcp.f32 v1;
	v1 =	vadd.f32 $1.000000020e-16, v5;
	v5 =	vld [tilespmem:$0x4EB0]  }
0x260: {  	(erf) = vrcp.f32 v2;
	v2 =	vadd.f32 $1.000000020e-16, v6;
	v6 =	vld [tilespmem:$0x4EC0]  }
0x261: {  	(erf) = vrcp.f32 v1;
	v1 =	vadd.f32 $1.000000020e-16, v7;
	v7 =	vld [tilespmem:$0x4ED0]  }
0x262: {  	(erf) = vrcp.f32 v2;
	v2 =	vadd.f32 $1.000000020e-16, v3;
	v3 =	vld [tilespmem:$0x4EE0]  }
0x263: {  	(erf) = vrcp.f32 v1;
	v1 =	vadd.f32 $1.000000020e-16, v4;
	v4 =	vld [tilespmem:$0x4EF0]  }
0x264: {  	(erf) = vrcp.f32 v2;
	v2 =	vadd.f32 $1.000000020e-16, v5;
	v5 =	vld [tilespmem:$0x4F00]  }
0x265: {  	(erf) = vrcp.f32 v1;
	v1 =	vadd.f32 $1.000000020e-16, v6;
	v6 =	vld [tilespmem:$0x4F10]  }
0x266: {  	v8 =	vpop (erf);
	(erf) = vrcp.f32 v2;
	v2 =	vadd.f32 $1.000000020e-16, v7;
	v7 =	vld [tilespmem:$0x4F20]  }
0x267: {  	[tilespmem:$0x4E20] =	vst v8;
	v8 =	vpop (erf);
	(erf) = vrcp.f32 v1;
	v1 =	vadd.f32 $1.000000020e-16, v3;
	v3 =	vld [tilespmem:$0x4F30]  }
0x268: {  	[tilespmem:$0x4E30] =	vst v8;
	v8 =	vpop (erf);
	(erf) = vrcp.f32 v2;
	v2 =	vadd.f32 $1.000000020e-16, v4;
	v4 =	vld [tilespmem:$0x4F40]  }
0x269: {  	[tilespmem:$0x4E40] =	vst v8;
	v8 =	vpop (erf);
	(erf) = vrcp.f32 v1;
	v1 =	vadd.f32 $1.000000020e-16, v5;
	v5 =	vld [tilespmem:$0x4F50]  }
0x26a: {  	[tilespmem:$0x4E50] =	vst v8;
	v8 =	vpop (erf);
	(erf) = vrcp.f32 v2;
	v2 =	vadd.f32 $1.000000020e-16, v6;
	v6 =	vld [tilespmem:$0x4F60]  }
0x26b: {  	[tilespmem:$0x4E60] =	vst v8;
	v8 =	vpop (erf);
	(erf) = vrcp.f32 v1;
	v1 =	vadd.f32 $1.000000020e-16, v7;
	v7 =	vld [tilespmem:$0x4F70]  }
0x26c: {  	[tilespmem:$0x4E70] =	vst v8;
	v8 =	vpop (erf);
	(erf) = vrcp.f32 v2;
	v2 =	vadd.f32 $1.000000020e-16, v3;
	v3 =	vld [tilespmem:$0x4F80]  }
0x26d: {  	[tilespmem:$0x4E80] =	vst v8;
	v8 =	vpop (erf);
	(erf) = vrcp.f32 v1;
	v1 =	vadd.f32 $1.000000020e-16, v4;
	v4 =	vld [tilespmem:$0x4F90]  }
0x26e: {  	[tilespmem:$0x4E90] =	vst v8;
	v8 =	vpop (erf);
	(erf) = vrcp.f32 v2;
	v2 =	vadd.f32 $1.000000020e-16, v5;
	v5 =	vld [tilespmem:$0x4FA0]  }
0x26f: {  	[tilespmem:$0x4EA0] =	vst v8;
	v8 =	vpop (erf);
	(erf) = vrcp.f32 v1;
	v1 =	vadd.f32 $1.000000020e-16, v6;
	v6 =	vld [tilespmem:$0x4FB0]  }
0x270: {  	[tilespmem:$0x4EB0] =	vst v8;
	v8 =	vpop (erf);
	(erf) = vrcp.f32 v2;
	v2 =	vadd.f32 $1.000000020e-16, v7;
	v7 =	vld [tilespmem:$0x4FC0]  }
0x271: {  	[tilespmem:$0x4EC0] =	vst v8;
	v8 =	vpop (erf);
	(erf) = vrcp.f32 v1;
	v1 =	vadd.f32 $1.000000020e-16, v3;
	v3 =	vld [tilespmem:$0x4FD0]  }
0x272: {  	[tilespmem:$0x4ED0] =	vst v8;
	v8 =	vpop (erf);
	(erf) = vrcp.f32 v2;
	v2 =	vadd.f32 $1.000000020e-16, v4;
	v4 =	vld [tilespmem:$0x4FE0]  }
0x273: {  	[tilespmem:$0x4EE0] =	vst v8;
	v8 =	vpop (erf);
	(erf) = vrcp.f32 v1;
	v1 =	vadd.f32 $1.000000020e-16, v5;
	v5 =	vld [tilespmem:$0x4FF0]  }
0x274: {  	[tilespmem:$0x4EF0] =	vst v8;
	v8 =	vpop (erf);
	(erf) = vrcp.f32 v2;
	v2 =	vadd.f32 $1.000000020e-16, v6;
	v6 =	vld [tilespmem:$0x5000]  }
0x275: {  	[tilespmem:$0x4F00] =	vst v8;
	v8 =	vpop (erf);
	(erf) = vrcp.f32 v1;
	v1 =	vadd.f32 $1.000000020e-16, v7;
	v7 =	vld [tilespmem:$0x5010]  }
0x276: {  	[tilespmem:$0x4F10] =	vst v8;
	v8 =	vpop (erf);
	(erf) = vrcp.f32 v2;
	v2 =	vadd.f32 $1.000000020e-16, v3;
	v3 =	vld [tilespmem:$0x5020]  }
0x277: {  	[tilespmem:$0x4F20] =	vst v8;
	v8 =	vpop (erf);
	(erf) = vrcp.f32 v1;
	v1 =	vadd.f32 $1.000000020e-16, v4;
	v4 =	vld [tilespmem:$0x5030]  }
0x278: {  	[tilespmem:$0x4F30] =	vst v8;
	v8 =	vpop (erf);
	(erf) = vrcp.f32 v2;
	v2 =	vadd.f32 $1.000000020e-16, v5;
	v5 =	vld [tilespmem:$0x5040]  }
0x279: {  	[tilespmem:$0x4F40] =	vst v8;
	v8 =	vpop (erf);
	(erf) = vrcp.f32 v1;
	v1 =	vadd.f32 $1.000000020e-16, v6;
	v6 =	vld [tilespmem:$0x5050]  }
0x27a: {  	[tilespmem:$0x4F50] =	vst v8;
	v8 =	vpop (erf);
	(erf) = vrcp.f32 v2;
	v2 =	vadd.f32 $1.000000020e-16, v7;
	v7 =	vld [tilespmem:$0x5060]  }
0x27b: {  	[tilespmem:$0x4F60] =	vst v8;
	v8 =	vpop (erf);
	(erf) = vrcp.f32 v1;
	v1 =	vadd.f32 $1.000000020e-16, v3;
	v3 =	vld [tilespmem:$0x5070]  }
0x27c: {  	[tilespmem:$0x4F70] =	vst v8;
	v8 =	vpop (erf);
	(erf) = vrcp.f32 v2;
	v2 =	vadd.f32 $1.000000020e-16, v4;
	v4 =	vld [tilespmem:$0x5080]  }
0x27d: {  	[tilespmem:$0x4F80] =	vst v8;
	v8 =	vpop (erf);
	(erf) = vrcp.f32 v1;
	v1 =	vadd.f32 $1.000000020e-16, v5;
	v5 =	vld [tilespmem:$0x5090]  }
0x27e: {  	[tilespmem:$0x4F90] =	vst v8;
	v8 =	vpop (erf);
	(erf) = vrcp.f32 v2;
	v2 =	vadd.f32 $1.000000020e-16, v6  }
0x27f: {  	v6 =	vpop (erf);
	(erf) = vrcp.f32 v1;
	v1 =	vadd.f32 $1.000000020e-16, v7  }
0x280: {  	[tilespmem:$0x4FB0] =	vst v6;
	v6 =	vpop (erf);
	(erf) = vrcp.f32 v2;
	v2 =	vadd.f32 $1.000000020e-16, v3  }
0x281: {  	[tilespmem:$0x4FA0] =	vst v8;
	v3 =	vpop (erf);
	(erf) = vrcp.f32 v1;
	v1 =	vadd.f32 $1.000000020e-16, v4  }
0x282: {  	[tilespmem:$0x4FD0] =	vst v3;
	v3 =	vpop (erf);
	(erf) = vrcp.f32 v2;
	v2 =	vadd.f32 $1.000000020e-16, v5  }
0x283: {  	[tilespmem:$0x4FC0] =	vst v6  }
0x284: {  	[tilespmem:$0x4FE0] =	vst v3;
	v3 =	vpop (erf);
	(erf) = vrcp.f32 v1  }
0x285: {  	[tilespmem:$0x4FF0] =	vst v3;
	v1 =	vpop (erf);
	(erf) = vrcp.f32 v2  }
0x286: {  	v2 =	vpop (erf);
	[tilespmem:$0x5000] =	vst v1  }
0x287: {  	v1 =	vpop (erf);
	[tilespmem:$0x5010] =	vst v2  }
0x288: {  	v2 =	vpop (erf);
	[tilespmem:$0x5020] =	vst v1  }
0x289: {  	v1 =	vpop (erf);
	[tilespmem:$0x5030] =	vst v2  }
0x28a: {  	v2 =	vpop (erf);
	[tilespmem:$0x5040] =	vst v1  }
0x28b: {  	v1 =	vpop (erf);
	[tilespmem:$0x5050] =	vst v2  }
0x28c: {  	s2 =	simm.s32 $0x2;
	v2 =	vpop (erf);
	[tilespmem:$0x5060] =	vst v1  }
0x28d: {  	v3 =	vmov s2;
	v1 =	vpop (erf);
	[tilespmem:$0x5070] =	vst v2  }
0x28e: {  	s11 =	simm.s32 $0x3;
	v3 =	vand.u32 $0xFFFFFFFE, v3;
	[tilespmem:$0x5080] =	vst v1;
	v1 =	vpop (erf)  }
0x28f: {  	s19 =	rddreg [dreg:$0xf];
	v3 =	vbroadcast v3, $0x0;
	[tilespmem:$0x5090] =	vst v1;
	v1 =	vmov s11  }
0x290: {  	v2 =	vmov s26;
	[tilespmem:s3], [sflag:$0x4] =	stream.linear.gather [spmem:s19], $0x2000, $0x38;
	[tilespmem:$0x1C6B0] =	vst v63  }
0x291: {  	s14 =	simm.s32 $0x1;
	v2 =	vand.u32 $0xFFFFFFFC, v2;
	_ =	swait.ge [sflag:s0], $0x2000  }
0x292: {  	v4 =	vmov s14;
	v2 =	vbroadcast v2, $0x0;
	[sflag:s0] =	ssyncset.done $0x0  }
0x293: {  	v4 =	vand.u32 $0xFFFFFFFD, v4;
	[sflag:s0] =	ssyncadd.s32 $0xFFFFE000  }
0x294: {  	v4 =	vbroadcast v4, $0x0;
	v5 =	vld.idx.msk [tilespmem:v1+s16+$0x0], $0xffff  }
0x295: {  	s26 =	simm.s32 $0xE4A0;
	v3 =	vld.idx.msk [tilespmem:v3+s16+$0x0], $0xffff  }
0x296: {  	v1 =	vld [tilespmem:s26+$0x0]  }
0x297: {  	v7 =	vld [tilespmem:s10+$0x50A0]  }
0x298: {  	v6 =	vld.idx.msk [tilespmem:v2+s16+$0x0], $0xffff  }
0x299: {  	v2 =	vld [tilespmem:s26+$0xFFFFFF80]  }
0x29a: {  	v4 =	vld.idx.msk [tilespmem:v4+s16+$0x0], $0xffff  }
0x29b: {  	v8 =	vld [tilespmem:s26+$0xFFFFFFC0]  }
0x29c: {  	v9 =	vld [tilespmem:s26+$0x40]  }
0x29d: {  	v1 =	vmul.f32 v1, v3  }
0x29e: {  	v10 =	vld [tilespmem:s26+$0xFFFFFF90];
	v2 =	vmul.f32 v2, v6  }
0x29f: {  	v11 =	vld [tilespmem:s26+$0xFFFFFFD0];
	v1 =	vadd.f32 v1, v7  }
0x2a0: {  	v12 =	vld [tilespmem:s26+$0x50];
	v8 =	vmul.f32 v8, v4;
	v2 =	vadd.f32 v2, v7  }
0x2a1: {  	v13 =	vld [tilespmem:s26+$0x10];
	v9 =	vmul.f32 v9, v5;
	v1 =	vmax.f32 v1, $0.0e+00  }
0x2a2: {  	v14 =	vld [tilespmem:s26+$0xFFFFFFA0];
	v2 =	vmax.f32 v2, $0.0e+00;
	[tilespmem:s26+$0x0] =	vst v1;
	v1 =	vadd.f32 v8, v7  }
0x2a3: {  	v7 =	vadd.f32 v9, v7;
	[tilespmem:s26+$0xFFFFFF80] =	vst v2;
	v2 =	vld [tilespmem:s10+$0x50B0]  }
0x2a4: {  	v8 =	vld [tilespmem:s10+$0x50B0];
	v1 =	vmax.f32 v1, $0.0e+00  }
0x2a5: {  	v16 =	vld [tilespmem:s26+$0xFFFFFFF0];
	[tilespmem:s26+$0xFFFFFFC0] =	vst v1;
	v1 =	vmax.f32 v7, $0.0e+00  }
0x2a6: {  	v13 =	vmul.f32 v13, v3;
	v15 =	vld [tilespmem:s10+$0x50B0];
	[tilespmem:s26+$0x40] =	vst v1  }
0x2a7: {  	v10 =	vmul.f32 v10, v6;
	v1 =	vld [tilespmem:s10+$0x50B0]  }
0x2a8: {  	s28 =	simm.s32 $0xE5A0;
	v17 =	vld [tilespmem:s26+$0x70];
	v2 =	vadd.f32 v13, v2  }
0x2a9: {  	v22 =	vld [tilespmem:s28+$0xFFFFFFC0];
	v8 =	vadd.f32 v10, v8;
	v10 =	vmul.f32 v11, v4  }
0x2aa: {  	v12 =	vmul.f32 v12, v5;
	v11 =	vld [tilespmem:s26+$0x20];
	v2 =	vmax.f32 v2, $0.0e+00  }
0x2ab: {  	s24 =	smov.u32 s15;
	s15 =	simm.s32 $0x4;
	v23 =	vld [tilespmem:s28+$0x40];
	v8 =	vmax.f32 v8, $0.0e+00;
	[tilespmem:s26+$0x10] =	vst v2;
	v2 =	vadd.f32 v10, v15  }
0x2ac: {  	s18 =	simm.s32 $0x7;
	v10 =	vmov s15;
	[tilespmem:s26+$0xFFFFFF90] =	vst v8;
	v8 =	vld [tilespmem:s10+$0x50C0];
	v1 =	vadd.f32 v12, v1  }
0x2ad: {  	s20 =	simm.s32 $0x5;
	v24 =	vld [tilespmem:s28+$0xFFFFFF90];
	v15 =	vmov s18;
	v10 =	vand.u32 $0xFFFFFFFC, v10;
	v2 =	vmax.f32 v2, $0.0e+00  }
0x2ae: {  	s21 =	simm.s32 $0x6;
	v12 =	vld [tilespmem:s10+$0x50C0];
	v10 =	vbroadcast v10, $0x0;
	[tilespmem:s26+$0xFFFFFFD0] =	vst v2;
	v1 =	vmax.f32 v1, $0.0e+00;
	v2 =	vmov s20  }
0x2af: {  	v25 =	vld [tilespmem:s28+$0xFFFFFFD0];
	v11 =	vmul.f32 v11, v3;
	[tilespmem:s26+$0x50] =	vst v1;
	v1 =	vand.u32 $0xFFFFFFFD, v2;
	v2 =	vmov s21  }
0x2b0: {  	v9 =	vld [tilespmem:s26+$0xFFFFFFE0];
	v20 =	vbroadcast v1, $0x0;
	v1 =	vand.u32 $0xFFFFFFFE, v2  }
0x2b1: {  	v14 =	vmul.f32 v14, v6;
	v13 =	vld [tilespmem:s26+$0xFFFFFFB0];
	v2 =	vadd.f32 v11, v8;
	v8 =	vbroadcast v1, $0x0  }
0x2b2: {  	v1 =	vld.idx.msk [tilespmem:v15+s16+$0x0], $0xffff  }
0x2b3: {  	v11 =	vadd.f32 v14, v12;
	v14 =	vld [tilespmem:s28+$0xFFFFFF80]  }
0x2b4: {  	v21 =	vld.idx.msk [tilespmem:v10+s16+$0x0], $0xffff  }
0x2b5: {  	v15 =	vld [tilespmem:s10+$0x50A0]  }
0x2b6: {  	v2 =	vmax.f32 v2, $0.0e+00;
	v20 =	vld.idx.msk [tilespmem:v20+s16+$0x0], $0xffff  }
0x2b7: {  	[tilespmem:s26+$0x20] =	vst v2;
	v2 =	vld.idx.msk [tilespmem:v8+s16+$0x0], $0xffff  }
0x2b8: {  	v8 =	vld [tilespmem:s28+$0x0]  }
0x2b9: {  	v7 =	vld [tilespmem:s26+$0x60];
	v14 =	vmul.f32 v14, v21  }
0x2ba: {  	v12 =	vld [tilespmem:s26+$0x30]  }
0x2bb: {  	v9 =	vmul.f32 v9, v4;
	v18 =	vld [tilespmem:s10+$0x50C0];
	v14 =	vadd.f32 v14, v15;
	v22 =	vmul.f32 v22, v20  }
0x2bc: {  	v26 =	vld [tilespmem:s28+$0x50];
	v6 =	vmul.f32 v13, v6;
	v10 =	vmax.f32 v11, $0.0e+00;
	v23 =	vmul.f32 v23, v1  }
0x2bd: {  	v19 =	vld [tilespmem:s10+$0x50C0];
	[tilespmem:s26+$0xFFFFFFA0] =	vst v10;
	v8 =	vmul.f32 v8, v2;
	v13 =	vmax.f32 v14, $0.0e+00;
	v14 =	vadd.f32 v22, v15  }
0x2be: {  	v4 =	vmul.f32 v16, v4;
	v7 =	vmul.f32 v7, v5;
	v11 =	vld [tilespmem:s10+$0x50D0];
	[tilespmem:s28+$0xFFFFFF80] =	vst v13;
	v13 =	vadd.f32 v23, v15  }
0x2bf: {  	v10 =	vld [tilespmem:s10+$0x50D0];
	v12 =	vmul.f32 v12, v3;
	v8 =	vadd.f32 v8, v15;
	v14 =	vmax.f32 v14, $0.0e+00  }
0x2c0: {  	v3 =	vmul.f32 v17, v5;
	v5 =	vadd.f32 v9, v18;
	v16 =	vld [tilespmem:s10+$0x50B0];
	v9 =	vmax.f32 v13, $0.0e+00;
	[tilespmem:s28+$0xFFFFFFC0] =	vst v14  }
0x2c1: {  	v28 =	vld [tilespmem:s28+$0x10];
	v8 =	vmax.f32 v8, $0.0e+00;
	[tilespmem:s28+$0x40] =	vst v9  }
0x2c2: {  	[tilespmem:s28+$0x0] =	vst v8;
	v14 =	vld [tilespmem:s10+$0x50B0]  }
0x2c3: {  	v6 =	vadd.f32 v6, v11;
	v11 =	vmul.f32 v24, v21;
	v15 =	vld [tilespmem:s10+$0x50B0]  }
0x2c4: {  	v7 =	vadd.f32 v7, v19  }
0x2c5: {  	v5 =	vmax.f32 v5, $0.0e+00;
	v10 =	vadd.f32 v12, v10;
	v9 =	vld [tilespmem:s10+$0x50B0];
	v11 =	vadd.f32 v11, v16  }
0x2c6: {  	v27 =	vld [tilespmem:s28+$0xFFFFFFA0];
	[tilespmem:s26+$0xFFFFFFE0] =	vst v5;
	v5 =	vmax.f32 v7, $0.0e+00;
	v12 =	vmul.f32 v28, v2;
	v16 =	vmul.f32 v26, v1  }
0x2c7: {  	[tilespmem:s26+$0x60] =	vst v5;
	v7 =	vmax.f32 v10, $0.0e+00;
	v13 =	vld [tilespmem:s28+$0x60];
	v11 =	vmax.f32 v11, $0.0e+00  }
0x2c8: {  	v8 =	vld [tilespmem:s28+$0xFFFFFFE0];
	[tilespmem:s28+$0xFFFFFF90] =	vst v11;
	v11 =	vadd.f32 v16, v14;
	v12 =	vadd.f32 v12, v15;
	v15 =	vmul.f32 v25, v20  }
0x2c9: {  	v19 =	vld [tilespmem:s28+$0x20];
	v5 =	vmax.f32 v6, $0.0e+00;
	[tilespmem:s26+$0x30] =	vst v7  }
0x2ca: {  	v17 =	vld [tilespmem:s28+$0xFFFFFFB0];
	[tilespmem:s26+$0xFFFFFFB0] =	vst v5;
	v63 =	vmax.f32 v11, $0.0e+00;
	v9 =	vadd.f32 v15, v9  }
0x2cb: {  	v18 =	vld [tilespmem:s28+$0xFFFFFFF0];
	v7 =	vmax.f32 v12, $0.0e+00;
	[tilespmem:s28+$0x50] =	vst v63  }
0x2cc: {  	s22 =	simm.s32 $0x8;
	[tilespmem:s28+$0x10] =	vst v7;
	v7 =	vld [tilespmem:s28+$0x70];
	v9 =	vmax.f32 v9, $0.0e+00  }
0x2cd: {  	s23 =	simm.s32 $0xB;
	v6 =	vmul.f32 v8, v20;
	v8 =	vmul.f32 v13, v1;
	v12 =	vmov s22;
	v13 =	vld [tilespmem:s10+$0x50C0];
	[tilespmem:s28+$0xFFFFFFD0] =	vst v9  }
0x2ce: {  	v10 =	vmul.f32 v27, v21;
	v14 =	vld [tilespmem:s10+$0x50C0];
	v15 =	vmov s23;
	v12 =	vand.u32 $0xFFFFFFFC, v12;
	s20 =	rddreg [dreg:$0x10]  }
0x2cf: {  	s29 =	simm.s32 $0xE5A0;
	s30 =	simm.s32 $0x9;
	v5 =	vmul.f32 v17, v21;
	v11 =	vld [tilespmem:s10+$0x50D0];
	v16 =	vbroadcast v12, $0x0;
	s21 =	rddreg [dreg:$0x11]  }
0x2d0: {  	s1 =	simm.s32 $0xC;
	s2 =	simm.s32 $0xA;
	v17 =	vmul.f32 v19, v2;
	v9 =	vmul.f32 v18, v20;
	v18 =	vmov s30;
	v12 =	vld [tilespmem:s10+$0x50C0];
	s22 =	rddreg [dreg:$0x12]  }
.LBB2_12:
0x2d1: {  	p0 =	slt.u32 s1, $0x7C;
	v18 =	vand.u32 $0xFFFFFFFD, v18;
	v19 =	vmov s2;
	v20 =	vld [tilespmem:s10+$0x50C0];
	v7 =	vmul.f32 v7, v1  }
0x2d2: {  	v18 =	vbroadcast v18, $0x0;
	v1 =	vand.u32 $0xFFFFFFFE, v19;
	v13 =	vadd.f32 v17, v13;
	v17 =	vld [tilespmem:s10+$0x50D0]  }
0x2d3: {  	v19 =	vbroadcast v1, $0x0;
	v1 =	vld.idx.msk [tilespmem:v15+s16+$0x0], $0xffff;
	v10 =	vadd.f32 v10, v14  }
0x2d4: {  	v13 =	vmax.f32 v13, $0.0e+00;
	v14 =	vld [tilespmem:s28+$0x30];
	v11 =	vadd.f32 v4, v11;
	v4 =	vmov v9  }
0x2d5: {  	v9 =	vld.idx.msk [tilespmem:v16+s16+$0x0], $0xffff;
	v10 =	vmax.f32 v10, $0.0e+00;
	v6 =	vadd.f32 v6, v12;
	[tilespmem:s28+$0x20] =	vst v13  }
0x2d6: {  	[tilespmem:s28+$0xFFFFFFA0] =	vst v10;
	v10 =	vld [tilespmem:s10+$0x50D0];
	v8 =	vadd.f32 v8, v20;
	v11 =	vmax.f32 v11, $0.0e+00  }
0x2d7: {  	v12 =	vld [tilespmem:s10+$0x50D0];
	v6 =	vmax.f32 v6, $0.0e+00;
	[tilespmem:s26+$0xFFFFFFF0] =	vst v11;
	v11 =	vadd.f32 v3, v17;
	v3 =	vmov v7  }
0x2d8: {  	v17 =	vld.idx.msk [tilespmem:v18+s16+$0x0], $0xffff;
	[tilespmem:s28+$0xFFFFFFE0] =	vst v6;
	v6 =	vmax.f32 v8, $0.0e+00  }
0x2d9: {  	s28 =	sadd.s32 $0x100, s28;
	v7 =	vmul.f32 v14, v2;
	v2 =	vld.idx.msk [tilespmem:v19+s16+$0x0], $0xffff;
	[tilespmem:s29+$0x60] =	vst v6;
	v6 =	vmax.f32 v11, $0.0e+00  }
0x2da: {  	v8 =	vld [tilespmem:s28+$0x0];
	[tilespmem:s26+$0x70] =	vst v6;
	s26 =	smov.u32 s29;
	s29 =	smov.u32 s28  }
0x2db: {  	v6 =	vld [tilespmem:s28+$0xFFFFFF80];
	v7 =	vadd.f32 v7, v10  }
0x2dc: {  	v10 =	vld [tilespmem:s10+$0x50A0];
	v5 =	vadd.f32 v5, v12  }
0x2dd: {  	v11 =	vld [tilespmem:s28+$0xFFFFFFC0];
	v7 =	vmax.f32 v7, $0.0e+00  }
0x2de: {  	v12 =	vld [tilespmem:s28+$0x40];
	v5 =	vmax.f32 v5, $0.0e+00;
	[tilespmem:s26+$0x30] =	vst v7  }
0x2df: {  	v7 =	vld [tilespmem:s28+$0xFFFFFF90];
	v8 =	vmul.f32 v8, v2;
	[tilespmem:s26+$0xFFFFFFB0] =	vst v5  }
0x2e0: {  	v5 =	vmul.f32 v6, v9;
	v6 =	vld [tilespmem:s28+$0xFFFFFFD0]  }
0x2e1: {  	v8 =	vadd.f32 v8, v10;
	v13 =	vld [tilespmem:s28+$0x50]  }
0x2e2: {  	v5 =	vadd.f32 v5, v10;
	v14 =	vld [tilespmem:s28+$0xFFFFFFA0];
	v11 =	vmul.f32 v11, v17  }
0x2e3: {  	v8 =	vmax.f32 v8, $0.0e+00;
	v15 =	vld [tilespmem:s28+$0x10];
	v12 =	vmul.f32 v12, v1  }
0x2e4: {  	v5 =	vmax.f32 v5, $0.0e+00;
	v7 =	vmul.f32 v7, v9;
	v11 =	vadd.f32 v11, v10;
	v16 =	vld [tilespmem:s28+$0xFFFFFFE0];
	[tilespmem:s28+$0x0] =	vst v8  }
0x2e5: {  	[tilespmem:s28+$0xFFFFFF80] =	vst v5;
	v5 =	vmul.f32 v6, v17;
	v8 =	vld [tilespmem:s10+$0x50B0];
	v6 =	vadd.f32 v12, v10  }
0x2e6: {  	v12 =	vld [tilespmem:s10+$0x50B0];
	v11 =	vmax.f32 v11, $0.0e+00;
	v18 =	vmul.f32 v13, v1  }
0x2e7: {  	v10 =	vmul.f32 v14, v9;
	[tilespmem:s28+$0xFFFFFFC0] =	vst v11;
	v6 =	vmax.f32 v6, $0.0e+00;
	v11 =	vld [tilespmem:s28+$0x60]  }
0x2e8: {  	v13 =	vld [tilespmem:s10+$0x50B0];
	v14 =	vmul.f32 v15, v2;
	[tilespmem:s28+$0x40] =	vst v6  }
0x2e9: {  	v6 =	vmul.f32 v16, v17;
	v16 =	vld [tilespmem:s10+$0x50B0]  }
0x2ea: {  	v19 =	vld [tilespmem:s28+$0xFFFFFFB0];
	v8 =	vadd.f32 v14, v8  }
0x2eb: {  	v7 =	vadd.f32 v7, v12;
	v12 =	vld [tilespmem:s28+$0xFFFFFFF0]  }
0x2ec: {  	v14 =	vmax.f32 v8, $0.0e+00;
	v20 =	vld [tilespmem:s28+$0x20];
	v8 =	vmul.f32 v11, v1  }
.Ltmp5:
0x2ed: {  	s2 =	sadd.s32 $0x3, s1;
	v11 =	vmax.f32 v7, $0.0e+00;
	v21 =	vadd.f32 v5, v13;
	[tilespmem:s28+$0x10] =	vst v14;
	v7 =	vld [tilespmem:s28+$0x70];
	(pc) =	sbr.rel @p0 .LBB2_12-.Ltmp5, $4  }
0x2ee: {  	v15 =	vmov s2;
	v5 =	vmov s1;
	[tilespmem:s28+$0xFFFFFF90] =	vst v11;
	v13 =	vld [tilespmem:s10+$0x50C0];
	v11 =	vadd.f32 v18, v16  }
0x2ef: {  	v16 =	vand.u32 $0xFFFFFFFC, v5;
	v14 =	vld [tilespmem:s10+$0x50C0];
	v5 =	vmul.f32 v19, v9;
	v9 =	vmax.f32 v21, $0.0e+00  }
0x2f0: {  	s2 =	sadd.s32 $0x1, s1;
	v16 =	vbroadcast v16, $0x0;
	[tilespmem:s28+$0xFFFFFFD0] =	vst v9;
	v9 =	vmul.f32 v12, v17;
	v19 =	vmax.f32 v11, $0.0e+00;
	v11 =	vld [tilespmem:s10+$0x50D0]  }
0x2f1: {  	v18 =	vmov s2;
	s2 =	sadd.s32 $0x2, s1;
	s1 =	sadd.s32 $0x4, s1;
	v12 =	vld [tilespmem:s10+$0x50C0];
	v17 =	vmul.f32 v20, v2;
	[tilespmem:s28+$0x50] =	vst v19  }
0x2f2: {  	_ =	sdelay $0x1  }
0x2f3: {  	v19 =	vmov s2  }
0x2f4: {  	v20 =	vld [tilespmem:s10+$0x50C0];
	v19 =	vand.u32 $0xFFFFFFFE, v19  }
0x2f5: {  	v15 =	vld.idx.msk [tilespmem:v15+s16+$0x0], $0xffff;
	v19 =	vbroadcast v19, $0x0  }
0x2f6: {  	v18 =	vand.u32 $0xFFFFFFFD, v18;
	v21 =	vld [tilespmem:s28+$0x30]  }
0x2f7: {  	v16 =	vld.idx.msk [tilespmem:v16+s16+$0x0], $0xffff;
	s1 =	sadd.s32 $0x100, s28;
	v18 =	vbroadcast v18, $0x0  }
0x2f8: {  	v22 =	vld [tilespmem:s1+$0x0]  }
0x2f9: {  	v23 =	vld [tilespmem:s1+$0xFFFFFF80]  }
0x2fa: {  	v13 =	vadd.f32 v17, v13;
	v17 =	vld [tilespmem:s10+$0x50A0]  }
0x2fb: {  	v19 =	vld.idx.msk [tilespmem:v19+s16+$0x0], $0xffff  }
0x2fc: {  	v10 =	vadd.f32 v10, v14;
	v14 =	vld [tilespmem:s1+$0xFFFFFFC0]  }
0x2fd: {  	v18 =	vld.idx.msk [tilespmem:v18+s16+$0x0], $0xffff  }
0x2fe: {  	v24 =	vld [tilespmem:s1+$0x40]  }
0x2ff: {  	v25 =	vld [tilespmem:s10+$0x50D0];
	v13 =	vmax.f32 v13, $0.0e+00  }
0x300: {  	v26 =	vld [tilespmem:s1+$0xFFFFFF90];
	[tilespmem:s28+$0x20] =	vst v13;
	v13 =	vmul.f32 v22, v19  }
0x301: {  	v27 =	vld [tilespmem:s1+$0xFFFFFFD0];
	v23 =	vmul.f32 v23, v16  }
0x302: {  	v28 =	vld [tilespmem:s1+$0x10];
	v14 =	vmul.f32 v14, v18;
	v13 =	vadd.f32 v13, v17  }
0x303: {  	v29 =	vld [tilespmem:s1+$0x50];
	v24 =	vmul.f32 v24, v15;
	v23 =	vadd.f32 v23, v17  }
0x304: {  	v49 =	vld [tilespmem:s1+$0xFFFFFFA0];
	v14 =	vadd.f32 v14, v17;
	v13 =	vmax.f32 v13, $0.0e+00  }
0x305: {  	v50 =	vld [tilespmem:s1+$0x60];
	v23 =	vmax.f32 v23, $0.0e+00;
	[tilespmem:s1+$0x0] =	vst v13;
	v13 =	vadd.f32 v24, v17  }
0x306: {  	[tilespmem:s1+$0xFFFFFF80] =	vst v23;
	v14 =	vmax.f32 v14, $0.0e+00;
	v17 =	vld [tilespmem:s10+$0x50B0]  }
0x307: {  	v23 =	vld [tilespmem:s10+$0x50B0];
	[tilespmem:s1+$0xFFFFFFC0] =	vst v14;
	v13 =	vmax.f32 v13, $0.0e+00  }
0x308: {  	v14 =	vld [tilespmem:s10+$0x50B0];
	[tilespmem:s1+$0x40] =	vst v13  }
0x309: {  	v13 =	vmul.f32 v28, v19;
	v48 =	vld [tilespmem:s10+$0x50B0]  }
0x30a: {  	v51 =	vld [tilespmem:s1+$0x20];
	v26 =	vmul.f32 v26, v16  }
0x30b: {  	v52 =	vld [tilespmem:s1+$0xFFFFFFB0];
	v27 =	vmul.f32 v27, v18;
	v13 =	vadd.f32 v13, v17  }
0x30c: {  	v54 =	vld [tilespmem:s1+$0xFFFFFFF0];
	v10 =	vmax.f32 v10, $0.0e+00;
	v29 =	vmul.f32 v29, v15;
	v23 =	vadd.f32 v26, v23  }
0x30d: {  	[tilespmem:s28+$0xFFFFFFA0] =	vst v10;
	v10 =	vld [tilespmem:s10+$0x50D0];
	v14 =	vadd.f32 v27, v14;
	v13 =	vmax.f32 v13, $0.0e+00  }
0x30e: {  	v23 =	vmax.f32 v23, $0.0e+00;
	v17 =	vld [tilespmem:s1+$0xFFFFFFE0];
	[tilespmem:s1+$0x10] =	vst v13;
	v13 =	vadd.f32 v29, v48  }
0x30f: {  	[tilespmem:s1+$0xFFFFFF90] =	vst v23;
	v14 =	vmax.f32 v14, $0.0e+00;
	v53 =	vld [tilespmem:s10+$0x50C0]  }
0x310: {  	v6 =	vadd.f32 v6, v12;
	[tilespmem:s1+$0xFFFFFFD0] =	vst v14;
	v14 =	vld [tilespmem:s10+$0x50C0];
	v13 =	vmax.f32 v13, $0.0e+00  }
0x311: {  	v12 =	vld [tilespmem:s10+$0x50C0];
	[tilespmem:s1+$0x50] =	vst v13  }
0x312: {  	v4 =	vadd.f32 v4, v11;
	v6 =	vmax.f32 v6, $0.0e+00;
	v11 =	vmul.f32 v51, v19;
	v13 =	vld [tilespmem:s10+$0x50C0]  }
0x313: {  	v8 =	vadd.f32 v8, v20;
	v47 =	vld [tilespmem:s10+$0x50D0];
	v20 =	vmul.f32 v49, v16;
	[tilespmem:s28+$0xFFFFFFE0] =	vst v6  }
0x314: {  	v4 =	vmax.f32 v4, $0.0e+00;
	v55 =	vld [tilespmem:s10+$0x50D0];
	v6 =	vmul.f32 v17, v18;
	v11 =	vadd.f32 v11, v53  }
0x315: {  	[tilespmem:s26+$0xFFFFFFF0] =	vst v4;
	v4 =	vmax.f32 v8, $0.0e+00;
	v8 =	vmul.f32 v50, v15;
	v17 =	vld [tilespmem:s1+$0x70];
	v14 =	vadd.f32 v20, v14  }
0x316: {  	[tilespmem:s29+$0x60] =	vst v4;
	v6 =	vadd.f32 v6, v12;
	v4 =	vmax.f32 v11, $0.0e+00;
	v11 =	vld [tilespmem:s1+$0x30]  }
0x317: {  	v2 =	vmul.f32 v21, v2;
	v12 =	vld [tilespmem:s10+$0x50D0];
	v14 =	vmax.f32 v14, $0.0e+00;
	[tilespmem:s1+$0x20] =	vst v4;
	v4 =	vadd.f32 v8, v13  }
0x318: {  	v3 =	vadd.f32 v3, v25;
	[tilespmem:s1+$0xFFFFFFA0] =	vst v14;
	v6 =	vmax.f32 v6, $0.0e+00;
	v8 =	vld [tilespmem:s10+$0x50D0]  }
0x319: {  	v2 =	vadd.f32 v2, v10;
	v10 =	vld [tilespmem:s10+$0x50D0];
	[tilespmem:s1+$0xFFFFFFE0] =	vst v6;
	v4 =	vmax.f32 v4, $0.0e+00  }
0x31a: {  	v1 =	vmul.f32 v7, v1;
	v3 =	vmax.f32 v3, $0.0e+00;
	v5 =	vadd.f32 v5, v47;
	[tilespmem:s1+$0x60] =	vst v4;
	v4 =	vld [tilespmem:s10+$0x50D0]  }
0x31b: {  	[tilespmem:s26+$0x70] =	vst v3;
	v2 =	vmax.f32 v2, $0.0e+00;
	v3 =	vadd.f32 v9, v55;
	v6 =	vmul.f32 v11, v19;
	v7 =	vld [tilespmem:s10+$0x50D0]  }
0x31c: {  	v5 =	vmax.f32 v5, $0.0e+00;
	[tilespmem:s29+$0x30] =	vst v2;
	v2 =	vmul.f32 v52, v16;
	v1 =	vadd.f32 v1, v12  }
0x31d: {  	[tilespmem:s29+$0xFFFFFFB0] =	vst v5;
	v5 =	vmul.f32 v54, v18;
	v3 =	vmax.f32 v3, $0.0e+00;
	v6 =	vadd.f32 v6, v8  }
0x31e: {  	[tilespmem:s29+$0xFFFFFFF0] =	vst v3;
	v1 =	vmax.f32 v1, $0.0e+00;
	v2 =	vadd.f32 v2, v10;
	v8 =	vmul.f32 v17, v15  }
0x31f: {  	[tilespmem:s29+$0x70] =	vst v1;
	v1 =	vmax.f32 v6, $0.0e+00;
	v3 =	vadd.f32 v5, v4  }
0x320: {  	v2 =	vmax.f32 v2, $0.0e+00;
	[tilespmem:s1+$0x30] =	vst v1;
	v1 =	vadd.f32 v8, v7  }
0x321: {  	[tilespmem:s1+$0xFFFFFFB0] =	vst v2;
	v2 =	vmax.f32 v3, $0.0e+00  }
0x322: {  	[tilespmem:s1+$0xFFFFFFF0] =	vst v2;
	v1 =	vmax.f32 v1, $0.0e+00  }
0x323: {  	[tilespmem:s1+$0x70] =	vst v1  }
0x324: {  	s15 =	simm.s32 $0x40;
	s2 =	simm.s32 $0x80;
	s1 =	rddreg [dreg:$0xa]  }
0x325: {  	[hbm4b:s1+s15] =	stream.strided.scatter [tilespmem:s3], [sflag:$0x4], $0x2000, s12, s15, $0x38;
	[tilespmem:$0x1C6B0] =	vst v63  }
0x326: {  	s11 =	simm.s32 $0x82;
	v1 =	vmov s2;
	_ =	swait.ge [sflag:s0], $0x2000  }
0x327: {  	s14 =	simm.s32 $0x83;
	v2 =	vmov s11;
	v1 =	vand.u32 $0xFFFFFFFC, v1;
	[sflag:s0] =	ssyncset.done $0x0  }
0x328: {  	v3 =	vmov s14;
	v2 =	vand.u32 $0xFFFFFFFE, v2;
	v1 =	vbroadcast v1, $0x0;
	[sflag:s0] =	ssyncadd.s32 $0xFFFFE000  }
0x329: {  	v2 =	vbroadcast v2, $0x0;
	[tilespmem:s3], [sflag:$0x4] =	stream.linear.gather [spmem:s20], $0x2000, $0x38;
	[tilespmem:$0x1C6B0] =	vst v63  }
0x32a: {  	s18 =	simm.s32 $0x81;
	_ =	swait.ge [sflag:s0], $0x2000  }
0x32b: {  	v4 =	vmov s18;
	[sflag:s0] =	ssyncset.done $0x0  }
0x32c: {  	v4 =	vand.u32 $0xFFFFFFFD, v4;
	[sflag:s0] =	ssyncadd.s32 $0xFFFFE000  }
0x32d: {  	v4 =	vbroadcast v4, $0x0;
	v5 =	vld.idx.msk [tilespmem:v3+s16+$0x0], $0xffff  }
0x32e: {  	v3 =	vld.idx.msk [tilespmem:v1+s16+$0x0], $0xffff  }
0x32f: {  	s26 =	simm.s32 $0xE4A0;
	v7 =	vld.idx.msk [tilespmem:v2+s16+$0x0], $0xffff  }
0x330: {  	v1 =	vld [tilespmem:s26+$0x0]  }
0x331: {  	v2 =	vld [tilespmem:s26+$0xFFFFFF80]  }
0x332: {  	v6 =	vld [tilespmem:s10+$0x50A0]  }
0x333: {  	v8 =	vld.idx.msk [tilespmem:v4+s16+$0x0], $0xffff  }
0x334: {  	v4 =	vld [tilespmem:s26+$0xFFFFFFC0]  }
0x335: {  	v9 =	vld [tilespmem:s26+$0x40]  }
0x336: {  	v1 =	vmul.f32 v1, v7  }
0x337: {  	v10 =	vld [tilespmem:s26+$0xFFFFFF90];
	v2 =	vmul.f32 v2, v3  }
0x338: {  	v11 =	vld [tilespmem:s26+$0xFFFFFFD0];
	v1 =	vadd.f32 v1, v6  }
0x339: {  	v12 =	vld [tilespmem:s26+$0x50];
	v4 =	vmul.f32 v4, v8;
	v2 =	vadd.f32 v2, v6  }
0x33a: {  	v13 =	vld [tilespmem:s26+$0x10];
	v9 =	vmul.f32 v9, v5;
	v1 =	vmax.f32 v1, $0.0e+00  }
0x33b: {  	v14 =	vld [tilespmem:s26+$0xFFFFFFA0];
	v2 =	vmax.f32 v2, $0.0e+00;
	[tilespmem:s26+$0x0] =	vst v1;
	v1 =	vadd.f32 v4, v6  }
0x33c: {  	[tilespmem:s26+$0xFFFFFF80] =	vst v2;
	v4 =	vadd.f32 v9, v6;
	v2 =	vld [tilespmem:s10+$0x50B0]  }
0x33d: {  	v6 =	vld [tilespmem:s10+$0x50B0];
	v1 =	vmax.f32 v1, $0.0e+00  }
0x33e: {  	v15 =	vld [tilespmem:s26+$0x60];
	[tilespmem:s26+$0xFFFFFFC0] =	vst v1;
	v1 =	vmax.f32 v4, $0.0e+00  }
0x33f: {  	v4 =	vmul.f32 v13, v7;
	v13 =	vld [tilespmem:s10+$0x50B0];
	[tilespmem:s26+$0x40] =	vst v1  }
0x340: {  	v10 =	vmul.f32 v10, v3;
	v1 =	vld [tilespmem:s10+$0x50B0]  }
0x341: {  	v16 =	vld [tilespmem:s26+$0xFFFFFFF0];
	v2 =	vadd.f32 v4, v2  }
0x342: {  	v17 =	vld [tilespmem:s26+$0x70];
	v4 =	vadd.f32 v10, v6;
	v6 =	vmul.f32 v11, v8  }
0x343: {  	v10 =	vld [tilespmem:s26+$0x20];
	v11 =	vmul.f32 v12, v5;
	v2 =	vmax.f32 v2, $0.0e+00  }
0x344: {  	s23 =	simm.s32 $0x84;
	v56 =	vld [tilespmem:s10+$0x50A0];
	v4 =	vmax.f32 v4, $0.0e+00;
	[tilespmem:s26+$0x10] =	vst v2;
	v2 =	vadd.f32 v6, v13  }
0x345: {  	s1 =	simm.s32 $0xE5A0;
	v6 =	vmov s23;
	[tilespmem:s26+$0xFFFFFF90] =	vst v4;
	v4 =	vld [tilespmem:s10+$0x50C0];
	v1 =	vadd.f32 v11, v1  }
0x346: {  	s29 =	simm.s32 $0x85;
	v57 =	vld [tilespmem:s1+$0xFFFFFFC0];
	v6 =	vand.u32 $0xFFFFFFFC, v6;
	v2 =	vmax.f32 v2, $0.0e+00  }
0x347: {  	s30 =	simm.s32 $0x86;
	v11 =	vld [tilespmem:s10+$0x50C0];
	v6 =	vbroadcast v6, $0x0;
	[tilespmem:s26+$0xFFFFFFD0] =	vst v2;
	v1 =	vmax.f32 v1, $0.0e+00;
	v2 =	vmov s29  }
0x348: {  	v58 =	vld [tilespmem:s1+$0x40];
	v10 =	vmul.f32 v10, v7;
	[tilespmem:s26+$0x50] =	vst v1;
	v1 =	vand.u32 $0xFFFFFFFD, v2;
	v2 =	vmov s30  }
0x349: {  	v59 =	vld [tilespmem:s1+$0xFFFFFF90];
	v20 =	vbroadcast v1, $0x0;
	v1 =	vand.u32 $0xFFFFFFFE, v2  }
0x34a: {  	v60 =	vld [tilespmem:s1+$0xFFFFFFD0];
	v14 =	vmul.f32 v14, v3;
	v2 =	vadd.f32 v10, v4;
	v10 =	vbroadcast v1, $0x0  }
0x34b: {  	v61 =	vld [tilespmem:s1+$0x50]  }
0x34c: {  	v62 =	vld [tilespmem:s1+$0xFFFFFFA0];
	v11 =	vadd.f32 v14, v11  }
0x34d: {  	v9 =	vld [tilespmem:s26+$0xFFFFFFE0]  }
0x34e: {  	v4 =	vld.idx.msk [tilespmem:v6+s16+$0x0], $0xffff;
	v6 =	vmax.f32 v11, $0.0e+00  }
0x34f: {  	s28 =	simm.s32 $0x87;
	v2 =	vmax.f32 v2, $0.0e+00;
	[tilespmem:s26+$0xFFFFFFA0] =	vst v6;
	v6 =	vld.idx.msk [tilespmem:v20+s16+$0x0], $0xffff  }
0x350: {  	v13 =	vmov s28;
	[tilespmem:s26+$0x20] =	vst v2;
	v2 =	vld.idx.msk [tilespmem:v10+s16+$0x0], $0xffff  }
0x351: {  	v10 =	vld [tilespmem:s1+$0x0]  }
0x352: {  	v20 =	vld [tilespmem:s1+$0xFFFFFF80]  }
0x353: {  	v12 =	vld [tilespmem:s26+$0xFFFFFFB0]  }
0x354: {  	v18 =	vld [tilespmem:s10+$0x50C0]  }
0x355: {  	v1 =	vld.idx.msk [tilespmem:v13+s16+$0x0], $0xffff  }
0x356: {  	v13 =	vld [tilespmem:s26+$0x30];
	v10 =	vmul.f32 v10, v2  }
0x357: {  	v19 =	vld [tilespmem:s10+$0x50C0];
	v20 =	vmul.f32 v20, v4  }
0x358: {  	v15 =	vmul.f32 v15, v5;
	v9 =	vmul.f32 v9, v8;
	v11 =	vld [tilespmem:s10+$0x50D0];
	v10 =	vadd.f32 v10, v56  }
0x359: {  	v12 =	vmul.f32 v12, v3;
	v14 =	vld [tilespmem:s10+$0x50D0];
	v22 =	vmul.f32 v57, v6;
	v20 =	vadd.f32 v20, v56  }
0x35a: {  	v9 =	vadd.f32 v9, v18;
	v23 =	vmul.f32 v58, v1;
	v3 =	vmax.f32 v10, $0.0e+00;
	v10 =	vld [tilespmem:s1+$0x10]  }
0x35b: {  	v63 =	vld [tilespmem:s1+$0xFFFFFFE0];
	v7 =	vmul.f32 v13, v7;
	v22 =	vadd.f32 v22, v56;
	v20 =	vmax.f32 v20, $0.0e+00;
	[tilespmem:s1+$0x0] =	vst v3  }
0x35c: {  	v9 =	vmax.f32 v9, $0.0e+00;
	[tilespmem:s1+$0xFFFFFF80] =	vst v20;
	v3 =	vmul.f32 v16, v8;
	v8 =	vadd.f32 v23, v56;
	v20 =	vld [tilespmem:s10+$0x50B0]  }
0x35d: {  	v13 =	vadd.f32 v15, v19;
	[tilespmem:s26+$0xFFFFFFE0] =	vst v9;
	v15 =	vmax.f32 v22, $0.0e+00;
	v18 =	vld [tilespmem:s10+$0x50B0]  }
0x35e: {  	v19 =	vld [tilespmem:s1+$0x60];
	v7 =	vadd.f32 v7, v11;
	[tilespmem:s1+$0xFFFFFFC0] =	vst v15;
	v8 =	vmax.f32 v8, $0.0e+00  }
0x35f: {  	v11 =	vmax.f32 v13, $0.0e+00;
	v9 =	vadd.f32 v12, v14;
	v16 =	vld [tilespmem:s10+$0x50B0];
	[tilespmem:s1+$0x40] =	vst v8;
	v8 =	vmul.f32 v10, v2  }
0x360: {  	v5 =	vmul.f32 v17, v5;
	v14 =	vmul.f32 v59, v4;
	[tilespmem:s26+$0x60] =	vst v11;
	v7 =	vmax.f32 v7, $0.0e+00;
	v15 =	vld [tilespmem:s10+$0x50B0]  }
0x361: {  	v12 =	vmul.f32 v61, v1;
	v9 =	vmax.f32 v9, $0.0e+00;
	[tilespmem:s26+$0x30] =	vst v7;
	v10 =	vld [tilespmem:s1+$0xFFFFFFB0];
	v20 =	vadd.f32 v8, v20  }
0x362: {  	v13 =	vmul.f32 v60, v6;
	v11 =	vld [tilespmem:s1+$0xFFFFFFF0];
	v7 =	vmul.f32 v63, v6;
	[tilespmem:s26+$0xFFFFFFB0] =	vst v9;
	v17 =	vadd.f32 v14, v18  }
0x363: {  	s11 =	simm.s32 $0x4;
	s2 =	simm.s32 $0xE5A0;
	v9 =	vmul.f32 v19, v1;
	s23 =	rddreg [dreg:$0x13];
	v14 =	vld [tilespmem:s1+$0x20];
	v8 =	vmul.f32 v62, v4;
	v18 =	vmax.f32 v20, $0.0e+00  }
.LBB2_14:
0x364: {  	s14 =	sadd.s32 $0x84, s11;
	s18 =	sadd.s32 $0x87, s11;
	v17 =	vmax.f32 v17, $0.0e+00;
	v13 =	vadd.f32 v13, v16;
	[tilespmem:s1+$0x10] =	vst v18;
	v16 =	vld [tilespmem:s1+$0x70]  }
0x365: {  	v18 =	vmov s14;
	v19 =	vmov s18;
	[tilespmem:s1+$0xFFFFFF90] =	vst v17;
	v17 =	vld [tilespmem:s10+$0x50C0];
	v12 =	vadd.f32 v12, v15  }
0x366: {  	v15 =	vand.u32 $0xFFFFFFFC, v18;
	v18 =	vld [tilespmem:s10+$0x50C0];
	v10 =	vmul.f32 v10, v4;
	v4 =	vmax.f32 v13, $0.0e+00  }
0x367: {  	s14 =	sadd.s32 $0x85, s11;
	v13 =	vbroadcast v15, $0x0;
	[tilespmem:s1+$0xFFFFFFD0] =	vst v4;
	v4 =	vmul.f32 v11, v6;
	v6 =	vmax.f32 v12, $0.0e+00;
	v11 =	vld [tilespmem:s10+$0x50D0]  }
0x368: {  	v12 =	vmov s14;
	s14 =	sadd.s32 $0x86, s11;
	s11 =	sadd.s32 $0x4, s11;
	v15 =	vld [tilespmem:s10+$0x50C0];
	v14 =	vmul.f32 v14, v2;
	[tilespmem:s1+$0x50] =	vst v6  }
0x369: {  	v6 =	vand.u32 $0xFFFFFFFD, v12;
	v12 =	vmov s14;
	p0 =	slt.u32 s11, $0x7C;
	v20 =	vld [tilespmem:s10+$0x50C0];
	v16 =	vmul.f32 v16, v1  }
0x36a: {  	v6 =	vbroadcast v6, $0x0;
	v1 =	vand.u32 $0xFFFFFFFE, v12;
	v12 =	vadd.f32 v14, v17;
	v14 =	vld [tilespmem:s10+$0x50D0]  }
0x36b: {  	v17 =	vbroadcast v1, $0x0;
	v1 =	vld.idx.msk [tilespmem:v19+s16+$0x0], $0xffff;
	v8 =	vadd.f32 v8, v18  }
0x36c: {  	v12 =	vmax.f32 v12, $0.0e+00;
	v18 =	vld [tilespmem:s1+$0x30];
	v11 =	vadd.f32 v3, v11;
	v3 =	vmov v4  }
0x36d: {  	v4 =	vld.idx.msk [tilespmem:v13+s16+$0x0], $0xffff;
	v8 =	vmax.f32 v8, $0.0e+00;
	v7 =	vadd.f32 v7, v15;
	[tilespmem:s1+$0x20] =	vst v12  }
0x36e: {  	[tilespmem:s1+$0xFFFFFFA0] =	vst v8;
	v8 =	vld [tilespmem:s10+$0x50D0];
	v9 =	vadd.f32 v9, v20;
	v11 =	vmax.f32 v11, $0.0e+00  }
0x36f: {  	v12 =	vld [tilespmem:s10+$0x50D0];
	v7 =	vmax.f32 v7, $0.0e+00;
	[tilespmem:s26+$0xFFFFFFF0] =	vst v11;
	v11 =	vadd.f32 v5, v14;
	v5 =	vmov v16  }
0x370: {  	v6 =	vld.idx.msk [tilespmem:v6+s16+$0x0], $0xffff;
	[tilespmem:s1+$0xFFFFFFE0] =	vst v7;
	v7 =	vmax.f32 v9, $0.0e+00  }
0x371: {  	s1 =	sadd.s32 $0x100, s1;
	v9 =	vmul.f32 v18, v2;
	v2 =	vld.idx.msk [tilespmem:v17+s16+$0x0], $0xffff;
	[tilespmem:s2+$0x60] =	vst v7;
	v7 =	vmax.f32 v11, $0.0e+00  }
0x372: {  	v11 =	vld [tilespmem:s1+$0x0];
	[tilespmem:s26+$0x70] =	vst v7;
	s26 =	smov.u32 s2;
	s2 =	smov.u32 s1  }
0x373: {  	v7 =	vld [tilespmem:s1+$0xFFFFFF80];
	v8 =	vadd.f32 v9, v8  }
0x374: {  	v9 =	vld [tilespmem:s10+$0x50A0];
	v10 =	vadd.f32 v10, v12  }
0x375: {  	v12 =	vld [tilespmem:s1+$0xFFFFFFC0];
	v8 =	vmax.f32 v8, $0.0e+00  }
0x376: {  	v13 =	vld [tilespmem:s1+$0x40];
	v10 =	vmax.f32 v10, $0.0e+00;
	[tilespmem:s26+$0x30] =	vst v8  }
0x377: {  	v8 =	vld [tilespmem:s1+$0xFFFFFF90];
	v11 =	vmul.f32 v11, v2;
	[tilespmem:s26+$0xFFFFFFB0] =	vst v10  }
0x378: {  	v7 =	vmul.f32 v7, v4;
	v10 =	vld [tilespmem:s1+$0xFFFFFFD0]  }
0x379: {  	v11 =	vadd.f32 v11, v9;
	v14 =	vld [tilespmem:s1+$0x50]  }
0x37a: {  	v7 =	vadd.f32 v7, v9;
	v15 =	vld [tilespmem:s1+$0xFFFFFFA0];
	v12 =	vmul.f32 v12, v6  }
0x37b: {  	v11 =	vmax.f32 v11, $0.0e+00;
	v17 =	vld [tilespmem:s1+$0x10];
	v16 =	vmul.f32 v13, v1  }
0x37c: {  	v7 =	vmax.f32 v7, $0.0e+00;
	v18 =	vmul.f32 v8, v4;
	v8 =	vadd.f32 v12, v9;
	v19 =	vld [tilespmem:s1+$0xFFFFFFE0];
	[tilespmem:s1+$0x0] =	vst v11  }
0x37d: {  	[tilespmem:s1+$0xFFFFFF80] =	vst v7;
	v13 =	vmul.f32 v10, v6;
	v11 =	vld [tilespmem:s10+$0x50B0];
	v7 =	vadd.f32 v16, v9  }
0x37e: {  	v9 =	vld [tilespmem:s10+$0x50B0];
	v10 =	vmax.f32 v8, $0.0e+00;
	v12 =	vmul.f32 v14, v1  }
0x37f: {  	v8 =	vmul.f32 v15, v4;
	[tilespmem:s1+$0xFFFFFFC0] =	vst v10;
	v7 =	vmax.f32 v7, $0.0e+00;
	v20 =	vld [tilespmem:s1+$0x60]  }
.Ltmp6:
0x380: {  	v16 =	vld [tilespmem:s10+$0x50B0];
	v14 =	vmul.f32 v17, v2;
	[tilespmem:s1+$0x40] =	vst v7;
	(pc) =	sbr.rel @p0 .LBB2_14-.Ltmp6, $4  }
0x381: {  	v7 =	vmul.f32 v19, v6;
	v15 =	vld [tilespmem:s10+$0x50B0]  }
0x382: {  	v10 =	vld [tilespmem:s1+$0xFFFFFFB0];
	v14 =	vadd.f32 v14, v11  }
0x383: {  	v17 =	vadd.f32 v18, v9;
	v11 =	vld [tilespmem:s1+$0xFFFFFFF0]  }
0x384: {  	v18 =	vmax.f32 v14, $0.0e+00;
	v14 =	vld [tilespmem:s1+$0x20];
	v9 =	vmul.f32 v20, v1  }
0x385: {  	v13 =	vadd.f32 v13, v16  }
0x386: {  	v16 =	vmax.f32 v17, $0.0e+00;
	[tilespmem:s1+$0x10] =	vst v18;
	v12 =	vadd.f32 v12, v15  }
0x387: {  	[tilespmem:s1+$0xFFFFFF90] =	vst v16;
	v15 =	vld [tilespmem:s10+$0x50C0];
	v13 =	vmax.f32 v13, $0.0e+00  }
0x388: {  	v16 =	vld [tilespmem:s10+$0x50C0];
	[tilespmem:s1+$0xFFFFFFD0] =	vst v13;
	v12 =	vmax.f32 v12, $0.0e+00  }
0x389: {  	v13 =	vld [tilespmem:s10+$0x50C0];
	[tilespmem:s1+$0x50] =	vst v12  }
0x38a: {  	v12 =	vmul.f32 v14, v2;
	v14 =	vld [tilespmem:s10+$0x50C0];
	_ =	sdelay $0x1  }
0x38b: {  	v17 =	vld [tilespmem:s1+$0x70];
	v12 =	vadd.f32 v12, v15  }
0x38c: {  	v15 =	vld [tilespmem:s10+$0x50D0];
	v8 =	vadd.f32 v8, v16  }
0x38d: {  	v16 =	vld [tilespmem:s1+$0x30];
	v12 =	vmax.f32 v12, $0.0e+00;
	v7 =	vadd.f32 v7, v13  }
0x38e: {  	v13 =	vld [tilespmem:s10+$0x50D0];
	v8 =	vmax.f32 v8, $0.0e+00;
	[tilespmem:s1+$0x20] =	vst v12;
	v9 =	vadd.f32 v9, v14  }
0x38f: {  	[tilespmem:s1+$0xFFFFFFA0] =	vst v8;
	v8 =	vld [tilespmem:s10+$0x50D0];
	v7 =	vmax.f32 v7, $0.0e+00  }
0x390: {  	v12 =	vld [tilespmem:s10+$0x50D0];
	[tilespmem:s1+$0xFFFFFFE0] =	vst v7;
	v7 =	vmax.f32 v9, $0.0e+00  }
0x391: {  	[tilespmem:s2+$0x60] =	vst v7;
	v7 =	vld [tilespmem:s10+$0x50D0]  }
0x392: {  	v3 =	vadd.f32 v3, v15;
	v2 =	vmul.f32 v16, v2;
	v9 =	vld [tilespmem:s10+$0x50D0]  }
0x393: {  	v4 =	vmul.f32 v10, v4;
	v5 =	vadd.f32 v5, v13  }
0x394: {  	v6 =	vmul.f32 v11, v6;
	v3 =	vmax.f32 v3, $0.0e+00;
	v2 =	vadd.f32 v2, v8  }
0x395: {  	v1 =	vmul.f32 v17, v1;
	[tilespmem:s26+$0xFFFFFFF0] =	vst v3;
	v3 =	vmax.f32 v5, $0.0e+00;
	v4 =	vadd.f32 v4, v12  }
0x396: {  	[tilespmem:s26+$0x70] =	vst v3;
	v2 =	vmax.f32 v2, $0.0e+00;
	v3 =	vadd.f32 v6, v7  }
0x397: {  	v4 =	vmax.f32 v4, $0.0e+00;
	[tilespmem:s2+$0x30] =	vst v2;
	v1 =	vadd.f32 v1, v9  }
0x398: {  	[tilespmem:s2+$0xFFFFFFB0] =	vst v4;
	v2 =	vmax.f32 v3, $0.0e+00  }
0x399: {  	[tilespmem:s2+$0xFFFFFFF0] =	vst v2;
	v1 =	vmax.f32 v1, $0.0e+00  }
0x39a: {  	[tilespmem:s2+$0x70] =	vst v1  }
0x39b: {  	s30 =	simm.s32 $0x100;
	s1 =	rddreg [dreg:$0xb]  }
0x39c: {  	[hbm4b:s1+s15] =	stream.strided.scatter [tilespmem:s3], [sflag:$0x4], $0x2000, s12, s15, $0x38;
	[tilespmem:$0x1C6B0] =	vst v63  }
0x39d: {  	v1 =	vmov s30;
	s2 =	simm.s32 $0x102;
	_ =	swait.ge [sflag:s0], $0x2000  }
0x39e: {  	s11 =	simm.s32 $0x103;
	v1 =	vand.u32 $0xFFFFFFFC, v1;
	v2 =	vmov s2;
	[sflag:s0] =	ssyncset.done $0x0  }
0x39f: {  	v3 =	vmov s11;
	v1 =	vbroadcast v1, $0x0;
	v2 =	vand.u32 $0xFFFFFFFE, v2;
	[sflag:s0] =	ssyncadd.s32 $0xFFFFE000  }
0x3a0: {  	v2 =	vbroadcast v2, $0x0;
	[tilespmem:s3], [sflag:$0x4] =	stream.linear.gather [spmem:s21], $0x2000, $0x38;
	[tilespmem:$0x1C6B0] =	vst v63  }
0x3a1: {  	s14 =	simm.s32 $0x101;
	_ =	swait.ge [sflag:s0], $0x2000  }
0x3a2: {  	v4 =	vmov s14;
	[sflag:s0] =	ssyncset.done $0x0  }
0x3a3: {  	v4 =	vand.u32 $0xFFFFFFFD, v4;
	[sflag:s0] =	ssyncadd.s32 $0xFFFFE000  }
0x3a4: {  	v4 =	vbroadcast v4, $0x0;
	v5 =	vld.idx.msk [tilespmem:v3+s16+$0x0], $0xffff  }
0x3a5: {  	v3 =	vld.idx.msk [tilespmem:v1+s16+$0x0], $0xffff  }
0x3a6: {  	s26 =	simm.s32 $0xE4A0;
	v7 =	vld.idx.msk [tilespmem:v2+s16+$0x0], $0xffff  }
0x3a7: {  	v1 =	vld [tilespmem:s26+$0x0]  }
0x3a8: {  	v2 =	vld [tilespmem:s26+$0xFFFFFF80]  }
0x3a9: {  	v6 =	vld [tilespmem:s10+$0x50A0]  }
0x3aa: {  	v8 =	vld.idx.msk [tilespmem:v4+s16+$0x0], $0xffff  }
0x3ab: {  	v4 =	vld [tilespmem:s26+$0xFFFFFFC0]  }
0x3ac: {  	v9 =	vld [tilespmem:s26+$0x40]  }
0x3ad: {  	v1 =	vmul.f32 v1, v7  }
0x3ae: {  	v10 =	vld [tilespmem:s26+$0xFFFFFF90];
	v2 =	vmul.f32 v2, v3  }
0x3af: {  	v11 =	vld [tilespmem:s26+$0xFFFFFFD0];
	v1 =	vadd.f32 v1, v6  }
0x3b0: {  	v12 =	vld [tilespmem:s26+$0x50];
	v4 =	vmul.f32 v4, v8;
	v2 =	vadd.f32 v2, v6  }
0x3b1: {  	v13 =	vld [tilespmem:s26+$0x10];
	v9 =	vmul.f32 v9, v5;
	v1 =	vmax.f32 v1, $0.0e+00  }
0x3b2: {  	v14 =	vld [tilespmem:s26+$0xFFFFFFA0];
	v2 =	vmax.f32 v2, $0.0e+00;
	[tilespmem:s26+$0x0] =	vst v1;
	v1 =	vadd.f32 v4, v6  }
0x3b3: {  	[tilespmem:s26+$0xFFFFFF80] =	vst v2;
	v4 =	vadd.f32 v9, v6;
	v2 =	vld [tilespmem:s10+$0x50B0]  }
0x3b4: {  	v6 =	vld [tilespmem:s10+$0x50B0];
	v1 =	vmax.f32 v1, $0.0e+00  }
0x3b5: {  	v15 =	vld [tilespmem:s26+$0x60];
	[tilespmem:s26+$0xFFFFFFC0] =	vst v1;
	v1 =	vmax.f32 v4, $0.0e+00  }
0x3b6: {  	v4 =	vmul.f32 v13, v7;
	v13 =	vld [tilespmem:s10+$0x50B0];
	[tilespmem:s26+$0x40] =	vst v1  }
0x3b7: {  	v10 =	vmul.f32 v10, v3;
	v1 =	vld [tilespmem:s10+$0x50B0]  }
0x3b8: {  	v16 =	vld [tilespmem:s26+$0xFFFFFFF0];
	v2 =	vadd.f32 v4, v2  }
0x3b9: {  	v17 =	vld [tilespmem:s26+$0x70];
	v4 =	vadd.f32 v10, v6;
	v6 =	vmul.f32 v11, v8  }
0x3ba: {  	v10 =	vld [tilespmem:s26+$0x20];
	v11 =	vmul.f32 v12, v5;
	v2 =	vmax.f32 v2, $0.0e+00  }
0x3bb: {  	s18 =	simm.s32 $0x104;
	v21 =	vld [tilespmem:s10+$0x50A0];
	v4 =	vmax.f32 v4, $0.0e+00;
	[tilespmem:s26+$0x10] =	vst v2;
	v2 =	vadd.f32 v6, v13  }
0x3bc: {  	s1 =	simm.s32 $0xE5A0;
	v6 =	vmov s18;
	[tilespmem:s26+$0xFFFFFF90] =	vst v4;
	v4 =	vld [tilespmem:s10+$0x50C0];
	v1 =	vadd.f32 v11, v1  }
0x3bd: {  	s29 =	simm.s32 $0x105;
	v22 =	vld [tilespmem:s1+$0xFFFFFFC0];
	v6 =	vand.u32 $0xFFFFFFFC, v6;
	v2 =	vmax.f32 v2, $0.0e+00  }
0x3be: {  	s30 =	simm.s32 $0x106;
	v11 =	vld [tilespmem:s10+$0x50C0];
	v6 =	vbroadcast v6, $0x0;
	[tilespmem:s26+$0xFFFFFFD0] =	vst v2;
	v1 =	vmax.f32 v1, $0.0e+00;
	v2 =	vmov s29  }
0x3bf: {  	v23 =	vld [tilespmem:s1+$0x40];
	v10 =	vmul.f32 v10, v7;
	[tilespmem:s26+$0x50] =	vst v1;
	v1 =	vand.u32 $0xFFFFFFFD, v2;
	v2 =	vmov s30  }
0x3c0: {  	v24 =	vld [tilespmem:s1+$0xFFFFFF90];
	v20 =	vbroadcast v1, $0x0;
	v1 =	vand.u32 $0xFFFFFFFE, v2  }
0x3c1: {  	v25 =	vld [tilespmem:s1+$0xFFFFFFD0];
	v14 =	vmul.f32 v14, v3;
	v2 =	vadd.f32 v10, v4;
	v10 =	vbroadcast v1, $0x0  }
0x3c2: {  	v26 =	vld [tilespmem:s1+$0x50]  }
0x3c3: {  	v27 =	vld [tilespmem:s1+$0xFFFFFFA0];
	v11 =	vadd.f32 v14, v11  }
0x3c4: {  	v28 =	vld [tilespmem:s1+$0xFFFFFFE0]  }
0x3c5: {  	v4 =	vld.idx.msk [tilespmem:v6+s16+$0x0], $0xffff;
	v6 =	vmax.f32 v11, $0.0e+00  }
0x3c6: {  	s28 =	simm.s32 $0x107;
	v2 =	vmax.f32 v2, $0.0e+00;
	[tilespmem:s26+$0xFFFFFFA0] =	vst v6;
	v6 =	vld.idx.msk [tilespmem:v20+s16+$0x0], $0xffff  }
0x3c7: {  	v13 =	vmov s28;
	[tilespmem:s26+$0x20] =	vst v2;
	v2 =	vld.idx.msk [tilespmem:v10+s16+$0x0], $0xffff  }
0x3c8: {  	v10 =	vld [tilespmem:s1+$0x0]  }
0x3c9: {  	v20 =	vld [tilespmem:s1+$0xFFFFFF80]  }
0x3ca: {  	v9 =	vld [tilespmem:s26+$0xFFFFFFE0]  }
0x3cb: {  	v12 =	vld [tilespmem:s26+$0xFFFFFFB0]  }
0x3cc: {  	v1 =	vld.idx.msk [tilespmem:v13+s16+$0x0], $0xffff  }
0x3cd: {  	v18 =	vld [tilespmem:s10+$0x50C0];
	v10 =	vmul.f32 v10, v2  }
0x3ce: {  	v19 =	vld [tilespmem:s10+$0x50C0];
	v20 =	vmul.f32 v20, v4  }
0x3cf: {  	v13 =	vld [tilespmem:s26+$0x30];
	v10 =	vadd.f32 v10, v21  }
0x3d0: {  	v9 =	vmul.f32 v9, v8;
	v11 =	vld [tilespmem:s10+$0x50D0];
	v22 =	vmul.f32 v22, v6;
	v20 =	vadd.f32 v20, v21  }
0x3d1: {  	v12 =	vmul.f32 v12, v3;
	v23 =	vmul.f32 v23, v1;
	v3 =	vmax.f32 v10, $0.0e+00;
	v10 =	vld [tilespmem:s1+$0x10]  }
0x3d2: {  	v15 =	vmul.f32 v15, v5;
	v14 =	vld [tilespmem:s10+$0x50D0];
	v22 =	vadd.f32 v22, v21;
	v20 =	vmax.f32 v20, $0.0e+00;
	[tilespmem:s1+$0x0] =	vst v3  }
0x3d3: {  	v9 =	vadd.f32 v9, v18;
	[tilespmem:s1+$0xFFFFFF80] =	vst v20;
	v3 =	vmul.f32 v16, v8;
	v8 =	vadd.f32 v23, v21;
	v20 =	vld [tilespmem:s10+$0x50B0]  }
0x3d4: {  	v7 =	vmul.f32 v13, v7;
	v13 =	vadd.f32 v15, v19;
	v15 =	vmax.f32 v22, $0.0e+00;
	v18 =	vld [tilespmem:s10+$0x50B0]  }
0x3d5: {  	v5 =	vmul.f32 v17, v5;
	v19 =	vld [tilespmem:s1+$0x60];
	v9 =	vmax.f32 v9, $0.0e+00;
	[tilespmem:s1+$0xFFFFFFC0] =	vst v15;
	v8 =	vmax.f32 v8, $0.0e+00  }
0x3d6: {  	v7 =	vadd.f32 v7, v11;
	v11 =	vmax.f32 v13, $0.0e+00;
	v16 =	vld [tilespmem:s10+$0x50B0];
	[tilespmem:s1+$0x40] =	vst v8;
	v8 =	vmul.f32 v10, v2  }
0x3d7: {  	[tilespmem:s26+$0xFFFFFFE0] =	vst v9;
	v9 =	vadd.f32 v12, v14;
	v14 =	vmul.f32 v24, v4;
	v12 =	vmul.f32 v26, v1;
	v15 =	vld [tilespmem:s10+$0x50B0]  }
0x3d8: {  	[tilespmem:s26+$0x60] =	vst v11;
	v13 =	vmul.f32 v25, v6;
	v7 =	vmax.f32 v7, $0.0e+00;
	v10 =	vld [tilespmem:s1+$0xFFFFFFB0];
	v20 =	vadd.f32 v8, v20  }
0x3d9: {  	v11 =	vld [tilespmem:s1+$0xFFFFFFF0];
	v9 =	vmax.f32 v9, $0.0e+00;
	[tilespmem:s26+$0x30] =	vst v7;
	v7 =	vmul.f32 v28, v6;
	v17 =	vadd.f32 v14, v18  }
0x3da: {  	s11 =	simm.s32 $0x4;
	s2 =	simm.s32 $0xE5A0;
	[tilespmem:s26+$0xFFFFFFB0] =	vst v9;
	v9 =	vmul.f32 v19, v1;
	v14 =	vld [tilespmem:s1+$0x20];
	v8 =	vmul.f32 v27, v4;
	v18 =	vmax.f32 v20, $0.0e+00  }
.LBB2_16:
0x3db: {  	s14 =	sadd.s32 $0x104, s11;
	s18 =	sadd.s32 $0x107, s11;
	v17 =	vmax.f32 v17, $0.0e+00;
	v13 =	vadd.f32 v13, v16;
	[tilespmem:s1+$0x10] =	vst v18;
	v16 =	vld [tilespmem:s1+$0x70]  }
0x3dc: {  	v18 =	vmov s14;
	v19 =	vmov s18;
	[tilespmem:s1+$0xFFFFFF90] =	vst v17;
	v17 =	vld [tilespmem:s10+$0x50C0];
	v12 =	vadd.f32 v12, v15  }
0x3dd: {  	v15 =	vand.u32 $0xFFFFFFFC, v18;
	v18 =	vld [tilespmem:s10+$0x50C0];
	v10 =	vmul.f32 v10, v4;
	v4 =	vmax.f32 v13, $0.0e+00  }
0x3de: {  	s14 =	sadd.s32 $0x105, s11;
	v13 =	vbroadcast v15, $0x0;
	[tilespmem:s1+$0xFFFFFFD0] =	vst v4;
	v4 =	vmul.f32 v11, v6;
	v6 =	vmax.f32 v12, $0.0e+00;
	v11 =	vld [tilespmem:s10+$0x50D0]  }
0x3df: {  	v12 =	vmov s14;
	s14 =	sadd.s32 $0x106, s11;
	s11 =	sadd.s32 $0x4, s11;
	v15 =	vld [tilespmem:s10+$0x50C0];
	v14 =	vmul.f32 v14, v2;
	[tilespmem:s1+$0x50] =	vst v6  }
0x3e0: {  	v6 =	vand.u32 $0xFFFFFFFD, v12;
	v12 =	vmov s14;
	p0 =	slt.u32 s11, $0x7C;
	v20 =	vld [tilespmem:s10+$0x50C0];
	v16 =	vmul.f32 v16, v1  }
0x3e1: {  	v6 =	vbroadcast v6, $0x0;
	v1 =	vand.u32 $0xFFFFFFFE, v12;
	v12 =	vadd.f32 v14, v17;
	v14 =	vld [tilespmem:s10+$0x50D0]  }
0x3e2: {  	v17 =	vbroadcast v1, $0x0;
	v1 =	vld.idx.msk [tilespmem:v19+s16+$0x0], $0xffff;
	v8 =	vadd.f32 v8, v18  }
0x3e3: {  	v12 =	vmax.f32 v12, $0.0e+00;
	v18 =	vld [tilespmem:s1+$0x30];
	v11 =	vadd.f32 v3, v11;
	v3 =	vmov v4  }
0x3e4: {  	v4 =	vld.idx.msk [tilespmem:v13+s16+$0x0], $0xffff;
	v8 =	vmax.f32 v8, $0.0e+00;
	v7 =	vadd.f32 v7, v15;
	[tilespmem:s1+$0x20] =	vst v12  }
0x3e5: {  	[tilespmem:s1+$0xFFFFFFA0] =	vst v8;
	v8 =	vld [tilespmem:s10+$0x50D0];
	v9 =	vadd.f32 v9, v20;
	v11 =	vmax.f32 v11, $0.0e+00  }
0x3e6: {  	v12 =	vld [tilespmem:s10+$0x50D0];
	v7 =	vmax.f32 v7, $0.0e+00;
	[tilespmem:s26+$0xFFFFFFF0] =	vst v11;
	v11 =	vadd.f32 v5, v14;
	v5 =	vmov v16  }
0x3e7: {  	v6 =	vld.idx.msk [tilespmem:v6+s16+$0x0], $0xffff;
	[tilespmem:s1+$0xFFFFFFE0] =	vst v7;
	v7 =	vmax.f32 v9, $0.0e+00  }
0x3e8: {  	s1 =	sadd.s32 $0x100, s1;
	v9 =	vmul.f32 v18, v2;
	v2 =	vld.idx.msk [tilespmem:v17+s16+$0x0], $0xffff;
	[tilespmem:s2+$0x60] =	vst v7;
	v7 =	vmax.f32 v11, $0.0e+00  }
0x3e9: {  	v11 =	vld [tilespmem:s1+$0x0];
	[tilespmem:s26+$0x70] =	vst v7;
	s26 =	smov.u32 s2;
	s2 =	smov.u32 s1  }
0x3ea: {  	v7 =	vld [tilespmem:s1+$0xFFFFFF80];
	v8 =	vadd.f32 v9, v8  }
0x3eb: {  	v9 =	vld [tilespmem:s10+$0x50A0];
	v10 =	vadd.f32 v10, v12  }
0x3ec: {  	v12 =	vld [tilespmem:s1+$0xFFFFFFC0];
	v8 =	vmax.f32 v8, $0.0e+00  }
0x3ed: {  	v13 =	vld [tilespmem:s1+$0x40];
	v10 =	vmax.f32 v10, $0.0e+00;
	[tilespmem:s26+$0x30] =	vst v8  }
0x3ee: {  	v8 =	vld [tilespmem:s1+$0xFFFFFF90];
	v11 =	vmul.f32 v11, v2;
	[tilespmem:s26+$0xFFFFFFB0] =	vst v10  }
0x3ef: {  	v7 =	vmul.f32 v7, v4;
	v10 =	vld [tilespmem:s1+$0xFFFFFFD0]  }
0x3f0: {  	v11 =	vadd.f32 v11, v9;
	v14 =	vld [tilespmem:s1+$0x50]  }
0x3f1: {  	v7 =	vadd.f32 v7, v9;
	v15 =	vld [tilespmem:s1+$0xFFFFFFA0];
	v12 =	vmul.f32 v12, v6  }
0x3f2: {  	v11 =	vmax.f32 v11, $0.0e+00;
	v17 =	vld [tilespmem:s1+$0x10];
	v16 =	vmul.f32 v13, v1  }
0x3f3: {  	v7 =	vmax.f32 v7, $0.0e+00;
	v18 =	vmul.f32 v8, v4;
	v8 =	vadd.f32 v12, v9;
	v19 =	vld [tilespmem:s1+$0xFFFFFFE0];
	[tilespmem:s1+$0x0] =	vst v11  }
0x3f4: {  	[tilespmem:s1+$0xFFFFFF80] =	vst v7;
	v13 =	vmul.f32 v10, v6;
	v11 =	vld [tilespmem:s10+$0x50B0];
	v7 =	vadd.f32 v16, v9  }
0x3f5: {  	v9 =	vld [tilespmem:s10+$0x50B0];
	v10 =	vmax.f32 v8, $0.0e+00;
	v12 =	vmul.f32 v14, v1  }
0x3f6: {  	v8 =	vmul.f32 v15, v4;
	[tilespmem:s1+$0xFFFFFFC0] =	vst v10;
	v7 =	vmax.f32 v7, $0.0e+00;
	v20 =	vld [tilespmem:s1+$0x60]  }
.Ltmp7:
0x3f7: {  	v16 =	vld [tilespmem:s10+$0x50B0];
	v14 =	vmul.f32 v17, v2;
	[tilespmem:s1+$0x40] =	vst v7;
	(pc) =	sbr.rel @p0 .LBB2_16-.Ltmp7, $4  }
0x3f8: {  	v7 =	vmul.f32 v19, v6;
	v15 =	vld [tilespmem:s10+$0x50B0]  }
0x3f9: {  	v10 =	vld [tilespmem:s1+$0xFFFFFFB0];
	v14 =	vadd.f32 v14, v11  }
0x3fa: {  	v17 =	vadd.f32 v18, v9;
	v11 =	vld [tilespmem:s1+$0xFFFFFFF0]  }
0x3fb: {  	v18 =	vmax.f32 v14, $0.0e+00;
	v14 =	vld [tilespmem:s1+$0x20];
	v9 =	vmul.f32 v20, v1  }
0x3fc: {  	v13 =	vadd.f32 v13, v16  }
0x3fd: {  	v16 =	vmax.f32 v17, $0.0e+00;
	[tilespmem:s1+$0x10] =	vst v18;
	v12 =	vadd.f32 v12, v15  }
0x3fe: {  	[tilespmem:s1+$0xFFFFFF90] =	vst v16;
	v15 =	vld [tilespmem:s10+$0x50C0];
	v13 =	vmax.f32 v13, $0.0e+00  }
0x3ff: {  	v16 =	vld [tilespmem:s10+$0x50C0];
	[tilespmem:s1+$0xFFFFFFD0] =	vst v13;
	v12 =	vmax.f32 v12, $0.0e+00  }
0x400: {  	v13 =	vld [tilespmem:s10+$0x50C0];
	[tilespmem:s1+$0x50] =	vst v12  }
0x401: {  	v12 =	vmul.f32 v14, v2;
	v14 =	vld [tilespmem:s10+$0x50C0];
	_ =	sdelay $0x1  }
0x402: {  	v17 =	vld [tilespmem:s1+$0x70];
	v12 =	vadd.f32 v12, v15  }
0x403: {  	v15 =	vld [tilespmem:s10+$0x50D0];
	v8 =	vadd.f32 v8, v16  }
0x404: {  	v16 =	vld [tilespmem:s1+$0x30];
	v12 =	vmax.f32 v12, $0.0e+00;
	v7 =	vadd.f32 v7, v13  }
0x405: {  	v13 =	vld [tilespmem:s10+$0x50D0];
	v8 =	vmax.f32 v8, $0.0e+00;
	[tilespmem:s1+$0x20] =	vst v12;
	v9 =	vadd.f32 v9, v14  }
0x406: {  	[tilespmem:s1+$0xFFFFFFA0] =	vst v8;
	v8 =	vld [tilespmem:s10+$0x50D0];
	v7 =	vmax.f32 v7, $0.0e+00  }
0x407: {  	v12 =	vld [tilespmem:s10+$0x50D0];
	[tilespmem:s1+$0xFFFFFFE0] =	vst v7;
	v7 =	vmax.f32 v9, $0.0e+00  }
0x408: {  	[tilespmem:s2+$0x60] =	vst v7;
	v7 =	vld [tilespmem:s10+$0x50D0]  }
0x409: {  	v3 =	vadd.f32 v3, v15;
	v2 =	vmul.f32 v16, v2;
	v9 =	vld [tilespmem:s10+$0x50D0]  }
0x40a: {  	v4 =	vmul.f32 v10, v4;
	v5 =	vadd.f32 v5, v13  }
0x40b: {  	v6 =	vmul.f32 v11, v6;
	v3 =	vmax.f32 v3, $0.0e+00;
	v2 =	vadd.f32 v2, v8  }
0x40c: {  	v1 =	vmul.f32 v17, v1;
	[tilespmem:s26+$0xFFFFFFF0] =	vst v3;
	v3 =	vmax.f32 v5, $0.0e+00;
	v4 =	vadd.f32 v4, v12  }
0x40d: {  	[tilespmem:s26+$0x70] =	vst v3;
	v2 =	vmax.f32 v2, $0.0e+00;
	v3 =	vadd.f32 v6, v7  }
0x40e: {  	v4 =	vmax.f32 v4, $0.0e+00;
	[tilespmem:s2+$0x30] =	vst v2;
	v1 =	vadd.f32 v1, v9  }
0x40f: {  	[tilespmem:s2+$0xFFFFFFB0] =	vst v4;
	v2 =	vmax.f32 v3, $0.0e+00  }
0x410: {  	[tilespmem:s2+$0xFFFFFFF0] =	vst v2;
	v1 =	vmax.f32 v1, $0.0e+00  }
0x411: {  	[tilespmem:s2+$0x70] =	vst v1  }
0x412: {  	s30 =	simm.s32 $0x180;
	s1 =	rddreg [dreg:$0xc]  }
0x413: {  	[hbm4b:s1+s15] =	stream.strided.scatter [tilespmem:s3], [sflag:$0x4], $0x2000, s12, s15, $0x38;
	[tilespmem:$0x1C6B0] =	vst v63  }
0x414: {  	v1 =	vmov s30;
	s2 =	simm.s32 $0x182;
	_ =	swait.ge [sflag:s0], $0x2000  }
0x415: {  	s11 =	simm.s32 $0x183;
	v1 =	vand.u32 $0xFFFFFFFC, v1;
	v2 =	vmov s2;
	[sflag:s0] =	ssyncset.done $0x0  }
0x416: {  	v3 =	vmov s11;
	v1 =	vbroadcast v1, $0x0;
	v2 =	vand.u32 $0xFFFFFFFE, v2;
	[sflag:s0] =	ssyncadd.s32 $0xFFFFE000  }
0x417: {  	v2 =	vbroadcast v2, $0x0;
	[tilespmem:s3], [sflag:$0x4] =	stream.linear.gather [spmem:s22], $0x2000, $0x38;
	[tilespmem:$0x1C6B0] =	vst v63  }
0x418: {  	s14 =	simm.s32 $0x181;
	_ =	swait.ge [sflag:s0], $0x2000  }
0x419: {  	v4 =	vmov s14;
	[sflag:s0] =	ssyncset.done $0x0  }
0x41a: {  	v4 =	vand.u32 $0xFFFFFFFD, v4;
	[sflag:s0] =	ssyncadd.s32 $0xFFFFE000  }
0x41b: {  	v4 =	vbroadcast v4, $0x0;
	v5 =	vld.idx.msk [tilespmem:v3+s16+$0x0], $0xffff  }
0x41c: {  	v3 =	vld.idx.msk [tilespmem:v1+s16+$0x0], $0xffff  }
0x41d: {  	s26 =	simm.s32 $0xE4A0;
	v7 =	vld.idx.msk [tilespmem:v2+s16+$0x0], $0xffff  }
0x41e: {  	v1 =	vld [tilespmem:s26+$0x0]  }
0x41f: {  	v2 =	vld [tilespmem:s26+$0xFFFFFF80]  }
0x420: {  	v6 =	vld [tilespmem:s10+$0x50A0]  }
0x421: {  	v8 =	vld.idx.msk [tilespmem:v4+s16+$0x0], $0xffff  }
0x422: {  	v4 =	vld [tilespmem:s26+$0xFFFFFFC0]  }
0x423: {  	v9 =	vld [tilespmem:s26+$0x40]  }
0x424: {  	v1 =	vmul.f32 v1, v7  }
0x425: {  	v10 =	vld [tilespmem:s26+$0xFFFFFF90];
	v2 =	vmul.f32 v2, v3  }
0x426: {  	v11 =	vld [tilespmem:s26+$0xFFFFFFD0];
	v1 =	vadd.f32 v1, v6  }
0x427: {  	v12 =	vld [tilespmem:s26+$0x50];
	v4 =	vmul.f32 v4, v8;
	v2 =	vadd.f32 v2, v6  }
0x428: {  	v13 =	vld [tilespmem:s26+$0x10];
	v9 =	vmul.f32 v9, v5;
	v1 =	vmax.f32 v1, $0.0e+00  }
0x429: {  	v14 =	vld [tilespmem:s26+$0xFFFFFFA0];
	v2 =	vmax.f32 v2, $0.0e+00;
	[tilespmem:s26+$0x0] =	vst v1;
	v1 =	vadd.f32 v4, v6  }
0x42a: {  	[tilespmem:s26+$0xFFFFFF80] =	vst v2;
	v4 =	vadd.f32 v9, v6;
	v2 =	vld [tilespmem:s10+$0x50B0]  }
0x42b: {  	v6 =	vld [tilespmem:s10+$0x50B0];
	v1 =	vmax.f32 v1, $0.0e+00  }
0x42c: {  	v15 =	vld [tilespmem:s26+$0x60];
	[tilespmem:s26+$0xFFFFFFC0] =	vst v1;
	v1 =	vmax.f32 v4, $0.0e+00  }
0x42d: {  	v4 =	vmul.f32 v13, v7;
	v13 =	vld [tilespmem:s10+$0x50B0];
	[tilespmem:s26+$0x40] =	vst v1  }
0x42e: {  	v10 =	vmul.f32 v10, v3;
	v1 =	vld [tilespmem:s10+$0x50B0]  }
0x42f: {  	v16 =	vld [tilespmem:s26+$0xFFFFFFF0];
	v2 =	vadd.f32 v4, v2  }
0x430: {  	v17 =	vld [tilespmem:s26+$0x70];
	v4 =	vadd.f32 v10, v6;
	v6 =	vmul.f32 v11, v8  }
0x431: {  	v10 =	vld [tilespmem:s26+$0x20];
	v11 =	vmul.f32 v12, v5;
	v2 =	vmax.f32 v2, $0.0e+00  }
0x432: {  	s18 =	simm.s32 $0x184;
	v21 =	vld [tilespmem:s10+$0x50A0];
	v4 =	vmax.f32 v4, $0.0e+00;
	[tilespmem:s26+$0x10] =	vst v2;
	v2 =	vadd.f32 v6, v13  }
0x433: {  	s1 =	simm.s32 $0xE5A0;
	v6 =	vmov s18;
	[tilespmem:s26+$0xFFFFFF90] =	vst v4;
	v4 =	vld [tilespmem:s10+$0x50C0];
	v1 =	vadd.f32 v11, v1  }
0x434: {  	s29 =	simm.s32 $0x185;
	v22 =	vld [tilespmem:s1+$0xFFFFFFC0];
	v6 =	vand.u32 $0xFFFFFFFC, v6;
	v2 =	vmax.f32 v2, $0.0e+00  }
0x435: {  	s30 =	simm.s32 $0x186;
	v11 =	vld [tilespmem:s10+$0x50C0];
	v6 =	vbroadcast v6, $0x0;
	[tilespmem:s26+$0xFFFFFFD0] =	vst v2;
	v1 =	vmax.f32 v1, $0.0e+00;
	v2 =	vmov s29  }
0x436: {  	v23 =	vld [tilespmem:s1+$0x40];
	v10 =	vmul.f32 v10, v7;
	[tilespmem:s26+$0x50] =	vst v1;
	v1 =	vand.u32 $0xFFFFFFFD, v2;
	v2 =	vmov s30  }
0x437: {  	v24 =	vld [tilespmem:s1+$0xFFFFFF90];
	v20 =	vbroadcast v1, $0x0;
	v1 =	vand.u32 $0xFFFFFFFE, v2  }
0x438: {  	v25 =	vld [tilespmem:s1+$0xFFFFFFD0];
	v14 =	vmul.f32 v14, v3;
	v2 =	vadd.f32 v10, v4;
	v10 =	vbroadcast v1, $0x0  }
0x439: {  	v26 =	vld [tilespmem:s1+$0x50]  }
0x43a: {  	v27 =	vld [tilespmem:s1+$0xFFFFFFA0];
	v11 =	vadd.f32 v14, v11  }
0x43b: {  	v28 =	vld [tilespmem:s1+$0xFFFFFFE0]  }
0x43c: {  	v4 =	vld.idx.msk [tilespmem:v6+s16+$0x0], $0xffff;
	v6 =	vmax.f32 v11, $0.0e+00  }
0x43d: {  	s28 =	simm.s32 $0x187;
	v2 =	vmax.f32 v2, $0.0e+00;
	[tilespmem:s26+$0xFFFFFFA0] =	vst v6;
	v6 =	vld.idx.msk [tilespmem:v20+s16+$0x0], $0xffff  }
0x43e: {  	v13 =	vmov s28;
	[tilespmem:s26+$0x20] =	vst v2;
	v2 =	vld.idx.msk [tilespmem:v10+s16+$0x0], $0xffff  }
0x43f: {  	v10 =	vld [tilespmem:s1+$0x0]  }
0x440: {  	v20 =	vld [tilespmem:s1+$0xFFFFFF80]  }
0x441: {  	v9 =	vld [tilespmem:s26+$0xFFFFFFE0]  }
0x442: {  	v12 =	vld [tilespmem:s26+$0xFFFFFFB0]  }
0x443: {  	v1 =	vld.idx.msk [tilespmem:v13+s16+$0x0], $0xffff  }
0x444: {  	v18 =	vld [tilespmem:s10+$0x50C0];
	v10 =	vmul.f32 v10, v2  }
0x445: {  	v19 =	vld [tilespmem:s10+$0x50C0];
	v20 =	vmul.f32 v20, v4  }
0x446: {  	v13 =	vld [tilespmem:s26+$0x30];
	v10 =	vadd.f32 v10, v21  }
0x447: {  	v9 =	vmul.f32 v9, v8;
	v11 =	vld [tilespmem:s10+$0x50D0];
	v22 =	vmul.f32 v22, v6;
	v20 =	vadd.f32 v20, v21  }
0x448: {  	v12 =	vmul.f32 v12, v3;
	v23 =	vmul.f32 v23, v1;
	v3 =	vmax.f32 v10, $0.0e+00;
	v10 =	vld [tilespmem:s1+$0x10]  }
0x449: {  	v15 =	vmul.f32 v15, v5;
	v14 =	vld [tilespmem:s10+$0x50D0];
	v22 =	vadd.f32 v22, v21;
	v20 =	vmax.f32 v20, $0.0e+00;
	[tilespmem:s1+$0x0] =	vst v3  }
0x44a: {  	v9 =	vadd.f32 v9, v18;
	[tilespmem:s1+$0xFFFFFF80] =	vst v20;
	v3 =	vmul.f32 v16, v8;
	v8 =	vadd.f32 v23, v21;
	v20 =	vld [tilespmem:s10+$0x50B0]  }
0x44b: {  	v7 =	vmul.f32 v13, v7;
	v13 =	vadd.f32 v15, v19;
	v15 =	vmax.f32 v22, $0.0e+00;
	v18 =	vld [tilespmem:s10+$0x50B0]  }
0x44c: {  	v5 =	vmul.f32 v17, v5;
	v19 =	vld [tilespmem:s1+$0x60];
	v9 =	vmax.f32 v9, $0.0e+00;
	[tilespmem:s1+$0xFFFFFFC0] =	vst v15;
	v8 =	vmax.f32 v8, $0.0e+00  }
0x44d: {  	v7 =	vadd.f32 v7, v11;
	v11 =	vmax.f32 v13, $0.0e+00;
	v16 =	vld [tilespmem:s10+$0x50B0];
	[tilespmem:s1+$0x40] =	vst v8;
	v8 =	vmul.f32 v10, v2  }
0x44e: {  	[tilespmem:s26+$0xFFFFFFE0] =	vst v9;
	v9 =	vadd.f32 v12, v14;
	v14 =	vmul.f32 v24, v4;
	v12 =	vmul.f32 v26, v1;
	v15 =	vld [tilespmem:s10+$0x50B0]  }
0x44f: {  	[tilespmem:s26+$0x60] =	vst v11;
	v13 =	vmul.f32 v25, v6;
	v7 =	vmax.f32 v7, $0.0e+00;
	v10 =	vld [tilespmem:s1+$0xFFFFFFB0];
	v20 =	vadd.f32 v8, v20  }
0x450: {  	v11 =	vld [tilespmem:s1+$0xFFFFFFF0];
	v9 =	vmax.f32 v9, $0.0e+00;
	[tilespmem:s26+$0x30] =	vst v7;
	v7 =	vmul.f32 v28, v6;
	v17 =	vadd.f32 v14, v18  }
0x451: {  	s11 =	simm.s32 $0x4;
	s2 =	simm.s32 $0xE5A0;
	[tilespmem:s26+$0xFFFFFFB0] =	vst v9;
	v9 =	vmul.f32 v19, v1;
	v14 =	vld [tilespmem:s1+$0x20];
	v8 =	vmul.f32 v27, v4;
	v18 =	vmax.f32 v20, $0.0e+00  }
.LBB2_18:
0x452: {  	s14 =	sadd.s32 $0x184, s11;
	s18 =	sadd.s32 $0x187, s11;
	v17 =	vmax.f32 v17, $0.0e+00;
	v13 =	vadd.f32 v13, v16;
	[tilespmem:s1+$0x10] =	vst v18;
	v16 =	vld [tilespmem:s1+$0x70]  }
0x453: {  	v18 =	vmov s14;
	v19 =	vmov s18;
	[tilespmem:s1+$0xFFFFFF90] =	vst v17;
	v17 =	vld [tilespmem:s10+$0x50C0];
	v12 =	vadd.f32 v12, v15  }
0x454: {  	v15 =	vand.u32 $0xFFFFFFFC, v18;
	v18 =	vld [tilespmem:s10+$0x50C0];
	v10 =	vmul.f32 v10, v4;
	v4 =	vmax.f32 v13, $0.0e+00  }
0x455: {  	s14 =	sadd.s32 $0x185, s11;
	v13 =	vbroadcast v15, $0x0;
	[tilespmem:s1+$0xFFFFFFD0] =	vst v4;
	v4 =	vmul.f32 v11, v6;
	v6 =	vmax.f32 v12, $0.0e+00;
	v11 =	vld [tilespmem:s10+$0x50D0]  }
0x456: {  	v12 =	vmov s14;
	s14 =	sadd.s32 $0x186, s11;
	s11 =	sadd.s32 $0x4, s11;
	v15 =	vld [tilespmem:s10+$0x50C0];
	v14 =	vmul.f32 v14, v2;
	[tilespmem:s1+$0x50] =	vst v6  }
0x457: {  	v6 =	vand.u32 $0xFFFFFFFD, v12;
	v12 =	vmov s14;
	p0 =	slt.u32 s11, $0x7C;
	v20 =	vld [tilespmem:s10+$0x50C0];
	v16 =	vmul.f32 v16, v1  }
0x458: {  	v6 =	vbroadcast v6, $0x0;
	v1 =	vand.u32 $0xFFFFFFFE, v12;
	v12 =	vadd.f32 v14, v17;
	v14 =	vld [tilespmem:s10+$0x50D0]  }
0x459: {  	v17 =	vbroadcast v1, $0x0;
	v1 =	vld.idx.msk [tilespmem:v19+s16+$0x0], $0xffff;
	v8 =	vadd.f32 v8, v18  }
0x45a: {  	v12 =	vmax.f32 v12, $0.0e+00;
	v18 =	vld [tilespmem:s1+$0x30];
	v11 =	vadd.f32 v3, v11;
	v3 =	vmov v4  }
0x45b: {  	v4 =	vld.idx.msk [tilespmem:v13+s16+$0x0], $0xffff;
	v8 =	vmax.f32 v8, $0.0e+00;
	v7 =	vadd.f32 v7, v15;
	[tilespmem:s1+$0x20] =	vst v12  }
0x45c: {  	[tilespmem:s1+$0xFFFFFFA0] =	vst v8;
	v8 =	vld [tilespmem:s10+$0x50D0];
	v9 =	vadd.f32 v9, v20;
	v11 =	vmax.f32 v11, $0.0e+00  }
0x45d: {  	v12 =	vld [tilespmem:s10+$0x50D0];
	v7 =	vmax.f32 v7, $0.0e+00;
	[tilespmem:s26+$0xFFFFFFF0] =	vst v11;
	v11 =	vadd.f32 v5, v14;
	v5 =	vmov v16  }
0x45e: {  	v6 =	vld.idx.msk [tilespmem:v6+s16+$0x0], $0xffff;
	[tilespmem:s1+$0xFFFFFFE0] =	vst v7;
	v7 =	vmax.f32 v9, $0.0e+00  }
0x45f: {  	s1 =	sadd.s32 $0x100, s1;
	v9 =	vmul.f32 v18, v2;
	v2 =	vld.idx.msk [tilespmem:v17+s16+$0x0], $0xffff;
	[tilespmem:s2+$0x60] =	vst v7;
	v7 =	vmax.f32 v11, $0.0e+00  }
0x460: {  	v11 =	vld [tilespmem:s1+$0x0];
	[tilespmem:s26+$0x70] =	vst v7;
	s26 =	smov.u32 s2;
	s2 =	smov.u32 s1  }
0x461: {  	v7 =	vld [tilespmem:s1+$0xFFFFFF80];
	v8 =	vadd.f32 v9, v8  }
0x462: {  	v9 =	vld [tilespmem:s10+$0x50A0];
	v10 =	vadd.f32 v10, v12  }
0x463: {  	v12 =	vld [tilespmem:s1+$0xFFFFFFC0];
	v8 =	vmax.f32 v8, $0.0e+00  }
0x464: {  	v13 =	vld [tilespmem:s1+$0x40];
	v10 =	vmax.f32 v10, $0.0e+00;
	[tilespmem:s26+$0x30] =	vst v8  }
0x465: {  	v8 =	vld [tilespmem:s1+$0xFFFFFF90];
	v11 =	vmul.f32 v11, v2;
	[tilespmem:s26+$0xFFFFFFB0] =	vst v10  }
0x466: {  	v7 =	vmul.f32 v7, v4;
	v10 =	vld [tilespmem:s1+$0xFFFFFFD0]  }
0x467: {  	v11 =	vadd.f32 v11, v9;
	v14 =	vld [tilespmem:s1+$0x50]  }
0x468: {  	v7 =	vadd.f32 v7, v9;
	v15 =	vld [tilespmem:s1+$0xFFFFFFA0];
	v12 =	vmul.f32 v12, v6  }
0x469: {  	v11 =	vmax.f32 v11, $0.0e+00;
	v17 =	vld [tilespmem:s1+$0x10];
	v16 =	vmul.f32 v13, v1  }
0x46a: {  	v7 =	vmax.f32 v7, $0.0e+00;
	v18 =	vmul.f32 v8, v4;
	v8 =	vadd.f32 v12, v9;
	v19 =	vld [tilespmem:s1+$0xFFFFFFE0];
	[tilespmem:s1+$0x0] =	vst v11  }
0x46b: {  	[tilespmem:s1+$0xFFFFFF80] =	vst v7;
	v13 =	vmul.f32 v10, v6;
	v11 =	vld [tilespmem:s10+$0x50B0];
	v7 =	vadd.f32 v16, v9  }
0x46c: {  	v9 =	vld [tilespmem:s10+$0x50B0];
	v10 =	vmax.f32 v8, $0.0e+00;
	v12 =	vmul.f32 v14, v1  }
0x46d: {  	v8 =	vmul.f32 v15, v4;
	[tilespmem:s1+$0xFFFFFFC0] =	vst v10;
	v7 =	vmax.f32 v7, $0.0e+00;
	v20 =	vld [tilespmem:s1+$0x60]  }
.Ltmp8:
0x46e: {  	v16 =	vld [tilespmem:s10+$0x50B0];
	v14 =	vmul.f32 v17, v2;
	[tilespmem:s1+$0x40] =	vst v7;
	(pc) =	sbr.rel @p0 .LBB2_18-.Ltmp8, $4  }
0x46f: {  	v7 =	vmul.f32 v19, v6;
	v15 =	vld [tilespmem:s10+$0x50B0]  }
0x470: {  	v10 =	vld [tilespmem:s1+$0xFFFFFFB0];
	v14 =	vadd.f32 v14, v11  }
0x471: {  	v17 =	vadd.f32 v18, v9;
	v11 =	vld [tilespmem:s1+$0xFFFFFFF0]  }
0x472: {  	v18 =	vmax.f32 v14, $0.0e+00;
	v14 =	vld [tilespmem:s1+$0x20];
	v9 =	vmul.f32 v20, v1  }
0x473: {  	v13 =	vadd.f32 v13, v16  }
0x474: {  	v16 =	vmax.f32 v17, $0.0e+00;
	[tilespmem:s1+$0x10] =	vst v18;
	v12 =	vadd.f32 v12, v15  }
0x475: {  	[tilespmem:s1+$0xFFFFFF90] =	vst v16;
	v15 =	vld [tilespmem:s10+$0x50C0];
	v13 =	vmax.f32 v13, $0.0e+00  }
0x476: {  	v16 =	vld [tilespmem:s10+$0x50C0];
	[tilespmem:s1+$0xFFFFFFD0] =	vst v13;
	v12 =	vmax.f32 v12, $0.0e+00  }
0x477: {  	v13 =	vld [tilespmem:s10+$0x50C0];
	[tilespmem:s1+$0x50] =	vst v12  }
0x478: {  	v12 =	vmul.f32 v14, v2;
	v14 =	vld [tilespmem:s10+$0x50C0];
	_ =	sdelay $0x1  }
0x479: {  	v17 =	vld [tilespmem:s1+$0x70];
	v12 =	vadd.f32 v12, v15  }
0x47a: {  	v15 =	vld [tilespmem:s10+$0x50D0];
	v8 =	vadd.f32 v8, v16  }
0x47b: {  	v16 =	vld [tilespmem:s1+$0x30];
	v12 =	vmax.f32 v12, $0.0e+00;
	v7 =	vadd.f32 v7, v13  }
0x47c: {  	v13 =	vld [tilespmem:s10+$0x50D0];
	v8 =	vmax.f32 v8, $0.0e+00;
	[tilespmem:s1+$0x20] =	vst v12;
	v9 =	vadd.f32 v9, v14  }
0x47d: {  	[tilespmem:s1+$0xFFFFFFA0] =	vst v8;
	v8 =	vld [tilespmem:s10+$0x50D0];
	v7 =	vmax.f32 v7, $0.0e+00  }
0x47e: {  	v12 =	vld [tilespmem:s10+$0x50D0];
	[tilespmem:s1+$0xFFFFFFE0] =	vst v7;
	v7 =	vmax.f32 v9, $0.0e+00  }
0x47f: {  	[tilespmem:s2+$0x60] =	vst v7;
	v7 =	vld [tilespmem:s10+$0x50D0]  }
0x480: {  	v3 =	vadd.f32 v3, v15;
	v2 =	vmul.f32 v16, v2;
	v9 =	vld [tilespmem:s10+$0x50D0]  }
0x481: {  	v4 =	vmul.f32 v10, v4;
	v5 =	vadd.f32 v5, v13  }
0x482: {  	v6 =	vmul.f32 v11, v6;
	v3 =	vmax.f32 v3, $0.0e+00;
	v2 =	vadd.f32 v2, v8  }
0x483: {  	v1 =	vmul.f32 v17, v1;
	[tilespmem:s26+$0xFFFFFFF0] =	vst v3;
	v3 =	vmax.f32 v5, $0.0e+00;
	v4 =	vadd.f32 v4, v12  }
0x484: {  	[tilespmem:s26+$0x70] =	vst v3;
	v2 =	vmax.f32 v2, $0.0e+00;
	v3 =	vadd.f32 v6, v7  }
0x485: {  	v4 =	vmax.f32 v4, $0.0e+00;
	[tilespmem:s2+$0x30] =	vst v2;
	v1 =	vadd.f32 v1, v9  }
0x486: {  	[tilespmem:s2+$0xFFFFFFB0] =	vst v4;
	v2 =	vmax.f32 v3, $0.0e+00  }
0x487: {  	[tilespmem:s2+$0xFFFFFFF0] =	vst v2;
	v1 =	vmax.f32 v1, $0.0e+00  }
0x488: {  	[tilespmem:s2+$0x70] =	vst v1  }
0x489: {  	s30 =	simm.s32 $0x200;
	s1 =	rddreg [dreg:$0xd]  }
0x48a: {  	[hbm4b:s1+s15] =	stream.strided.scatter [tilespmem:s3], [sflag:$0x4], $0x2000, s12, s15, $0x38;
	[tilespmem:$0x1C6B0] =	vst v63  }
0x48b: {  	v1 =	vmov s30;
	s2 =	simm.s32 $0x202;
	_ =	swait.ge [sflag:s0], $0x2000  }
0x48c: {  	s11 =	simm.s32 $0x203;
	v1 =	vand.u32 $0xFFFFFFFC, v1;
	v2 =	vmov s2;
	[sflag:s0] =	ssyncset.done $0x0  }
0x48d: {  	v3 =	vmov s11;
	v1 =	vbroadcast v1, $0x0;
	v2 =	vand.u32 $0xFFFFFFFE, v2;
	[sflag:s0] =	ssyncadd.s32 $0xFFFFE000  }
0x48e: {  	v2 =	vbroadcast v2, $0x0;
	[tilespmem:s3], [sflag:$0x4] =	stream.linear.gather [spmem:s23], $0x2000, $0x38;
	[tilespmem:$0x1C6B0] =	vst v63  }
0x48f: {  	s14 =	simm.s32 $0x201;
	_ =	swait.ge [sflag:s0], $0x2000  }
0x490: {  	v4 =	vmov s14;
	[sflag:s0] =	ssyncset.done $0x0  }
0x491: {  	v4 =	vand.u32 $0xFFFFFFFD, v4;
	[sflag:s0] =	ssyncadd.s32 $0xFFFFE000  }
0x492: {  	v4 =	vbroadcast v4, $0x0;
	v5 =	vld.idx.msk [tilespmem:v3+s16+$0x0], $0xffff  }
0x493: {  	v3 =	vld.idx.msk [tilespmem:v1+s16+$0x0], $0xffff  }
0x494: {  	s26 =	simm.s32 $0xE4A0;
	v7 =	vld.idx.msk [tilespmem:v2+s16+$0x0], $0xffff  }
0x495: {  	v1 =	vld [tilespmem:s26+$0x0]  }
0x496: {  	v2 =	vld [tilespmem:s26+$0xFFFFFF80]  }
0x497: {  	v6 =	vld [tilespmem:s10+$0x50A0]  }
0x498: {  	v8 =	vld.idx.msk [tilespmem:v4+s16+$0x0], $0xffff  }
0x499: {  	v4 =	vld [tilespmem:s26+$0xFFFFFFC0]  }
0x49a: {  	v9 =	vld [tilespmem:s26+$0x40]  }
0x49b: {  	v1 =	vmul.f32 v1, v7  }
0x49c: {  	v10 =	vld [tilespmem:s26+$0xFFFFFF90];
	v2 =	vmul.f32 v2, v3  }
0x49d: {  	v11 =	vld [tilespmem:s26+$0xFFFFFFD0];
	v1 =	vadd.f32 v1, v6  }
0x49e: {  	v12 =	vld [tilespmem:s26+$0x50];
	v4 =	vmul.f32 v4, v8;
	v2 =	vadd.f32 v2, v6  }
0x49f: {  	v13 =	vld [tilespmem:s26+$0x10];
	v9 =	vmul.f32 v9, v5;
	v1 =	vmax.f32 v1, $0.0e+00  }
0x4a0: {  	v14 =	vld [tilespmem:s26+$0xFFFFFFA0];
	v2 =	vmax.f32 v2, $0.0e+00;
	[tilespmem:s26+$0x0] =	vst v1;
	v1 =	vadd.f32 v4, v6  }
0x4a1: {  	[tilespmem:s26+$0xFFFFFF80] =	vst v2;
	v4 =	vadd.f32 v9, v6;
	v2 =	vld [tilespmem:s10+$0x50B0]  }
0x4a2: {  	v6 =	vld [tilespmem:s10+$0x50B0];
	v1 =	vmax.f32 v1, $0.0e+00  }
0x4a3: {  	v15 =	vld [tilespmem:s26+$0x60];
	[tilespmem:s26+$0xFFFFFFC0] =	vst v1;
	v1 =	vmax.f32 v4, $0.0e+00  }
0x4a4: {  	v4 =	vmul.f32 v13, v7;
	v13 =	vld [tilespmem:s10+$0x50B0];
	[tilespmem:s26+$0x40] =	vst v1  }
0x4a5: {  	v10 =	vmul.f32 v10, v3;
	v1 =	vld [tilespmem:s10+$0x50B0]  }
0x4a6: {  	v16 =	vld [tilespmem:s26+$0xFFFFFFF0];
	v2 =	vadd.f32 v4, v2  }
0x4a7: {  	v17 =	vld [tilespmem:s26+$0x70];
	v4 =	vadd.f32 v10, v6;
	v6 =	vmul.f32 v11, v8  }
0x4a8: {  	v10 =	vld [tilespmem:s26+$0x20];
	v11 =	vmul.f32 v12, v5;
	v2 =	vmax.f32 v2, $0.0e+00  }
0x4a9: {  	s18 =	simm.s32 $0x204;
	v21 =	vld [tilespmem:s10+$0x50A0];
	v4 =	vmax.f32 v4, $0.0e+00;
	[tilespmem:s26+$0x10] =	vst v2;
	v2 =	vadd.f32 v6, v13  }
0x4aa: {  	s1 =	simm.s32 $0xE5A0;
	v6 =	vmov s18;
	[tilespmem:s26+$0xFFFFFF90] =	vst v4;
	v4 =	vld [tilespmem:s10+$0x50C0];
	v1 =	vadd.f32 v11, v1  }
0x4ab: {  	s29 =	simm.s32 $0x205;
	v22 =	vld [tilespmem:s1+$0xFFFFFFC0];
	v6 =	vand.u32 $0xFFFFFFFC, v6;
	v2 =	vmax.f32 v2, $0.0e+00  }
0x4ac: {  	s30 =	simm.s32 $0x206;
	v11 =	vld [tilespmem:s10+$0x50C0];
	v6 =	vbroadcast v6, $0x0;
	[tilespmem:s26+$0xFFFFFFD0] =	vst v2;
	v1 =	vmax.f32 v1, $0.0e+00;
	v2 =	vmov s29  }
0x4ad: {  	v23 =	vld [tilespmem:s1+$0x40];
	v10 =	vmul.f32 v10, v7;
	[tilespmem:s26+$0x50] =	vst v1;
	v1 =	vand.u32 $0xFFFFFFFD, v2;
	v2 =	vmov s30  }
0x4ae: {  	v24 =	vld [tilespmem:s1+$0xFFFFFF90];
	v20 =	vbroadcast v1, $0x0;
	v1 =	vand.u32 $0xFFFFFFFE, v2  }
0x4af: {  	v25 =	vld [tilespmem:s1+$0xFFFFFFD0];
	v14 =	vmul.f32 v14, v3;
	v2 =	vadd.f32 v10, v4;
	v10 =	vbroadcast v1, $0x0  }
0x4b0: {  	v26 =	vld [tilespmem:s1+$0x50]  }
0x4b1: {  	v27 =	vld [tilespmem:s1+$0xFFFFFFA0];
	v11 =	vadd.f32 v14, v11  }
0x4b2: {  	v28 =	vld [tilespmem:s1+$0xFFFFFFE0]  }
0x4b3: {  	v4 =	vld.idx.msk [tilespmem:v6+s16+$0x0], $0xffff;
	v6 =	vmax.f32 v11, $0.0e+00  }
0x4b4: {  	s28 =	simm.s32 $0x207;
	v2 =	vmax.f32 v2, $0.0e+00;
	[tilespmem:s26+$0xFFFFFFA0] =	vst v6;
	v6 =	vld.idx.msk [tilespmem:v20+s16+$0x0], $0xffff  }
0x4b5: {  	v13 =	vmov s28;
	[tilespmem:s26+$0x20] =	vst v2;
	v2 =	vld.idx.msk [tilespmem:v10+s16+$0x0], $0xffff  }
0x4b6: {  	v10 =	vld [tilespmem:s1+$0x0]  }
0x4b7: {  	v20 =	vld [tilespmem:s1+$0xFFFFFF80]  }
0x4b8: {  	v9 =	vld [tilespmem:s26+$0xFFFFFFE0]  }
0x4b9: {  	v12 =	vld [tilespmem:s26+$0xFFFFFFB0]  }
0x4ba: {  	v1 =	vld.idx.msk [tilespmem:v13+s16+$0x0], $0xffff  }
0x4bb: {  	v18 =	vld [tilespmem:s10+$0x50C0];
	v10 =	vmul.f32 v10, v2  }
0x4bc: {  	v19 =	vld [tilespmem:s10+$0x50C0];
	v20 =	vmul.f32 v20, v4  }
0x4bd: {  	v13 =	vld [tilespmem:s26+$0x30];
	v10 =	vadd.f32 v10, v21  }
0x4be: {  	v9 =	vmul.f32 v9, v8;
	v11 =	vld [tilespmem:s10+$0x50D0];
	v22 =	vmul.f32 v22, v6;
	v20 =	vadd.f32 v20, v21  }
0x4bf: {  	v12 =	vmul.f32 v12, v3;
	v23 =	vmul.f32 v23, v1;
	v3 =	vmax.f32 v10, $0.0e+00;
	v10 =	vld [tilespmem:s1+$0x10]  }
0x4c0: {  	v15 =	vmul.f32 v15, v5;
	v14 =	vld [tilespmem:s10+$0x50D0];
	v22 =	vadd.f32 v22, v21;
	v20 =	vmax.f32 v20, $0.0e+00;
	[tilespmem:s1+$0x0] =	vst v3  }
0x4c1: {  	v9 =	vadd.f32 v9, v18;
	[tilespmem:s1+$0xFFFFFF80] =	vst v20;
	v3 =	vmul.f32 v16, v8;
	v8 =	vadd.f32 v23, v21;
	v20 =	vld [tilespmem:s10+$0x50B0]  }
0x4c2: {  	v7 =	vmul.f32 v13, v7;
	v13 =	vadd.f32 v15, v19;
	v15 =	vmax.f32 v22, $0.0e+00;
	v18 =	vld [tilespmem:s10+$0x50B0]  }
0x4c3: {  	v5 =	vmul.f32 v17, v5;
	v19 =	vld [tilespmem:s1+$0x60];
	v9 =	vmax.f32 v9, $0.0e+00;
	[tilespmem:s1+$0xFFFFFFC0] =	vst v15;
	v8 =	vmax.f32 v8, $0.0e+00  }
0x4c4: {  	v7 =	vadd.f32 v7, v11;
	v11 =	vmax.f32 v13, $0.0e+00;
	v16 =	vld [tilespmem:s10+$0x50B0];
	[tilespmem:s1+$0x40] =	vst v8;
	v8 =	vmul.f32 v10, v2  }
0x4c5: {  	[tilespmem:s26+$0xFFFFFFE0] =	vst v9;
	v9 =	vadd.f32 v12, v14;
	v14 =	vmul.f32 v24, v4;
	v12 =	vmul.f32 v26, v1;
	v15 =	vld [tilespmem:s10+$0x50B0]  }
0x4c6: {  	[tilespmem:s26+$0x60] =	vst v11;
	v13 =	vmul.f32 v25, v6;
	v7 =	vmax.f32 v7, $0.0e+00;
	v10 =	vld [tilespmem:s1+$0xFFFFFFB0];
	v20 =	vadd.f32 v8, v20  }
0x4c7: {  	v11 =	vld [tilespmem:s1+$0xFFFFFFF0];
	v9 =	vmax.f32 v9, $0.0e+00;
	[tilespmem:s26+$0x30] =	vst v7;
	v7 =	vmul.f32 v28, v6;
	v17 =	vadd.f32 v14, v18  }
0x4c8: {  	s11 =	simm.s32 $0x4;
	s2 =	simm.s32 $0xE5A0;
	[tilespmem:s26+$0xFFFFFFB0] =	vst v9;
	v9 =	vmul.f32 v19, v1;
	v14 =	vld [tilespmem:s1+$0x20];
	v8 =	vmul.f32 v27, v4;
	v18 =	vmax.f32 v20, $0.0e+00  }
.LBB2_20:
0x4c9: {  	s14 =	sadd.s32 $0x204, s11;
	s18 =	sadd.s32 $0x207, s11;
	v17 =	vmax.f32 v17, $0.0e+00;
	v13 =	vadd.f32 v13, v16;
	[tilespmem:s1+$0x10] =	vst v18;
	v16 =	vld [tilespmem:s1+$0x70]  }
0x4ca: {  	v18 =	vmov s14;
	v19 =	vmov s18;
	[tilespmem:s1+$0xFFFFFF90] =	vst v17;
	v17 =	vld [tilespmem:s10+$0x50C0];
	v12 =	vadd.f32 v12, v15  }
0x4cb: {  	v15 =	vand.u32 $0xFFFFFFFC, v18;
	v18 =	vld [tilespmem:s10+$0x50C0];
	v10 =	vmul.f32 v10, v4;
	v4 =	vmax.f32 v13, $0.0e+00  }
0x4cc: {  	s14 =	sadd.s32 $0x205, s11;
	v13 =	vbroadcast v15, $0x0;
	[tilespmem:s1+$0xFFFFFFD0] =	vst v4;
	v4 =	vmul.f32 v11, v6;
	v6 =	vmax.f32 v12, $0.0e+00;
	v11 =	vld [tilespmem:s10+$0x50D0]  }
0x4cd: {  	v12 =	vmov s14;
	s14 =	sadd.s32 $0x206, s11;
	s11 =	sadd.s32 $0x4, s11;
	v15 =	vld [tilespmem:s10+$0x50C0];
	v14 =	vmul.f32 v14, v2;
	[tilespmem:s1+$0x50] =	vst v6  }
0x4ce: {  	v6 =	vand.u32 $0xFFFFFFFD, v12;
	v12 =	vmov s14;
	p0 =	slt.u32 s11, $0x7C;
	v20 =	vld [tilespmem:s10+$0x50C0];
	v16 =	vmul.f32 v16, v1  }
0x4cf: {  	v6 =	vbroadcast v6, $0x0;
	v1 =	vand.u32 $0xFFFFFFFE, v12;
	v12 =	vadd.f32 v14, v17;
	v14 =	vld [tilespmem:s10+$0x50D0]  }
0x4d0: {  	v17 =	vbroadcast v1, $0x0;
	v1 =	vld.idx.msk [tilespmem:v19+s16+$0x0], $0xffff;
	v8 =	vadd.f32 v8, v18  }
0x4d1: {  	v12 =	vmax.f32 v12, $0.0e+00;
	v18 =	vld [tilespmem:s1+$0x30];
	v11 =	vadd.f32 v3, v11;
	v3 =	vmov v4  }
0x4d2: {  	v4 =	vld.idx.msk [tilespmem:v13+s16+$0x0], $0xffff;
	v8 =	vmax.f32 v8, $0.0e+00;
	v7 =	vadd.f32 v7, v15;
	[tilespmem:s1+$0x20] =	vst v12  }
0x4d3: {  	[tilespmem:s1+$0xFFFFFFA0] =	vst v8;
	v8 =	vld [tilespmem:s10+$0x50D0];
	v9 =	vadd.f32 v9, v20;
	v11 =	vmax.f32 v11, $0.0e+00  }
0x4d4: {  	v12 =	vld [tilespmem:s10+$0x50D0];
	v7 =	vmax.f32 v7, $0.0e+00;
	[tilespmem:s26+$0xFFFFFFF0] =	vst v11;
	v11 =	vadd.f32 v5, v14;
	v5 =	vmov v16  }
0x4d5: {  	v6 =	vld.idx.msk [tilespmem:v6+s16+$0x0], $0xffff;
	[tilespmem:s1+$0xFFFFFFE0] =	vst v7;
	v7 =	vmax.f32 v9, $0.0e+00  }
0x4d6: {  	s1 =	sadd.s32 $0x100, s1;
	v9 =	vmul.f32 v18, v2;
	v2 =	vld.idx.msk [tilespmem:v17+s16+$0x0], $0xffff;
	[tilespmem:s2+$0x60] =	vst v7;
	v7 =	vmax.f32 v11, $0.0e+00  }
0x4d7: {  	v11 =	vld [tilespmem:s1+$0x0];
	[tilespmem:s26+$0x70] =	vst v7;
	s26 =	smov.u32 s2;
	s2 =	smov.u32 s1  }
0x4d8: {  	v7 =	vld [tilespmem:s1+$0xFFFFFF80];
	v8 =	vadd.f32 v9, v8  }
0x4d9: {  	v9 =	vld [tilespmem:s10+$0x50A0];
	v10 =	vadd.f32 v10, v12  }
0x4da: {  	v12 =	vld [tilespmem:s1+$0xFFFFFFC0];
	v8 =	vmax.f32 v8, $0.0e+00  }
0x4db: {  	v13 =	vld [tilespmem:s1+$0x40];
	v10 =	vmax.f32 v10, $0.0e+00;
	[tilespmem:s26+$0x30] =	vst v8  }
0x4dc: {  	v8 =	vld [tilespmem:s1+$0xFFFFFF90];
	v11 =	vmul.f32 v11, v2;
	[tilespmem:s26+$0xFFFFFFB0] =	vst v10  }
0x4dd: {  	v7 =	vmul.f32 v7, v4;
	v10 =	vld [tilespmem:s1+$0xFFFFFFD0]  }
0x4de: {  	v11 =	vadd.f32 v11, v9;
	v14 =	vld [tilespmem:s1+$0x50]  }
0x4df: {  	v7 =	vadd.f32 v7, v9;
	v15 =	vld [tilespmem:s1+$0xFFFFFFA0];
	v12 =	vmul.f32 v12, v6  }
0x4e0: {  	v11 =	vmax.f32 v11, $0.0e+00;
	v17 =	vld [tilespmem:s1+$0x10];
	v16 =	vmul.f32 v13, v1  }
0x4e1: {  	v7 =	vmax.f32 v7, $0.0e+00;
	v18 =	vmul.f32 v8, v4;
	v8 =	vadd.f32 v12, v9;
	v19 =	vld [tilespmem:s1+$0xFFFFFFE0];
	[tilespmem:s1+$0x0] =	vst v11  }
0x4e2: {  	[tilespmem:s1+$0xFFFFFF80] =	vst v7;
	v13 =	vmul.f32 v10, v6;
	v11 =	vld [tilespmem:s10+$0x50B0];
	v7 =	vadd.f32 v16, v9  }
0x4e3: {  	v9 =	vld [tilespmem:s10+$0x50B0];
	v10 =	vmax.f32 v8, $0.0e+00;
	v12 =	vmul.f32 v14, v1  }
0x4e4: {  	v8 =	vmul.f32 v15, v4;
	[tilespmem:s1+$0xFFFFFFC0] =	vst v10;
	v7 =	vmax.f32 v7, $0.0e+00;
	v20 =	vld [tilespmem:s1+$0x60]  }
.Ltmp9:
0x4e5: {  	v16 =	vld [tilespmem:s10+$0x50B0];
	v14 =	vmul.f32 v17, v2;
	[tilespmem:s1+$0x40] =	vst v7;
	(pc) =	sbr.rel @p0 .LBB2_20-.Ltmp9, $4  }
0x4e6: {  	v7 =	vmul.f32 v19, v6;
	v15 =	vld [tilespmem:s10+$0x50B0]  }
0x4e7: {  	v10 =	vld [tilespmem:s1+$0xFFFFFFB0];
	v14 =	vadd.f32 v14, v11  }
0x4e8: {  	v17 =	vadd.f32 v18, v9;
	v11 =	vld [tilespmem:s1+$0xFFFFFFF0]  }
0x4e9: {  	v18 =	vmax.f32 v14, $0.0e+00;
	v14 =	vld [tilespmem:s1+$0x20];
	v9 =	vmul.f32 v20, v1  }
0x4ea: {  	v13 =	vadd.f32 v13, v16  }
0x4eb: {  	v51 =	vmax.f32 v17, $0.0e+00;
	[tilespmem:s1+$0x10] =	vst v18;
	v12 =	vadd.f32 v12, v15  }
0x4ec: {  	[tilespmem:s1+$0xFFFFFF90] =	vst v51;
	v53 =	vld [tilespmem:s10+$0x50C0];
	v13 =	vmax.f32 v13, $0.0e+00  }
0x4ed: {  	v16 =	vld [tilespmem:s10+$0x50C0];
	[tilespmem:s1+$0xFFFFFFD0] =	vst v13;
	v12 =	vmax.f32 v12, $0.0e+00  }
0x4ee: {  	v13 =	vld [tilespmem:s10+$0x50C0];
	[tilespmem:s1+$0x50] =	vst v12  }
0x4ef: {  	v54 =	vmul.f32 v14, v2;
	v55 =	vld [tilespmem:s10+$0x50C0];
	_ =	sdelay $0x1  }
0x4f0: {  	v52 =	vld [tilespmem:s1+$0x70];
	v12 =	vadd.f32 v54, v53  }
0x4f1: {  	v56 =	vld [tilespmem:s10+$0x50D0];
	v8 =	vadd.f32 v8, v16  }
0x4f2: {  	v57 =	vld [tilespmem:s1+$0x30];
	v12 =	vmax.f32 v12, $0.0e+00;
	v7 =	vadd.f32 v7, v13  }
0x4f3: {  	v58 =	vld [tilespmem:s10+$0x50D0];
	v8 =	vmax.f32 v8, $0.0e+00;
	[tilespmem:s1+$0x20] =	vst v12;
	v9 =	vadd.f32 v9, v55  }
0x4f4: {  	[tilespmem:s1+$0xFFFFFFA0] =	vst v8;
	v59 =	vld [tilespmem:s10+$0x50D0];
	v7 =	vmax.f32 v7, $0.0e+00  }
0x4f5: {  	v60 =	vld [tilespmem:s10+$0x50D0];
	[tilespmem:s1+$0xFFFFFFE0] =	vst v7;
	v61 =	vmax.f32 v9, $0.0e+00  }
0x4f6: {  	[tilespmem:s2+$0x60] =	vst v61;
	v62 =	vld [tilespmem:s10+$0x50D0]  }
0x4f7: {  	v3 =	vadd.f32 v3, v56;
	v2 =	vmul.f32 v57, v2;
	v63 =	vld [tilespmem:s10+$0x50D0]  }
0x4f8: {  	v4 =	vmul.f32 v10, v4;
	v5 =	vadd.f32 v5, v58  }
0x4f9: {  	v6 =	vmul.f32 v11, v6;
	v3 =	vmax.f32 v3, $0.0e+00;
	v2 =	vadd.f32 v2, v59  }
0x4fa: {  	v1 =	vmul.f32 v52, v1;
	[tilespmem:s26+$0xFFFFFFF0] =	vst v3;
	v3 =	vmax.f32 v5, $0.0e+00;
	v4 =	vadd.f32 v4, v60  }
0x4fb: {  	[tilespmem:s26+$0x70] =	vst v3;
	v2 =	vmax.f32 v2, $0.0e+00;
	v3 =	vadd.f32 v6, v62  }
0x4fc: {  	v4 =	vmax.f32 v4, $0.0e+00;
	[tilespmem:s2+$0x30] =	vst v2;
	v1 =	vadd.f32 v1, v63  }
0x4fd: {  	[tilespmem:s2+$0xFFFFFFB0] =	vst v4;
	v2 =	vmax.f32 v3, $0.0e+00  }
0x4fe: {  	[tilespmem:s2+$0xFFFFFFF0] =	vst v2;
	v1 =	vmax.f32 v1, $0.0e+00  }
0x4ff: {  	[tilespmem:s2+$0x70] =	vst v1  }
0x500: {  	s1 =	rddreg [dreg:$0xe]  }
0x501: {  	[hbm4b:s1+s15] =	stream.strided.scatter [tilespmem:s3], [sflag:$0x4], $0x2000, s12, s15, $0x38;
	[tilespmem:$0x1C6B0] =	vst v63  }
0x502: {  	_ =	swait.ge [sflag:s0], $0x2000  }
0x503: {  	s25 =	sadd.s32 $0x1, s25;
	s30 =	rddreg [dreg:$0x18]  }
0x504: {  	p0 =	sne.s32 s25, s30  }
.Ltmp10:
0x505: {  	_ = 	snop;
	(pc) =	sbr.rel @p0 .LBB2_1-.Ltmp10, $3  }
0x506: {  	_ =	sdelay $0x1  }
0x507: {  	[sflag:s0] =	ssyncset.done $0x0  }
0x508: {  	[sflag:s0] =	ssyncadd.s32 $0xFFFFE000  }
0x509: {  	_ =	sfence.sel $0x180000  }
0x50a: {  	[bflag:$0x0] =	sbarrier.arrive $0xFFFF  }
0x50b: {  	_ =	strace $0x90000047  }
0x50c: {  	s0 =	stileid.u32;
	[bflag:$0x2] =	sbarrier.arrive $0xFFFF  }
0x50d: {  	p0 =	sne.s32 s0, $0x0;
	s0 =	rddreg [dreg:$0x5]  }
0x50e: {  	s0 =	sadd.s32 @!p0 $0x100000, s0  }
0x50f: {  	[sflag:s0] =	ssyncadd.tile.s32 @!p0 $0x1;
	_ =	shalt  }
.Lfunc_end2:
_tile_overlayer_lowered:
.L_overlay_start_2:
0x510: {  	(tag) =	ssettag $0x2  }
0x511: {  	s0 =	rddreg [dreg:$0x0];
	s2 =	stileid.u32  }
0x512: {  	s1 =	rddreg [dreg:$0x1];
	p0 =	sne.s32 s2, $0x0  }
0x513: {  	s3 =	rddreg [dreg:$0x2];
	[bflag:$0x3] =	sbarrier.arrive $0xFFFF;
	s2 =	simm.s32 @!p0 $0x1C04  }
0x514: {  	[timem:s3], [sflag:s2] =	dma.local @!p0 [hbm:s0], s1  }
0x515: {  	s0 =	simm.s32 @!p0 $0x4  }
0x516: {  	_ =	swait.ge @!p0 [sflag:s0], s1  }
0x517: {  	s1 =	ssub.s32 @!p0 $0x0, s1;
	[sflag:s0] =	ssyncset.done @!p0 $0x0  }
0x518: {  	[sflag:s0] =	ssyncadd.s32 @!p0 s1  }
0x519: {  	[bflag:$0x3] =	sbarrier.arrive $0xFFFF  }
0x51a: {  	_ =	shalt  }

</sc_bundles>
